<compile_context>
chip_gen: v7x
topology: tpu7x:2x2x1
jax: 0.10.2.dev20260603
libtpu: 0.0.44.dev20260713+nightly
codegen_flags: <defaults>
</compile_context>

<pallas_src>
import functools

import jax
import jax.numpy as jnp
from jax import lax
from jax.experimental import pallas as pl
from jax.experimental.pallas import tpu as pltpu
from jax.experimental.pallas import tpu_sc as plsc

_NC = 2
_NS = 16
_NW = _NC * _NS
_NDS = 4

_BPG = 8


def _argmin_body(xt_ref, cb_ref, cbsq_ref, idx_ref):
    cb = cb_ref[...]
    t_ = xt_ref.shape[2]
    for j in range(_BPG):
        xt = xt_ref[j]
        mm = lax.dot_general(cb, xt, (((1,), (0,)), ((), ())),
                             preferred_element_type=jnp.float32)
        s = xt * xt
        w = s.shape[0]
        while w > 1:
            w //= 2
            s = s[:w] + s[w:]
        d = (cbsq_ref[...] + s) - 2.0 * mm
        k = d.shape[0]
        min_d = jnp.min(d, axis=0, keepdims=True)
        iota = lax.broadcasted_iota(jnp.int32, d.shape, 0)
        idx = jnp.min(jnp.where(d == min_d, iota, jnp.int32(k)), axis=0)
        idx_ref[j] = idx


def _argmin_call(xtt, codebook, cbsq, b0, nbat):
    _, d_, t_ = xtt.shape
    k = codebook.shape[0]
    b0g = b0 // _BPG
    return pl.pallas_call(
        _argmin_body,
        grid=(nbat // _BPG,),
        in_specs=[
            pl.BlockSpec((_BPG, d_, t_), lambda i: (i + b0g, 0, 0)),
            pl.BlockSpec((k, d_), lambda i: (0, 0)),
            pl.BlockSpec((k, 1), lambda i: (0, 0)),
        ],
        out_specs=pl.BlockSpec((_BPG, t_), lambda i: (i, 0)),
        out_shape=jax.ShapeDtypeStruct((nbat, t_), jnp.int32),
    )(xtt, codebook, cbsq)


@functools.lru_cache(maxsize=None)
def _make_gather(nb, t_, d_, k):
    n_bg = _NW // _NDS
    b_per_w = nb // n_bg
    n_per_w = b_per_w * t_
    d_sl = d_ // _NDS
    groups = t_ // 16
    mesh = plsc.VectorSubcoreMesh(core_axis_name="c", subcore_axis_name="s")

    @functools.partial(
        pl.kernel, mesh=mesh,
        compiler_params=pltpu.CompilerParams(use_tc_tiling_on_sc=False,
                                             needs_layout_passes=False),
        out_type=jax.ShapeDtypeStruct((nb, d_, t_), jnp.float32),
        scratch_types=[
            pltpu.VMEM((d_sl, k), jnp.float32),
            pltpu.VMEM((n_per_w,), jnp.int32),
            pltpu.VMEM((d_sl, t_), jnp.float32),
        ],
    )
    def gk(cbt_hbm, idx_hbm, out_hbm, cbt_v, idx_v, zqt_v):
        wid = lax.axis_index("s") * _NC + lax.axis_index("c")
        bg = wid // _NDS
        ds0 = (wid % _NDS) * d_sl
        pltpu.sync_copy(cbt_hbm.at[pl.ds(ds0, d_sl)], cbt_v)
        pltpu.sync_copy(idx_hbm.at[pl.ds(bg * n_per_w, n_per_w)], idx_v)

        for bb in range(b_per_w):
            @plsc.parallel_loop(0, groups)
            def per_group(g, bb=bb):
                iv = idx_v[pl.ds(bb * t_ + g * 16, 16)]
                for dd in range(d_sl):
                    row_sel = jnp.full((16,), dd, dtype=jnp.int32)
                    vals = plsc.load_gather(cbt_v, [row_sel, iv])
                    zqt_v[dd, pl.ds(g * 16, 16)] = vals

            b = bg * b_per_w + bb
            pltpu.sync_copy(zqt_v, out_hbm.at[b, pl.ds(ds0, d_sl)])

    return gk


def kernel(z_e_x, codebook):
    nb, t_, d_ = z_e_x.shape
    k = codebook.shape[0]
    cbsq = jnp.sum(codebook ** 2, axis=1)[:, None]
    cbt = codebook.T
    xtt = jnp.transpose(z_e_x, (0, 2, 1))
    half_b = nb // 2
    gather = _make_gather(half_b, t_, d_, k)
    idx0 = _argmin_call(xtt, codebook, cbsq, 0, half_b).reshape(-1)
    idx1 = _argmin_call(xtt, codebook, cbsq, half_b, half_b).reshape(-1)
    zqt0 = gather(cbt, idx0)
    zqt1 = gather(cbt, idx1)
    zqt = jnp.concatenate([zqt0, zqt1], axis=0)
    indices = jnp.concatenate([idx0, idx1])
    z_q = jnp.transpose(zqt, (0, 2, 1))
    return (z_q, z_q, indices)

# --- scband reference (transcript-rebuilt; emitter-appended) ---
"""Pipeline reference for scband-vqvae-11209864642758 (READ-ONLY COPY).

The authoritative reference and input builder live on the scoring server;
editing this copy changes nothing except your own understanding.
"""

import jax, jax.numpy as jnp
import numpy as np

K = 1024
D = 64
B = 64
T = 576

def setup_inputs(seed: int = 0) -> dict:
    key = jax.random.key(seed)
    k1, k2 = jax.random.split(key)
    z_e_x = jax.random.normal(k1, (B, T, D), dtype=jnp.float32)
    # codebook init mirrors VQEmbedding: uniform(-1/K, 1/K)
    codebook = jax.random.uniform(k2, (K, D), dtype=jnp.float32, minval=-1.0 / K, maxval=1.0 / K)
    return {"z_e_x": z_e_x, "codebook": codebook}

def reference(z_e_x, codebook):
    # Faithful translation of VQEmbedding.straight_through (core VQ-VAE quantization path).
    emb_dim = codebook.shape[1]
    inputs_flatten = z_e_x.reshape(-1, emb_dim)
    codebook_sqr = jnp.sum(codebook ** 2, axis=1)
    inputs_sqr = jnp.sum(inputs_flatten ** 2, axis=1, keepdims=True)
    # distances = ||x||^2 + ||c||^2 - 2 x.c  (torch.addmm with alpha=-2, beta=1)
    distances = codebook_sqr[None, :] + inputs_sqr - 2.0 * (inputs_flatten @ codebook.T)
    indices_flatten = jnp.argmin(distances, axis=1)
    # z_q_x: codes gathered from (detached) codebook, reshaped like inputs
    codes_flatten = jnp.take(codebook, indices_flatten, axis=0)
    z_q_x = codes_flatten.reshape(z_e_x.shape)
    # z_q_x_bar: gathered from the live codebook weight (grad path to codebook)
    z_q_x_bar_flatten = jnp.take(codebook, indices_flatten, axis=0)
    z_q_x_bar = z_q_x_bar_flatten.reshape(z_e_x.shape)
    return (z_q_x, z_q_x_bar, indices_flatten)

if __name__ == "__main__":
    import jax
    _d = setup_inputs()
    print(jax.jit(kernel)(*tuple(_d.values())))

</pallas_src>

<mosaic_0001>
#map = affine_map<(d0, d1) -> (0, 0)>
#map1 = affine_map<(d0, d1) -> (0)>
#map2 = affine_map<(d0, d1) -> (0, 0, 0)>
module attributes {stable_mosaic.version = 14 : i64} {
  func.func @gk(%arg0: i32, %arg1: i32, %arg2: memref<64x1024xf32, #tpu.memory_space<hbm>>, %arg3: memref<18432xi32, #tpu.memory_space<hbm>>, %arg4: memref<32x64x576xf32, #tpu.memory_space<hbm>>, %arg5: memref<16x1024xf32, #tpu.memory_space<vmem>>, %arg6: memref<2304xi32, #tpu.memory_space<vmem>>, %arg7: memref<16x576xf32, #tpu.memory_space<vmem>>) attributes {dimension_semantics = [#tpu.dimension_semantics<core_parallel>, #tpu.dimension_semantics<subcore_parallel>], iteration_bounds = array<i64: 2, 16>, scalar_prefetch = 0 : i64, scratch_operands = 3 : i64, tpu.core_type = #tpu.core_type<sc_vector_subcore>, window_params = [{transform_indices = #map}, {transform_indices = #map1}, {transform_indices = #map2}]} {
    %mul3A = arith.constant 2 : i32
    %mul3A_0 = arith.muli %arg1, %mul3A : i32
    %add3A = arith.addi %mul3A_0, %arg0 : i32
    %jit3A = arith.constant 4 : i32
    %div3A = arith.divsi %add3A, %jit3A : i32
    %sign3A = arith.constant 0 : i32
    %sign3A_1 = arith.cmpi sgt, %add3A, %sign3A : i32
    %sign3A_2 = arith.extui %sign3A_1 : i1 to i32
    %sign3A_3 = arith.constant 0 : i32
    %sign3A_4 = arith.cmpi slt, %add3A, %sign3A_3 : i32
    %sign3A_5 = arith.extui %sign3A_4 : i1 to i32
    %sign3A_6 = arith.subi %sign3A_2, %sign3A_5 : i32
    %sign3A_7 = arith.constant 0 : i32
    %sign3A_8 = arith.cmpi sgt, %jit3A, %sign3A_7 : i32
    %sign3A_9 = arith.extui %sign3A_8 : i1 to i32
    %sign3A_10 = arith.constant 0 : i32
    %sign3A_11 = arith.cmpi slt, %jit3A, %sign3A_10 : i32
    %sign3A_12 = arith.extui %sign3A_11 : i1 to i32
    %sign3A_13 = arith.subi %sign3A_9, %sign3A_12 : i32
    %ne3A = arith.cmpi ne, %sign3A_6, %sign3A_13 : i32
    %rem3A = arith.remsi %add3A, %jit3A : i32
    %ne3A_14 = arith.constant 0 : i32
    %ne3A_15 = arith.cmpi ne, %rem3A, %ne3A_14 : i32
    %and3A = arith.andi %ne3A, %ne3A_15 : i1
    %sub3A = arith.constant 1 : i32
    %sub3A_16 = arith.subi %div3A, %sub3A : i32
    %select_n3A = arith.select %and3A, %sub3A_16, %div3A : i32
    %jit3A_17 = arith.constant 4 : i32
    %eq3A = arith.constant 0 : i32
    %eq3A_18 = arith.cmpi eq, %jit3A_17, %eq3A : i32
    %jit3A_19 = arith.constant 1 : i32
    %select_n3A_20 = arith.select %eq3A_18, %jit3A_19, %jit3A_17 : i32
    %rem3A_21 = arith.remsi %add3A, %select_n3A_20 : i32
    %ne3A_22 = arith.constant 0 : i32
    %ne3A_23 = arith.cmpi ne, %rem3A_21, %ne3A_22 : i32
    %lt3A = arith.constant 0 : i32
    %lt3A_24 = arith.cmpi slt, %rem3A_21, %lt3A : i32
    %lt3A_25 = arith.constant 0 : i32
    %lt3A_26 = arith.cmpi slt, %select_n3A_20, %lt3A_25 : i32
    %ne3A_27 = arith.xori %lt3A_24, %lt3A_26 : i1
    %and3A_28 = arith.andi %ne3A_27, %ne3A_23 : i1
    %add3A_29 = arith.addi %rem3A_21, %select_n3A_20 : i32
    %select_n3A_30 = arith.select %and3A_28, %add3A_29, %rem3A_21 : i32
    %mul3A_31 = arith.constant 16 : i32
    %mul3A_32 = arith.muli %select_n3A_30, %mul3A_31 : i32
    "tpu.region"() ({
      %run_scoped3A = tpu.sem_alloc : memref<!tpu.dma_semaphore, #tpu.memory_space<semaphore_mem>>
      %dma_start3A = arith.constant 0 : i32
      %dma_start3A_62 = tpu.memref_slice %arg2[%mul3A_32, %dma_start3A] : memref<64x1024xf32, #tpu.memory_space<hbm>> -> memref<16x1024xf32, #tpu.memory_space<hbm>>
      %dma_start3A_63 = arith.constant 0 : i32
      %dma_start3A_64 = tpu.memref_slice %arg2[%mul3A_32, %dma_start3A_63] : memref<64x1024xf32, #tpu.memory_space<hbm>> -> memref<16x1024xf32, #tpu.memory_space<hbm>>
      tpu.enqueue_dma source(%dma_start3A_64 : memref<16x1024xf32, #tpu.memory_space<hbm>>) target(%arg5 : memref<16x1024xf32, #tpu.memory_space<vmem>>) target_semaphore(%run_scoped3A : memref<!tpu.dma_semaphore, #tpu.memory_space<semaphore_mem>>)
      %dma_wait3A = arith.constant 0 : i32
      %dma_wait3A_65 = tpu.memref_slice %arg2[%mul3A_32, %dma_wait3A] : memref<64x1024xf32, #tpu.memory_space<hbm>> -> memref<16x1024xf32, #tpu.memory_space<hbm>>
      %dma_wait3A_66 = arith.constant 0 : i32
      %dma_wait3A_67 = tpu.memref_slice %arg2[%mul3A_32, %dma_wait3A_66] : memref<64x1024xf32, #tpu.memory_space<hbm>> -> memref<16x1024xf32, #tpu.memory_space<hbm>>
      tpu.wait_dma2 semaphore(%run_scoped3A : memref<!tpu.dma_semaphore, #tpu.memory_space<semaphore_mem>>) src(%dma_wait3A_67 : memref<16x1024xf32, #tpu.memory_space<hbm>>) dst(%arg5 : memref<16x1024xf32, #tpu.memory_space<vmem>>)
      tpu.yield
    }) : () -> ()
    %mul3A_33 = arith.constant 2304 : i32
    %mul3A_34 = arith.muli %select_n3A, %mul3A_33 : i32
    "tpu.region"() ({
      %run_scoped3A = tpu.sem_alloc : memref<!tpu.dma_semaphore, #tpu.memory_space<semaphore_mem>>
      %dma_start3A = tpu.memref_slice %arg3[%mul3A_34] : memref<18432xi32, #tpu.memory_space<hbm>> -> memref<2304xi32, #tpu.memory_space<hbm>>
      %dma_start3A_62 = tpu.memref_slice %arg3[%mul3A_34] : memref<18432xi32, #tpu.memory_space<hbm>> -> memref<2304xi32, #tpu.memory_space<hbm>>
      tpu.enqueue_dma source(%dma_start3A_62 : memref<2304xi32, #tpu.memory_space<hbm>>) target(%arg6 : memref<2304xi32, #tpu.memory_space<vmem>>) target_semaphore(%run_scoped3A : memref<!tpu.dma_semaphore, #tpu.memory_space<semaphore_mem>>)
      %dma_wait3A = tpu.memref_slice %arg3[%mul3A_34] : memref<18432xi32, #tpu.memory_space<hbm>> -> memref<2304xi32, #tpu.memory_space<hbm>>
      %dma_wait3A_63 = tpu.memref_slice %arg3[%mul3A_34] : memref<18432xi32, #tpu.memory_space<hbm>> -> memref<2304xi32, #tpu.memory_space<hbm>>
      tpu.wait_dma2 semaphore(%run_scoped3A : memref<!tpu.dma_semaphore, #tpu.memory_space<semaphore_mem>>) src(%dma_wait3A_63 : memref<2304xi32, #tpu.memory_space<hbm>>) dst(%arg6 : memref<2304xi32, #tpu.memory_space<vmem>>)
      tpu.yield
    }) : () -> ()
    %parallel_loop3A = arith.constant 0 : i32
    %parallel_loop3A_35 = arith.constant 36 : i32
    %parallel_loop3A_36 = arith.constant 1 : i32
    scf.for %parallel_loop3A_62 = %parallel_loop3A to %parallel_loop3A_35 step %parallel_loop3A_36  : i32 {
      %parallel_loop3A_63 = arith.constant 16 : i32
      %parallel_loop3A_64 = arith.muli %parallel_loop3A_62, %parallel_loop3A_63 : i32
      %parallel_loop3A_65 = arith.constant 0 : i32
      %parallel_loop3A_66 = arith.addi %parallel_loop3A_65, %parallel_loop3A_64 : i32
      %parallel_loop3A_67 = arith.index_cast %parallel_loop3A_66 : i32 to index
      %parallel_loop3A_68 = tpu.vector_load %arg6[%parallel_loop3A_67] {strides = array<i32>} : memref<2304xi32, #tpu.memory_space<vmem>>, vector<16xi32>,
      %parallel_loop3A_69 = arith.constant 0 : i32
      %parallel_loop3A_70 = vector.broadcast %parallel_loop3A_69 : i32 to vector<16xi32>
      %parallel_loop3A_71 = tpu.vector_load_idx %arg5[%parallel_loop3A_70, %parallel_loop3A_68] : memref<16x1024xf32, #tpu.memory_space<vmem>>[vector<16xi32>, vector<16xi32>], vector<16xf32>,
      %parallel_loop3A_72 = arith.constant 16 : i32
      %parallel_loop3A_73 = arith.muli %parallel_loop3A_62, %parallel_loop3A_72 : i32
      %parallel_loop3A_74 = arith.constant 0 : i32
      %parallel_loop3A_75 = arith.index_cast %parallel_loop3A_74 : i32 to index
      %parallel_loop3A_76 = arith.index_cast %parallel_loop3A_73 : i32 to index
      %parallel_loop3A_77 = tpu.vector_load %arg7[%parallel_loop3A_75, %parallel_loop3A_76] {strides = array<i32>} : memref<16x576xf32, #tpu.memory_space<vmem>>, vector<16xf32>,
      tpu.vector_store %arg7[%parallel_loop3A_75, %parallel_loop3A_76], %parallel_loop3A_71 {strides = array<i32>} : memref<16x576xf32, #tpu.memory_space<vmem>>, vector<16xf32>,
      %parallel_loop3A_78 = arith.constant 1 : i32
      %parallel_loop3A_79 = vector.broadcast %parallel_loop3A_78 : i32 to vector<16xi32>
      %parallel_loop3A_80 = tpu.vector_load_idx %arg5[%parallel_loop3A_79, %parallel_loop3A_68] : memref<16x1024xf32, #tpu.memory_space<vmem>>[vector<16xi32>, vector<16xi32>], vector<16xf32>,
      %parallel_loop3A_81 = arith.constant 16 : i32
      %parallel_loop3A_82 = arith.muli %parallel_loop3A_62, %parallel_loop3A_81 : i32
      %parallel_loop3A_83 = arith.constant 1 : i32
      %parallel_loop3A_84 = arith.index_cast %parallel_loop3A_83 : i32 to index
      %parallel_loop3A_85 = arith.index_cast %parallel_loop3A_82 : i32 to index
      %parallel_loop3A_86 = tpu.vector_load %arg7[%parallel_loop3A_84, %parallel_loop3A_85] {strides = array<i32>} : memref<16x576xf32, #tpu.memory_space<vmem>>, vector<16xf32>,
      tpu.vector_store %arg7[%parallel_loop3A_84, %parallel_loop3A_85], %parallel_loop3A_80 {strides = array<i32>} : memref<16x576xf32, #tpu.memory_space<vmem>>, vector<16xf32>,
      %parallel_loop3A_87 = arith.constant 2 : i32
      %parallel_loop3A_88 = vector.broadcast %parallel_loop3A_87 : i32 to vector<16xi32>
      %parallel_loop3A_89 = tpu.vector_load_idx %arg5[%parallel_loop3A_88, %parallel_loop3A_68] : memref<16x1024xf32, #tpu.memory_space<vmem>>[vector<16xi32>, vector<16xi32>], vector<16xf32>,
      %parallel_loop3A_90 = arith.constant 16 : i32
      %parallel_loop3A_91 = arith.muli %parallel_loop3A_62, %parallel_loop3A_90 : i32
      %parallel_loop3A_92 = arith.constant 2 : i32
      %parallel_loop3A_93 = arith.index_cast %parallel_loop3A_92 : i32 to index
      %parallel_loop3A_94 = arith.index_cast %parallel_loop3A_91 : i32 to index
      %parallel_loop3A_95 = tpu.vector_load %arg7[%parallel_loop3A_93, %parallel_loop3A_94] {strides = array<i32>} : memref<16x576xf32, #tpu.memory_space<vmem>>, vector<16xf32>,
      tpu.vector_store %arg7[%parallel_loop3A_93, %parallel_loop3A_94], %parallel_loop3A_89 {strides = array<i32>} : memref<16x576xf32, #tpu.memory_space<vmem>>, vector<16xf32>,
      %parallel_loop3A_96 = arith.constant 3 : i32
      %parallel_loop3A_97 = vector.broadcast %parallel_loop3A_96 : i32 to vector<16xi32>
      %parallel_loop3A_98 = tpu.vector_load_idx %arg5[%parallel_loop3A_97, %parallel_loop3A_68] : memref<16x1024xf32, #tpu.memory_space<vmem>>[vector<16xi32>, vector<16xi32>], vector<16xf32>,
      %parallel_loop3A_99 = arith.constant 16 : i32
      %parallel_loop3A_100 = arith.muli %parallel_loop3A_62, %parallel_loop3A_99 : i32
      %parallel_loop3A_101 = arith.constant 3 : i32
      %parallel_loop3A_102 = arith.index_cast %parallel_loop3A_101 : i32 to index
      %parallel_loop3A_103 = arith.index_cast %parallel_loop3A_100 : i32 to index
      %parallel_loop3A_104 = tpu.vector_load %arg7[%parallel_loop3A_102, %parallel_loop3A_103] {strides = array<i32>} : memref<16x576xf32, #tpu.memory_space<vmem>>, vector<16xf32>,
      tpu.vector_store %arg7[%parallel_loop3A_102, %parallel_loop3A_103], %parallel_loop3A_98 {strides = array<i32>} : memref<16x576xf32, #tpu.memory_space<vmem>>, vector<16xf32>,
      %parallel_loop3A_105 = arith.constant 4 : i32
      %parallel_loop3A_106 = vector.broadcast %parallel_loop3A_105 : i32 to vector<16xi32>
      %parallel_loop3A_107 = tpu.vector_load_idx %arg5[%parallel_loop3A_106, %parallel_loop3A_68] : memref<16x1024xf32, #tpu.memory_space<vmem>>[vector<16xi32>, vector<16xi32>], vector<16xf32>,
      %parallel_loop3A_108 = arith.constant 16 : i32
      %parallel_loop3A_109 = arith.muli %parallel_loop3A_62, %parallel_loop3A_108 : i32
      %parallel_loop3A_110 = arith.constant 4 : i32
      %parallel_loop3A_111 = arith.index_cast %parallel_loop3A_110 : i32 to index
      %parallel_loop3A_112 = arith.index_cast %parallel_loop3A_109 : i32 to index
      %parallel_loop3A_113 = tpu.vector_load %arg7[%parallel_loop3A_111, %parallel_loop3A_112] {strides = array<i32>} : memref<16x576xf32, #tpu.memory_space<vmem>>, vector<16xf32>,
      tpu.vector_store %arg7[%parallel_loop3A_111, %parallel_loop3A_112], %parallel_loop3A_107 {strides = array<i32>} : memref<16x576xf32, #tpu.memory_space<vmem>>, vector<16xf32>,
      %parallel_loop3A_114 = arith.constant 5 : i32
      %parallel_loop3A_115 = vector.broadcast %parallel_loop3A_114 : i32 to vector<16xi32>
      %parallel_loop3A_116 = tpu.vector_load_idx %arg5[%parallel_loop3A_115, %parallel_loop3A_68] : memref<16x1024xf32, #tpu.memory_space<vmem>>[vector<16xi32>, vector<16xi32>], vector<16xf32>,
      %parallel_loop3A_117 = arith.constant 16 : i32
      %parallel_loop3A_118 = arith.muli %parallel_loop3A_62, %parallel_loop3A_117 : i32
      %parallel_loop3A_119 = arith.constant 5 : i32
      %parallel_loop3A_120 = arith.index_cast %parallel_loop3A_119 : i32 to index
      %parallel_loop3A_121 = arith.index_cast %parallel_loop3A_118 : i32 to index
      %parallel_loop3A_122 = tpu.vector_load %arg7[%parallel_loop3A_120, %parallel_loop3A_121] {strides = array<i32>} : memref<16x576xf32, #tpu.memory_space<vmem>>, vector<16xf32>,
      tpu.vector_store %arg7[%parallel_loop3A_120, %parallel_loop3A_121], %parallel_loop3A_116 {strides = array<i32>} : memref<16x576xf32, #tpu.memory_space<vmem>>, vector<16xf32>,
      %parallel_loop3A_123 = arith.constant 6 : i32
      %parallel_loop3A_124 = vector.broadcast %parallel_loop3A_123 : i32 to vector<16xi32>
      %parallel_loop3A_125 = tpu.vector_load_idx %arg5[%parallel_loop3A_124, %parallel_loop3A_68] : memref<16x1024xf32, #tpu.memory_space<vmem>>[vector<16xi32>, vector<16xi32>], vector<16xf32>,
      %parallel_loop3A_126 = arith.constant 16 : i32
      %parallel_loop3A_127 = arith.muli %parallel_loop3A_62, %parallel_loop3A_126 : i32
      %parallel_loop3A_128 = arith.constant 6 : i32
      %parallel_loop3A_129 = arith.index_cast %parallel_loop3A_128 : i32 to index
      %parallel_loop3A_130 = arith.index_cast %parallel_loop3A_127 : i32 to index
      %parallel_loop3A_131 = tpu.vector_load %arg7[%parallel_loop3A_129, %parallel_loop3A_130] {strides = array<i32>} : memref<16x576xf32, #tpu.memory_space<vmem>>, vector<16xf32>,
      tpu.vector_store %arg7[%parallel_loop3A_129, %parallel_loop3A_130], %parallel_loop3A_125 {strides = array<i32>} : memref<16x576xf32, #tpu.memory_space<vmem>>, vector<16xf32>,
      %parallel_loop3A_132 = arith.constant 7 : i32
      %parallel_loop3A_133 = vector.broadcast %parallel_loop3A_132 : i32 to vector<16xi32>
      %parallel_loop3A_134 = tpu.vector_load_idx %arg5[%parallel_loop3A_133, %parallel_loop3A_68] : memref<16x1024xf32, #tpu.memory_space<vmem>>[vector<16xi32>, vector<16xi32>], vector<16xf32>,
      %parallel_loop3A_135 = arith.constant 16 : i32
      %parallel_loop3A_136 = arith.muli %parallel_loop3A_62, %parallel_loop3A_135 : i32
      %parallel_loop3A_137 = arith.constant 7 : i32
      %parallel_loop3A_138 = arith.index_cast %parallel_loop3A_137 : i32 to index
      %parallel_loop3A_139 = arith.index_cast %parallel_loop3A_136 : i32 to index
      %parallel_loop3A_140 = tpu.vector_load %arg7[%parallel_loop3A_138, %parallel_loop3A_139] {strides = array<i32>} : memref<16x576xf32, #tpu.memory_space<vmem>>, vector<16xf32>,
      tpu.vector_store %arg7[%parallel_loop3A_138, %parallel_loop3A_139], %parallel_loop3A_134 {strides = array<i32>} : memref<16x576xf32, #tpu.memory_space<vmem>>, vector<16xf32>,
      %parallel_loop3A_141 = arith.constant 8 : i32
      %parallel_loop3A_142 = vector.broadcast %parallel_loop3A_141 : i32 to vector<16xi32>
      %parallel_loop3A_143 = tpu.vector_load_idx %arg5[%parallel_loop3A_142, %parallel_loop3A_68] : memref<16x1024xf32, #tpu.memory_space<vmem>>[vector<16xi32>, vector<16xi32>], vector<16xf32>,
      %parallel_loop3A_144 = arith.constant 16 : i32
      %parallel_loop3A_145 = arith.muli %parallel_loop3A_62, %parallel_loop3A_144 : i32
      %parallel_loop3A_146 = arith.constant 8 : i32
      %parallel_loop3A_147 = arith.index_cast %parallel_loop3A_146 : i32 to index
      %parallel_loop3A_148 = arith.index_cast %parallel_loop3A_145 : i32 to index
      %parallel_loop3A_149 = tpu.vector_load %arg7[%parallel_loop3A_147, %parallel_loop3A_148] {strides = array<i32>} : memref<16x576xf32, #tpu.memory_space<vmem>>, vector<16xf32>,
      tpu.vector_store %arg7[%parallel_loop3A_147, %parallel_loop3A_148], %parallel_loop3A_143 {strides = array<i32>} : memref<16x576xf32, #tpu.memory_space<vmem>>, vector<16xf32>,
      %parallel_loop3A_150 = arith.constant 9 : i32
      %parallel_loop3A_151 = vector.broadcast %parallel_loop3A_150 : i32 to vector<16xi32>
      %parallel_loop3A_152 = tpu.vector_load_idx %arg5[%parallel_loop3A_151, %parallel_loop3A_68] : memref<16x1024xf32, #tpu.memory_space<vmem>>[vector<16xi32>, vector<16xi32>], vector<16xf32>,
      %parallel_loop3A_153 = arith.constant 16 : i32
      %parallel_loop3A_154 = arith.muli %parallel_loop3A_62, %parallel_loop3A_153 : i32
      %parallel_loop3A_155 = arith.constant 9 : i32
      %parallel_loop3A_156 = arith.index_cast %parallel_loop3A_155 : i32 to index
      %parallel_loop3A_157 = arith.index_cast %parallel_loop3A_154 : i32 to index
      %parallel_loop3A_158 = tpu.vector_load %arg7[%parallel_loop3A_156, %parallel_loop3A_157] {strides = array<i32>} : memref<16x576xf32, #tpu.memory_space<vmem>>, vector<16xf32>,
      tpu.vector_store %arg7[%parallel_loop3A_156, %parallel_loop3A_157], %parallel_loop3A_152 {strides = array<i32>} : memref<16x576xf32, #tpu.memory_space<vmem>>, vector<16xf32>,
      %parallel_loop3A_159 = arith.constant 10 : i32
      %parallel_loop3A_160 = vector.broadcast %parallel_loop3A_159 : i32 to vector<16xi32>
      %parallel_loop3A_161 = tpu.vector_load_idx %arg5[%parallel_loop3A_160, %parallel_loop3A_68] : memref<16x1024xf32, #tpu.memory_space<vmem>>[vector<16xi32>, vector<16xi32>], vector<16xf32>,
      %parallel_loop3A_162 = arith.constant 16 : i32
      %parallel_loop3A_163 = arith.muli %parallel_loop3A_62, %parallel_loop3A_162 : i32
      %parallel_loop3A_164 = arith.constant 10 : i32
      %parallel_loop3A_165 = arith.index_cast %parallel_loop3A_164 : i32 to index
      %parallel_loop3A_166 = arith.index_cast %parallel_loop3A_163 : i32 to index
      %parallel_loop3A_167 = tpu.vector_load %arg7[%parallel_loop3A_165, %parallel_loop3A_166] {strides = array<i32>} : memref<16x576xf32, #tpu.memory_space<vmem>>, vector<16xf32>,
      tpu.vector_store %arg7[%parallel_loop3A_165, %parallel_loop3A_166], %parallel_loop3A_161 {strides = array<i32>} : memref<16x576xf32, #tpu.memory_space<vmem>>, vector<16xf32>,
      %parallel_loop3A_168 = arith.constant 11 : i32
      %parallel_loop3A_169 = vector.broadcast %parallel_loop3A_168 : i32 to vector<16xi32>
      %parallel_loop3A_170 = tpu.vector_load_idx %arg5[%parallel_loop3A_169, %parallel_loop3A_68] : memref<16x1024xf32, #tpu.memory_space<vmem>>[vector<16xi32>, vector<16xi32>], vector<16xf32>,
      %parallel_loop3A_171 = arith.constant 16 : i32
      %parallel_loop3A_172 = arith.muli %parallel_loop3A_62, %parallel_loop3A_171 : i32
      %parallel_loop3A_173 = arith.constant 11 : i32
      %parallel_loop3A_174 = arith.index_cast %parallel_loop3A_173 : i32 to index
      %parallel_loop3A_175 = arith.index_cast %parallel_loop3A_172 : i32 to index
      %parallel_loop3A_176 = tpu.vector_load %arg7[%parallel_loop3A_174, %parallel_loop3A_175] {strides = array<i32>} : memref<16x576xf32, #tpu.memory_space<vmem>>, vector<16xf32>,
      tpu.vector_store %arg7[%parallel_loop3A_174, %parallel_loop3A_175], %parallel_loop3A_170 {strides = array<i32>} : memref<16x576xf32, #tpu.memory_space<vmem>>, vector<16xf32>,
      %parallel_loop3A_177 = arith.constant 12 : i32
      %parallel_loop3A_178 = vector.broadcast %parallel_loop3A_177 : i32 to vector<16xi32>
      %parallel_loop3A_179 = tpu.vector_load_idx %arg5[%parallel_loop3A_178, %parallel_loop3A_68] : memref<16x1024xf32, #tpu.memory_space<vmem>>[vector<16xi32>, vector<16xi32>], vector<16xf32>,
      %parallel_loop3A_180 = arith.constant 16 : i32
      %parallel_loop3A_181 = arith.muli %parallel_loop3A_62, %parallel_loop3A_180 : i32
      %parallel_loop3A_182 = arith.constant 12 : i32
      %parallel_loop3A_183 = arith.index_cast %parallel_loop3A_182 : i32 to index
      %parallel_loop3A_184 = arith.index_cast %parallel_loop3A_181 : i32 to index
      %parallel_loop3A_185 = tpu.vector_load %arg7[%parallel_loop3A_183, %parallel_loop3A_184] {strides = array<i32>} : memref<16x576xf32, #tpu.memory_space<vmem>>, vector<16xf32>,
      tpu.vector_store %arg7[%parallel_loop3A_183, %parallel_loop3A_184], %parallel_loop3A_179 {strides = array<i32>} : memref<16x576xf32, #tpu.memory_space<vmem>>, vector<16xf32>,
      %parallel_loop3A_186 = arith.constant 13 : i32
      %parallel_loop3A_187 = vector.broadcast %parallel_loop3A_186 : i32 to vector<16xi32>
      %parallel_loop3A_188 = tpu.vector_load_idx %arg5[%parallel_loop3A_187, %parallel_loop3A_68] : memref<16x1024xf32, #tpu.memory_space<vmem>>[vector<16xi32>, vector<16xi32>], vector<16xf32>,
      %parallel_loop3A_189 = arith.constant 16 : i32
      %parallel_loop3A_190 = arith.muli %parallel_loop3A_62, %parallel_loop3A_189 : i32
      %parallel_loop3A_191 = arith.constant 13 : i32
      %parallel_loop3A_192 = arith.index_cast %parallel_loop3A_191 : i32 to index
      %parallel_loop3A_193 = arith.index_cast %parallel_loop3A_190 : i32 to index
      %parallel_loop3A_194 = tpu.vector_load %arg7[%parallel_loop3A_192, %parallel_loop3A_193] {strides = array<i32>} : memref<16x576xf32, #tpu.memory_space<vmem>>, vector<16xf32>,
      tpu.vector_store %arg7[%parallel_loop3A_192, %parallel_loop3A_193], %parallel_loop3A_188 {strides = array<i32>} : memref<16x576xf32, #tpu.memory_space<vmem>>, vector<16xf32>,
      %parallel_loop3A_195 = arith.constant 14 : i32
      %parallel_loop3A_196 = vector.broadcast %parallel_loop3A_195 : i32 to vector<16xi32>
      %parallel_loop3A_197 = tpu.vector_load_idx %arg5[%parallel_loop3A_196, %parallel_loop3A_68] : memref<16x1024xf32, #tpu.memory_space<vmem>>[vector<16xi32>, vector<16xi32>], vector<16xf32>,
      %parallel_loop3A_198 = arith.constant 16 : i32
      %parallel_loop3A_199 = arith.muli %parallel_loop3A_62, %parallel_loop3A_198 : i32
      %parallel_loop3A_200 = arith.constant 14 : i32
      %parallel_loop3A_201 = arith.index_cast %parallel_loop3A_200 : i32 to index
      %parallel_loop3A_202 = arith.index_cast %parallel_loop3A_199 : i32 to index
      %parallel_loop3A_203 = tpu.vector_load %arg7[%parallel_loop3A_201, %parallel_loop3A_202] {strides = array<i32>} : memref<16x576xf32, #tpu.memory_space<vmem>>, vector<16xf32>,
      tpu.vector_store %arg7[%parallel_loop3A_201, %parallel_loop3A_202], %parallel_loop3A_197 {strides = array<i32>} : memref<16x576xf32, #tpu.memory_space<vmem>>, vector<16xf32>,
      %parallel_loop3A_204 = arith.constant 15 : i32
      %parallel_loop3A_205 = vector.broadcast %parallel_loop3A_204 : i32 to vector<16xi32>
      %parallel_loop3A_206 = tpu.vector_load_idx %arg5[%parallel_loop3A_205, %parallel_loop3A_68] : memref<16x1024xf32, #tpu.memory_space<vmem>>[vector<16xi32>, vector<16xi32>], vector<16xf32>,
      %parallel_loop3A_207 = arith.constant 16 : i32
      %parallel_loop3A_208 = arith.muli %parallel_loop3A_62, %parallel_loop3A_207 : i32
      %parallel_loop3A_209 = arith.constant 15 : i32
      %parallel_loop3A_210 = arith.index_cast %parallel_loop3A_209 : i32 to index
      %parallel_loop3A_211 = arith.index_cast %parallel_loop3A_208 : i32 to index
      %parallel_loop3A_212 = tpu.vector_load %arg7[%parallel_loop3A_210, %parallel_loop3A_211] {strides = array<i32>} : memref<16x576xf32, #tpu.memory_space<vmem>>, vector<16xf32>,
      tpu.vector_store %arg7[%parallel_loop3A_210, %parallel_loop3A_211], %parallel_loop3A_206 {strides = array<i32>} : memref<16x576xf32, #tpu.memory_space<vmem>>, vector<16xf32>,
    } {sc.loop_unroll_factor = 1 : i64, sc.parallel_access}
    %mul3A_37 = arith.constant 4 : i32
    %mul3A_38 = arith.muli %select_n3A, %mul3A_37 : i32
    %add3A_39 = arith.constant 0 : i32
    %add3A_40 = arith.addi %mul3A_38, %add3A_39 : i32
    "tpu.region"() ({
      %run_scoped3A = tpu.sem_alloc : memref<!tpu.dma_semaphore, #tpu.memory_space<semaphore_mem>>
      %dma_start3A = arith.constant 0 : i32
      %dma_start3A_62 = tpu.memref_slice %arg4[%add3A_40, %mul3A_32, %dma_start3A] : memref<32x64x576xf32, #tpu.memory_space<hbm>> -> memref<1x16x576xf32, #tpu.memory_space<hbm>>
      %dma_start3A_63 = tpu.memref_squeeze %dma_start3A_62 : memref<1x16x576xf32, #tpu.memory_space<hbm>> -> memref<16x576xf32, #tpu.memory_space<hbm>>
      %dma_start3A_64 = arith.constant 0 : i32
      %dma_start3A_65 = tpu.memref_slice %arg4[%add3A_40, %mul3A_32, %dma_start3A_64] : memref<32x64x576xf32, #tpu.memory_space<hbm>> -> memref<1x16x576xf32, #tpu.memory_space<hbm>>
      %dma_start3A_66 = tpu.memref_squeeze %dma_start3A_65 : memref<1x16x576xf32, #tpu.memory_space<hbm>> -> memref<16x576xf32, #tpu.memory_space<hbm>>
      tpu.enqueue_dma source(%arg7 : memref<16x576xf32, #tpu.memory_space<vmem>>) target(%dma_start3A_66 : memref<16x576xf32, #tpu.memory_space<hbm>>) target_semaphore(%run_scoped3A : memref<!tpu.dma_semaphore, #tpu.memory_space<semaphore_mem>>)
      %dma_wait3A = arith.constant 0 : i32
      %dma_wait3A_67 = tpu.memref_slice %arg4[%add3A_40, %mul3A_32, %dma_wait3A] : memref<32x64x576xf32, #tpu.memory_space<hbm>> -> memref<1x16x576xf32, #tpu.memory_space<hbm>>
      %dma_wait3A_68 = tpu.memref_squeeze %dma_wait3A_67 : memref<1x16x576xf32, #tpu.memory_space<hbm>> -> memref<16x576xf32, #tpu.memory_space<hbm>>
      %dma_wait3A_69 = arith.constant 0 : i32
      %dma_wait3A_70 = tpu.memref_slice %arg4[%add3A_40, %mul3A_32, %dma_wait3A_69] : memref<32x64x576xf32, #tpu.memory_space<hbm>> -> memref<1x16x576xf32, #tpu.memory_space<hbm>>
      %dma_wait3A_71 = tpu.memref_squeeze %dma_wait3A_70 : memref<1x16x576xf32, #tpu.memory_space<hbm>> -> memref<16x576xf32, #tpu.memory_space<hbm>>
      tpu.wait_dma2 semaphore(%run_scoped3A : memref<!tpu.dma_semaphore, #tpu.memory_space<semaphore_mem>>) src(%arg7 : memref<16x576xf32, #tpu.memory_space<vmem>>) dst(%dma_wait3A_71 : memref<16x576xf32, #tpu.memory_space<hbm>>)
      tpu.yield
    }) : () -> ()
    %parallel_loop3A_41 = arith.constant 0 : i32
    %parallel_loop3A_42 = arith.constant 36 : i32
    %parallel_loop3A_43 = arith.constant 1 : i32
    scf.for %parallel_loop3A_62 = %parallel_loop3A_41 to %parallel_loop3A_42 step %parallel_loop3A_43  : i32 {
      %parallel_loop3A_63 = arith.constant 16 : i32
      %parallel_loop3A_64 = arith.muli %parallel_loop3A_62, %parallel_loop3A_63 : i32
      %parallel_loop3A_65 = arith.constant 576 : i32
      %parallel_loop3A_66 = arith.addi %parallel_loop3A_65, %parallel_loop3A_64 : i32
      %parallel_loop3A_67 = arith.index_cast %parallel_loop3A_66 : i32 to index
      %parallel_loop3A_68 = tpu.vector_load %arg6[%parallel_loop3A_67] {strides = array<i32>} : memref<2304xi32, #tpu.memory_space<vmem>>, vector<16xi32>,
      %parallel_loop3A_69 = arith.constant 0 : i32
      %parallel_loop3A_70 = vector.broadcast %parallel_loop3A_69 : i32 to vector<16xi32>
      %parallel_loop3A_71 = tpu.vector_load_idx %arg5[%parallel_loop3A_70, %parallel_loop3A_68] : memref<16x1024xf32, #tpu.memory_space<vmem>>[vector<16xi32>, vector<16xi32>], vector<16xf32>,
      %parallel_loop3A_72 = arith.constant 16 : i32
      %parallel_loop3A_73 = arith.muli %parallel_loop3A_62, %parallel_loop3A_72 : i32
      %parallel_loop3A_74 = arith.constant 0 : i32
      %parallel_loop3A_75 = arith.index_cast %parallel_loop3A_74 : i32 to index
      %parallel_loop3A_76 = arith.index_cast %parallel_loop3A_73 : i32 to index
      %parallel_loop3A_77 = tpu.vector_load %arg7[%parallel_loop3A_75, %parallel_loop3A_76] {strides = array<i32>} : memref<16x576xf32, #tpu.memory_space<vmem>>, vector<16xf32>,
      tpu.vector_store %arg7[%parallel_loop3A_75, %parallel_loop3A_76], %parallel_loop3A_71 {strides = array<i32>} : memref<16x576xf32, #tpu.memory_space<vmem>>, vector<16xf32>,
      %parallel_loop3A_78 = arith.constant 1 : i32
      %parallel_loop3A_79 = vector.broadcast %parallel_loop3A_78 : i32 to vector<16xi32>
      %parallel_loop3A_80 = tpu.vector_load_idx %arg5[%parallel_loop3A_79, %parallel_loop3A_68] : memref<16x1024xf32, #tpu.memory_space<vmem>>[vector<16xi32>, vector<16xi32>], vector<16xf32>,
      %parallel_loop3A_81 = arith.constant 16 : i32
      %parallel_loop3A_82 = arith.muli %parallel_loop3A_62, %parallel_loop3A_81 : i32
      %parallel_loop3A_83 = arith.constant 1 : i32
      %parallel_loop3A_84 = arith.index_cast %parallel_loop3A_83 : i32 to index
      %parallel_loop3A_85 = arith.index_cast %parallel_loop3A_82 : i32 to index
      %parallel_loop3A_86 = tpu.vector_load %arg7[%parallel_loop3A_84, %parallel_loop3A_85] {strides = array<i32>} : memref<16x576xf32, #tpu.memory_space<vmem>>, vector<16xf32>,
      tpu.vector_store %arg7[%parallel_loop3A_84, %parallel_loop3A_85], %parallel_loop3A_80 {strides = array<i32>} : memref<16x576xf32, #tpu.memory_space<vmem>>, vector<16xf32>,
      %parallel_loop3A_87 = arith.constant 2 : i32
      %parallel_loop3A_88 = vector.broadcast %parallel_loop3A_87 : i32 to vector<16xi32>
      %parallel_loop3A_89 = tpu.vector_load_idx %arg5[%parallel_loop3A_88, %parallel_loop3A_68] : memref<16x1024xf32, #tpu.memory_space<vmem>>[vector<16xi32>, vector<16xi32>], vector<16xf32>,
      %parallel_loop3A_90 = arith.constant 16 : i32
      %parallel_loop3A_91 = arith.muli %parallel_loop3A_62, %parallel_loop3A_90 : i32
      %parallel_loop3A_92 = arith.constant 2 : i32
      %parallel_loop3A_93 = arith.index_cast %parallel_loop3A_92 : i32 to index
      %parallel_loop3A_94 = arith.index_cast %parallel_loop3A_91 : i32 to index
      %parallel_loop3A_95 = tpu.vector_load %arg7[%parallel_loop3A_93, %parallel_loop3A_94] {strides = array<i32>} : memref<16x576xf32, #tpu.memory_space<vmem>>, vector<16xf32>,
      tpu.vector_store %arg7[%parallel_loop3A_93, %parallel_loop3A_94], %parallel_loop3A_89 {strides = array<i32>} : memref<16x576xf32, #tpu.memory_space<vmem>>, vector<16xf32>,
      %parallel_loop3A_96 = arith.constant 3 : i32
      %parallel_loop3A_97 = vector.broadcast %parallel_loop3A_96 : i32 to vector<16xi32>
      %parallel_loop3A_98 = tpu.vector_load_idx %arg5[%parallel_loop3A_97, %parallel_loop3A_68] : memref<16x1024xf32, #tpu.memory_space<vmem>>[vector<16xi32>, vector<16xi32>], vector<16xf32>,
      %parallel_loop3A_99 = arith.constant 16 : i32
      %parallel_loop3A_100 = arith.muli %parallel_loop3A_62, %parallel_loop3A_99 : i32
      %parallel_loop3A_101 = arith.constant 3 : i32
      %parallel_loop3A_102 = arith.index_cast %parallel_loop3A_101 : i32 to index
      %parallel_loop3A_103 = arith.index_cast %parallel_loop3A_100 : i32 to index
      %parallel_loop3A_104 = tpu.vector_load %arg7[%parallel_loop3A_102, %parallel_loop3A_103] {strides = array<i32>} : memref<16x576xf32, #tpu.memory_space<vmem>>, vector<16xf32>,
      tpu.vector_store %arg7[%parallel_loop3A_102, %parallel_loop3A_103], %parallel_loop3A_98 {strides = array<i32>} : memref<16x576xf32, #tpu.memory_space<vmem>>, vector<16xf32>,
      %parallel_loop3A_105 = arith.constant 4 : i32
      %parallel_loop3A_106 = vector.broadcast %parallel_loop3A_105 : i32 to vector<16xi32>
      %parallel_loop3A_107 = tpu.vector_load_idx %arg5[%parallel_loop3A_106, %parallel_loop3A_68] : memref<16x1024xf32, #tpu.memory_space<vmem>>[vector<16xi32>, vector<16xi32>], vector<16xf32>,
      %parallel_loop3A_108 = arith.constant 16 : i32
      %parallel_loop3A_109 = arith.muli %parallel_loop3A_62, %parallel_loop3A_108 : i32
      %parallel_loop3A_110 = arith.constant 4 : i32
      %parallel_loop3A_111 = arith.index_cast %parallel_loop3A_110 : i32 to index
      %parallel_loop3A_112 = arith.index_cast %parallel_loop3A_109 : i32 to index
      %parallel_loop3A_113 = tpu.vector_load %arg7[%parallel_loop3A_111, %parallel_loop3A_112] {strides = array<i32>} : memref<16x576xf32, #tpu.memory_space<vmem>>, vector<16xf32>,
      tpu.vector_store %arg7[%parallel_loop3A_111, %parallel_loop3A_112], %parallel_loop3A_107 {strides = array<i32>} : memref<16x576xf32, #tpu.memory_space<vmem>>, vector<16xf32>,
      %parallel_loop3A_114 = arith.constant 5 : i32
      %parallel_loop3A_115 = vector.broadcast %parallel_loop3A_114 : i32 to vector<16xi32>
      %parallel_loop3A_116 = tpu.vector_load_idx %arg5[%parallel_loop3A_115, %parallel_loop3A_68] : memref<16x1024xf32, #tpu.memory_space<vmem>>[vector<16xi32>, vector<16xi32>], vector<16xf32>,
      %parallel_loop3A_117 = arith.constant 16 : i32
      %parallel_loop3A_118 = arith.muli %parallel_loop3A_62, %parallel_loop3A_117 : i32
      %parallel_loop3A_119 = arith.constant 5 : i32
      %parallel_loop3A_120 = arith.index_cast %parallel_loop3A_119 : i32 to index
      %parallel_loop3A_121 = arith.index_cast %parallel_loop3A_118 : i32 to index
      %parallel_loop3A_122 = tpu.vector_load %arg7[%parallel_loop3A_120, %parallel_loop3A_121] {strides = array<i32>} : memref<16x576xf32, #tpu.memory_space<vmem>>, vector<16xf32>,
      tpu.vector_store %arg7[%parallel_loop3A_120, %parallel_loop3A_121], %parallel_loop3A_116 {strides = array<i32>} : memref<16x576xf32, #tpu.memory_space<vmem>>, vector<16xf32>,
      %parallel_loop3A_123 = arith.constant 6 : i32
      %parallel_loop3A_124 = vector.broadcast %parallel_loop3A_123 : i32 to vector<16xi32>
      %parallel_loop3A_125 = tpu.vector_load_idx %arg5[%parallel_loop3A_124, %parallel_loop3A_68] : memref<16x1024xf32, #tpu.memory_space<vmem>>[vector<16xi32>, vector<16xi32>], vector<16xf32>,
      %parallel_loop3A_126 = arith.constant 16 : i32
      %parallel_loop3A_127 = arith.muli %parallel_loop3A_62, %parallel_loop3A_126 : i32
      %parallel_loop3A_128 = arith.constant 6 : i32
      %parallel_loop3A_129 = arith.index_cast %parallel_loop3A_128 : i32 to index
      %parallel_loop3A_130 = arith.index_cast %parallel_loop3A_127 : i32 to index
      %parallel_loop3A_131 = tpu.vector_load %arg7[%parallel_loop3A_129, %parallel_loop3A_130] {strides = array<i32>} : memref<16x576xf32, #tpu.memory_space<vmem>>, vector<16xf32>,
      tpu.vector_store %arg7[%parallel_loop3A_129, %parallel_loop3A_130], %parallel_loop3A_125 {strides = array<i32>} : memref<16x576xf32, #tpu.memory_space<vmem>>, vector<16xf32>,
      %parallel_loop3A_132 = arith.constant 7 : i32
      %parallel_loop3A_133 = vector.broadcast %parallel_loop3A_132 : i32 to vector<16xi32>
      %parallel_loop3A_134 = tpu.vector_load_idx %arg5[%parallel_loop3A_133, %parallel_loop3A_68] : memref<16x1024xf32, #tpu.memory_space<vmem>>[vector<16xi32>, vector<16xi32>], vector<16xf32>,
      %parallel_loop3A_135 = arith.constant 16 : i32
      %parallel_loop3A_136 = arith.muli %parallel_loop3A_62, %parallel_loop3A_135 : i32
      %parallel_loop3A_137 = arith.constant 7 : i32
      %parallel_loop3A_138 = arith.index_cast %parallel_loop3A_137 : i32 to index
      %parallel_loop3A_139 = arith.index_cast %parallel_loop3A_136 : i32 to index
      %parallel_loop3A_140 = tpu.vector_load %arg7[%parallel_loop3A_138, %parallel_loop3A_139] {strides = array<i32>} : memref<16x576xf32, #tpu.memory_space<vmem>>, vector<16xf32>,
      tpu.vector_store %arg7[%parallel_loop3A_138, %parallel_loop3A_139], %parallel_loop3A_134 {strides = array<i32>} : memref<16x576xf32, #tpu.memory_space<vmem>>, vector<16xf32>,
      %parallel_loop3A_141 = arith.constant 8 : i32
      %parallel_loop3A_142 = vector.broadcast %parallel_loop3A_141 : i32 to vector<16xi32>
      %parallel_loop3A_143 = tpu.vector_load_idx %arg5[%parallel_loop3A_142, %parallel_loop3A_68] : memref<16x1024xf32, #tpu.memory_space<vmem>>[vector<16xi32>, vector<16xi32>], vector<16xf32>,
      %parallel_loop3A_144 = arith.constant 16 : i32
      %parallel_loop3A_145 = arith.muli %parallel_loop3A_62, %parallel_loop3A_144 : i32
      %parallel_loop3A_146 = arith.constant 8 : i32
      %parallel_loop3A_147 = arith.index_cast %parallel_loop3A_146 : i32 to index
      %parallel_loop3A_148 = arith.index_cast %parallel_loop3A_145 : i32 to index
      %parallel_loop3A_149 = tpu.vector_load %arg7[%parallel_loop3A_147, %parallel_loop3A_148] {strides = array<i32>} : memref<16x576xf32, #tpu.memory_space<vmem>>, vector<16xf32>,
      tpu.vector_store %arg7[%parallel_loop3A_147, %parallel_loop3A_148], %parallel_loop3A_143 {strides = array<i32>} : memref<16x576xf32, #tpu.memory_space<vmem>>, vector<16xf32>,
      %parallel_loop3A_150 = arith.constant 9 : i32
      %parallel_loop3A_151 = vector.broadcast %parallel_loop3A_150 : i32 to vector<16xi32>
      %parallel_loop3A_152 = tpu.vector_load_idx %arg5[%parallel_loop3A_151, %parallel_loop3A_68] : memref<16x1024xf32, #tpu.memory_space<vmem>>[vector<16xi32>, vector<16xi32>], vector<16xf32>,
      %parallel_loop3A_153 = arith.constant 16 : i32
      %parallel_loop3A_154 = arith.muli %parallel_loop3A_62, %parallel_loop3A_153 : i32
      %parallel_loop3A_155 = arith.constant 9 : i32
      %parallel_loop3A_156 = arith.index_cast %parallel_loop3A_155 : i32 to index
      %parallel_loop3A_157 = arith.index_cast %parallel_loop3A_154 : i32 to index
      %parallel_loop3A_158 = tpu.vector_load %arg7[%parallel_loop3A_156, %parallel_loop3A_157] {strides = array<i32>} : memref<16x576xf32, #tpu.memory_space<vmem>>, vector<16xf32>,
      tpu.vector_store %arg7[%parallel_loop3A_156, %parallel_loop3A_157], %parallel_loop3A_152 {strides = array<i32>} : memref<16x576xf32, #tpu.memory_space<vmem>>, vector<16xf32>,
      %parallel_loop3A_159 = arith.constant 10 : i32
      %parallel_loop3A_160 = vector.broadcast %parallel_loop3A_159 : i32 to vector<16xi32>
      %parallel_loop3A_161 = tpu.vector_load_idx %arg5[%parallel_loop3A_160, %parallel_loop3A_68] : memref<16x1024xf32, #tpu.memory_space<vmem>>[vector<16xi32>, vector<16xi32>], vector<16xf32>,
      %parallel_loop3A_162 = arith.constant 16 : i32
      %parallel_loop3A_163 = arith.muli %parallel_loop3A_62, %parallel_loop3A_162 : i32
      %parallel_loop3A_164 = arith.constant 10 : i32
      %parallel_loop3A_165 = arith.index_cast %parallel_loop3A_164 : i32 to index
      %parallel_loop3A_166 = arith.index_cast %parallel_loop3A_163 : i32 to index
      %parallel_loop3A_167 = tpu.vector_load %arg7[%parallel_loop3A_165, %parallel_loop3A_166] {strides = array<i32>} : memref<16x576xf32, #tpu.memory_space<vmem>>, vector<16xf32>,
      tpu.vector_store %arg7[%parallel_loop3A_165, %parallel_loop3A_166], %parallel_loop3A_161 {strides = array<i32>} : memref<16x576xf32, #tpu.memory_space<vmem>>, vector<16xf32>,
      %parallel_loop3A_168 = arith.constant 11 : i32
      %parallel_loop3A_169 = vector.broadcast %parallel_loop3A_168 : i32 to vector<16xi32>
      %parallel_loop3A_170 = tpu.vector_load_idx %arg5[%parallel_loop3A_169, %parallel_loop3A_68] : memref<16x1024xf32, #tpu.memory_space<vmem>>[vector<16xi32>, vector<16xi32>], vector<16xf32>,
      %parallel_loop3A_171 = arith.constant 16 : i32
      %parallel_loop3A_172 = arith.muli %parallel_loop3A_62, %parallel_loop3A_171 : i32
      %parallel_loop3A_173 = arith.constant 11 : i32
      %parallel_loop3A_174 = arith.index_cast %parallel_loop3A_173 : i32 to index
      %parallel_loop3A_175 = arith.index_cast %parallel_loop3A_172 : i32 to index
      %parallel_loop3A_176 = tpu.vector_load %arg7[%parallel_loop3A_174, %parallel_loop3A_175] {strides = array<i32>} : memref<16x576xf32, #tpu.memory_space<vmem>>, vector<16xf32>,
      tpu.vector_store %arg7[%parallel_loop3A_174, %parallel_loop3A_175], %parallel_loop3A_170 {strides = array<i32>} : memref<16x576xf32, #tpu.memory_space<vmem>>, vector<16xf32>,
      %parallel_loop3A_177 = arith.constant 12 : i32
      %parallel_loop3A_178 = vector.broadcast %parallel_loop3A_177 : i32 to vector<16xi32>
      %parallel_loop3A_179 = tpu.vector_load_idx %arg5[%parallel_loop3A_178, %parallel_loop3A_68] : memref<16x1024xf32, #tpu.memory_space<vmem>>[vector<16xi32>, vector<16xi32>], vector<16xf32>,
      %parallel_loop3A_180 = arith.constant 16 : i32
      %parallel_loop3A_181 = arith.muli %parallel_loop3A_62, %parallel_loop3A_180 : i32
      %parallel_loop3A_182 = arith.constant 12 : i32
      %parallel_loop3A_183 = arith.index_cast %parallel_loop3A_182 : i32 to index
      %parallel_loop3A_184 = arith.index_cast %parallel_loop3A_181 : i32 to index
      %parallel_loop3A_185 = tpu.vector_load %arg7[%parallel_loop3A_183, %parallel_loop3A_184] {strides = array<i32>} : memref<16x576xf32, #tpu.memory_space<vmem>>, vector<16xf32>,
      tpu.vector_store %arg7[%parallel_loop3A_183, %parallel_loop3A_184], %parallel_loop3A_179 {strides = array<i32>} : memref<16x576xf32, #tpu.memory_space<vmem>>, vector<16xf32>,
      %parallel_loop3A_186 = arith.constant 13 : i32
      %parallel_loop3A_187 = vector.broadcast %parallel_loop3A_186 : i32 to vector<16xi32>
      %parallel_loop3A_188 = tpu.vector_load_idx %arg5[%parallel_loop3A_187, %parallel_loop3A_68] : memref<16x1024xf32, #tpu.memory_space<vmem>>[vector<16xi32>, vector<16xi32>], vector<16xf32>,
      %parallel_loop3A_189 = arith.constant 16 : i32
      %parallel_loop3A_190 = arith.muli %parallel_loop3A_62, %parallel_loop3A_189 : i32
      %parallel_loop3A_191 = arith.constant 13 : i32
      %parallel_loop3A_192 = arith.index_cast %parallel_loop3A_191 : i32 to index
      %parallel_loop3A_193 = arith.index_cast %parallel_loop3A_190 : i32 to index
      %parallel_loop3A_194 = tpu.vector_load %arg7[%parallel_loop3A_192, %parallel_loop3A_193] {strides = array<i32>} : memref<16x576xf32, #tpu.memory_space<vmem>>, vector<16xf32>,
      tpu.vector_store %arg7[%parallel_loop3A_192, %parallel_loop3A_193], %parallel_loop3A_188 {strides = array<i32>} : memref<16x576xf32, #tpu.memory_space<vmem>>, vector<16xf32>,
      %parallel_loop3A_195 = arith.constant 14 : i32
      %parallel_loop3A_196 = vector.broadcast %parallel_loop3A_195 : i32 to vector<16xi32>
      %parallel_loop3A_197 = tpu.vector_load_idx %arg5[%parallel_loop3A_196, %parallel_loop3A_68] : memref<16x1024xf32, #tpu.memory_space<vmem>>[vector<16xi32>, vector<16xi32>], vector<16xf32>,
      %parallel_loop3A_198 = arith.constant 16 : i32
      %parallel_loop3A_199 = arith.muli %parallel_loop3A_62, %parallel_loop3A_198 : i32
      %parallel_loop3A_200 = arith.constant 14 : i32
      %parallel_loop3A_201 = arith.index_cast %parallel_loop3A_200 : i32 to index
      %parallel_loop3A_202 = arith.index_cast %parallel_loop3A_199 : i32 to index
      %parallel_loop3A_203 = tpu.vector_load %arg7[%parallel_loop3A_201, %parallel_loop3A_202] {strides = array<i32>} : memref<16x576xf32, #tpu.memory_space<vmem>>, vector<16xf32>,
      tpu.vector_store %arg7[%parallel_loop3A_201, %parallel_loop3A_202], %parallel_loop3A_197 {strides = array<i32>} : memref<16x576xf32, #tpu.memory_space<vmem>>, vector<16xf32>,
      %parallel_loop3A_204 = arith.constant 15 : i32
      %parallel_loop3A_205 = vector.broadcast %parallel_loop3A_204 : i32 to vector<16xi32>
      %parallel_loop3A_206 = tpu.vector_load_idx %arg5[%parallel_loop3A_205, %parallel_loop3A_68] : memref<16x1024xf32, #tpu.memory_space<vmem>>[vector<16xi32>, vector<16xi32>], vector<16xf32>,
      %parallel_loop3A_207 = arith.constant 16 : i32
      %parallel_loop3A_208 = arith.muli %parallel_loop3A_62, %parallel_loop3A_207 : i32
      %parallel_loop3A_209 = arith.constant 15 : i32
      %parallel_loop3A_210 = arith.index_cast %parallel_loop3A_209 : i32 to index
      %parallel_loop3A_211 = arith.index_cast %parallel_loop3A_208 : i32 to index
      %parallel_loop3A_212 = tpu.vector_load %arg7[%parallel_loop3A_210, %parallel_loop3A_211] {strides = array<i32>} : memref<16x576xf32, #tpu.memory_space<vmem>>, vector<16xf32>,
      tpu.vector_store %arg7[%parallel_loop3A_210, %parallel_loop3A_211], %parallel_loop3A_206 {strides = array<i32>} : memref<16x576xf32, #tpu.memory_space<vmem>>, vector<16xf32>,
    } {sc.loop_unroll_factor = 1 : i64, sc.parallel_access}
    %mul3A_44 = arith.constant 4 : i32
    %mul3A_45 = arith.muli %select_n3A, %mul3A_44 : i32
    %add3A_46 = arith.constant 1 : i32
    %add3A_47 = arith.addi %mul3A_45, %add3A_46 : i32
    "tpu.region"() ({
      %run_scoped3A = tpu.sem_alloc : memref<!tpu.dma_semaphore, #tpu.memory_space<semaphore_mem>>
      %dma_start3A = arith.constant 0 : i32
      %dma_start3A_62 = tpu.memref_slice %arg4[%add3A_47, %mul3A_32, %dma_start3A] : memref<32x64x576xf32, #tpu.memory_space<hbm>> -> memref<1x16x576xf32, #tpu.memory_space<hbm>>
      %dma_start3A_63 = tpu.memref_squeeze %dma_start3A_62 : memref<1x16x576xf32, #tpu.memory_space<hbm>> -> memref<16x576xf32, #tpu.memory_space<hbm>>
      %dma_start3A_64 = arith.constant 0 : i32
      %dma_start3A_65 = tpu.memref_slice %arg4[%add3A_47, %mul3A_32, %dma_start3A_64] : memref<32x64x576xf32, #tpu.memory_space<hbm>> -> memref<1x16x576xf32, #tpu.memory_space<hbm>>
      %dma_start3A_66 = tpu.memref_squeeze %dma_start3A_65 : memref<1x16x576xf32, #tpu.memory_space<hbm>> -> memref<16x576xf32, #tpu.memory_space<hbm>>
      tpu.enqueue_dma source(%arg7 : memref<16x576xf32, #tpu.memory_space<vmem>>) target(%dma_start3A_66 : memref<16x576xf32, #tpu.memory_space<hbm>>) target_semaphore(%run_scoped3A : memref<!tpu.dma_semaphore, #tpu.memory_space<semaphore_mem>>)
      %dma_wait3A = arith.constant 0 : i32
      %dma_wait3A_67 = tpu.memref_slice %arg4[%add3A_47, %mul3A_32, %dma_wait3A] : memref<32x64x576xf32, #tpu.memory_space<hbm>> -> memref<1x16x576xf32, #tpu.memory_space<hbm>>
      %dma_wait3A_68 = tpu.memref_squeeze %dma_wait3A_67 : memref<1x16x576xf32, #tpu.memory_space<hbm>> -> memref<16x576xf32, #tpu.memory_space<hbm>>
      %dma_wait3A_69 = arith.constant 0 : i32
      %dma_wait3A_70 = tpu.memref_slice %arg4[%add3A_47, %mul3A_32, %dma_wait3A_69] : memref<32x64x576xf32, #tpu.memory_space<hbm>> -> memref<1x16x576xf32, #tpu.memory_space<hbm>>
      %dma_wait3A_71 = tpu.memref_squeeze %dma_wait3A_70 : memref<1x16x576xf32, #tpu.memory_space<hbm>> -> memref<16x576xf32, #tpu.memory_space<hbm>>
      tpu.wait_dma2 semaphore(%run_scoped3A : memref<!tpu.dma_semaphore, #tpu.memory_space<semaphore_mem>>) src(%arg7 : memref<16x576xf32, #tpu.memory_space<vmem>>) dst(%dma_wait3A_71 : memref<16x576xf32, #tpu.memory_space<hbm>>)
      tpu.yield
    }) : () -> ()
    %parallel_loop3A_48 = arith.constant 0 : i32
    %parallel_loop3A_49 = arith.constant 36 : i32
    %parallel_loop3A_50 = arith.constant 1 : i32
    scf.for %parallel_loop3A_62 = %parallel_loop3A_48 to %parallel_loop3A_49 step %parallel_loop3A_50  : i32 {
      %parallel_loop3A_63 = arith.constant 16 : i32
      %parallel_loop3A_64 = arith.muli %parallel_loop3A_62, %parallel_loop3A_63 : i32
      %parallel_loop3A_65 = arith.constant 1152 : i32
      %parallel_loop3A_66 = arith.addi %parallel_loop3A_65, %parallel_loop3A_64 : i32
      %parallel_loop3A_67 = arith.index_cast %parallel_loop3A_66 : i32 to index
      %parallel_loop3A_68 = tpu.vector_load %arg6[%parallel_loop3A_67] {strides = array<i32>} : memref<2304xi32, #tpu.memory_space<vmem>>, vector<16xi32>,
      %parallel_loop3A_69 = arith.constant 0 : i32
      %parallel_loop3A_70 = vector.broadcast %parallel_loop3A_69 : i32 to vector<16xi32>
      %parallel_loop3A_71 = tpu.vector_load_idx %arg5[%parallel_loop3A_70, %parallel_loop3A_68] : memref<16x1024xf32, #tpu.memory_space<vmem>>[vector<16xi32>, vector<16xi32>], vector<16xf32>,
      %parallel_loop3A_72 = arith.constant 16 : i32
      %parallel_loop3A_73 = arith.muli %parallel_loop3A_62, %parallel_loop3A_72 : i32
      %parallel_loop3A_74 = arith.constant 0 : i32
      %parallel_loop3A_75 = arith.index_cast %parallel_loop3A_74 : i32 to index
      %parallel_loop3A_76 = arith.index_cast %parallel_loop3A_73 : i32 to index
      %parallel_loop3A_77 = tpu.vector_load %arg7[%parallel_loop3A_75, %parallel_loop3A_76] {strides = array<i32>} : memref<16x576xf32, #tpu.memory_space<vmem>>, vector<16xf32>,
      tpu.vector_store %arg7[%parallel_loop3A_75, %parallel_loop3A_76], %parallel_loop3A_71 {strides = array<i32>} : memref<16x576xf32, #tpu.memory_space<vmem>>, vector<16xf32>,
      %parallel_loop3A_78 = arith.constant 1 : i32
      %parallel_loop3A_79 = vector.broadcast %parallel_loop3A_78 : i32 to vector<16xi32>
      %parallel_loop3A_80 = tpu.vector_load_idx %arg5[%parallel_loop3A_79, %parallel_loop3A_68] : memref<16x1024xf32, #tpu.memory_space<vmem>>[vector<16xi32>, vector<16xi32>], vector<16xf32>,
      %parallel_loop3A_81 = arith.constant 16 : i32
      %parallel_loop3A_82 = arith.muli %parallel_loop3A_62, %parallel_loop3A_81 : i32
      %parallel_loop3A_83 = arith.constant 1 : i32
      %parallel_loop3A_84 = arith.index_cast %parallel_loop3A_83 : i32 to index
      %parallel_loop3A_85 = arith.index_cast %parallel_loop3A_82 : i32 to index
      %parallel_loop3A_86 = tpu.vector_load %arg7[%parallel_loop3A_84, %parallel_loop3A_85] {strides = array<i32>} : memref<16x576xf32, #tpu.memory_space<vmem>>, vector<16xf32>,
      tpu.vector_store %arg7[%parallel_loop3A_84, %parallel_loop3A_85], %parallel_loop3A_80 {strides = array<i32>} : memref<16x576xf32, #tpu.memory_space<vmem>>, vector<16xf32>,
      %parallel_loop3A_87 = arith.constant 2 : i32
      %parallel_loop3A_88 = vector.broadcast %parallel_loop3A_87 : i32 to vector<16xi32>
      %parallel_loop3A_89 = tpu.vector_load_idx %arg5[%parallel_loop3A_88, %parallel_loop3A_68] : memref<16x1024xf32, #tpu.memory_space<vmem>>[vector<16xi32>, vector<16xi32>], vector<16xf32>,
      %parallel_loop3A_90 = arith.constant 16 : i32
      %parallel_loop3A_91 = arith.muli %parallel_loop3A_62, %parallel_loop3A_90 : i32
      %parallel_loop3A_92 = arith.constant 2 : i32
      %parallel_loop3A_93 = arith.index_cast %parallel_loop3A_92 : i32 to index
      %parallel_loop3A_94 = arith.index_cast %parallel_loop3A_91 : i32 to index
      %parallel_loop3A_95 = tpu.vector_load %arg7[%parallel_loop3A_93, %parallel_loop3A_94] {strides = array<i32>} : memref<16x576xf32, #tpu.memory_space<vmem>>, vector<16xf32>,
      tpu.vector_store %arg7[%parallel_loop3A_93, %parallel_loop3A_94], %parallel_loop3A_89 {strides = array<i32>} : memref<16x576xf32, #tpu.memory_space<vmem>>, vector<16xf32>,
      %parallel_loop3A_96 = arith.constant 3 : i32
      %parallel_loop3A_97 = vector.broadcast %parallel_loop3A_96 : i32 to vector<16xi32>
      %parallel_loop3A_98 = tpu.vector_load_idx %arg5[%parallel_loop3A_97, %parallel_loop3A_68] : memref<16x1024xf32, #tpu.memory_space<vmem>>[vector<16xi32>, vector<16xi32>], vector<16xf32>,
      %parallel_loop3A_99 = arith.constant 16 : i32
      %parallel_loop3A_100 = arith.muli %parallel_loop3A_62, %parallel_loop3A_99 : i32
      %parallel_loop3A_101 = arith.constant 3 : i32
      %parallel_loop3A_102 = arith.index_cast %parallel_loop3A_101 : i32 to index
      %parallel_loop3A_103 = arith.index_cast %parallel_loop3A_100 : i32 to index
      %parallel_loop3A_104 = tpu.vector_load %arg7[%parallel_loop3A_102, %parallel_loop3A_103] {strides = array<i32>} : memref<16x576xf32, #tpu.memory_space<vmem>>, vector<16xf32>,
      tpu.vector_store %arg7[%parallel_loop3A_102, %parallel_loop3A_103], %parallel_loop3A_98 {strides = array<i32>} : memref<16x576xf32, #tpu.memory_space<vmem>>, vector<16xf32>,
      %parallel_loop3A_105 = arith.constant 4 : i32
      %parallel_loop3A_106 = vector.broadcast %parallel_loop3A_105 : i32 to vector<16xi32>
      %parallel_loop3A_107 = tpu.vector_load_idx %arg5[%parallel_loop3A_106, %parallel_loop3A_68] : memref<16x1024xf32, #tpu.memory_space<vmem>>[vector<16xi32>, vector<16xi32>], vector<16xf32>,
      %parallel_loop3A_108 = arith.constant 16 : i32
      %parallel_loop3A_109 = arith.muli %parallel_loop3A_62, %parallel_loop3A_108 : i32
      %parallel_loop3A_110 = arith.constant 4 : i32
      %parallel_loop3A_111 = arith.index_cast %parallel_loop3A_110 : i32 to index
      %parallel_loop3A_112 = arith.index_cast %parallel_loop3A_109 : i32 to index
      %parallel_loop3A_113 = tpu.vector_load %arg7[%parallel_loop3A_111, %parallel_loop3A_112] {strides = array<i32>} : memref<16x576xf32, #tpu.memory_space<vmem>>, vector<16xf32>,
      tpu.vector_store %arg7[%parallel_loop3A_111, %parallel_loop3A_112], %parallel_loop3A_107 {strides = array<i32>} : memref<16x576xf32, #tpu.memory_space<vmem>>, vector<16xf32>,
      %parallel_loop3A_114 = arith.constant 5 : i32
      %parallel_loop3A_115 = vector.broadcast %parallel_loop3A_114 : i32 to vector<16xi32>
      %parallel_loop3A_116 = tpu.vector_load_idx %arg5[%parallel_loop3A_115, %parallel_loop3A_68] : memref<16x1024xf32, #tpu.memory_space<vmem>>[vector<16xi32>, vector<16xi32>], vector<16xf32>,
      %parallel_loop3A_117 = arith.constant 16 : i32
      %parallel_loop3A_118 = arith.muli %parallel_loop3A_62, %parallel_loop3A_117 : i32
      %parallel_loop3A_119 = arith.constant 5 : i32
      %parallel_loop3A_120 = arith.index_cast %parallel_loop3A_119 : i32 to index
      %parallel_loop3A_121 = arith.index_cast %parallel_loop3A_118 : i32 to index
      %parallel_loop3A_122 = tpu.vector_load %arg7[%parallel_loop3A_120, %parallel_loop3A_121] {strides = array<i32>} : memref<16x576xf32, #tpu.memory_space<vmem>>, vector<16xf32>,
      tpu.vector_store %arg7[%parallel_loop3A_120, %parallel_loop3A_121], %parallel_loop3A_116 {strides = array<i32>} : memref<16x576xf32, #tpu.memory_space<vmem>>, vector<16xf32>,
      %parallel_loop3A_123 = arith.constant 6 : i32
      %parallel_loop3A_124 = vector.broadcast %parallel_loop3A_123 : i32 to vector<16xi32>
      %parallel_loop3A_125 = tpu.vector_load_idx %arg5[%parallel_loop3A_124, %parallel_loop3A_68] : memref<16x1024xf32, #tpu.memory_space<vmem>>[vector<16xi32>, vector<16xi32>], vector<16xf32>,
      %parallel_loop3A_126 = arith.constant 16 : i32
      %parallel_loop3A_127 = arith.muli %parallel_loop3A_62, %parallel_loop3A_126 : i32
      %parallel_loop3A_128 = arith.constant 6 : i32
      %parallel_loop3A_129 = arith.index_cast %parallel_loop3A_128 : i32 to index
      %parallel_loop3A_130 = arith.index_cast %parallel_loop3A_127 : i32 to index
      %parallel_loop3A_131 = tpu.vector_load %arg7[%parallel_loop3A_129, %parallel_loop3A_130] {strides = array<i32>} : memref<16x576xf32, #tpu.memory_space<vmem>>, vector<16xf32>,
      tpu.vector_store %arg7[%parallel_loop3A_129, %parallel_loop3A_130], %parallel_loop3A_125 {strides = array<i32>} : memref<16x576xf32, #tpu.memory_space<vmem>>, vector<16xf32>,
      %parallel_loop3A_132 = arith.constant 7 : i32
      %parallel_loop3A_133 = vector.broadcast %parallel_loop3A_132 : i32 to vector<16xi32>
      %parallel_loop3A_134 = tpu.vector_load_idx %arg5[%parallel_loop3A_133, %parallel_loop3A_68] : memref<16x1024xf32, #tpu.memory_space<vmem>>[vector<16xi32>, vector<16xi32>], vector<16xf32>,
      %parallel_loop3A_135 = arith.constant 16 : i32
      %parallel_loop3A_136 = arith.muli %parallel_loop3A_62, %parallel_loop3A_135 : i32
      %parallel_loop3A_137 = arith.constant 7 : i32
      %parallel_loop3A_138 = arith.index_cast %parallel_loop3A_137 : i32 to index
      %parallel_loop3A_139 = arith.index_cast %parallel_loop3A_136 : i32 to index
      %parallel_loop3A_140 = tpu.vector_load %arg7[%parallel_loop3A_138, %parallel_loop3A_139] {strides = array<i32>} : memref<16x576xf32, #tpu.memory_space<vmem>>, vector<16xf32>,
      tpu.vector_store %arg7[%parallel_loop3A_138, %parallel_loop3A_139], %parallel_loop3A_134 {strides = array<i32>} : memref<16x576xf32, #tpu.memory_space<vmem>>, vector<16xf32>,
      %parallel_loop3A_141 = arith.constant 8 : i32
      %parallel_loop3A_142 = vector.broadcast %parallel_loop3A_141 : i32 to vector<16xi32>
      %parallel_loop3A_143 = tpu.vector_load_idx %arg5[%parallel_loop3A_142, %parallel_loop3A_68] : memref<16x1024xf32, #tpu.memory_space<vmem>>[vector<16xi32>, vector<16xi32>], vector<16xf32>,
      %parallel_loop3A_144 = arith.constant 16 : i32
      %parallel_loop3A_145 = arith.muli %parallel_loop3A_62, %parallel_loop3A_144 : i32
      %parallel_loop3A_146 = arith.constant 8 : i32
      %parallel_loop3A_147 = arith.index_cast %parallel_loop3A_146 : i32 to index
      %parallel_loop3A_148 = arith.index_cast %parallel_loop3A_145 : i32 to index
      %parallel_loop3A_149 = tpu.vector_load %arg7[%parallel_loop3A_147, %parallel_loop3A_148] {strides = array<i32>} : memref<16x576xf32, #tpu.memory_space<vmem>>, vector<16xf32>,
      tpu.vector_store %arg7[%parallel_loop3A_147, %parallel_loop3A_148], %parallel_loop3A_143 {strides = array<i32>} : memref<16x576xf32, #tpu.memory_space<vmem>>, vector<16xf32>,
      %parallel_loop3A_150 = arith.constant 9 : i32
      %parallel_loop3A_151 = vector.broadcast %parallel_loop3A_150 : i32 to vector<16xi32>
      %parallel_loop3A_152 = tpu.vector_load_idx %arg5[%parallel_loop3A_151, %parallel_loop3A_68] : memref<16x1024xf32, #tpu.memory_space<vmem>>[vector<16xi32>, vector<16xi32>], vector<16xf32>,
      %parallel_loop3A_153 = arith.constant 16 : i32
      %parallel_loop3A_154 = arith.muli %parallel_loop3A_62, %parallel_loop3A_153 : i32
      %parallel_loop3A_155 = arith.constant 9 : i32
      %parallel_loop3A_156 = arith.index_cast %parallel_loop3A_155 : i32 to index
      %parallel_loop3A_157 = arith.index_cast %parallel_loop3A_154 : i32 to index
      %parallel_loop3A_158 = tpu.vector_load %arg7[%parallel_loop3A_156, %parallel_loop3A_157] {strides = array<i32>} : memref<16x576xf32, #tpu.memory_space<vmem>>, vector<16xf32>,
      tpu.vector_store %arg7[%parallel_loop3A_156, %parallel_loop3A_157], %parallel_loop3A_152 {strides = array<i32>} : memref<16x576xf32, #tpu.memory_space<vmem>>, vector<16xf32>,
      %parallel_loop3A_159 = arith.constant 10 : i32
      %parallel_loop3A_160 = vector.broadcast %parallel_loop3A_159 : i32 to vector<16xi32>
      %parallel_loop3A_161 = tpu.vector_load_idx %arg5[%parallel_loop3A_160, %parallel_loop3A_68] : memref<16x1024xf32, #tpu.memory_space<vmem>>[vector<16xi32>, vector<16xi32>], vector<16xf32>,
      %parallel_loop3A_162 = arith.constant 16 : i32
      %parallel_loop3A_163 = arith.muli %parallel_loop3A_62, %parallel_loop3A_162 : i32
      %parallel_loop3A_164 = arith.constant 10 : i32
      %parallel_loop3A_165 = arith.index_cast %parallel_loop3A_164 : i32 to index
      %parallel_loop3A_166 = arith.index_cast %parallel_loop3A_163 : i32 to index
      %parallel_loop3A_167 = tpu.vector_load %arg7[%parallel_loop3A_165, %parallel_loop3A_166] {strides = array<i32>} : memref<16x576xf32, #tpu.memory_space<vmem>>, vector<16xf32>,
      tpu.vector_store %arg7[%parallel_loop3A_165, %parallel_loop3A_166], %parallel_loop3A_161 {strides = array<i32>} : memref<16x576xf32, #tpu.memory_space<vmem>>, vector<16xf32>,
      %parallel_loop3A_168 = arith.constant 11 : i32
      %parallel_loop3A_169 = vector.broadcast %parallel_loop3A_168 : i32 to vector<16xi32>
      %parallel_loop3A_170 = tpu.vector_load_idx %arg5[%parallel_loop3A_169, %parallel_loop3A_68] : memref<16x1024xf32, #tpu.memory_space<vmem>>[vector<16xi32>, vector<16xi32>], vector<16xf32>,
      %parallel_loop3A_171 = arith.constant 16 : i32
      %parallel_loop3A_172 = arith.muli %parallel_loop3A_62, %parallel_loop3A_171 : i32
      %parallel_loop3A_173 = arith.constant 11 : i32
      %parallel_loop3A_174 = arith.index_cast %parallel_loop3A_173 : i32 to index
      %parallel_loop3A_175 = arith.index_cast %parallel_loop3A_172 : i32 to index
      %parallel_loop3A_176 = tpu.vector_load %arg7[%parallel_loop3A_174, %parallel_loop3A_175] {strides = array<i32>} : memref<16x576xf32, #tpu.memory_space<vmem>>, vector<16xf32>,
      tpu.vector_store %arg7[%parallel_loop3A_174, %parallel_loop3A_175], %parallel_loop3A_170 {strides = array<i32>} : memref<16x576xf32, #tpu.memory_space<vmem>>, vector<16xf32>,
      %parallel_loop3A_177 = arith.constant 12 : i32
      %parallel_loop3A_178 = vector.broadcast %parallel_loop3A_177 : i32 to vector<16xi32>
      %parallel_loop3A_179 = tpu.vector_load_idx %arg5[%parallel_loop3A_178, %parallel_loop3A_68] : memref<16x1024xf32, #tpu.memory_space<vmem>>[vector<16xi32>, vector<16xi32>], vector<16xf32>,
      %parallel_loop3A_180 = arith.constant 16 : i32
      %parallel_loop3A_181 = arith.muli %parallel_loop3A_62, %parallel_loop3A_180 : i32
      %parallel_loop3A_182 = arith.constant 12 : i32
      %parallel_loop3A_183 = arith.index_cast %parallel_loop3A_182 : i32 to index
      %parallel_loop3A_184 = arith.index_cast %parallel_loop3A_181 : i32 to index
      %parallel_loop3A_185 = tpu.vector_load %arg7[%parallel_loop3A_183, %parallel_loop3A_184] {strides = array<i32>} : memref<16x576xf32, #tpu.memory_space<vmem>>, vector<16xf32>,
      tpu.vector_store %arg7[%parallel_loop3A_183, %parallel_loop3A_184], %parallel_loop3A_179 {strides = array<i32>} : memref<16x576xf32, #tpu.memory_space<vmem>>, vector<16xf32>,
      %parallel_loop3A_186 = arith.constant 13 : i32
      %parallel_loop3A_187 = vector.broadcast %parallel_loop3A_186 : i32 to vector<16xi32>
      %parallel_loop3A_188 = tpu.vector_load_idx %arg5[%parallel_loop3A_187, %parallel_loop3A_68] : memref<16x1024xf32, #tpu.memory_space<vmem>>[vector<16xi32>, vector<16xi32>], vector<16xf32>,
      %parallel_loop3A_189 = arith.constant 16 : i32
      %parallel_loop3A_190 = arith.muli %parallel_loop3A_62, %parallel_loop3A_189 : i32
      %parallel_loop3A_191 = arith.constant 13 : i32
      %parallel_loop3A_192 = arith.index_cast %parallel_loop3A_191 : i32 to index
      %parallel_loop3A_193 = arith.index_cast %parallel_loop3A_190 : i32 to index
      %parallel_loop3A_194 = tpu.vector_load %arg7[%parallel_loop3A_192, %parallel_loop3A_193] {strides = array<i32>} : memref<16x576xf32, #tpu.memory_space<vmem>>, vector<16xf32>,
      tpu.vector_store %arg7[%parallel_loop3A_192, %parallel_loop3A_193], %parallel_loop3A_188 {strides = array<i32>} : memref<16x576xf32, #tpu.memory_space<vmem>>, vector<16xf32>,
      %parallel_loop3A_195 = arith.constant 14 : i32
      %parallel_loop3A_196 = vector.broadcast %parallel_loop3A_195 : i32 to vector<16xi32>
      %parallel_loop3A_197 = tpu.vector_load_idx %arg5[%parallel_loop3A_196, %parallel_loop3A_68] : memref<16x1024xf32, #tpu.memory_space<vmem>>[vector<16xi32>, vector<16xi32>], vector<16xf32>,
      %parallel_loop3A_198 = arith.constant 16 : i32
      %parallel_loop3A_199 = arith.muli %parallel_loop3A_62, %parallel_loop3A_198 : i32
      %parallel_loop3A_200 = arith.constant 14 : i32
      %parallel_loop3A_201 = arith.index_cast %parallel_loop3A_200 : i32 to index
      %parallel_loop3A_202 = arith.index_cast %parallel_loop3A_199 : i32 to index
      %parallel_loop3A_203 = tpu.vector_load %arg7[%parallel_loop3A_201, %parallel_loop3A_202] {strides = array<i32>} : memref<16x576xf32, #tpu.memory_space<vmem>>, vector<16xf32>,
      tpu.vector_store %arg7[%parallel_loop3A_201, %parallel_loop3A_202], %parallel_loop3A_197 {strides = array<i32>} : memref<16x576xf32, #tpu.memory_space<vmem>>, vector<16xf32>,
      %parallel_loop3A_204 = arith.constant 15 : i32
      %parallel_loop3A_205 = vector.broadcast %parallel_loop3A_204 : i32 to vector<16xi32>
      %parallel_loop3A_206 = tpu.vector_load_idx %arg5[%parallel_loop3A_205, %parallel_loop3A_68] : memref<16x1024xf32, #tpu.memory_space<vmem>>[vector<16xi32>, vector<16xi32>], vector<16xf32>,
      %parallel_loop3A_207 = arith.constant 16 : i32
      %parallel_loop3A_208 = arith.muli %parallel_loop3A_62, %parallel_loop3A_207 : i32
      %parallel_loop3A_209 = arith.constant 15 : i32
      %parallel_loop3A_210 = arith.index_cast %parallel_loop3A_209 : i32 to index
      %parallel_loop3A_211 = arith.index_cast %parallel_loop3A_208 : i32 to index
      %parallel_loop3A_212 = tpu.vector_load %arg7[%parallel_loop3A_210, %parallel_loop3A_211] {strides = array<i32>} : memref<16x576xf32, #tpu.memory_space<vmem>>, vector<16xf32>,
      tpu.vector_store %arg7[%parallel_loop3A_210, %parallel_loop3A_211], %parallel_loop3A_206 {strides = array<i32>} : memref<16x576xf32, #tpu.memory_space<vmem>>, vector<16xf32>,
    } {sc.loop_unroll_factor = 1 : i64, sc.parallel_access}
    %mul3A_51 = arith.constant 4 : i32
    %mul3A_52 = arith.muli %select_n3A, %mul3A_51 : i32
    %add3A_53 = arith.constant 2 : i32
    %add3A_54 = arith.addi %mul3A_52, %add3A_53 : i32
    "tpu.region"() ({
      %run_scoped3A = tpu.sem_alloc : memref<!tpu.dma_semaphore, #tpu.memory_space<semaphore_mem>>
      %dma_start3A = arith.constant 0 : i32
      %dma_start3A_62 = tpu.memref_slice %arg4[%add3A_54, %mul3A_32, %dma_start3A] : memref<32x64x576xf32, #tpu.memory_space<hbm>> -> memref<1x16x576xf32, #tpu.memory_space<hbm>>
      %dma_start3A_63 = tpu.memref_squeeze %dma_start3A_62 : memref<1x16x576xf32, #tpu.memory_space<hbm>> -> memref<16x576xf32, #tpu.memory_space<hbm>>
      %dma_start3A_64 = arith.constant 0 : i32
      %dma_start3A_65 = tpu.memref_slice %arg4[%add3A_54, %mul3A_32, %dma_start3A_64] : memref<32x64x576xf32, #tpu.memory_space<hbm>> -> memref<1x16x576xf32, #tpu.memory_space<hbm>>
      %dma_start3A_66 = tpu.memref_squeeze %dma_start3A_65 : memref<1x16x576xf32, #tpu.memory_space<hbm>> -> memref<16x576xf32, #tpu.memory_space<hbm>>
      tpu.enqueue_dma source(%arg7 : memref<16x576xf32, #tpu.memory_space<vmem>>) target(%dma_start3A_66 : memref<16x576xf32, #tpu.memory_space<hbm>>) target_semaphore(%run_scoped3A : memref<!tpu.dma_semaphore, #tpu.memory_space<semaphore_mem>>)
      %dma_wait3A = arith.constant 0 : i32
      %dma_wait3A_67 = tpu.memref_slice %arg4[%add3A_54, %mul3A_32, %dma_wait3A] : memref<32x64x576xf32, #tpu.memory_space<hbm>> -> memref<1x16x576xf32, #tpu.memory_space<hbm>>
      %dma_wait3A_68 = tpu.memref_squeeze %dma_wait3A_67 : memref<1x16x576xf32, #tpu.memory_space<hbm>> -> memref<16x576xf32, #tpu.memory_space<hbm>>
      %dma_wait3A_69 = arith.constant 0 : i32
      %dma_wait3A_70 = tpu.memref_slice %arg4[%add3A_54, %mul3A_32, %dma_wait3A_69] : memref<32x64x576xf32, #tpu.memory_space<hbm>> -> memref<1x16x576xf32, #tpu.memory_space<hbm>>
      %dma_wait3A_71 = tpu.memref_squeeze %dma_wait3A_70 : memref<1x16x576xf32, #tpu.memory_space<hbm>> -> memref<16x576xf32, #tpu.memory_space<hbm>>
      tpu.wait_dma2 semaphore(%run_scoped3A : memref<!tpu.dma_semaphore, #tpu.memory_space<semaphore_mem>>) src(%arg7 : memref<16x576xf32, #tpu.memory_space<vmem>>) dst(%dma_wait3A_71 : memref<16x576xf32, #tpu.memory_space<hbm>>)
      tpu.yield
    }) : () -> ()
    %parallel_loop3A_55 = arith.constant 0 : i32
    %parallel_loop3A_56 = arith.constant 36 : i32
    %parallel_loop3A_57 = arith.constant 1 : i32
    scf.for %parallel_loop3A_62 = %parallel_loop3A_55 to %parallel_loop3A_56 step %parallel_loop3A_57  : i32 {
      %parallel_loop3A_63 = arith.constant 16 : i32
      %parallel_loop3A_64 = arith.muli %parallel_loop3A_62, %parallel_loop3A_63 : i32
      %parallel_loop3A_65 = arith.constant 1728 : i32
      %parallel_loop3A_66 = arith.addi %parallel_loop3A_65, %parallel_loop3A_64 : i32
      %parallel_loop3A_67 = arith.index_cast %parallel_loop3A_66 : i32 to index
      %parallel_loop3A_68 = tpu.vector_load %arg6[%parallel_loop3A_67] {strides = array<i32>} : memref<2304xi32, #tpu.memory_space<vmem>>, vector<16xi32>,
      %parallel_loop3A_69 = arith.constant 0 : i32
      %parallel_loop3A_70 = vector.broadcast %parallel_loop3A_69 : i32 to vector<16xi32>
      %parallel_loop3A_71 = tpu.vector_load_idx %arg5[%parallel_loop3A_70, %parallel_loop3A_68] : memref<16x1024xf32, #tpu.memory_space<vmem>>[vector<16xi32>, vector<16xi32>], vector<16xf32>,
      %parallel_loop3A_72 = arith.constant 16 : i32
      %parallel_loop3A_73 = arith.muli %parallel_loop3A_62, %parallel_loop3A_72 : i32
      %parallel_loop3A_74 = arith.constant 0 : i32
      %parallel_loop3A_75 = arith.index_cast %parallel_loop3A_74 : i32 to index
      %parallel_loop3A_76 = arith.index_cast %parallel_loop3A_73 : i32 to index
      %parallel_loop3A_77 = tpu.vector_load %arg7[%parallel_loop3A_75, %parallel_loop3A_76] {strides = array<i32>} : memref<16x576xf32, #tpu.memory_space<vmem>>, vector<16xf32>,
      tpu.vector_store %arg7[%parallel_loop3A_75, %parallel_loop3A_76], %parallel_loop3A_71 {strides = array<i32>} : memref<16x576xf32, #tpu.memory_space<vmem>>, vector<16xf32>,
      %parallel_loop3A_78 = arith.constant 1 : i32
      %parallel_loop3A_79 = vector.broadcast %parallel_loop3A_78 : i32 to vector<16xi32>
      %parallel_loop3A_80 = tpu.vector_load_idx %arg5[%parallel_loop3A_79, %parallel_loop3A_68] : memref<16x1024xf32, #tpu.memory_space<vmem>>[vector<16xi32>, vector<16xi32>], vector<16xf32>,
      %parallel_loop3A_81 = arith.constant 16 : i32
      %parallel_loop3A_82 = arith.muli %parallel_loop3A_62, %parallel_loop3A_81 : i32
      %parallel_loop3A_83 = arith.constant 1 : i32
      %parallel_loop3A_84 = arith.index_cast %parallel_loop3A_83 : i32 to index
      %parallel_loop3A_85 = arith.index_cast %parallel_loop3A_82 : i32 to index
      %parallel_loop3A_86 = tpu.vector_load %arg7[%parallel_loop3A_84, %parallel_loop3A_85] {strides = array<i32>} : memref<16x576xf32, #tpu.memory_space<vmem>>, vector<16xf32>,
      tpu.vector_store %arg7[%parallel_loop3A_84, %parallel_loop3A_85], %parallel_loop3A_80 {strides = array<i32>} : memref<16x576xf32, #tpu.memory_space<vmem>>, vector<16xf32>,
      %parallel_loop3A_87 = arith.constant 2 : i32
      %parallel_loop3A_88 = vector.broadcast %parallel_loop3A_87 : i32 to vector<16xi32>
      %parallel_loop3A_89 = tpu.vector_load_idx %arg5[%parallel_loop3A_88, %parallel_loop3A_68] : memref<16x1024xf32, #tpu.memory_space<vmem>>[vector<16xi32>, vector<16xi32>], vector<16xf32>,
      %parallel_loop3A_90 = arith.constant 16 : i32
      %parallel_loop3A_91 = arith.muli %parallel_loop3A_62, %parallel_loop3A_90 : i32
      %parallel_loop3A_92 = arith.constant 2 : i32
      %parallel_loop3A_93 = arith.index_cast %parallel_loop3A_92 : i32 to index
      %parallel_loop3A_94 = arith.index_cast %parallel_loop3A_91 : i32 to index
      %parallel_loop3A_95 = tpu.vector_load %arg7[%parallel_loop3A_93, %parallel_loop3A_94] {strides = array<i32>} : memref<16x576xf32, #tpu.memory_space<vmem>>, vector<16xf32>,
      tpu.vector_store %arg7[%parallel_loop3A_93, %parallel_loop3A_94], %parallel_loop3A_89 {strides = array<i32>} : memref<16x576xf32, #tpu.memory_space<vmem>>, vector<16xf32>,
      %parallel_loop3A_96 = arith.constant 3 : i32
      %parallel_loop3A_97 = vector.broadcast %parallel_loop3A_96 : i32 to vector<16xi32>
      %parallel_loop3A_98 = tpu.vector_load_idx %arg5[%parallel_loop3A_97, %parallel_loop3A_68] : memref<16x1024xf32, #tpu.memory_space<vmem>>[vector<16xi32>, vector<16xi32>], vector<16xf32>,
      %parallel_loop3A_99 = arith.constant 16 : i32
      %parallel_loop3A_100 = arith.muli %parallel_loop3A_62, %parallel_loop3A_99 : i32
      %parallel_loop3A_101 = arith.constant 3 : i32
      %parallel_loop3A_102 = arith.index_cast %parallel_loop3A_101 : i32 to index
      %parallel_loop3A_103 = arith.index_cast %parallel_loop3A_100 : i32 to index
      %parallel_loop3A_104 = tpu.vector_load %arg7[%parallel_loop3A_102, %parallel_loop3A_103] {strides = array<i32>} : memref<16x576xf32, #tpu.memory_space<vmem>>, vector<16xf32>,
      tpu.vector_store %arg7[%parallel_loop3A_102, %parallel_loop3A_103], %parallel_loop3A_98 {strides = array<i32>} : memref<16x576xf32, #tpu.memory_space<vmem>>, vector<16xf32>,
      %parallel_loop3A_105 = arith.constant 4 : i32
      %parallel_loop3A_106 = vector.broadcast %parallel_loop3A_105 : i32 to vector<16xi32>
      %parallel_loop3A_107 = tpu.vector_load_idx %arg5[%parallel_loop3A_106, %parallel_loop3A_68] : memref<16x1024xf32, #tpu.memory_space<vmem>>[vector<16xi32>, vector<16xi32>], vector<16xf32>,
      %parallel_loop3A_108 = arith.constant 16 : i32
      %parallel_loop3A_109 = arith.muli %parallel_loop3A_62, %parallel_loop3A_108 : i32
      %parallel_loop3A_110 = arith.constant 4 : i32
      %parallel_loop3A_111 = arith.index_cast %parallel_loop3A_110 : i32 to index
      %parallel_loop3A_112 = arith.index_cast %parallel_loop3A_109 : i32 to index
      %parallel_loop3A_113 = tpu.vector_load %arg7[%parallel_loop3A_111, %parallel_loop3A_112] {strides = array<i32>} : memref<16x576xf32, #tpu.memory_space<vmem>>, vector<16xf32>,
      tpu.vector_store %arg7[%parallel_loop3A_111, %parallel_loop3A_112], %parallel_loop3A_107 {strides = array<i32>} : memref<16x576xf32, #tpu.memory_space<vmem>>, vector<16xf32>,
      %parallel_loop3A_114 = arith.constant 5 : i32
      %parallel_loop3A_115 = vector.broadcast %parallel_loop3A_114 : i32 to vector<16xi32>
      %parallel_loop3A_116 = tpu.vector_load_idx %arg5[%parallel_loop3A_115, %parallel_loop3A_68] : memref<16x1024xf32, #tpu.memory_space<vmem>>[vector<16xi32>, vector<16xi32>], vector<16xf32>,
      %parallel_loop3A_117 = arith.constant 16 : i32
      %parallel_loop3A_118 = arith.muli %parallel_loop3A_62, %parallel_loop3A_117 : i32
      %parallel_loop3A_119 = arith.constant 5 : i32
      %parallel_loop3A_120 = arith.index_cast %parallel_loop3A_119 : i32 to index
      %parallel_loop3A_121 = arith.index_cast %parallel_loop3A_118 : i32 to index
      %parallel_loop3A_122 = tpu.vector_load %arg7[%parallel_loop3A_120, %parallel_loop3A_121] {strides = array<i32>} : memref<16x576xf32, #tpu.memory_space<vmem>>, vector<16xf32>,
      tpu.vector_store %arg7[%parallel_loop3A_120, %parallel_loop3A_121], %parallel_loop3A_116 {strides = array<i32>} : memref<16x576xf32, #tpu.memory_space<vmem>>, vector<16xf32>,
      %parallel_loop3A_123 = arith.constant 6 : i32
      %parallel_loop3A_124 = vector.broadcast %parallel_loop3A_123 : i32 to vector<16xi32>
      %parallel_loop3A_125 = tpu.vector_load_idx %arg5[%parallel_loop3A_124, %parallel_loop3A_68] : memref<16x1024xf32, #tpu.memory_space<vmem>>[vector<16xi32>, vector<16xi32>], vector<16xf32>,
      %parallel_loop3A_126 = arith.constant 16 : i32
      %parallel_loop3A_127 = arith.muli %parallel_loop3A_62, %parallel_loop3A_126 : i32
      %parallel_loop3A_128 = arith.constant 6 : i32
      %parallel_loop3A_129 = arith.index_cast %parallel_loop3A_128 : i32 to index
      %parallel_loop3A_130 = arith.index_cast %parallel_loop3A_127 : i32 to index
      %parallel_loop3A_131 = tpu.vector_load %arg7[%parallel_loop3A_129, %parallel_loop3A_130] {strides = array<i32>} : memref<16x576xf32, #tpu.memory_space<vmem>>, vector<16xf32>,
      tpu.vector_store %arg7[%parallel_loop3A_129, %parallel_loop3A_130], %parallel_loop3A_125 {strides = array<i32>} : memref<16x576xf32, #tpu.memory_space<vmem>>, vector<16xf32>,
      %parallel_loop3A_132 = arith.constant 7 : i32
      %parallel_loop3A_133 = vector.broadcast %parallel_loop3A_132 : i32 to vector<16xi32>
      %parallel_loop3A_134 = tpu.vector_load_idx %arg5[%parallel_loop3A_133, %parallel_loop3A_68] : memref<16x1024xf32, #tpu.memory_space<vmem>>[vector<16xi32>, vector<16xi32>], vector<16xf32>,
      %parallel_loop3A_135 = arith.constant 16 : i32
      %parallel_loop3A_136 = arith.muli %parallel_loop3A_62, %parallel_loop3A_135 : i32
      %parallel_loop3A_137 = arith.constant 7 : i32
      %parallel_loop3A_138 = arith.index_cast %parallel_loop3A_137 : i32 to index
      %parallel_loop3A_139 = arith.index_cast %parallel_loop3A_136 : i32 to index
      %parallel_loop3A_140 = tpu.vector_load %arg7[%parallel_loop3A_138, %parallel_loop3A_139] {strides = array<i32>} : memref<16x576xf32, #tpu.memory_space<vmem>>, vector<16xf32>,
      tpu.vector_store %arg7[%parallel_loop3A_138, %parallel_loop3A_139], %parallel_loop3A_134 {strides = array<i32>} : memref<16x576xf32, #tpu.memory_space<vmem>>, vector<16xf32>,
      %parallel_loop3A_141 = arith.constant 8 : i32
      %parallel_loop3A_142 = vector.broadcast %parallel_loop3A_141 : i32 to vector<16xi32>
      %parallel_loop3A_143 = tpu.vector_load_idx %arg5[%parallel_loop3A_142, %parallel_loop3A_68] : memref<16x1024xf32, #tpu.memory_space<vmem>>[vector<16xi32>, vector<16xi32>], vector<16xf32>,
      %parallel_loop3A_144 = arith.constant 16 : i32
      %parallel_loop3A_145 = arith.muli %parallel_loop3A_62, %parallel_loop3A_144 : i32
      %parallel_loop3A_146 = arith.constant 8 : i32
      %parallel_loop3A_147 = arith.index_cast %parallel_loop3A_146 : i32 to index
      %parallel_loop3A_148 = arith.index_cast %parallel_loop3A_145 : i32 to index
      %parallel_loop3A_149 = tpu.vector_load %arg7[%parallel_loop3A_147, %parallel_loop3A_148] {strides = array<i32>} : memref<16x576xf32, #tpu.memory_space<vmem>>, vector<16xf32>,
      tpu.vector_store %arg7[%parallel_loop3A_147, %parallel_loop3A_148], %parallel_loop3A_143 {strides = array<i32>} : memref<16x576xf32, #tpu.memory_space<vmem>>, vector<16xf32>,
      %parallel_loop3A_150 = arith.constant 9 : i32
      %parallel_loop3A_151 = vector.broadcast %parallel_loop3A_150 : i32 to vector<16xi32>
      %parallel_loop3A_152 = tpu.vector_load_idx %arg5[%parallel_loop3A_151, %parallel_loop3A_68] : memref<16x1024xf32, #tpu.memory_space<vmem>>[vector<16xi32>, vector<16xi32>], vector<16xf32>,
      %parallel_loop3A_153 = arith.constant 16 : i32
      %parallel_loop3A_154 = arith.muli %parallel_loop3A_62, %parallel_loop3A_153 : i32
      %parallel_loop3A_155 = arith.constant 9 : i32
      %parallel_loop3A_156 = arith.index_cast %parallel_loop3A_155 : i32 to index
      %parallel_loop3A_157 = arith.index_cast %parallel_loop3A_154 : i32 to index
      %parallel_loop3A_158 = tpu.vector_load %arg7[%parallel_loop3A_156, %parallel_loop3A_157] {strides = array<i32>} : memref<16x576xf32, #tpu.memory_space<vmem>>, vector<16xf32>,
      tpu.vector_store %arg7[%parallel_loop3A_156, %parallel_loop3A_157], %parallel_loop3A_152 {strides = array<i32>} : memref<16x576xf32, #tpu.memory_space<vmem>>, vector<16xf32>,
      %parallel_loop3A_159 = arith.constant 10 : i32
      %parallel_loop3A_160 = vector.broadcast %parallel_loop3A_159 : i32 to vector<16xi32>
      %parallel_loop3A_161 = tpu.vector_load_idx %arg5[%parallel_loop3A_160, %parallel_loop3A_68] : memref<16x1024xf32, #tpu.memory_space<vmem>>[vector<16xi32>, vector<16xi32>], vector<16xf32>,
      %parallel_loop3A_162 = arith.constant 16 : i32
      %parallel_loop3A_163 = arith.muli %parallel_loop3A_62, %parallel_loop3A_162 : i32
      %parallel_loop3A_164 = arith.constant 10 : i32
      %parallel_loop3A_165 = arith.index_cast %parallel_loop3A_164 : i32 to index
      %parallel_loop3A_166 = arith.index_cast %parallel_loop3A_163 : i32 to index
      %parallel_loop3A_167 = tpu.vector_load %arg7[%parallel_loop3A_165, %parallel_loop3A_166] {strides = array<i32>} : memref<16x576xf32, #tpu.memory_space<vmem>>, vector<16xf32>,
      tpu.vector_store %arg7[%parallel_loop3A_165, %parallel_loop3A_166], %parallel_loop3A_161 {strides = array<i32>} : memref<16x576xf32, #tpu.memory_space<vmem>>, vector<16xf32>,
      %parallel_loop3A_168 = arith.constant 11 : i32
      %parallel_loop3A_169 = vector.broadcast %parallel_loop3A_168 : i32 to vector<16xi32>
      %parallel_loop3A_170 = tpu.vector_load_idx %arg5[%parallel_loop3A_169, %parallel_loop3A_68] : memref<16x1024xf32, #tpu.memory_space<vmem>>[vector<16xi32>, vector<16xi32>], vector<16xf32>,
      %parallel_loop3A_171 = arith.constant 16 : i32
      %parallel_loop3A_172 = arith.muli %parallel_loop3A_62, %parallel_loop3A_171 : i32
      %parallel_loop3A_173 = arith.constant 11 : i32
      %parallel_loop3A_174 = arith.index_cast %parallel_loop3A_173 : i32 to index
      %parallel_loop3A_175 = arith.index_cast %parallel_loop3A_172 : i32 to index
      %parallel_loop3A_176 = tpu.vector_load %arg7[%parallel_loop3A_174, %parallel_loop3A_175] {strides = array<i32>} : memref<16x576xf32, #tpu.memory_space<vmem>>, vector<16xf32>,
      tpu.vector_store %arg7[%parallel_loop3A_174, %parallel_loop3A_175], %parallel_loop3A_170 {strides = array<i32>} : memref<16x576xf32, #tpu.memory_space<vmem>>, vector<16xf32>,
      %parallel_loop3A_177 = arith.constant 12 : i32
      %parallel_loop3A_178 = vector.broadcast %parallel_loop3A_177 : i32 to vector<16xi32>
      %parallel_loop3A_179 = tpu.vector_load_idx %arg5[%parallel_loop3A_178, %parallel_loop3A_68] : memref<16x1024xf32, #tpu.memory_space<vmem>>[vector<16xi32>, vector<16xi32>], vector<16xf32>,
      %parallel_loop3A_180 = arith.constant 16 : i32
      %parallel_loop3A_181 = arith.muli %parallel_loop3A_62, %parallel_loop3A_180 : i32
      %parallel_loop3A_182 = arith.constant 12 : i32
      %parallel_loop3A_183 = arith.index_cast %parallel_loop3A_182 : i32 to index
      %parallel_loop3A_184 = arith.index_cast %parallel_loop3A_181 : i32 to index
      %parallel_loop3A_185 = tpu.vector_load %arg7[%parallel_loop3A_183, %parallel_loop3A_184] {strides = array<i32>} : memref<16x576xf32, #tpu.memory_space<vmem>>, vector<16xf32>,
      tpu.vector_store %arg7[%parallel_loop3A_183, %parallel_loop3A_184], %parallel_loop3A_179 {strides = array<i32>} : memref<16x576xf32, #tpu.memory_space<vmem>>, vector<16xf32>,
      %parallel_loop3A_186 = arith.constant 13 : i32
      %parallel_loop3A_187 = vector.broadcast %parallel_loop3A_186 : i32 to vector<16xi32>
      %parallel_loop3A_188 = tpu.vector_load_idx %arg5[%parallel_loop3A_187, %parallel_loop3A_68] : memref<16x1024xf32, #tpu.memory_space<vmem>>[vector<16xi32>, vector<16xi32>], vector<16xf32>,
      %parallel_loop3A_189 = arith.constant 16 : i32
      %parallel_loop3A_190 = arith.muli %parallel_loop3A_62, %parallel_loop3A_189 : i32
      %parallel_loop3A_191 = arith.constant 13 : i32
      %parallel_loop3A_192 = arith.index_cast %parallel_loop3A_191 : i32 to index
      %parallel_loop3A_193 = arith.index_cast %parallel_loop3A_190 : i32 to index
      %parallel_loop3A_194 = tpu.vector_load %arg7[%parallel_loop3A_192, %parallel_loop3A_193] {strides = array<i32>} : memref<16x576xf32, #tpu.memory_space<vmem>>, vector<16xf32>,
      tpu.vector_store %arg7[%parallel_loop3A_192, %parallel_loop3A_193], %parallel_loop3A_188 {strides = array<i32>} : memref<16x576xf32, #tpu.memory_space<vmem>>, vector<16xf32>,
      %parallel_loop3A_195 = arith.constant 14 : i32
      %parallel_loop3A_196 = vector.broadcast %parallel_loop3A_195 : i32 to vector<16xi32>
      %parallel_loop3A_197 = tpu.vector_load_idx %arg5[%parallel_loop3A_196, %parallel_loop3A_68] : memref<16x1024xf32, #tpu.memory_space<vmem>>[vector<16xi32>, vector<16xi32>], vector<16xf32>,
      %parallel_loop3A_198 = arith.constant 16 : i32
      %parallel_loop3A_199 = arith.muli %parallel_loop3A_62, %parallel_loop3A_198 : i32
      %parallel_loop3A_200 = arith.constant 14 : i32
      %parallel_loop3A_201 = arith.index_cast %parallel_loop3A_200 : i32 to index
      %parallel_loop3A_202 = arith.index_cast %parallel_loop3A_199 : i32 to index
      %parallel_loop3A_203 = tpu.vector_load %arg7[%parallel_loop3A_201, %parallel_loop3A_202] {strides = array<i32>} : memref<16x576xf32, #tpu.memory_space<vmem>>, vector<16xf32>,
      tpu.vector_store %arg7[%parallel_loop3A_201, %parallel_loop3A_202], %parallel_loop3A_197 {strides = array<i32>} : memref<16x576xf32, #tpu.memory_space<vmem>>, vector<16xf32>,
      %parallel_loop3A_204 = arith.constant 15 : i32
      %parallel_loop3A_205 = vector.broadcast %parallel_loop3A_204 : i32 to vector<16xi32>
      %parallel_loop3A_206 = tpu.vector_load_idx %arg5[%parallel_loop3A_205, %parallel_loop3A_68] : memref<16x1024xf32, #tpu.memory_space<vmem>>[vector<16xi32>, vector<16xi32>], vector<16xf32>,
      %parallel_loop3A_207 = arith.constant 16 : i32
      %parallel_loop3A_208 = arith.muli %parallel_loop3A_62, %parallel_loop3A_207 : i32
      %parallel_loop3A_209 = arith.constant 15 : i32
      %parallel_loop3A_210 = arith.index_cast %parallel_loop3A_209 : i32 to index
      %parallel_loop3A_211 = arith.index_cast %parallel_loop3A_208 : i32 to index
      %parallel_loop3A_212 = tpu.vector_load %arg7[%parallel_loop3A_210, %parallel_loop3A_211] {strides = array<i32>} : memref<16x576xf32, #tpu.memory_space<vmem>>, vector<16xf32>,
      tpu.vector_store %arg7[%parallel_loop3A_210, %parallel_loop3A_211], %parallel_loop3A_206 {strides = array<i32>} : memref<16x576xf32, #tpu.memory_space<vmem>>, vector<16xf32>,
    } {sc.loop_unroll_factor = 1 : i64, sc.parallel_access}
    %mul3A_58 = arith.constant 4 : i32
    %mul3A_59 = arith.muli %select_n3A, %mul3A_58 : i32
    %add3A_60 = arith.constant 3 : i32
    %add3A_61 = arith.addi %mul3A_59, %add3A_60 : i32
    "tpu.region"() ({
      %run_scoped3A = tpu.sem_alloc : memref<!tpu.dma_semaphore, #tpu.memory_space<semaphore_mem>>
      %dma_start3A = arith.constant 0 : i32
      %dma_start3A_62 = tpu.memref_slice %arg4[%add3A_61, %mul3A_32, %dma_start3A] : memref<32x64x576xf32, #tpu.memory_space<hbm>> -> memref<1x16x576xf32, #tpu.memory_space<hbm>>
      %dma_start3A_63 = tpu.memref_squeeze %dma_start3A_62 : memref<1x16x576xf32, #tpu.memory_space<hbm>> -> memref<16x576xf32, #tpu.memory_space<hbm>>
      %dma_start3A_64 = arith.constant 0 : i32
      %dma_start3A_65 = tpu.memref_slice %arg4[%add3A_61, %mul3A_32, %dma_start3A_64] : memref<32x64x576xf32, #tpu.memory_space<hbm>> -> memref<1x16x576xf32, #tpu.memory_space<hbm>>
      %dma_start3A_66 = tpu.memref_squeeze %dma_start3A_65 : memref<1x16x576xf32, #tpu.memory_space<hbm>> -> memref<16x576xf32, #tpu.memory_space<hbm>>
      tpu.enqueue_dma source(%arg7 : memref<16x576xf32, #tpu.memory_space<vmem>>) target(%dma_start3A_66 : memref<16x576xf32, #tpu.memory_space<hbm>>) target_semaphore(%run_scoped3A : memref<!tpu.dma_semaphore, #tpu.memory_space<semaphore_mem>>)
      %dma_wait3A = arith.constant 0 : i32
      %dma_wait3A_67 = tpu.memref_slice %arg4[%add3A_61, %mul3A_32, %dma_wait3A] : memref<32x64x576xf32, #tpu.memory_space<hbm>> -> memref<1x16x576xf32, #tpu.memory_space<hbm>>
      %dma_wait3A_68 = tpu.memref_squeeze %dma_wait3A_67 : memref<1x16x576xf32, #tpu.memory_space<hbm>> -> memref<16x576xf32, #tpu.memory_space<hbm>>
      %dma_wait3A_69 = arith.constant 0 : i32
      %dma_wait3A_70 = tpu.memref_slice %arg4[%add3A_61, %mul3A_32, %dma_wait3A_69] : memref<32x64x576xf32, #tpu.memory_space<hbm>> -> memref<1x16x576xf32, #tpu.memory_space<hbm>>
      %dma_wait3A_71 = tpu.memref_squeeze %dma_wait3A_70 : memref<1x16x576xf32, #tpu.memory_space<hbm>> -> memref<16x576xf32, #tpu.memory_space<hbm>>
      tpu.wait_dma2 semaphore(%run_scoped3A : memref<!tpu.dma_semaphore, #tpu.memory_space<semaphore_mem>>) src(%arg7 : memref<16x576xf32, #tpu.memory_space<vmem>>) dst(%dma_wait3A_71 : memref<16x576xf32, #tpu.memory_space<hbm>>)
      tpu.yield
    }) : () -> ()
    return
  }
}

#map = affine_map<(d0, d1) -> (0, 0)>
#map1 = affine_map<(d0, d1) -> (0)>
#map2 = affine_map<(d0, d1) -> (0, 0, 0)>
module attributes {stable_mosaic.version = 14 : i64} {
  func.func @gk(%arg0: i32, %arg1: i32, %arg2: memref<64x1024xf32, #tpu.memory_space<hbm>>, %arg3: memref<18432xi32, #tpu.memory_space<hbm>>, %arg4: memref<32x64x576xf32, #tpu.memory_space<hbm>>, %arg5: memref<16x1024xf32, #tpu.memory_space<vmem>>, %arg6: memref<2304xi32, #tpu.memory_space<vmem>>, %arg7: memref<16x576xf32, #tpu.memory_space<vmem>>) attributes {dimension_semantics = [#tpu.dimension_semantics<core_parallel>, #tpu.dimension_semantics<subcore_parallel>], iteration_bounds = array<i64: 2, 16>, scalar_prefetch = 0 : i64, scratch_operands = 3 : i64, tpu.core_type = #tpu.core_type<sc_vector_subcore>, window_params = [{transform_indices = #map}, {transform_indices = #map1}, {transform_indices = #map2}]} {
    %mul3A = arith.constant 2 : i32
    %mul3A_0 = arith.muli %arg1, %mul3A : i32
    %add3A = arith.addi %mul3A_0, %arg0 : i32
    %jit3A = arith.constant 4 : i32
    %div3A = arith.divsi %add3A, %jit3A : i32
    %sign3A = arith.constant 0 : i32
    %sign3A_1 = arith.cmpi sgt, %add3A, %sign3A : i32
    %sign3A_2 = arith.extui %sign3A_1 : i1 to i32
    %sign3A_3 = arith.constant 0 : i32
    %sign3A_4 = arith.cmpi slt, %add3A, %sign3A_3 : i32
    %sign3A_5 = arith.extui %sign3A_4 : i1 to i32
    %sign3A_6 = arith.subi %sign3A_2, %sign3A_5 : i32
    %sign3A_7 = arith.constant 0 : i32
    %sign3A_8 = arith.cmpi sgt, %jit3A, %sign3A_7 : i32
    %sign3A_9 = arith.extui %sign3A_8 : i1 to i32
    %sign3A_10 = arith.constant 0 : i32
    %sign3A_11 = arith.cmpi slt, %jit3A, %sign3A_10 : i32
    %sign3A_12 = arith.extui %sign3A_11 : i1 to i32
    %sign3A_13 = arith.subi %sign3A_9, %sign3A_12 : i32
    %ne3A = arith.cmpi ne, %sign3A_6, %sign3A_13 : i32
    %rem3A = arith.remsi %add3A, %jit3A : i32
    %ne3A_14 = arith.constant 0 : i32
    %ne3A_15 = arith.cmpi ne, %rem3A, %ne3A_14 : i32
    %and3A = arith.andi %ne3A, %ne3A_15 : i1
    %sub3A = arith.constant 1 : i32
    %sub3A_16 = arith.subi %div3A, %sub3A : i32
    %select_n3A = arith.select %and3A, %sub3A_16, %div3A : i32
    %jit3A_17 = arith.constant 4 : i32
    %eq3A = arith.constant 0 : i32
    %eq3A_18 = arith.cmpi eq, %jit3A_17, %eq3A : i32
    %jit3A_19 = arith.constant 1 : i32
    %select_n3A_20 = arith.select %eq3A_18, %jit3A_19, %jit3A_17 : i32
    %rem3A_21 = arith.remsi %add3A, %select_n3A_20 : i32
    %ne3A_22 = arith.constant 0 : i32
    %ne3A_23 = arith.cmpi ne, %rem3A_21, %ne3A_22 : i32
    %lt3A = arith.constant 0 : i32
    %lt3A_24 = arith.cmpi slt, %rem3A_21, %lt3A : i32
    %lt3A_25 = arith.constant 0 : i32
    %lt3A_26 = arith.cmpi slt, %select_n3A_20, %lt3A_25 : i32
    %ne3A_27 = arith.xori %lt3A_24, %lt3A_26 : i1
    %and3A_28 = arith.andi %ne3A_27, %ne3A_23 : i1
    %add3A_29 = arith.addi %rem3A_21, %select_n3A_20 : i32
    %select_n3A_30 = arith.select %and3A_28, %add3A_29, %rem3A_21 : i32
    %mul3A_31 = arith.constant 16 : i32
    %mul3A_32 = arith.muli %select_n3A_30, %mul3A_31 : i32
    "tpu.region"() ({
      %run_scoped3A = tpu.sem_alloc : memref<!tpu.dma_semaphore, #tpu.memory_space<semaphore_mem>>
      %dma_start3A = arith.constant 0 : i32
      %dma_start3A_62 = tpu.memref_slice %arg2[%mul3A_32, %dma_start3A] : memref<64x1024xf32, #tpu.memory_space<hbm>> -> memref<16x1024xf32, #tpu.memory_space<hbm>>
      %dma_start3A_63 = arith.constant 0 : i32
      %dma_start3A_64 = tpu.memref_slice %arg2[%mul3A_32, %dma_start3A_63] : memref<64x1024xf32, #tpu.memory_space<hbm>> -> memref<16x1024xf32, #tpu.memory_space<hbm>>
      tpu.enqueue_dma source(%dma_start3A_64 : memref<16x1024xf32, #tpu.memory_space<hbm>>) target(%arg5 : memref<16x1024xf32, #tpu.memory_space<vmem>>) target_semaphore(%run_scoped3A : memref<!tpu.dma_semaphore, #tpu.memory_space<semaphore_mem>>)
      %dma_wait3A = arith.constant 0 : i32
      %dma_wait3A_65 = tpu.memref_slice %arg2[%mul3A_32, %dma_wait3A] : memref<64x1024xf32, #tpu.memory_space<hbm>> -> memref<16x1024xf32, #tpu.memory_space<hbm>>
      %dma_wait3A_66 = arith.constant 0 : i32
      %dma_wait3A_67 = tpu.memref_slice %arg2[%mul3A_32, %dma_wait3A_66] : memref<64x1024xf32, #tpu.memory_space<hbm>> -> memref<16x1024xf32, #tpu.memory_space<hbm>>
      tpu.wait_dma2 semaphore(%run_scoped3A : memref<!tpu.dma_semaphore, #tpu.memory_space<semaphore_mem>>) src(%dma_wait3A_67 : memref<16x1024xf32, #tpu.memory_space<hbm>>) dst(%arg5 : memref<16x1024xf32, #tpu.memory_space<vmem>>)
      tpu.yield
    }) : () -> ()
    %mul3A_33 = arith.constant 2304 : i32
    %mul3A_34 = arith.muli %select_n3A, %mul3A_33 : i32
    "tpu.region"() ({
      %run_scoped3A = tpu.sem_alloc : memref<!tpu.dma_semaphore, #tpu.memory_space<semaphore_mem>>
      %dma_start3A = tpu.memref_slice %arg3[%mul3A_34] : memref<18432xi32, #tpu.memory_space<hbm>> -> memref<2304xi32, #tpu.memory_space<hbm>>
      %dma_start3A_62 = tpu.memref_slice %arg3[%mul3A_34] : memref<18432xi32, #tpu.memory_space<hbm>> -> memref<2304xi32, #tpu.memory_space<hbm>>
      tpu.enqueue_dma source(%dma_start3A_62 : memref<2304xi32, #tpu.memory_space<hbm>>) target(%arg6 : memref<2304xi32, #tpu.memory_space<vmem>>) target_semaphore(%run_scoped3A : memref<!tpu.dma_semaphore, #tpu.memory_space<semaphore_mem>>)
      %dma_wait3A = tpu.memref_slice %arg3[%mul3A_34] : memref<18432xi32, #tpu.memory_space<hbm>> -> memref<2304xi32, #tpu.memory_space<hbm>>
      %dma_wait3A_63 = tpu.memref_slice %arg3[%mul3A_34] : memref<18432xi32, #tpu.memory_space<hbm>> -> memref<2304xi32, #tpu.memory_space<hbm>>
      tpu.wait_dma2 semaphore(%run_scoped3A : memref<!tpu.dma_semaphore, #tpu.memory_space<semaphore_mem>>) src(%dma_wait3A_63 : memref<2304xi32, #tpu.memory_space<hbm>>) dst(%arg6 : memref<2304xi32, #tpu.memory_space<vmem>>)
      tpu.yield
    }) : () -> ()
    %parallel_loop3A = arith.constant 0 : i32
    %parallel_loop3A_35 = arith.constant 36 : i32
    %parallel_loop3A_36 = arith.constant 1 : i32
    scf.for %parallel_loop3A_62 = %parallel_loop3A to %parallel_loop3A_35 step %parallel_loop3A_36  : i32 {
      %parallel_loop3A_63 = arith.constant 16 : i32
      %parallel_loop3A_64 = arith.muli %parallel_loop3A_62, %parallel_loop3A_63 : i32
      %parallel_loop3A_65 = arith.constant 0 : i32
      %parallel_loop3A_66 = arith.addi %parallel_loop3A_65, %parallel_loop3A_64 : i32
      %parallel_loop3A_67 = arith.index_cast %parallel_loop3A_66 : i32 to index
      %parallel_loop3A_68 = tpu.vector_load %arg6[%parallel_loop3A_67] {strides = array<i32>} : memref<2304xi32, #tpu.memory_space<vmem>>, vector<16xi32>,
      %parallel_loop3A_69 = arith.constant 0 : i32
      %parallel_loop3A_70 = vector.broadcast %parallel_loop3A_69 : i32 to vector<16xi32>
      %parallel_loop3A_71 = tpu.vector_load_idx %arg5[%parallel_loop3A_70, %parallel_loop3A_68] : memref<16x1024xf32, #tpu.memory_space<vmem>>[vector<16xi32>, vector<16xi32>], vector<16xf32>,
      %parallel_loop3A_72 = arith.constant 16 : i32
      %parallel_loop3A_73 = arith.muli %parallel_loop3A_62, %parallel_loop3A_72 : i32
      %parallel_loop3A_74 = arith.constant 0 : i32
      %parallel_loop3A_75 = arith.index_cast %parallel_loop3A_74 : i32 to index
      %parallel_loop3A_76 = arith.index_cast %parallel_loop3A_73 : i32 to index
      %parallel_loop3A_77 = tpu.vector_load %arg7[%parallel_loop3A_75, %parallel_loop3A_76] {strides = array<i32>} : memref<16x576xf32, #tpu.memory_space<vmem>>, vector<16xf32>,
      tpu.vector_store %arg7[%parallel_loop3A_75, %parallel_loop3A_76], %parallel_loop3A_71 {strides = array<i32>} : memref<16x576xf32, #tpu.memory_space<vmem>>, vector<16xf32>,
      %parallel_loop3A_78 = arith.constant 1 : i32
      %parallel_loop3A_79 = vector.broadcast %parallel_loop3A_78 : i32 to vector<16xi32>
      %parallel_loop3A_80 = tpu.vector_load_idx %arg5[%parallel_loop3A_79, %parallel_loop3A_68] : memref<16x1024xf32, #tpu.memory_space<vmem>>[vector<16xi32>, vector<16xi32>], vector<16xf32>,
      %parallel_loop3A_81 = arith.constant 16 : i32
      %parallel_loop3A_82 = arith.muli %parallel_loop3A_62, %parallel_loop3A_81 : i32
      %parallel_loop3A_83 = arith.constant 1 : i32
      %parallel_loop3A_84 = arith.index_cast %parallel_loop3A_83 : i32 to index
      %parallel_loop3A_85 = arith.index_cast %parallel_loop3A_82 : i32 to index
      %parallel_loop3A_86 = tpu.vector_load %arg7[%parallel_loop3A_84, %parallel_loop3A_85] {strides = array<i32>} : memref<16x576xf32, #tpu.memory_space<vmem>>, vector<16xf32>,
      tpu.vector_store %arg7[%parallel_loop3A_84, %parallel_loop3A_85], %parallel_loop3A_80 {strides = array<i32>} : memref<16x576xf32, #tpu.memory_space<vmem>>, vector<16xf32>,
      %parallel_loop3A_87 = arith.constant 2 : i32
      %parallel_loop3A_88 = vector.broadcast %parallel_loop3A_87 : i32 to vector<16xi32>
      %parallel_loop3A_89 = tpu.vector_load_idx %arg5[%parallel_loop3A_88, %parallel_loop3A_68] : memref<16x1024xf32, #tpu.memory_space<vmem>>[vector<16xi32>, vector<16xi32>], vector<16xf32>,
      %parallel_loop3A_90 = arith.constant 16 : i32
      %parallel_loop3A_91 = arith.muli %parallel_loop3A_62, %parallel_loop3A_90 : i32
      %parallel_loop3A_92 = arith.constant 2 : i32
      %parallel_loop3A_93 = arith.index_cast %parallel_loop3A_92 : i32 to index
      %parallel_loop3A_94 = arith.index_cast %parallel_loop3A_91 : i32 to index
      %parallel_loop3A_95 = tpu.vector_load %arg7[%parallel_loop3A_93, %parallel_loop3A_94] {strides = array<i32>} : memref<16x576xf32, #tpu.memory_space<vmem>>, vector<16xf32>,
      tpu.vector_store %arg7[%parallel_loop3A_93, %parallel_loop3A_94], %parallel_loop3A_89 {strides = array<i32>} : memref<16x576xf32, #tpu.memory_space<vmem>>, vector<16xf32>,
      %parallel_loop3A_96 = arith.constant 3 : i32
      %parallel_loop3A_97 = vector.broadcast %parallel_loop3A_96 : i32 to vector<16xi32>
      %parallel_loop3A_98 = tpu.vector_load_idx %arg5[%parallel_loop3A_97, %parallel_loop3A_68] : memref<16x1024xf32, #tpu.memory_space<vmem>>[vector<16xi32>, vector<16xi32>], vector<16xf32>,
      %parallel_loop3A_99 = arith.constant 16 : i32
      %parallel_loop3A_100 = arith.muli %parallel_loop3A_62, %parallel_loop3A_99 : i32
      %parallel_loop3A_101 = arith.constant 3 : i32
      %parallel_loop3A_102 = arith.index_cast %parallel_loop3A_101 : i32 to index
      %parallel_loop3A_103 = arith.index_cast %parallel_loop3A_100 : i32 to index
      %parallel_loop3A_104 = tpu.vector_load %arg7[%parallel_loop3A_102, %parallel_loop3A_103] {strides = array<i32>} : memref<16x576xf32, #tpu.memory_space<vmem>>, vector<16xf32>,
      tpu.vector_store %arg7[%parallel_loop3A_102, %parallel_loop3A_103], %parallel_loop3A_98 {strides = array<i32>} : memref<16x576xf32, #tpu.memory_space<vmem>>, vector<16xf32>,
      %parallel_loop3A_105 = arith.constant 4 : i32
      %parallel_loop3A_106 = vector.broadcast %parallel_loop3A_105 : i32 to vector<16xi32>
      %parallel_loop3A_107 = tpu.vector_load_idx %arg5[%parallel_loop3A_106, %parallel_loop3A_68] : memref<16x1024xf32, #tpu.memory_space<vmem>>[vector<16xi32>, vector<16xi32>], vector<16xf32>,
      %parallel_loop3A_108 = arith.constant 16 : i32
      %parallel_loop3A_109 = arith.muli %parallel_loop3A_62, %parallel_loop3A_108 : i32
      %parallel_loop3A_110 = arith.constant 4 : i32
      %parallel_loop3A_111 = arith.index_cast %parallel_loop3A_110 : i32 to index
      %parallel_loop3A_112 = arith.index_cast %parallel_loop3A_109 : i32 to index
      %parallel_loop3A_113 = tpu.vector_load %arg7[%parallel_loop3A_111, %parallel_loop3A_112] {strides = array<i32>} : memref<16x576xf32, #tpu.memory_space<vmem>>, vector<16xf32>,
      tpu.vector_store %arg7[%parallel_loop3A_111, %parallel_loop3A_112], %parallel_loop3A_107 {strides = array<i32>} : memref<16x576xf32, #tpu.memory_space<vmem>>, vector<16xf32>,
      %parallel_loop3A_114 = arith.constant 5 : i32
      %parallel_loop3A_115 = vector.broadcast %parallel_loop3A_114 : i32 to vector<16xi32>
      %parallel_loop3A_116 = tpu.vector_load_idx %arg5[%parallel_loop3A_115, %parallel_loop3A_68] : memref<16x1024xf32, #tpu.memory_space<vmem>>[vector<16xi32>, vector<16xi32>], vector<16xf32>,
      %parallel_loop3A_117 = arith.constant 16 : i32
      %parallel_loop3A_118 = arith.muli %parallel_loop3A_62, %parallel_loop3A_117 : i32
      %parallel_loop3A_119 = arith.constant 5 : i32
      %parallel_loop3A_120 = arith.index_cast %parallel_loop3A_119 : i32 to index
      %parallel_loop3A_121 = arith.index_cast %parallel_loop3A_118 : i32 to index
      %parallel_loop3A_122 = tpu.vector_load %arg7[%parallel_loop3A_120, %parallel_loop3A_121] {strides = array<i32>} : memref<16x576xf32, #tpu.memory_space<vmem>>, vector<16xf32>,
      tpu.vector_store %arg7[%parallel_loop3A_120, %parallel_loop3A_121], %parallel_loop3A_116 {strides = array<i32>} : memref<16x576xf32, #tpu.memory_space<vmem>>, vector<16xf32>,
      %parallel_loop3A_123 = arith.constant 6 : i32
      %parallel_loop3A_124 = vector.broadcast %parallel_loop3A_123 : i32 to vector<16xi32>
      %parallel_loop3A_125 = tpu.vector_load_idx %arg5[%parallel_loop3A_124, %parallel_loop3A_68] : memref<16x1024xf32, #tpu.memory_space<vmem>>[vector<16xi32>, vector<16xi32>], vector<16xf32>,
      %parallel_loop3A_126 = arith.constant 16 : i32
      %parallel_loop3A_127 = arith.muli %parallel_loop3A_62, %parallel_loop3A_126 : i32
      %parallel_loop3A_128 = arith.constant 6 : i32
      %parallel_loop3A_129 = arith.index_cast %parallel_loop3A_128 : i32 to index
      %parallel_loop3A_130 = arith.index_cast %parallel_loop3A_127 : i32 to index
      %parallel_loop3A_131 = tpu.vector_load %arg7[%parallel_loop3A_129, %parallel_loop3A_130] {strides = array<i32>} : memref<16x576xf32, #tpu.memory_space<vmem>>, vector<16xf32>,
      tpu.vector_store %arg7[%parallel_loop3A_129, %parallel_loop3A_130], %parallel_loop3A_125 {strides = array<i32>} : memref<16x576xf32, #tpu.memory_space<vmem>>, vector<16xf32>,
      %parallel_loop3A_132 = arith.constant 7 : i32
      %parallel_loop3A_133 = vector.broadcast %parallel_loop3A_132 : i32 to vector<16xi32>
      %parallel_loop3A_134 = tpu.vector_load_idx %arg5[%parallel_loop3A_133, %parallel_loop3A_68] : memref<16x1024xf32, #tpu.memory_space<vmem>>[vector<16xi32>, vector<16xi32>], vector<16xf32>,
      %parallel_loop3A_135 = arith.constant 16 : i32
      %parallel_loop3A_136 = arith.muli %parallel_loop3A_62, %parallel_loop3A_135 : i32
      %parallel_loop3A_137 = arith.constant 7 : i32
      %parallel_loop3A_138 = arith.index_cast %parallel_loop3A_137 : i32 to index
      %parallel_loop3A_139 = arith.index_cast %parallel_loop3A_136 : i32 to index
      %parallel_loop3A_140 = tpu.vector_load %arg7[%parallel_loop3A_138, %parallel_loop3A_139] {strides = array<i32>} : memref<16x576xf32, #tpu.memory_space<vmem>>, vector<16xf32>,
      tpu.vector_store %arg7[%parallel_loop3A_138, %parallel_loop3A_139], %parallel_loop3A_134 {strides = array<i32>} : memref<16x576xf32, #tpu.memory_space<vmem>>, vector<16xf32>,
      %parallel_loop3A_141 = arith.constant 8 : i32
      %parallel_loop3A_142 = vector.broadcast %parallel_loop3A_141 : i32 to vector<16xi32>
      %parallel_loop3A_143 = tpu.vector_load_idx %arg5[%parallel_loop3A_142, %parallel_loop3A_68] : memref<16x1024xf32, #tpu.memory_space<vmem>>[vector<16xi32>, vector<16xi32>], vector<16xf32>,
      %parallel_loop3A_144 = arith.constant 16 : i32
      %parallel_loop3A_145 = arith.muli %parallel_loop3A_62, %parallel_loop3A_144 : i32
      %parallel_loop3A_146 = arith.constant 8 : i32
      %parallel_loop3A_147 = arith.index_cast %parallel_loop3A_146 : i32 to index
      %parallel_loop3A_148 = arith.index_cast %parallel_loop3A_145 : i32 to index
      %parallel_loop3A_149 = tpu.vector_load %arg7[%parallel_loop3A_147, %parallel_loop3A_148] {strides = array<i32>} : memref<16x576xf32, #tpu.memory_space<vmem>>, vector<16xf32>,
      tpu.vector_store %arg7[%parallel_loop3A_147, %parallel_loop3A_148], %parallel_loop3A_143 {strides = array<i32>} : memref<16x576xf32, #tpu.memory_space<vmem>>, vector<16xf32>,
      %parallel_loop3A_150 = arith.constant 9 : i32
      %parallel_loop3A_151 = vector.broadcast %parallel_loop3A_150 : i32 to vector<16xi32>
      %parallel_loop3A_152 = tpu.vector_load_idx %arg5[%parallel_loop3A_151, %parallel_loop3A_68] : memref<16x1024xf32, #tpu.memory_space<vmem>>[vector<16xi32>, vector<16xi32>], vector<16xf32>,
      %parallel_loop3A_153 = arith.constant 16 : i32
      %parallel_loop3A_154 = arith.muli %parallel_loop3A_62, %parallel_loop3A_153 : i32
      %parallel_loop3A_155 = arith.constant 9 : i32
      %parallel_loop3A_156 = arith.index_cast %parallel_loop3A_155 : i32 to index
      %parallel_loop3A_157 = arith.index_cast %parallel_loop3A_154 : i32 to index
      %parallel_loop3A_158 = tpu.vector_load %arg7[%parallel_loop3A_156, %parallel_loop3A_157] {strides = array<i32>} : memref<16x576xf32, #tpu.memory_space<vmem>>, vector<16xf32>,
      tpu.vector_store %arg7[%parallel_loop3A_156, %parallel_loop3A_157], %parallel_loop3A_152 {strides = array<i32>} : memref<16x576xf32, #tpu.memory_space<vmem>>, vector<16xf32>,
      %parallel_loop3A_159 = arith.constant 10 : i32
      %parallel_loop3A_160 = vector.broadcast %parallel_loop3A_159 : i32 to vector<16xi32>
      %parallel_loop3A_161 = tpu.vector_load_idx %arg5[%parallel_loop3A_160, %parallel_loop3A_68] : memref<16x1024xf32, #tpu.memory_space<vmem>>[vector<16xi32>, vector<16xi32>], vector<16xf32>,
      %parallel_loop3A_162 = arith.constant 16 : i32
      %parallel_loop3A_163 = arith.muli %parallel_loop3A_62, %parallel_loop3A_162 : i32
      %parallel_loop3A_164 = arith.constant 10 : i32
      %parallel_loop3A_165 = arith.index_cast %parallel_loop3A_164 : i32 to index
      %parallel_loop3A_166 = arith.index_cast %parallel_loop3A_163 : i32 to index
      %parallel_loop3A_167 = tpu.vector_load %arg7[%parallel_loop3A_165, %parallel_loop3A_166] {strides = array<i32>} : memref<16x576xf32, #tpu.memory_space<vmem>>, vector<16xf32>,
      tpu.vector_store %arg7[%parallel_loop3A_165, %parallel_loop3A_166], %parallel_loop3A_161 {strides = array<i32>} : memref<16x576xf32, #tpu.memory_space<vmem>>, vector<16xf32>,
      %parallel_loop3A_168 = arith.constant 11 : i32
      %parallel_loop3A_169 = vector.broadcast %parallel_loop3A_168 : i32 to vector<16xi32>
      %parallel_loop3A_170 = tpu.vector_load_idx %arg5[%parallel_loop3A_169, %parallel_loop3A_68] : memref<16x1024xf32, #tpu.memory_space<vmem>>[vector<16xi32>, vector<16xi32>], vector<16xf32>,
      %parallel_loop3A_171 = arith.constant 16 : i32
      %parallel_loop3A_172 = arith.muli %parallel_loop3A_62, %parallel_loop3A_171 : i32
      %parallel_loop3A_173 = arith.constant 11 : i32
      %parallel_loop3A_174 = arith.index_cast %parallel_loop3A_173 : i32 to index
      %parallel_loop3A_175 = arith.index_cast %parallel_loop3A_172 : i32 to index
      %parallel_loop3A_176 = tpu.vector_load %arg7[%parallel_loop3A_174, %parallel_loop3A_175] {strides = array<i32>} : memref<16x576xf32, #tpu.memory_space<vmem>>, vector<16xf32>,
      tpu.vector_store %arg7[%parallel_loop3A_174, %parallel_loop3A_175], %parallel_loop3A_170 {strides = array<i32>} : memref<16x576xf32, #tpu.memory_space<vmem>>, vector<16xf32>,
      %parallel_loop3A_177 = arith.constant 12 : i32
      %parallel_loop3A_178 = vector.broadcast %parallel_loop3A_177 : i32 to vector<16xi32>
      %parallel_loop3A_179 = tpu.vector_load_idx %arg5[%parallel_loop3A_178, %parallel_loop3A_68] : memref<16x1024xf32, #tpu.memory_space<vmem>>[vector<16xi32>, vector<16xi32>], vector<16xf32>,
      %parallel_loop3A_180 = arith.constant 16 : i32
      %parallel_loop3A_181 = arith.muli %parallel_loop3A_62, %parallel_loop3A_180 : i32
      %parallel_loop3A_182 = arith.constant 12 : i32
      %parallel_loop3A_183 = arith.index_cast %parallel_loop3A_182 : i32 to index
      %parallel_loop3A_184 = arith.index_cast %parallel_loop3A_181 : i32 to index
      %parallel_loop3A_185 = tpu.vector_load %arg7[%parallel_loop3A_183, %parallel_loop3A_184] {strides = array<i32>} : memref<16x576xf32, #tpu.memory_space<vmem>>, vector<16xf32>,
      tpu.vector_store %arg7[%parallel_loop3A_183, %parallel_loop3A_184], %parallel_loop3A_179 {strides = array<i32>} : memref<16x576xf32, #tpu.memory_space<vmem>>, vector<16xf32>,
      %parallel_loop3A_186 = arith.constant 13 : i32
      %parallel_loop3A_187 = vector.broadcast %parallel_loop3A_186 : i32 to vector<16xi32>
      %parallel_loop3A_188 = tpu.vector_load_idx %arg5[%parallel_loop3A_187, %parallel_loop3A_68] : memref<16x1024xf32, #tpu.memory_space<vmem>>[vector<16xi32>, vector<16xi32>], vector<16xf32>,
      %parallel_loop3A_189 = arith.constant 16 : i32
      %parallel_loop3A_190 = arith.muli %parallel_loop3A_62, %parallel_loop3A_189 : i32
      %parallel_loop3A_191 = arith.constant 13 : i32
      %parallel_loop3A_192 = arith.index_cast %parallel_loop3A_191 : i32 to index
      %parallel_loop3A_193 = arith.index_cast %parallel_loop3A_190 : i32 to index
      %parallel_loop3A_194 = tpu.vector_load %arg7[%parallel_loop3A_192, %parallel_loop3A_193] {strides = array<i32>} : memref<16x576xf32, #tpu.memory_space<vmem>>, vector<16xf32>,
      tpu.vector_store %arg7[%parallel_loop3A_192, %parallel_loop3A_193], %parallel_loop3A_188 {strides = array<i32>} : memref<16x576xf32, #tpu.memory_space<vmem>>, vector<16xf32>,
      %parallel_loop3A_195 = arith.constant 14 : i32
      %parallel_loop3A_196 = vector.broadcast %parallel_loop3A_195 : i32 to vector<16xi32>
      %parallel_loop3A_197 = tpu.vector_load_idx %arg5[%parallel_loop3A_196, %parallel_loop3A_68] : memref<16x1024xf32, #tpu.memory_space<vmem>>[vector<16xi32>, vector<16xi32>], vector<16xf32>,
      %parallel_loop3A_198 = arith.constant 16 : i32
      %parallel_loop3A_199 = arith.muli %parallel_loop3A_62, %parallel_loop3A_198 : i32
      %parallel_loop3A_200 = arith.constant 14 : i32
      %parallel_loop3A_201 = arith.index_cast %parallel_loop3A_200 : i32 to index
      %parallel_loop3A_202 = arith.index_cast %parallel_loop3A_199 : i32 to index
      %parallel_loop3A_203 = tpu.vector_load %arg7[%parallel_loop3A_201, %parallel_loop3A_202] {strides = array<i32>} : memref<16x576xf32, #tpu.memory_space<vmem>>, vector<16xf32>,
      tpu.vector_store %arg7[%parallel_loop3A_201, %parallel_loop3A_202], %parallel_loop3A_197 {strides = array<i32>} : memref<16x576xf32, #tpu.memory_space<vmem>>, vector<16xf32>,
      %parallel_loop3A_204 = arith.constant 15 : i32
      %parallel_loop3A_205 = vector.broadcast %parallel_loop3A_204 : i32 to vector<16xi32>
      %parallel_loop3A_206 = tpu.vector_load_idx %arg5[%parallel_loop3A_205, %parallel_loop3A_68] : memref<16x1024xf32, #tpu.memory_space<vmem>>[vector<16xi32>, vector<16xi32>], vector<16xf32>,
      %parallel_loop3A_207 = arith.constant 16 : i32
      %parallel_loop3A_208 = arith.muli %parallel_loop3A_62, %parallel_loop3A_207 : i32
      %parallel_loop3A_209 = arith.constant 15 : i32
      %parallel_loop3A_210 = arith.index_cast %parallel_loop3A_209 : i32 to index
      %parallel_loop3A_211 = arith.index_cast %parallel_loop3A_208 : i32 to index
      %parallel_loop3A_212 = tpu.vector_load %arg7[%parallel_loop3A_210, %parallel_loop3A_211] {strides = array<i32>} : memref<16x576xf32, #tpu.memory_space<vmem>>, vector<16xf32>,
      tpu.vector_store %arg7[%parallel_loop3A_210, %parallel_loop3A_211], %parallel_loop3A_206 {strides = array<i32>} : memref<16x576xf32, #tpu.memory_space<vmem>>, vector<16xf32>,
    } {sc.loop_unroll_factor = 1 : i64, sc.parallel_access}
    %mul3A_37 = arith.constant 4 : i32
    %mul3A_38 = arith.muli %select_n3A, %mul3A_37 : i32
    %add3A_39 = arith.constant 0 : i32
    %add3A_40 = arith.addi %mul3A_38, %add3A_39 : i32
    "tpu.region"() ({
      %run_scoped3A = tpu.sem_alloc : memref<!tpu.dma_semaphore, #tpu.memory_space<semaphore_mem>>
      %dma_start3A = arith.constant 0 : i32
      %dma_start3A_62 = tpu.memref_slice %arg4[%add3A_40, %mul3A_32, %dma_start3A] : memref<32x64x576xf32, #tpu.memory_space<hbm>> -> memref<1x16x576xf32, #tpu.memory_space<hbm>>
      %dma_start3A_63 = tpu.memref_squeeze %dma_start3A_62 : memref<1x16x576xf32, #tpu.memory_space<hbm>> -> memref<16x576xf32, #tpu.memory_space<hbm>>
      %dma_start3A_64 = arith.constant 0 : i32
      %dma_start3A_65 = tpu.memref_slice %arg4[%add3A_40, %mul3A_32, %dma_start3A_64] : memref<32x64x576xf32, #tpu.memory_space<hbm>> -> memref<1x16x576xf32, #tpu.memory_space<hbm>>
      %dma_start3A_66 = tpu.memref_squeeze %dma_start3A_65 : memref<1x16x576xf32, #tpu.memory_space<hbm>> -> memref<16x576xf32, #tpu.memory_space<hbm>>
      tpu.enqueue_dma source(%arg7 : memref<16x576xf32, #tpu.memory_space<vmem>>) target(%dma_start3A_66 : memref<16x576xf32, #tpu.memory_space<hbm>>) target_semaphore(%run_scoped3A : memref<!tpu.dma_semaphore, #tpu.memory_space<semaphore_mem>>)
      %dma_wait3A = arith.constant 0 : i32
      %dma_wait3A_67 = tpu.memref_slice %arg4[%add3A_40, %mul3A_32, %dma_wait3A] : memref<32x64x576xf32, #tpu.memory_space<hbm>> -> memref<1x16x576xf32, #tpu.memory_space<hbm>>
      %dma_wait3A_68 = tpu.memref_squeeze %dma_wait3A_67 : memref<1x16x576xf32, #tpu.memory_space<hbm>> -> memref<16x576xf32, #tpu.memory_space<hbm>>
      %dma_wait3A_69 = arith.constant 0 : i32
      %dma_wait3A_70 = tpu.memref_slice %arg4[%add3A_40, %mul3A_32, %dma_wait3A_69] : memref<32x64x576xf32, #tpu.memory_space<hbm>> -> memref<1x16x576xf32, #tpu.memory_space<hbm>>
      %dma_wait3A_71 = tpu.memref_squeeze %dma_wait3A_70 : memref<1x16x576xf32, #tpu.memory_space<hbm>> -> memref<16x576xf32, #tpu.memory_space<hbm>>
      tpu.wait_dma2 semaphore(%run_scoped3A : memref<!tpu.dma_semaphore, #tpu.memory_space<semaphore_mem>>) src(%arg7 : memref<16x576xf32, #tpu.memory_space<vmem>>) dst(%dma_wait3A_71 : memref<16x576xf32, #tpu.memory_space<hbm>>)
      tpu.yield
    }) : () -> ()
    %parallel_loop3A_41 = arith.constant 0 : i32
    %parallel_loop3A_42 = arith.constant 36 : i32
    %parallel_loop3A_43 = arith.constant 1 : i32
    scf.for %parallel_loop3A_62 = %parallel_loop3A_41 to %parallel_loop3A_42 step %parallel_loop3A_43  : i32 {
      %parallel_loop3A_63 = arith.constant 16 : i32
      %parallel_loop3A_64 = arith.muli %parallel_loop3A_62, %parallel_loop3A_63 : i32
      %parallel_loop3A_65 = arith.constant 576 : i32
      %parallel_loop3A_66 = arith.addi %parallel_loop3A_65, %parallel_loop3A_64 : i32
      %parallel_loop3A_67 = arith.index_cast %parallel_loop3A_66 : i32 to index
      %parallel_loop3A_68 = tpu.vector_load %arg6[%parallel_loop3A_67] {strides = array<i32>} : memref<2304xi32, #tpu.memory_space<vmem>>, vector<16xi32>,
      %parallel_loop3A_69 = arith.constant 0 : i32
      %parallel_loop3A_70 = vector.broadcast %parallel_loop3A_69 : i32 to vector<16xi32>
      %parallel_loop3A_71 = tpu.vector_load_idx %arg5[%parallel_loop3A_70, %parallel_loop3A_68] : memref<16x1024xf32, #tpu.memory_space<vmem>>[vector<16xi32>, vector<16xi32>], vector<16xf32>,
      %parallel_loop3A_72 = arith.constant 16 : i32
      %parallel_loop3A_73 = arith.muli %parallel_loop3A_62, %parallel_loop3A_72 : i32
      %parallel_loop3A_74 = arith.constant 0 : i32
      %parallel_loop3A_75 = arith.index_cast %parallel_loop3A_74 : i32 to index
      %parallel_loop3A_76 = arith.index_cast %parallel_loop3A_73 : i32 to index
      %parallel_loop3A_77 = tpu.vector_load %arg7[%parallel_loop3A_75, %parallel_loop3A_76] {strides = array<i32>} : memref<16x576xf32, #tpu.memory_space<vmem>>, vector<16xf32>,
      tpu.vector_store %arg7[%parallel_loop3A_75, %parallel_loop3A_76], %parallel_loop3A_71 {strides = array<i32>} : memref<16x576xf32, #tpu.memory_space<vmem>>, vector<16xf32>,
      %parallel_loop3A_78 = arith.constant 1 : i32
      %parallel_loop3A_79 = vector.broadcast %parallel_loop3A_78 : i32 to vector<16xi32>
      %parallel_loop3A_80 = tpu.vector_load_idx %arg5[%parallel_loop3A_79, %parallel_loop3A_68] : memref<16x1024xf32, #tpu.memory_space<vmem>>[vector<16xi32>, vector<16xi32>], vector<16xf32>,
      %parallel_loop3A_81 = arith.constant 16 : i32
      %parallel_loop3A_82 = arith.muli %parallel_loop3A_62, %parallel_loop3A_81 : i32
      %parallel_loop3A_83 = arith.constant 1 : i32
      %parallel_loop3A_84 = arith.index_cast %parallel_loop3A_83 : i32 to index
      %parallel_loop3A_85 = arith.index_cast %parallel_loop3A_82 : i32 to index
      %parallel_loop3A_86 = tpu.vector_load %arg7[%parallel_loop3A_84, %parallel_loop3A_85] {strides = array<i32>} : memref<16x576xf32, #tpu.memory_space<vmem>>, vector<16xf32>,
      tpu.vector_store %arg7[%parallel_loop3A_84, %parallel_loop3A_85], %parallel_loop3A_80 {strides = array<i32>} : memref<16x576xf32, #tpu.memory_space<vmem>>, vector<16xf32>,
      %parallel_loop3A_87 = arith.constant 2 : i32
      %parallel_loop3A_88 = vector.broadcast %parallel_loop3A_87 : i32 to vector<16xi32>
      %parallel_loop3A_89 = tpu.vector_load_idx %arg5[%parallel_loop3A_88, %parallel_loop3A_68] : memref<16x1024xf32, #tpu.memory_space<vmem>>[vector<16xi32>, vector<16xi32>], vector<16xf32>,
      %parallel_loop3A_90 = arith.constant 16 : i32
      %parallel_loop3A_91 = arith.muli %parallel_loop3A_62, %parallel_loop3A_90 : i32
      %parallel_loop3A_92 = arith.constant 2 : i32
      %parallel_loop3A_93 = arith.index_cast %parallel_loop3A_92 : i32 to index
      %parallel_loop3A_94 = arith.index_cast %parallel_loop3A_91 : i32 to index
      %parallel_loop3A_95 = tpu.vector_load %arg7[%parallel_loop3A_93, %parallel_loop3A_94] {strides = array<i32>} : memref<16x576xf32, #tpu.memory_space<vmem>>, vector<16xf32>,
      tpu.vector_store %arg7[%parallel_loop3A_93, %parallel_loop3A_94], %parallel_loop3A_89 {strides = array<i32>} : memref<16x576xf32, #tpu.memory_space<vmem>>, vector<16xf32>,
      %parallel_loop3A_96 = arith.constant 3 : i32
      %parallel_loop3A_97 = vector.broadcast %parallel_loop3A_96 : i32 to vector<16xi32>
      %parallel_loop3A_98 = tpu.vector_load_idx %arg5[%parallel_loop3A_97, %parallel_loop3A_68] : memref<16x1024xf32, #tpu.memory_space<vmem>>[vector<16xi32>, vector<16xi32>], vector<16xf32>,
      %parallel_loop3A_99 = arith.constant 16 : i32
      %parallel_loop3A_100 = arith.muli %parallel_loop3A_62, %parallel_loop3A_99 : i32
      %parallel_loop3A_101 = arith.constant 3 : i32
      %parallel_loop3A_102 = arith.index_cast %parallel_loop3A_101 : i32 to index
      %parallel_loop3A_103 = arith.index_cast %parallel_loop3A_100 : i32 to index
      %parallel_loop3A_104 = tpu.vector_load %arg7[%parallel_loop3A_102, %parallel_loop3A_103] {strides = array<i32>} : memref<16x576xf32, #tpu.memory_space<vmem>>, vector<16xf32>,
      tpu.vector_store %arg7[%parallel_loop3A_102, %parallel_loop3A_103], %parallel_loop3A_98 {strides = array<i32>} : memref<16x576xf32, #tpu.memory_space<vmem>>, vector<16xf32>,
      %parallel_loop3A_105 = arith.constant 4 : i32
      %parallel_loop3A_106 = vector.broadcast %parallel_loop3A_105 : i32 to vector<16xi32>
      %parallel_loop3A_107 = tpu.vector_load_idx %arg5[%parallel_loop3A_106, %parallel_loop3A_68] : memref<16x1024xf32, #tpu.memory_space<vmem>>[vector<16xi32>, vector<16xi32>], vector<16xf32>,
      %parallel_loop3A_108 = arith.constant 16 : i32
      %parallel_loop3A_109 = arith.muli %parallel_loop3A_62, %parallel_loop3A_108 : i32
      %parallel_loop3A_110 = arith.constant 4 : i32
      %parallel_loop3A_111 = arith.index_cast %parallel_loop3A_110 : i32 to index
      %parallel_loop3A_112 = arith.index_cast %parallel_loop3A_109 : i32 to index
      %parallel_loop3A_113 = tpu.vector_load %arg7[%parallel_loop3A_111, %parallel_loop3A_112] {strides = array<i32>} : memref<16x576xf32, #tpu.memory_space<vmem>>, vector<16xf32>,
      tpu.vector_store %arg7[%parallel_loop3A_111, %parallel_loop3A_112], %parallel_loop3A_107 {strides = array<i32>} : memref<16x576xf32, #tpu.memory_space<vmem>>, vector<16xf32>,
      %parallel_loop3A_114 = arith.constant 5 : i32
      %parallel_loop3A_115 = vector.broadcast %parallel_loop3A_114 : i32 to vector<16xi32>
      %parallel_loop3A_116 = tpu.vector_load_idx %arg5[%parallel_loop3A_115, %parallel_loop3A_68] : memref<16x1024xf32, #tpu.memory_space<vmem>>[vector<16xi32>, vector<16xi32>], vector<16xf32>,
      %parallel_loop3A_117 = arith.constant 16 : i32
      %parallel_loop3A_118 = arith.muli %parallel_loop3A_62, %parallel_loop3A_117 : i32
      %parallel_loop3A_119 = arith.constant 5 : i32
      %parallel_loop3A_120 = arith.index_cast %parallel_loop3A_119 : i32 to index
      %parallel_loop3A_121 = arith.index_cast %parallel_loop3A_118 : i32 to index
      %parallel_loop3A_122 = tpu.vector_load %arg7[%parallel_loop3A_120, %parallel_loop3A_121] {strides = array<i32>} : memref<16x576xf32, #tpu.memory_space<vmem>>, vector<16xf32>,
      tpu.vector_store %arg7[%parallel_loop3A_120, %parallel_loop3A_121], %parallel_loop3A_116 {strides = array<i32>} : memref<16x576xf32, #tpu.memory_space<vmem>>, vector<16xf32>,
      %parallel_loop3A_123 = arith.constant 6 : i32
      %parallel_loop3A_124 = vector.broadcast %parallel_loop3A_123 : i32 to vector<16xi32>
      %parallel_loop3A_125 = tpu.vector_load_idx %arg5[%parallel_loop3A_124, %parallel_loop3A_68] : memref<16x1024xf32, #tpu.memory_space<vmem>>[vector<16xi32>, vector<16xi32>], vector<16xf32>,
      %parallel_loop3A_126 = arith.constant 16 : i32
      %parallel_loop3A_127 = arith.muli %parallel_loop3A_62, %parallel_loop3A_126 : i32
      %parallel_loop3A_128 = arith.constant 6 : i32
      %parallel_loop3A_129 = arith.index_cast %parallel_loop3A_128 : i32 to index
      %parallel_loop3A_130 = arith.index_cast %parallel_loop3A_127 : i32 to index
      %parallel_loop3A_131 = tpu.vector_load %arg7[%parallel_loop3A_129, %parallel_loop3A_130] {strides = array<i32>} : memref<16x576xf32, #tpu.memory_space<vmem>>, vector<16xf32>,
      tpu.vector_store %arg7[%parallel_loop3A_129, %parallel_loop3A_130], %parallel_loop3A_125 {strides = array<i32>} : memref<16x576xf32, #tpu.memory_space<vmem>>, vector<16xf32>,
      %parallel_loop3A_132 = arith.constant 7 : i32
      %parallel_loop3A_133 = vector.broadcast %parallel_loop3A_132 : i32 to vector<16xi32>
      %parallel_loop3A_134 = tpu.vector_load_idx %arg5[%parallel_loop3A_133, %parallel_loop3A_68] : memref<16x1024xf32, #tpu.memory_space<vmem>>[vector<16xi32>, vector<16xi32>], vector<16xf32>,
      %parallel_loop3A_135 = arith.constant 16 : i32
      %parallel_loop3A_136 = arith.muli %parallel_loop3A_62, %parallel_loop3A_135 : i32
      %parallel_loop3A_137 = arith.constant 7 : i32
      %parallel_loop3A_138 = arith.index_cast %parallel_loop3A_137 : i32 to index
      %parallel_loop3A_139 = arith.index_cast %parallel_loop3A_136 : i32 to index
      %parallel_loop3A_140 = tpu.vector_load %arg7[%parallel_loop3A_138, %parallel_loop3A_139] {strides = array<i32>} : memref<16x576xf32, #tpu.memory_space<vmem>>, vector<16xf32>,
      tpu.vector_store %arg7[%parallel_loop3A_138, %parallel_loop3A_139], %parallel_loop3A_134 {strides = array<i32>} : memref<16x576xf32, #tpu.memory_space<vmem>>, vector<16xf32>,
      %parallel_loop3A_141 = arith.constant 8 : i32
      %parallel_loop3A_142 = vector.broadcast %parallel_loop3A_141 : i32 to vector<16xi32>
      %parallel_loop3A_143 = tpu.vector_load_idx %arg5[%parallel_loop3A_142, %parallel_loop3A_68] : memref<16x1024xf32, #tpu.memory_space<vmem>>[vector<16xi32>, vector<16xi32>], vector<16xf32>,
      %parallel_loop3A_144 = arith.constant 16 : i32
      %parallel_loop3A_145 = arith.muli %parallel_loop3A_62, %parallel_loop3A_144 : i32
      %parallel_loop3A_146 = arith.constant 8 : i32
      %parallel_loop3A_147 = arith.index_cast %parallel_loop3A_146 : i32 to index
      %parallel_loop3A_148 = arith.index_cast %parallel_loop3A_145 : i32 to index
      %parallel_loop3A_149 = tpu.vector_load %arg7[%parallel_loop3A_147, %parallel_loop3A_148] {strides = array<i32>} : memref<16x576xf32, #tpu.memory_space<vmem>>, vector<16xf32>,
      tpu.vector_store %arg7[%parallel_loop3A_147, %parallel_loop3A_148], %parallel_loop3A_143 {strides = array<i32>} : memref<16x576xf32, #tpu.memory_space<vmem>>, vector<16xf32>,
      %parallel_loop3A_150 = arith.constant 9 : i32
      %parallel_loop3A_151 = vector.broadcast %parallel_loop3A_150 : i32 to vector<16xi32>
      %parallel_loop3A_152 = tpu.vector_load_idx %arg5[%parallel_loop3A_151, %parallel_loop3A_68] : memref<16x1024xf32, #tpu.memory_space<vmem>>[vector<16xi32>, vector<16xi32>], vector<16xf32>,
      %parallel_loop3A_153 = arith.constant 16 : i32
      %parallel_loop3A_154 = arith.muli %parallel_loop3A_62, %parallel_loop3A_153 : i32
      %parallel_loop3A_155 = arith.constant 9 : i32
      %parallel_loop3A_156 = arith.index_cast %parallel_loop3A_155 : i32 to index
      %parallel_loop3A_157 = arith.index_cast %parallel_loop3A_154 : i32 to index
      %parallel_loop3A_158 = tpu.vector_load %arg7[%parallel_loop3A_156, %parallel_loop3A_157] {strides = array<i32>} : memref<16x576xf32, #tpu.memory_space<vmem>>, vector<16xf32>,
      tpu.vector_store %arg7[%parallel_loop3A_156, %parallel_loop3A_157], %parallel_loop3A_152 {strides = array<i32>} : memref<16x576xf32, #tpu.memory_space<vmem>>, vector<16xf32>,
      %parallel_loop3A_159 = arith.constant 10 : i32
      %parallel_loop3A_160 = vector.broadcast %parallel_loop3A_159 : i32 to vector<16xi32>
      %parallel_loop3A_161 = tpu.vector_load_idx %arg5[%parallel_loop3A_160, %parallel_loop3A_68] : memref<16x1024xf32, #tpu.memory_space<vmem>>[vector<16xi32>, vector<16xi32>], vector<16xf32>,
      %parallel_loop3A_162 = arith.constant 16 : i32
      %parallel_loop3A_163 = arith.muli %parallel_loop3A_62, %parallel_loop3A_162 : i32
      %parallel_loop3A_164 = arith.constant 10 : i32
      %parallel_loop3A_165 = arith.index_cast %parallel_loop3A_164 : i32 to index
      %parallel_loop3A_166 = arith.index_cast %parallel_loop3A_163 : i32 to index
      %parallel_loop3A_167 = tpu.vector_load %arg7[%parallel_loop3A_165, %parallel_loop3A_166] {strides = array<i32>} : memref<16x576xf32, #tpu.memory_space<vmem>>, vector<16xf32>,
      tpu.vector_store %arg7[%parallel_loop3A_165, %parallel_loop3A_166], %parallel_loop3A_161 {strides = array<i32>} : memref<16x576xf32, #tpu.memory_space<vmem>>, vector<16xf32>,
      %parallel_loop3A_168 = arith.constant 11 : i32
      %parallel_loop3A_169 = vector.broadcast %parallel_loop3A_168 : i32 to vector<16xi32>
      %parallel_loop3A_170 = tpu.vector_load_idx %arg5[%parallel_loop3A_169, %parallel_loop3A_68] : memref<16x1024xf32, #tpu.memory_space<vmem>>[vector<16xi32>, vector<16xi32>], vector<16xf32>,
      %parallel_loop3A_171 = arith.constant 16 : i32
      %parallel_loop3A_172 = arith.muli %parallel_loop3A_62, %parallel_loop3A_171 : i32
      %parallel_loop3A_173 = arith.constant 11 : i32
      %parallel_loop3A_174 = arith.index_cast %parallel_loop3A_173 : i32 to index
      %parallel_loop3A_175 = arith.index_cast %parallel_loop3A_172 : i32 to index
      %parallel_loop3A_176 = tpu.vector_load %arg7[%parallel_loop3A_174, %parallel_loop3A_175] {strides = array<i32>} : memref<16x576xf32, #tpu.memory_space<vmem>>, vector<16xf32>,
      tpu.vector_store %arg7[%parallel_loop3A_174, %parallel_loop3A_175], %parallel_loop3A_170 {strides = array<i32>} : memref<16x576xf32, #tpu.memory_space<vmem>>, vector<16xf32>,
      %parallel_loop3A_177 = arith.constant 12 : i32
      %parallel_loop3A_178 = vector.broadcast %parallel_loop3A_177 : i32 to vector<16xi32>
      %parallel_loop3A_179 = tpu.vector_load_idx %arg5[%parallel_loop3A_178, %parallel_loop3A_68] : memref<16x1024xf32, #tpu.memory_space<vmem>>[vector<16xi32>, vector<16xi32>], vector<16xf32>,
      %parallel_loop3A_180 = arith.constant 16 : i32
      %parallel_loop3A_181 = arith.muli %parallel_loop3A_62, %parallel_loop3A_180 : i32
      %parallel_loop3A_182 = arith.constant 12 : i32
      %parallel_loop3A_183 = arith.index_cast %parallel_loop3A_182 : i32 to index
      %parallel_loop3A_184 = arith.index_cast %parallel_loop3A_181 : i32 to index
      %parallel_loop3A_185 = tpu.vector_load %arg7[%parallel_loop3A_183, %parallel_loop3A_184] {strides = array<i32>} : memref<16x576xf32, #tpu.memory_space<vmem>>, vector<16xf32>,
      tpu.vector_store %arg7[%parallel_loop3A_183, %parallel_loop3A_184], %parallel_loop3A_179 {strides = array<i32>} : memref<16x576xf32, #tpu.memory_space<vmem>>, vector<16xf32>,
      %parallel_loop3A_186 = arith.constant 13 : i32
      %parallel_loop3A_187 = vector.broadcast %parallel_loop3A_186 : i32 to vector<16xi32>
      %parallel_loop3A_188 = tpu.vector_load_idx %arg5[%parallel_loop3A_187, %parallel_loop3A_68] : memref<16x1024xf32, #tpu.memory_space<vmem>>[vector<16xi32>, vector<16xi32>], vector<16xf32>,
      %parallel_loop3A_189 = arith.constant 16 : i32
      %parallel_loop3A_190 = arith.muli %parallel_loop3A_62, %parallel_loop3A_189 : i32
      %parallel_loop3A_191 = arith.constant 13 : i32
      %parallel_loop3A_192 = arith.index_cast %parallel_loop3A_191 : i32 to index
      %parallel_loop3A_193 = arith.index_cast %parallel_loop3A_190 : i32 to index
      %parallel_loop3A_194 = tpu.vector_load %arg7[%parallel_loop3A_192, %parallel_loop3A_193] {strides = array<i32>} : memref<16x576xf32, #tpu.memory_space<vmem>>, vector<16xf32>,
      tpu.vector_store %arg7[%parallel_loop3A_192, %parallel_loop3A_193], %parallel_loop3A_188 {strides = array<i32>} : memref<16x576xf32, #tpu.memory_space<vmem>>, vector<16xf32>,
      %parallel_loop3A_195 = arith.constant 14 : i32
      %parallel_loop3A_196 = vector.broadcast %parallel_loop3A_195 : i32 to vector<16xi32>
      %parallel_loop3A_197 = tpu.vector_load_idx %arg5[%parallel_loop3A_196, %parallel_loop3A_68] : memref<16x1024xf32, #tpu.memory_space<vmem>>[vector<16xi32>, vector<16xi32>], vector<16xf32>,
      %parallel_loop3A_198 = arith.constant 16 : i32
      %parallel_loop3A_199 = arith.muli %parallel_loop3A_62, %parallel_loop3A_198 : i32
      %parallel_loop3A_200 = arith.constant 14 : i32
      %parallel_loop3A_201 = arith.index_cast %parallel_loop3A_200 : i32 to index
      %parallel_loop3A_202 = arith.index_cast %parallel_loop3A_199 : i32 to index
      %parallel_loop3A_203 = tpu.vector_load %arg7[%parallel_loop3A_201, %parallel_loop3A_202] {strides = array<i32>} : memref<16x576xf32, #tpu.memory_space<vmem>>, vector<16xf32>,
      tpu.vector_store %arg7[%parallel_loop3A_201, %parallel_loop3A_202], %parallel_loop3A_197 {strides = array<i32>} : memref<16x576xf32, #tpu.memory_space<vmem>>, vector<16xf32>,
      %parallel_loop3A_204 = arith.constant 15 : i32
      %parallel_loop3A_205 = vector.broadcast %parallel_loop3A_204 : i32 to vector<16xi32>
      %parallel_loop3A_206 = tpu.vector_load_idx %arg5[%parallel_loop3A_205, %parallel_loop3A_68] : memref<16x1024xf32, #tpu.memory_space<vmem>>[vector<16xi32>, vector<16xi32>], vector<16xf32>,
      %parallel_loop3A_207 = arith.constant 16 : i32
      %parallel_loop3A_208 = arith.muli %parallel_loop3A_62, %parallel_loop3A_207 : i32
      %parallel_loop3A_209 = arith.constant 15 : i32
      %parallel_loop3A_210 = arith.index_cast %parallel_loop3A_209 : i32 to index
      %parallel_loop3A_211 = arith.index_cast %parallel_loop3A_208 : i32 to index
      %parallel_loop3A_212 = tpu.vector_load %arg7[%parallel_loop3A_210, %parallel_loop3A_211] {strides = array<i32>} : memref<16x576xf32, #tpu.memory_space<vmem>>, vector<16xf32>,
      tpu.vector_store %arg7[%parallel_loop3A_210, %parallel_loop3A_211], %parallel_loop3A_206 {strides = array<i32>} : memref<16x576xf32, #tpu.memory_space<vmem>>, vector<16xf32>,
    } {sc.loop_unroll_factor = 1 : i64, sc.parallel_access}
    %mul3A_44 = arith.constant 4 : i32
    %mul3A_45 = arith.muli %select_n3A, %mul3A_44 : i32
    %add3A_46 = arith.constant 1 : i32
    %add3A_47 = arith.addi %mul3A_45, %add3A_46 : i32
    "tpu.region"() ({
      %run_scoped3A = tpu.sem_alloc : memref<!tpu.dma_semaphore, #tpu.memory_space<semaphore_mem>>
      %dma_start3A = arith.constant 0 : i32
      %dma_start3A_62 = tpu.memref_slice %arg4[%add3A_47, %mul3A_32, %dma_start3A] : memref<32x64x576xf32, #tpu.memory_space<hbm>> -> memref<1x16x576xf32, #tpu.memory_space<hbm>>
      %dma_start3A_63 = tpu.memref_squeeze %dma_start3A_62 : memref<1x16x576xf32, #tpu.memory_space<hbm>> -> memref<16x576xf32, #tpu.memory_space<hbm>>
      %dma_start3A_64 = arith.constant 0 : i32
      %dma_start3A_65 = tpu.memref_slice %arg4[%add3A_47, %mul3A_32, %dma_start3A_64] : memref<32x64x576xf32, #tpu.memory_space<hbm>> -> memref<1x16x576xf32, #tpu.memory_space<hbm>>
      %dma_start3A_66 = tpu.memref_squeeze %dma_start3A_65 : memref<1x16x576xf32, #tpu.memory_space<hbm>> -> memref<16x576xf32, #tpu.memory_space<hbm>>
      tpu.enqueue_dma source(%arg7 : memref<16x576xf32, #tpu.memory_space<vmem>>) target(%dma_start3A_66 : memref<16x576xf32, #tpu.memory_space<hbm>>) target_semaphore(%run_scoped3A : memref<!tpu.dma_semaphore, #tpu.memory_space<semaphore_mem>>)
      %dma_wait3A = arith.constant 0 : i32
      %dma_wait3A_67 = tpu.memref_slice %arg4[%add3A_47, %mul3A_32, %dma_wait3A] : memref<32x64x576xf32, #tpu.memory_space<hbm>> -> memref<1x16x576xf32, #tpu.memory_space<hbm>>
      %dma_wait3A_68 = tpu.memref_squeeze %dma_wait3A_67 : memref<1x16x576xf32, #tpu.memory_space<hbm>> -> memref<16x576xf32, #tpu.memory_space<hbm>>
      %dma_wait3A_69 = arith.constant 0 : i32
      %dma_wait3A_70 = tpu.memref_slice %arg4[%add3A_47, %mul3A_32, %dma_wait3A_69] : memref<32x64x576xf32, #tpu.memory_space<hbm>> -> memref<1x16x576xf32, #tpu.memory_space<hbm>>
      %dma_wait3A_71 = tpu.memref_squeeze %dma_wait3A_70 : memref<1x16x576xf32, #tpu.memory_space<hbm>> -> memref<16x576xf32, #tpu.memory_space<hbm>>
      tpu.wait_dma2 semaphore(%run_scoped3A : memref<!tpu.dma_semaphore, #tpu.memory_space<semaphore_mem>>) src(%arg7 : memref<16x576xf32, #tpu.memory_space<vmem>>) dst(%dma_wait3A_71 : memref<16x576xf32, #tpu.memory_space<hbm>>)
      tpu.yield
    }) : () -> ()
    %parallel_loop3A_48 = arith.constant 0 : i32
    %parallel_loop3A_49 = arith.constant 36 : i32
    %parallel_loop3A_50 = arith.constant 1 : i32
    scf.for %parallel_loop3A_62 = %parallel_loop3A_48 to %parallel_loop3A_49 step %parallel_loop3A_50  : i32 {
      %parallel_loop3A_63 = arith.constant 16 : i32
      %parallel_loop3A_64 = arith.muli %parallel_loop3A_62, %parallel_loop3A_63 : i32
      %parallel_loop3A_65 = arith.constant 1152 : i32
      %parallel_loop3A_66 = arith.addi %parallel_loop3A_65, %parallel_loop3A_64 : i32
      %parallel_loop3A_67 = arith.index_cast %parallel_loop3A_66 : i32 to index
      %parallel_loop3A_68 = tpu.vector_load %arg6[%parallel_loop3A_67] {strides = array<i32>} : memref<2304xi32, #tpu.memory_space<vmem>>, vector<16xi32>,
      %parallel_loop3A_69 = arith.constant 0 : i32
      %parallel_loop3A_70 = vector.broadcast %parallel_loop3A_69 : i32 to vector<16xi32>
      %parallel_loop3A_71 = tpu.vector_load_idx %arg5[%parallel_loop3A_70, %parallel_loop3A_68] : memref<16x1024xf32, #tpu.memory_space<vmem>>[vector<16xi32>, vector<16xi32>], vector<16xf32>,
      %parallel_loop3A_72 = arith.constant 16 : i32
      %parallel_loop3A_73 = arith.muli %parallel_loop3A_62, %parallel_loop3A_72 : i32
      %parallel_loop3A_74 = arith.constant 0 : i32
      %parallel_loop3A_75 = arith.index_cast %parallel_loop3A_74 : i32 to index
      %parallel_loop3A_76 = arith.index_cast %parallel_loop3A_73 : i32 to index
      %parallel_loop3A_77 = tpu.vector_load %arg7[%parallel_loop3A_75, %parallel_loop3A_76] {strides = array<i32>} : memref<16x576xf32, #tpu.memory_space<vmem>>, vector<16xf32>,
      tpu.vector_store %arg7[%parallel_loop3A_75, %parallel_loop3A_76], %parallel_loop3A_71 {strides = array<i32>} : memref<16x576xf32, #tpu.memory_space<vmem>>, vector<16xf32>,
      %parallel_loop3A_78 = arith.constant 1 : i32
      %parallel_loop3A_79 = vector.broadcast %parallel_loop3A_78 : i32 to vector<16xi32>
      %parallel_loop3A_80 = tpu.vector_load_idx %arg5[%parallel_loop3A_79, %parallel_loop3A_68] : memref<16x1024xf32, #tpu.memory_space<vmem>>[vector<16xi32>, vector<16xi32>], vector<16xf32>,
      %parallel_loop3A_81 = arith.constant 16 : i32
      %parallel_loop3A_82 = arith.muli %parallel_loop3A_62, %parallel_loop3A_81 : i32
      %parallel_loop3A_83 = arith.constant 1 : i32
      %parallel_loop3A_84 = arith.index_cast %parallel_loop3A_83 : i32 to index
      %parallel_loop3A_85 = arith.index_cast %parallel_loop3A_82 : i32 to index
      %parallel_loop3A_86 = tpu.vector_load %arg7[%parallel_loop3A_84, %parallel_loop3A_85] {strides = array<i32>} : memref<16x576xf32, #tpu.memory_space<vmem>>, vector<16xf32>,
      tpu.vector_store %arg7[%parallel_loop3A_84, %parallel_loop3A_85], %parallel_loop3A_80 {strides = array<i32>} : memref<16x576xf32, #tpu.memory_space<vmem>>, vector<16xf32>,
      %parallel_loop3A_87 = arith.constant 2 : i32
      %parallel_loop3A_88 = vector.broadcast %parallel_loop3A_87 : i32 to vector<16xi32>
      %parallel_loop3A_89 = tpu.vector_load_idx %arg5[%parallel_loop3A_88, %parallel_loop3A_68] : memref<16x1024xf32, #tpu.memory_space<vmem>>[vector<16xi32>, vector<16xi32>], vector<16xf32>,
      %parallel_loop3A_90 = arith.constant 16 : i32
      %parallel_loop3A_91 = arith.muli %parallel_loop3A_62, %parallel_loop3A_90 : i32
      %parallel_loop3A_92 = arith.constant 2 : i32
      %parallel_loop3A_93 = arith.index_cast %parallel_loop3A_92 : i32 to index
      %parallel_loop3A_94 = arith.index_cast %parallel_loop3A_91 : i32 to index
      %parallel_loop3A_95 = tpu.vector_load %arg7[%parallel_loop3A_93, %parallel_loop3A_94] {strides = array<i32>} : memref<16x576xf32, #tpu.memory_space<vmem>>, vector<16xf32>,
      tpu.vector_store %arg7[%parallel_loop3A_93, %parallel_loop3A_94], %parallel_loop3A_89 {strides = array<i32>} : memref<16x576xf32, #tpu.memory_space<vmem>>, vector<16xf32>,
      %parallel_loop3A_96 = arith.constant 3 : i32
      %parallel_loop3A_97 = vector.broadcast %parallel_loop3A_96 : i32 to vector<16xi32>
      %parallel_loop3A_98 = tpu.vector_load_idx %arg5[%parallel_loop3A_97, %parallel_loop3A_68] : memref<16x1024xf32, #tpu.memory_space<vmem>>[vector<16xi32>, vector<16xi32>], vector<16xf32>,
      %parallel_loop3A_99 = arith.constant 16 : i32
      %parallel_loop3A_100 = arith.muli %parallel_loop3A_62, %parallel_loop3A_99 : i32
      %parallel_loop3A_101 = arith.constant 3 : i32
      %parallel_loop3A_102 = arith.index_cast %parallel_loop3A_101 : i32 to index
      %parallel_loop3A_103 = arith.index_cast %parallel_loop3A_100 : i32 to index
      %parallel_loop3A_104 = tpu.vector_load %arg7[%parallel_loop3A_102, %parallel_loop3A_103] {strides = array<i32>} : memref<16x576xf32, #tpu.memory_space<vmem>>, vector<16xf32>,
      tpu.vector_store %arg7[%parallel_loop3A_102, %parallel_loop3A_103], %parallel_loop3A_98 {strides = array<i32>} : memref<16x576xf32, #tpu.memory_space<vmem>>, vector<16xf32>,
      %parallel_loop3A_105 = arith.constant 4 : i32
      %parallel_loop3A_106 = vector.broadcast %parallel_loop3A_105 : i32 to vector<16xi32>
      %parallel_loop3A_107 = tpu.vector_load_idx %arg5[%parallel_loop3A_106, %parallel_loop3A_68] : memref<16x1024xf32, #tpu.memory_space<vmem>>[vector<16xi32>, vector<16xi32>], vector<16xf32>,
      %parallel_loop3A_108 = arith.constant 16 : i32
      %parallel_loop3A_109 = arith.muli %parallel_loop3A_62, %parallel_loop3A_108 : i32
      %parallel_loop3A_110 = arith.constant 4 : i32
      %parallel_loop3A_111 = arith.index_cast %parallel_loop3A_110 : i32 to index
      %parallel_loop3A_112 = arith.index_cast %parallel_loop3A_109 : i32 to index
      %parallel_loop3A_113 = tpu.vector_load %arg7[%parallel_loop3A_111, %parallel_loop3A_112] {strides = array<i32>} : memref<16x576xf32, #tpu.memory_space<vmem>>, vector<16xf32>,
      tpu.vector_store %arg7[%parallel_loop3A_111, %parallel_loop3A_112], %parallel_loop3A_107 {strides = array<i32>} : memref<16x576xf32, #tpu.memory_space<vmem>>, vector<16xf32>,
      %parallel_loop3A_114 = arith.constant 5 : i32
      %parallel_loop3A_115 = vector.broadcast %parallel_loop3A_114 : i32 to vector<16xi32>
      %parallel_loop3A_116 = tpu.vector_load_idx %arg5[%parallel_loop3A_115, %parallel_loop3A_68] : memref<16x1024xf32, #tpu.memory_space<vmem>>[vector<16xi32>, vector<16xi32>], vector<16xf32>,
      %parallel_loop3A_117 = arith.constant 16 : i32
      %parallel_loop3A_118 = arith.muli %parallel_loop3A_62, %parallel_loop3A_117 : i32
      %parallel_loop3A_119 = arith.constant 5 : i32
      %parallel_loop3A_120 = arith.index_cast %parallel_loop3A_119 : i32 to index
      %parallel_loop3A_121 = arith.index_cast %parallel_loop3A_118 : i32 to index
      %parallel_loop3A_122 = tpu.vector_load %arg7[%parallel_loop3A_120, %parallel_loop3A_121] {strides = array<i32>} : memref<16x576xf32, #tpu.memory_space<vmem>>, vector<16xf32>,
      tpu.vector_store %arg7[%parallel_loop3A_120, %parallel_loop3A_121], %parallel_loop3A_116 {strides = array<i32>} : memref<16x576xf32, #tpu.memory_space<vmem>>, vector<16xf32>,
      %parallel_loop3A_123 = arith.constant 6 : i32
      %parallel_loop3A_124 = vector.broadcast %parallel_loop3A_123 : i32 to vector<16xi32>
      %parallel_loop3A_125 = tpu.vector_load_idx %arg5[%parallel_loop3A_124, %parallel_loop3A_68] : memref<16x1024xf32, #tpu.memory_space<vmem>>[vector<16xi32>, vector<16xi32>], vector<16xf32>,
      %parallel_loop3A_126 = arith.constant 16 : i32
      %parallel_loop3A_127 = arith.muli %parallel_loop3A_62, %parallel_loop3A_126 : i32
      %parallel_loop3A_128 = arith.constant 6 : i32
      %parallel_loop3A_129 = arith.index_cast %parallel_loop3A_128 : i32 to index
      %parallel_loop3A_130 = arith.index_cast %parallel_loop3A_127 : i32 to index
      %parallel_loop3A_131 = tpu.vector_load %arg7[%parallel_loop3A_129, %parallel_loop3A_130] {strides = array<i32>} : memref<16x576xf32, #tpu.memory_space<vmem>>, vector<16xf32>,
      tpu.vector_store %arg7[%parallel_loop3A_129, %parallel_loop3A_130], %parallel_loop3A_125 {strides = array<i32>} : memref<16x576xf32, #tpu.memory_space<vmem>>, vector<16xf32>,
      %parallel_loop3A_132 = arith.constant 7 : i32
      %parallel_loop3A_133 = vector.broadcast %parallel_loop3A_132 : i32 to vector<16xi32>
      %parallel_loop3A_134 = tpu.vector_load_idx %arg5[%parallel_loop3A_133, %parallel_loop3A_68] : memref<16x1024xf32, #tpu.memory_space<vmem>>[vector<16xi32>, vector<16xi32>], vector<16xf32>,
      %parallel_loop3A_135 = arith.constant 16 : i32
      %parallel_loop3A_136 = arith.muli %parallel_loop3A_62, %parallel_loop3A_135 : i32
      %parallel_loop3A_137 = arith.constant 7 : i32
      %parallel_loop3A_138 = arith.index_cast %parallel_loop3A_137 : i32 to index
      %parallel_loop3A_139 = arith.index_cast %parallel_loop3A_136 : i32 to index
      %parallel_loop3A_140 = tpu.vector_load %arg7[%parallel_loop3A_138, %parallel_loop3A_139] {strides = array<i32>} : memref<16x576xf32, #tpu.memory_space<vmem>>, vector<16xf32>,
      tpu.vector_store %arg7[%parallel_loop3A_138, %parallel_loop3A_139], %parallel_loop3A_134 {strides = array<i32>} : memref<16x576xf32, #tpu.memory_space<vmem>>, vector<16xf32>,
      %parallel_loop3A_141 = arith.constant 8 : i32
      %parallel_loop3A_142 = vector.broadcast %parallel_loop3A_141 : i32 to vector<16xi32>
      %parallel_loop3A_143 = tpu.vector_load_idx %arg5[%parallel_loop3A_142, %parallel_loop3A_68] : memref<16x1024xf32, #tpu.memory_space<vmem>>[vector<16xi32>, vector<16xi32>], vector<16xf32>,
      %parallel_loop3A_144 = arith.constant 16 : i32
      %parallel_loop3A_145 = arith.muli %parallel_loop3A_62, %parallel_loop3A_144 : i32
      %parallel_loop3A_146 = arith.constant 8 : i32
      %parallel_loop3A_147 = arith.index_cast %parallel_loop3A_146 : i32 to index
      %parallel_loop3A_148 = arith.index_cast %parallel_loop3A_145 : i32 to index
      %parallel_loop3A_149 = tpu.vector_load %arg7[%parallel_loop3A_147, %parallel_loop3A_148] {strides = array<i32>} : memref<16x576xf32, #tpu.memory_space<vmem>>, vector<16xf32>,
      tpu.vector_store %arg7[%parallel_loop3A_147, %parallel_loop3A_148], %parallel_loop3A_143 {strides = array<i32>} : memref<16x576xf32, #tpu.memory_space<vmem>>, vector<16xf32>,
      %parallel_loop3A_150 = arith.constant 9 : i32
      %parallel_loop3A_151 = vector.broadcast %parallel_loop3A_150 : i32 to vector<16xi32>
      %parallel_loop3A_152 = tpu.vector_load_idx %arg5[%parallel_loop3A_151, %parallel_loop3A_68] : memref<16x1024xf32, #tpu.memory_space<vmem>>[vector<16xi32>, vector<16xi32>], vector<16xf32>,
      %parallel_loop3A_153 = arith.constant 16 : i32
      %parallel_loop3A_154 = arith.muli %parallel_loop3A_62, %parallel_loop3A_153 : i32
      %parallel_loop3A_155 = arith.constant 9 : i32
      %parallel_loop3A_156 = arith.index_cast %parallel_loop3A_155 : i32 to index
      %parallel_loop3A_157 = arith.index_cast %parallel_loop3A_154 : i32 to index
      %parallel_loop3A_158 = tpu.vector_load %arg7[%parallel_loop3A_156, %parallel_loop3A_157] {strides = array<i32>} : memref<16x576xf32, #tpu.memory_space<vmem>>, vector<16xf32>,
      tpu.vector_store %arg7[%parallel_loop3A_156, %parallel_loop3A_157], %parallel_loop3A_152 {strides = array<i32>} : memref<16x576xf32, #tpu.memory_space<vmem>>, vector<16xf32>,
      %parallel_loop3A_159 = arith.constant 10 : i32
      %parallel_loop3A_160 = vector.broadcast %parallel_loop3A_159 : i32 to vector<16xi32>
      %parallel_loop3A_161 = tpu.vector_load_idx %arg5[%parallel_loop3A_160, %parallel_loop3A_68] : memref<16x1024xf32, #tpu.memory_space<vmem>>[vector<16xi32>, vector<16xi32>], vector<16xf32>,
      %parallel_loop3A_162 = arith.constant 16 : i32
      %parallel_loop3A_163 = arith.muli %parallel_loop3A_62, %parallel_loop3A_162 : i32
      %parallel_loop3A_164 = arith.constant 10 : i32
      %parallel_loop3A_165 = arith.index_cast %parallel_loop3A_164 : i32 to index
      %parallel_loop3A_166 = arith.index_cast %parallel_loop3A_163 : i32 to index
      %parallel_loop3A_167 = tpu.vector_load %arg7[%parallel_loop3A_165, %parallel_loop3A_166] {strides = array<i32>} : memref<16x576xf32, #tpu.memory_space<vmem>>, vector<16xf32>,
      tpu.vector_store %arg7[%parallel_loop3A_165, %parallel_loop3A_166], %parallel_loop3A_161 {strides = array<i32>} : memref<16x576xf32, #tpu.memory_space<vmem>>, vector<16xf32>,
      %parallel_loop3A_168 = arith.constant 11 : i32
      %parallel_loop3A_169 = vector.broadcast %parallel_loop3A_168 : i32 to vector<16xi32>
      %parallel_loop3A_170 = tpu.vector_load_idx %arg5[%parallel_loop3A_169, %parallel_loop3A_68] : memref<16x1024xf32, #tpu.memory_space<vmem>>[vector<16xi32>, vector<16xi32>], vector<16xf32>,
      %parallel_loop3A_171 = arith.constant 16 : i32
      %parallel_loop3A_172 = arith.muli %parallel_loop3A_62, %parallel_loop3A_171 : i32
      %parallel_loop3A_173 = arith.constant 11 : i32
      %parallel_loop3A_174 = arith.index_cast %parallel_loop3A_173 : i32 to index
      %parallel_loop3A_175 = arith.index_cast %parallel_loop3A_172 : i32 to index
      %parallel_loop3A_176 = tpu.vector_load %arg7[%parallel_loop3A_174, %parallel_loop3A_175] {strides = array<i32>} : memref<16x576xf32, #tpu.memory_space<vmem>>, vector<16xf32>,
      tpu.vector_store %arg7[%parallel_loop3A_174, %parallel_loop3A_175], %parallel_loop3A_170 {strides = array<i32>} : memref<16x576xf32, #tpu.memory_space<vmem>>, vector<16xf32>,
      %parallel_loop3A_177 = arith.constant 12 : i32
      %parallel_loop3A_178 = vector.broadcast %parallel_loop3A_177 : i32 to vector<16xi32>
      %parallel_loop3A_179 = tpu.vector_load_idx %arg5[%parallel_loop3A_178, %parallel_loop3A_68] : memref<16x1024xf32, #tpu.memory_space<vmem>>[vector<16xi32>, vector<16xi32>], vector<16xf32>,
      %parallel_loop3A_180 = arith.constant 16 : i32
      %parallel_loop3A_181 = arith.muli %parallel_loop3A_62, %parallel_loop3A_180 : i32
      %parallel_loop3A_182 = arith.constant 12 : i32
      %parallel_loop3A_183 = arith.index_cast %parallel_loop3A_182 : i32 to index
      %parallel_loop3A_184 = arith.index_cast %parallel_loop3A_181 : i32 to index
      %parallel_loop3A_185 = tpu.vector_load %arg7[%parallel_loop3A_183, %parallel_loop3A_184] {strides = array<i32>} : memref<16x576xf32, #tpu.memory_space<vmem>>, vector<16xf32>,
      tpu.vector_store %arg7[%parallel_loop3A_183, %parallel_loop3A_184], %parallel_loop3A_179 {strides = array<i32>} : memref<16x576xf32, #tpu.memory_space<vmem>>, vector<16xf32>,
      %parallel_loop3A_186 = arith.constant 13 : i32
      %parallel_loop3A_187 = vector.broadcast %parallel_loop3A_186 : i32 to vector<16xi32>
      %parallel_loop3A_188 = tpu.vector_load_idx %arg5[%parallel_loop3A_187, %parallel_loop3A_68] : memref<16x1024xf32, #tpu.memory_space<vmem>>[vector<16xi32>, vector<16xi32>], vector<16xf32>,
      %parallel_loop3A_189 = arith.constant 16 : i32
      %parallel_loop3A_190 = arith.muli %parallel_loop3A_62, %parallel_loop3A_189 : i32
      %parallel_loop3A_191 = arith.constant 13 : i32
      %parallel_loop3A_192 = arith.index_cast %parallel_loop3A_191 : i32 to index
      %parallel_loop3A_193 = arith.index_cast %parallel_loop3A_190 : i32 to index
      %parallel_loop3A_194 = tpu.vector_load %arg7[%parallel_loop3A_192, %parallel_loop3A_193] {strides = array<i32>} : memref<16x576xf32, #tpu.memory_space<vmem>>, vector<16xf32>,
      tpu.vector_store %arg7[%parallel_loop3A_192, %parallel_loop3A_193], %parallel_loop3A_188 {strides = array<i32>} : memref<16x576xf32, #tpu.memory_space<vmem>>, vector<16xf32>,
      %parallel_loop3A_195 = arith.constant 14 : i32
      %parallel_loop3A_196 = vector.broadcast %parallel_loop3A_195 : i32 to vector<16xi32>
      %parallel_loop3A_197 = tpu.vector_load_idx %arg5[%parallel_loop3A_196, %parallel_loop3A_68] : memref<16x1024xf32, #tpu.memory_space<vmem>>[vector<16xi32>, vector<16xi32>], vector<16xf32>,
      %parallel_loop3A_198 = arith.constant 16 : i32
      %parallel_loop3A_199 = arith.muli %parallel_loop3A_62, %parallel_loop3A_198 : i32
      %parallel_loop3A_200 = arith.constant 14 : i32
      %parallel_loop3A_201 = arith.index_cast %parallel_loop3A_200 : i32 to index
      %parallel_loop3A_202 = arith.index_cast %parallel_loop3A_199 : i32 to index
      %parallel_loop3A_203 = tpu.vector_load %arg7[%parallel_loop3A_201, %parallel_loop3A_202] {strides = array<i32>} : memref<16x576xf32, #tpu.memory_space<vmem>>, vector<16xf32>,
      tpu.vector_store %arg7[%parallel_loop3A_201, %parallel_loop3A_202], %parallel_loop3A_197 {strides = array<i32>} : memref<16x576xf32, #tpu.memory_space<vmem>>, vector<16xf32>,
      %parallel_loop3A_204 = arith.constant 15 : i32
      %parallel_loop3A_205 = vector.broadcast %parallel_loop3A_204 : i32 to vector<16xi32>
      %parallel_loop3A_206 = tpu.vector_load_idx %arg5[%parallel_loop3A_205, %parallel_loop3A_68] : memref<16x1024xf32, #tpu.memory_space<vmem>>[vector<16xi32>, vector<16xi32>], vector<16xf32>,
      %parallel_loop3A_207 = arith.constant 16 : i32
      %parallel_loop3A_208 = arith.muli %parallel_loop3A_62, %parallel_loop3A_207 : i32
      %parallel_loop3A_209 = arith.constant 15 : i32
      %parallel_loop3A_210 = arith.index_cast %parallel_loop3A_209 : i32 to index
      %parallel_loop3A_211 = arith.index_cast %parallel_loop3A_208 : i32 to index
      %parallel_loop3A_212 = tpu.vector_load %arg7[%parallel_loop3A_210, %parallel_loop3A_211] {strides = array<i32>} : memref<16x576xf32, #tpu.memory_space<vmem>>, vector<16xf32>,
      tpu.vector_store %arg7[%parallel_loop3A_210, %parallel_loop3A_211], %parallel_loop3A_206 {strides = array<i32>} : memref<16x576xf32, #tpu.memory_space<vmem>>, vector<16xf32>,
    } {sc.loop_unroll_factor = 1 : i64, sc.parallel_access}
    %mul3A_51 = arith.constant 4 : i32
    %mul3A_52 = arith.muli %select_n3A, %mul3A_51 : i32
    %add3A_53 = arith.constant 2 : i32
    %add3A_54 = arith.addi %mul3A_52, %add3A_53 : i32
    "tpu.region"() ({
      %run_scoped3A = tpu.sem_alloc : memref<!tpu.dma_semaphore, #tpu.memory_space<semaphore_mem>>
      %dma_start3A = arith.constant 0 : i32
      %dma_start3A_62 = tpu.memref_slice %arg4[%add3A_54, %mul3A_32, %dma_start3A] : memref<32x64x576xf32, #tpu.memory_space<hbm>> -> memref<1x16x576xf32, #tpu.memory_space<hbm>>
      %dma_start3A_63 = tpu.memref_squeeze %dma_start3A_62 : memref<1x16x576xf32, #tpu.memory_space<hbm>> -> memref<16x576xf32, #tpu.memory_space<hbm>>
      %dma_start3A_64 = arith.constant 0 : i32
      %dma_start3A_65 = tpu.memref_slice %arg4[%add3A_54, %mul3A_32, %dma_start3A_64] : memref<32x64x576xf32, #tpu.memory_space<hbm>> -> memref<1x16x576xf32, #tpu.memory_space<hbm>>
      %dma_start3A_66 = tpu.memref_squeeze %dma_start3A_65 : memref<1x16x576xf32, #tpu.memory_space<hbm>> -> memref<16x576xf32, #tpu.memory_space<hbm>>
      tpu.enqueue_dma source(%arg7 : memref<16x576xf32, #tpu.memory_space<vmem>>) target(%dma_start3A_66 : memref<16x576xf32, #tpu.memory_space<hbm>>) target_semaphore(%run_scoped3A : memref<!tpu.dma_semaphore, #tpu.memory_space<semaphore_mem>>)
      %dma_wait3A = arith.constant 0 : i32
      %dma_wait3A_67 = tpu.memref_slice %arg4[%add3A_54, %mul3A_32, %dma_wait3A] : memref<32x64x576xf32, #tpu.memory_space<hbm>> -> memref<1x16x576xf32, #tpu.memory_space<hbm>>
      %dma_wait3A_68 = tpu.memref_squeeze %dma_wait3A_67 : memref<1x16x576xf32, #tpu.memory_space<hbm>> -> memref<16x576xf32, #tpu.memory_space<hbm>>
      %dma_wait3A_69 = arith.constant 0 : i32
      %dma_wait3A_70 = tpu.memref_slice %arg4[%add3A_54, %mul3A_32, %dma_wait3A_69] : memref<32x64x576xf32, #tpu.memory_space<hbm>> -> memref<1x16x576xf32, #tpu.memory_space<hbm>>
      %dma_wait3A_71 = tpu.memref_squeeze %dma_wait3A_70 : memref<1x16x576xf32, #tpu.memory_space<hbm>> -> memref<16x576xf32, #tpu.memory_space<hbm>>
      tpu.wait_dma2 semaphore(%run_scoped3A : memref<!tpu.dma_semaphore, #tpu.memory_space<semaphore_mem>>) src(%arg7 : memref<16x576xf32, #tpu.memory_space<vmem>>) dst(%dma_wait3A_71 : memref<16x576xf32, #tpu.memory_space<hbm>>)
      tpu.yield
    }) : () -> ()
    %parallel_loop3A_55 = arith.constant 0 : i32
    %parallel_loop3A_56 = arith.constant 36 : i32
    %parallel_loop3A_57 = arith.constant 1 : i32
    scf.for %parallel_loop3A_62 = %parallel_loop3A_55 to %parallel_loop3A_56 step %parallel_loop3A_57  : i32 {
      %parallel_loop3A_63 = arith.constant 16 : i32
      %parallel_loop3A_64 = arith.muli %parallel_loop3A_62, %parallel_loop3A_63 : i32
      %parallel_loop3A_65 = arith.constant 1728 : i32
      %parallel_loop3A_66 = arith.addi %parallel_loop3A_65, %parallel_loop3A_64 : i32
      %parallel_loop3A_67 = arith.index_cast %parallel_loop3A_66 : i32 to index
      %parallel_loop3A_68 = tpu.vector_load %arg6[%parallel_loop3A_67] {strides = array<i32>} : memref<2304xi32, #tpu.memory_space<vmem>>, vector<16xi32>,
      %parallel_loop3A_69 = arith.constant 0 : i32
      %parallel_loop3A_70 = vector.broadcast %parallel_loop3A_69 : i32 to vector<16xi32>
      %parallel_loop3A_71 = tpu.vector_load_idx %arg5[%parallel_loop3A_70, %parallel_loop3A_68] : memref<16x1024xf32, #tpu.memory_space<vmem>>[vector<16xi32>, vector<16xi32>], vector<16xf32>,
      %parallel_loop3A_72 = arith.constant 16 : i32
      %parallel_loop3A_73 = arith.muli %parallel_loop3A_62, %parallel_loop3A_72 : i32
      %parallel_loop3A_74 = arith.constant 0 : i32
      %parallel_loop3A_75 = arith.index_cast %parallel_loop3A_74 : i32 to index
      %parallel_loop3A_76 = arith.index_cast %parallel_loop3A_73 : i32 to index
      %parallel_loop3A_77 = tpu.vector_load %arg7[%parallel_loop3A_75, %parallel_loop3A_76] {strides = array<i32>} : memref<16x576xf32, #tpu.memory_space<vmem>>, vector<16xf32>,
      tpu.vector_store %arg7[%parallel_loop3A_75, %parallel_loop3A_76], %parallel_loop3A_71 {strides = array<i32>} : memref<16x576xf32, #tpu.memory_space<vmem>>, vector<16xf32>,
      %parallel_loop3A_78 = arith.constant 1 : i32
      %parallel_loop3A_79 = vector.broadcast %parallel_loop3A_78 : i32 to vector<16xi32>
      %parallel_loop3A_80 = tpu.vector_load_idx %arg5[%parallel_loop3A_79, %parallel_loop3A_68] : memref<16x1024xf32, #tpu.memory_space<vmem>>[vector<16xi32>, vector<16xi32>], vector<16xf32>,
      %parallel_loop3A_81 = arith.constant 16 : i32
      %parallel_loop3A_82 = arith.muli %parallel_loop3A_62, %parallel_loop3A_81 : i32
      %parallel_loop3A_83 = arith.constant 1 : i32
      %parallel_loop3A_84 = arith.index_cast %parallel_loop3A_83 : i32 to index
      %parallel_loop3A_85 = arith.index_cast %parallel_loop3A_82 : i32 to index
      %parallel_loop3A_86 = tpu.vector_load %arg7[%parallel_loop3A_84, %parallel_loop3A_85] {strides = array<i32>} : memref<16x576xf32, #tpu.memory_space<vmem>>, vector<16xf32>,
      tpu.vector_store %arg7[%parallel_loop3A_84, %parallel_loop3A_85], %parallel_loop3A_80 {strides = array<i32>} : memref<16x576xf32, #tpu.memory_space<vmem>>, vector<16xf32>,
      %parallel_loop3A_87 = arith.constant 2 : i32
      %parallel_loop3A_88 = vector.broadcast %parallel_loop3A_87 : i32 to vector<16xi32>
      %parallel_loop3A_89 = tpu.vector_load_idx %arg5[%parallel_loop3A_88, %parallel_loop3A_68] : memref<16x1024xf32, #tpu.memory_space<vmem>>[vector<16xi32>, vector<16xi32>], vector<16xf32>,
      %parallel_loop3A_90 = arith.constant 16 : i32
      %parallel_loop3A_91 = arith.muli %parallel_loop3A_62, %parallel_loop3A_90 : i32
      %parallel_loop3A_92 = arith.constant 2 : i32
      %parallel_loop3A_93 = arith.index_cast %parallel_loop3A_92 : i32 to index
      %parallel_loop3A_94 = arith.index_cast %parallel_loop3A_91 : i32 to index
      %parallel_loop3A_95 = tpu.vector_load %arg7[%parallel_loop3A_93, %parallel_loop3A_94] {strides = array<i32>} : memref<16x576xf32, #tpu.memory_space<vmem>>, vector<16xf32>,
      tpu.vector_store %arg7[%parallel_loop3A_93, %parallel_loop3A_94], %parallel_loop3A_89 {strides = array<i32>} : memref<16x576xf32, #tpu.memory_space<vmem>>, vector<16xf32>,
      %parallel_loop3A_96 = arith.constant 3 : i32
      %parallel_loop3A_97 = vector.broadcast %parallel_loop3A_96 : i32 to vector<16xi32>
      %parallel_loop3A_98 = tpu.vector_load_idx %arg5[%parallel_loop3A_97, %parallel_loop3A_68] : memref<16x1024xf32, #tpu.memory_space<vmem>>[vector<16xi32>, vector<16xi32>], vector<16xf32>,
      %parallel_loop3A_99 = arith.constant 16 : i32
      %parallel_loop3A_100 = arith.muli %parallel_loop3A_62, %parallel_loop3A_99 : i32
      %parallel_loop3A_101 = arith.constant 3 : i32
      %parallel_loop3A_102 = arith.index_cast %parallel_loop3A_101 : i32 to index
      %parallel_loop3A_103 = arith.index_cast %parallel_loop3A_100 : i32 to index
      %parallel_loop3A_104 = tpu.vector_load %arg7[%parallel_loop3A_102, %parallel_loop3A_103] {strides = array<i32>} : memref<16x576xf32, #tpu.memory_space<vmem>>, vector<16xf32>,
      tpu.vector_store %arg7[%parallel_loop3A_102, %parallel_loop3A_103], %parallel_loop3A_98 {strides = array<i32>} : memref<16x576xf32, #tpu.memory_space<vmem>>, vector<16xf32>,
      %parallel_loop3A_105 = arith.constant 4 : i32
      %parallel_loop3A_106 = vector.broadcast %parallel_loop3A_105 : i32 to vector<16xi32>
      %parallel_loop3A_107 = tpu.vector_load_idx %arg5[%parallel_loop3A_106, %parallel_loop3A_68] : memref<16x1024xf32, #tpu.memory_space<vmem>>[vector<16xi32>, vector<16xi32>], vector<16xf32>,
      %parallel_loop3A_108 = arith.constant 16 : i32
      %parallel_loop3A_109 = arith.muli %parallel_loop3A_62, %parallel_loop3A_108 : i32
      %parallel_loop3A_110 = arith.constant 4 : i32
      %parallel_loop3A_111 = arith.index_cast %parallel_loop3A_110 : i32 to index
      %parallel_loop3A_112 = arith.index_cast %parallel_loop3A_109 : i32 to index
      %parallel_loop3A_113 = tpu.vector_load %arg7[%parallel_loop3A_111, %parallel_loop3A_112] {strides = array<i32>} : memref<16x576xf32, #tpu.memory_space<vmem>>, vector<16xf32>,
      tpu.vector_store %arg7[%parallel_loop3A_111, %parallel_loop3A_112], %parallel_loop3A_107 {strides = array<i32>} : memref<16x576xf32, #tpu.memory_space<vmem>>, vector<16xf32>,
      %parallel_loop3A_114 = arith.constant 5 : i32
      %parallel_loop3A_115 = vector.broadcast %parallel_loop3A_114 : i32 to vector<16xi32>
      %parallel_loop3A_116 = tpu.vector_load_idx %arg5[%parallel_loop3A_115, %parallel_loop3A_68] : memref<16x1024xf32, #tpu.memory_space<vmem>>[vector<16xi32>, vector<16xi32>], vector<16xf32>,
      %parallel_loop3A_117 = arith.constant 16 : i32
      %parallel_loop3A_118 = arith.muli %parallel_loop3A_62, %parallel_loop3A_117 : i32
      %parallel_loop3A_119 = arith.constant 5 : i32
      %parallel_loop3A_120 = arith.index_cast %parallel_loop3A_119 : i32 to index
      %parallel_loop3A_121 = arith.index_cast %parallel_loop3A_118 : i32 to index
      %parallel_loop3A_122 = tpu.vector_load %arg7[%parallel_loop3A_120, %parallel_loop3A_121] {strides = array<i32>} : memref<16x576xf32, #tpu.memory_space<vmem>>, vector<16xf32>,
      tpu.vector_store %arg7[%parallel_loop3A_120, %parallel_loop3A_121], %parallel_loop3A_116 {strides = array<i32>} : memref<16x576xf32, #tpu.memory_space<vmem>>, vector<16xf32>,
      %parallel_loop3A_123 = arith.constant 6 : i32
      %parallel_loop3A_124 = vector.broadcast %parallel_loop3A_123 : i32 to vector<16xi32>
      %parallel_loop3A_125 = tpu.vector_load_idx %arg5[%parallel_loop3A_124, %parallel_loop3A_68] : memref<16x1024xf32, #tpu.memory_space<vmem>>[vector<16xi32>, vector<16xi32>], vector<16xf32>,
      %parallel_loop3A_126 = arith.constant 16 : i32
      %parallel_loop3A_127 = arith.muli %parallel_loop3A_62, %parallel_loop3A_126 : i32
      %parallel_loop3A_128 = arith.constant 6 : i32
      %parallel_loop3A_129 = arith.index_cast %parallel_loop3A_128 : i32 to index
      %parallel_loop3A_130 = arith.index_cast %parallel_loop3A_127 : i32 to index
      %parallel_loop3A_131 = tpu.vector_load %arg7[%parallel_loop3A_129, %parallel_loop3A_130] {strides = array<i32>} : memref<16x576xf32, #tpu.memory_space<vmem>>, vector<16xf32>,
      tpu.vector_store %arg7[%parallel_loop3A_129, %parallel_loop3A_130], %parallel_loop3A_125 {strides = array<i32>} : memref<16x576xf32, #tpu.memory_space<vmem>>, vector<16xf32>,
      %parallel_loop3A_132 = arith.constant 7 : i32
      %parallel_loop3A_133 = vector.broadcast %parallel_loop3A_132 : i32 to vector<16xi32>
      %parallel_loop3A_134 = tpu.vector_load_idx %arg5[%parallel_loop3A_133, %parallel_loop3A_68] : memref<16x1024xf32, #tpu.memory_space<vmem>>[vector<16xi32>, vector<16xi32>], vector<16xf32>,
      %parallel_loop3A_135 = arith.constant 16 : i32
      %parallel_loop3A_136 = arith.muli %parallel_loop3A_62, %parallel_loop3A_135 : i32
      %parallel_loop3A_137 = arith.constant 7 : i32
      %parallel_loop3A_138 = arith.index_cast %parallel_loop3A_137 : i32 to index
      %parallel_loop3A_139 = arith.index_cast %parallel_loop3A_136 : i32 to index
      %parallel_loop3A_140 = tpu.vector_load %arg7[%parallel_loop3A_138, %parallel_loop3A_139] {strides = array<i32>} : memref<16x576xf32, #tpu.memory_space<vmem>>, vector<16xf32>,
      tpu.vector_store %arg7[%parallel_loop3A_138, %parallel_loop3A_139], %parallel_loop3A_134 {strides = array<i32>} : memref<16x576xf32, #tpu.memory_space<vmem>>, vector<16xf32>,
      %parallel_loop3A_141 = arith.constant 8 : i32
      %parallel_loop3A_142 = vector.broadcast %parallel_loop3A_141 : i32 to vector<16xi32>
      %parallel_loop3A_143 = tpu.vector_load_idx %arg5[%parallel_loop3A_142, %parallel_loop3A_68] : memref<16x1024xf32, #tpu.memory_space<vmem>>[vector<16xi32>, vector<16xi32>], vector<16xf32>,
      %parallel_loop3A_144 = arith.constant 16 : i32
      %parallel_loop3A_145 = arith.muli %parallel_loop3A_62, %parallel_loop3A_144 : i32
      %parallel_loop3A_146 = arith.constant 8 : i32
      %parallel_loop3A_147 = arith.index_cast %parallel_loop3A_146 : i32 to index
      %parallel_loop3A_148 = arith.index_cast %parallel_loop3A_145 : i32 to index
      %parallel_loop3A_149 = tpu.vector_load %arg7[%parallel_loop3A_147, %parallel_loop3A_148] {strides = array<i32>} : memref<16x576xf32, #tpu.memory_space<vmem>>, vector<16xf32>,
      tpu.vector_store %arg7[%parallel_loop3A_147, %parallel_loop3A_148], %parallel_loop3A_143 {strides = array<i32>} : memref<16x576xf32, #tpu.memory_space<vmem>>, vector<16xf32>,
      %parallel_loop3A_150 = arith.constant 9 : i32
      %parallel_loop3A_151 = vector.broadcast %parallel_loop3A_150 : i32 to vector<16xi32>
      %parallel_loop3A_152 = tpu.vector_load_idx %arg5[%parallel_loop3A_151, %parallel_loop3A_68] : memref<16x1024xf32, #tpu.memory_space<vmem>>[vector<16xi32>, vector<16xi32>], vector<16xf32>,
      %parallel_loop3A_153 = arith.constant 16 : i32
      %parallel_loop3A_154 = arith.muli %parallel_loop3A_62, %parallel_loop3A_153 : i32
      %parallel_loop3A_155 = arith.constant 9 : i32
      %parallel_loop3A_156 = arith.index_cast %parallel_loop3A_155 : i32 to index
      %parallel_loop3A_157 = arith.index_cast %parallel_loop3A_154 : i32 to index
      %parallel_loop3A_158 = tpu.vector_load %arg7[%parallel_loop3A_156, %parallel_loop3A_157] {strides = array<i32>} : memref<16x576xf32, #tpu.memory_space<vmem>>, vector<16xf32>,
      tpu.vector_store %arg7[%parallel_loop3A_156, %parallel_loop3A_157], %parallel_loop3A_152 {strides = array<i32>} : memref<16x576xf32, #tpu.memory_space<vmem>>, vector<16xf32>,
      %parallel_loop3A_159 = arith.constant 10 : i32
      %parallel_loop3A_160 = vector.broadcast %parallel_loop3A_159 : i32 to vector<16xi32>
      %parallel_loop3A_161 = tpu.vector_load_idx %arg5[%parallel_loop3A_160, %parallel_loop3A_68] : memref<16x1024xf32, #tpu.memory_space<vmem>>[vector<16xi32>, vector<16xi32>], vector<16xf32>,
      %parallel_loop3A_162 = arith.constant 16 : i32
      %parallel_loop3A_163 = arith.muli %parallel_loop3A_62, %parallel_loop3A_162 : i32
      %parallel_loop3A_164 = arith.constant 10 : i32
      %parallel_loop3A_165 = arith.index_cast %parallel_loop3A_164 : i32 to index
      %parallel_loop3A_166 = arith.index_cast %parallel_loop3A_163 : i32 to index
      %parallel_loop3A_167 = tpu.vector_load %arg7[%parallel_loop3A_165, %parallel_loop3A_166] {strides = array<i32>} : memref<16x576xf32, #tpu.memory_space<vmem>>, vector<16xf32>,
      tpu.vector_store %arg7[%parallel_loop3A_165, %parallel_loop3A_166], %parallel_loop3A_161 {strides = array<i32>} : memref<16x576xf32, #tpu.memory_space<vmem>>, vector<16xf32>,
      %parallel_loop3A_168 = arith.constant 11 : i32
      %parallel_loop3A_169 = vector.broadcast %parallel_loop3A_168 : i32 to vector<16xi32>
      %parallel_loop3A_170 = tpu.vector_load_idx %arg5[%parallel_loop3A_169, %parallel_loop3A_68] : memref<16x1024xf32, #tpu.memory_space<vmem>>[vector<16xi32>, vector<16xi32>], vector<16xf32>,
      %parallel_loop3A_171 = arith.constant 16 : i32
      %parallel_loop3A_172 = arith.muli %parallel_loop3A_62, %parallel_loop3A_171 : i32
      %parallel_loop3A_173 = arith.constant 11 : i32
      %parallel_loop3A_174 = arith.index_cast %parallel_loop3A_173 : i32 to index
      %parallel_loop3A_175 = arith.index_cast %parallel_loop3A_172 : i32 to index
      %parallel_loop3A_176 = tpu.vector_load %arg7[%parallel_loop3A_174, %parallel_loop3A_175] {strides = array<i32>} : memref<16x576xf32, #tpu.memory_space<vmem>>, vector<16xf32>,
      tpu.vector_store %arg7[%parallel_loop3A_174, %parallel_loop3A_175], %parallel_loop3A_170 {strides = array<i32>} : memref<16x576xf32, #tpu.memory_space<vmem>>, vector<16xf32>,
      %parallel_loop3A_177 = arith.constant 12 : i32
      %parallel_loop3A_178 = vector.broadcast %parallel_loop3A_177 : i32 to vector<16xi32>
      %parallel_loop3A_179 = tpu.vector_load_idx %arg5[%parallel_loop3A_178, %parallel_loop3A_68] : memref<16x1024xf32, #tpu.memory_space<vmem>>[vector<16xi32>, vector<16xi32>], vector<16xf32>,
      %parallel_loop3A_180 = arith.constant 16 : i32
      %parallel_loop3A_181 = arith.muli %parallel_loop3A_62, %parallel_loop3A_180 : i32
      %parallel_loop3A_182 = arith.constant 12 : i32
      %parallel_loop3A_183 = arith.index_cast %parallel_loop3A_182 : i32 to index
      %parallel_loop3A_184 = arith.index_cast %parallel_loop3A_181 : i32 to index
      %parallel_loop3A_185 = tpu.vector_load %arg7[%parallel_loop3A_183, %parallel_loop3A_184] {strides = array<i32>} : memref<16x576xf32, #tpu.memory_space<vmem>>, vector<16xf32>,
      tpu.vector_store %arg7[%parallel_loop3A_183, %parallel_loop3A_184], %parallel_loop3A_179 {strides = array<i32>} : memref<16x576xf32, #tpu.memory_space<vmem>>, vector<16xf32>,
      %parallel_loop3A_186 = arith.constant 13 : i32
      %parallel_loop3A_187 = vector.broadcast %parallel_loop3A_186 : i32 to vector<16xi32>
      %parallel_loop3A_188 = tpu.vector_load_idx %arg5[%parallel_loop3A_187, %parallel_loop3A_68] : memref<16x1024xf32, #tpu.memory_space<vmem>>[vector<16xi32>, vector<16xi32>], vector<16xf32>,
      %parallel_loop3A_189 = arith.constant 16 : i32
      %parallel_loop3A_190 = arith.muli %parallel_loop3A_62, %parallel_loop3A_189 : i32
      %parallel_loop3A_191 = arith.constant 13 : i32
      %parallel_loop3A_192 = arith.index_cast %parallel_loop3A_191 : i32 to index
      %parallel_loop3A_193 = arith.index_cast %parallel_loop3A_190 : i32 to index
      %parallel_loop3A_194 = tpu.vector_load %arg7[%parallel_loop3A_192, %parallel_loop3A_193] {strides = array<i32>} : memref<16x576xf32, #tpu.memory_space<vmem>>, vector<16xf32>,
      tpu.vector_store %arg7[%parallel_loop3A_192, %parallel_loop3A_193], %parallel_loop3A_188 {strides = array<i32>} : memref<16x576xf32, #tpu.memory_space<vmem>>, vector<16xf32>,
      %parallel_loop3A_195 = arith.constant 14 : i32
      %parallel_loop3A_196 = vector.broadcast %parallel_loop3A_195 : i32 to vector<16xi32>
      %parallel_loop3A_197 = tpu.vector_load_idx %arg5[%parallel_loop3A_196, %parallel_loop3A_68] : memref<16x1024xf32, #tpu.memory_space<vmem>>[vector<16xi32>, vector<16xi32>], vector<16xf32>,
      %parallel_loop3A_198 = arith.constant 16 : i32
      %parallel_loop3A_199 = arith.muli %parallel_loop3A_62, %parallel_loop3A_198 : i32
      %parallel_loop3A_200 = arith.constant 14 : i32
      %parallel_loop3A_201 = arith.index_cast %parallel_loop3A_200 : i32 to index
      %parallel_loop3A_202 = arith.index_cast %parallel_loop3A_199 : i32 to index
      %parallel_loop3A_203 = tpu.vector_load %arg7[%parallel_loop3A_201, %parallel_loop3A_202] {strides = array<i32>} : memref<16x576xf32, #tpu.memory_space<vmem>>, vector<16xf32>,
      tpu.vector_store %arg7[%parallel_loop3A_201, %parallel_loop3A_202], %parallel_loop3A_197 {strides = array<i32>} : memref<16x576xf32, #tpu.memory_space<vmem>>, vector<16xf32>,
      %parallel_loop3A_204 = arith.constant 15 : i32
      %parallel_loop3A_205 = vector.broadcast %parallel_loop3A_204 : i32 to vector<16xi32>
      %parallel_loop3A_206 = tpu.vector_load_idx %arg5[%parallel_loop3A_205, %parallel_loop3A_68] : memref<16x1024xf32, #tpu.memory_space<vmem>>[vector<16xi32>, vector<16xi32>], vector<16xf32>,
      %parallel_loop3A_207 = arith.constant 16 : i32
      %parallel_loop3A_208 = arith.muli %parallel_loop3A_62, %parallel_loop3A_207 : i32
      %parallel_loop3A_209 = arith.constant 15 : i32
      %parallel_loop3A_210 = arith.index_cast %parallel_loop3A_209 : i32 to index
      %parallel_loop3A_211 = arith.index_cast %parallel_loop3A_208 : i32 to index
      %parallel_loop3A_212 = tpu.vector_load %arg7[%parallel_loop3A_210, %parallel_loop3A_211] {strides = array<i32>} : memref<16x576xf32, #tpu.memory_space<vmem>>, vector<16xf32>,
      tpu.vector_store %arg7[%parallel_loop3A_210, %parallel_loop3A_211], %parallel_loop3A_206 {strides = array<i32>} : memref<16x576xf32, #tpu.memory_space<vmem>>, vector<16xf32>,
    } {sc.loop_unroll_factor = 1 : i64, sc.parallel_access}
    %mul3A_58 = arith.constant 4 : i32
    %mul3A_59 = arith.muli %select_n3A, %mul3A_58 : i32
    %add3A_60 = arith.constant 3 : i32
    %add3A_61 = arith.addi %mul3A_59, %add3A_60 : i32
    "tpu.region"() ({
      %run_scoped3A = tpu.sem_alloc : memref<!tpu.dma_semaphore, #tpu.memory_space<semaphore_mem>>
      %dma_start3A = arith.constant 0 : i32
      %dma_start3A_62 = tpu.memref_slice %arg4[%add3A_61, %mul3A_32, %dma_start3A] : memref<32x64x576xf32, #tpu.memory_space<hbm>> -> memref<1x16x576xf32, #tpu.memory_space<hbm>>
      %dma_start3A_63 = tpu.memref_squeeze %dma_start3A_62 : memref<1x16x576xf32, #tpu.memory_space<hbm>> -> memref<16x576xf32, #tpu.memory_space<hbm>>
      %dma_start3A_64 = arith.constant 0 : i32
      %dma_start3A_65 = tpu.memref_slice %arg4[%add3A_61, %mul3A_32, %dma_start3A_64] : memref<32x64x576xf32, #tpu.memory_space<hbm>> -> memref<1x16x576xf32, #tpu.memory_space<hbm>>
      %dma_start3A_66 = tpu.memref_squeeze %dma_start3A_65 : memref<1x16x576xf32, #tpu.memory_space<hbm>> -> memref<16x576xf32, #tpu.memory_space<hbm>>
      tpu.enqueue_dma source(%arg7 : memref<16x576xf32, #tpu.memory_space<vmem>>) target(%dma_start3A_66 : memref<16x576xf32, #tpu.memory_space<hbm>>) target_semaphore(%run_scoped3A : memref<!tpu.dma_semaphore, #tpu.memory_space<semaphore_mem>>)
      %dma_wait3A = arith.constant 0 : i32
      %dma_wait3A_67 = tpu.memref_slice %arg4[%add3A_61, %mul3A_32, %dma_wait3A] : memref<32x64x576xf32, #tpu.memory_space<hbm>> -> memref<1x16x576xf32, #tpu.memory_space<hbm>>
      %dma_wait3A_68 = tpu.memref_squeeze %dma_wait3A_67 : memref<1x16x576xf32, #tpu.memory_space<hbm>> -> memref<16x576xf32, #tpu.memory_space<hbm>>
      %dma_wait3A_69 = arith.constant 0 : i32
      %dma_wait3A_70 = tpu.memref_slice %arg4[%add3A_61, %mul3A_32, %dma_wait3A_69] : memref<32x64x576xf32, #tpu.memory_space<hbm>> -> memref<1x16x576xf32, #tpu.memory_space<hbm>>
      %dma_wait3A_71 = tpu.memref_squeeze %dma_wait3A_70 : memref<1x16x576xf32, #tpu.memory_space<hbm>> -> memref<16x576xf32, #tpu.memory_space<hbm>>
      tpu.wait_dma2 semaphore(%run_scoped3A : memref<!tpu.dma_semaphore, #tpu.memory_space<semaphore_mem>>) src(%arg7 : memref<16x576xf32, #tpu.memory_space<vmem>>) dst(%dma_wait3A_71 : memref<16x576xf32, #tpu.memory_space<hbm>>)
      tpu.yield
    }) : () -> ()
    return
  }
}

module attributes {stable_mosaic.version = 14 : i64} {
  func.func @_argmin_body(%arg0: i32, %arg1: memref<8x64x576xf32, #tpu.memory_space<vmem>>, %arg2: memref<1024x64xf32, #tpu.memory_space<vmem>>, %arg3: memref<1024x1xf32, #tpu.memory_space<vmem>>, %arg4: memref<8x576xi32, #tpu.memory_space<vmem>>) attributes {dimension_semantics = [#tpu.dimension_semantics<arbitrary>], iteration_bounds = array<i64: 4>, scalar_prefetch = 0 : i64, scratch_operands = 0 : i64, tpu.core_type = #tpu.core_type<tc>, window_params = [{transform_indices = @transform_0, window_bounds = array<i64: 8, 64, 576>}, {pipeline_mode = #tpu.pipeline_mode<synchronous>, transform_indices = @transform_1, window_bounds = array<i64: 1024, 64>}, {pipeline_mode = #tpu.pipeline_mode<synchronous>, transform_indices = @transform_2, window_bounds = array<i64: 1024, 1>}, {transform_indices = @transform_3, window_bounds = array<i64: 8, 576>}]} {
    %get3A = arith.constant 0 : index
    %get3A_0 = arith.constant 0 : index
    %get3A_1 = vector.load %arg2[%get3A, %get3A_0] : memref<1024x64xf32, #tpu.memory_space<vmem>>, vector<1024x64xf32>
    %get3A_2 = arith.constant 0 : index
    %get3A_3 = arith.constant 0 : index
    %get3A_4 = arith.constant 0 : index
    %get3A_5 = vector.load %arg1[%get3A_2, %get3A_3, %get3A_4] : memref<8x64x576xf32, #tpu.memory_space<vmem>>, vector<1x64x576xf32>
    %get3A_6 = vector.shape_cast %get3A_5 : vector<1x64x576xf32> to vector<64x576xf32>
    %dot_general3A = arith.constant dense<0.000000e+00> : vector<1024x576xf32>
    %dot_general3A_7 = tpu.matmul %get3A_1, %get3A_6, %dot_general3A {dimension_numbers = #tpu.dot_dimension_numbers<[1], [0], [0], [1], [0, 0, 1, 1], [], []>, transpose_lhs_hint = false} : vector<1024x64xf32>, vector<64x576xf32>, vector<1024x576xf32> -> vector<1024x576xf32>
    %mul3A = arith.mulf %get3A_6, %get3A_6 : vector<64x576xf32>
    %slice3A = vector.extract_strided_slice %mul3A {offsets = [0, 0], sizes = [32, 576], strides = [1, 1]} : vector<64x576xf32> to vector<32x576xf32>
    %slice3A_8 = vector.extract_strided_slice %mul3A {offsets = [32, 0], sizes = [32, 576], strides = [1, 1]} : vector<64x576xf32> to vector<32x576xf32>
    %add3A = arith.addf %slice3A, %slice3A_8 : vector<32x576xf32>
    %slice3A_9 = vector.extract_strided_slice %add3A {offsets = [0, 0], sizes = [16, 576], strides = [1, 1]} : vector<32x576xf32> to vector<16x576xf32>
    %slice3A_10 = vector.extract_strided_slice %add3A {offsets = [16, 0], sizes = [16, 576], strides = [1, 1]} : vector<32x576xf32> to vector<16x576xf32>
    %add3A_11 = arith.addf %slice3A_9, %slice3A_10 : vector<16x576xf32>
    %slice3A_12 = vector.extract_strided_slice %add3A_11 {offsets = [0, 0], sizes = [8, 576], strides = [1, 1]} : vector<16x576xf32> to vector<8x576xf32>
    %slice3A_13 = vector.extract_strided_slice %add3A_11 {offsets = [8, 0], sizes = [8, 576], strides = [1, 1]} : vector<16x576xf32> to vector<8x576xf32>
    %add3A_14 = arith.addf %slice3A_12, %slice3A_13 : vector<8x576xf32>
    %slice3A_15 = vector.extract_strided_slice %add3A_14 {offsets = [0, 0], sizes = [4, 576], strides = [1, 1]} : vector<8x576xf32> to vector<4x576xf32>
    %slice3A_16 = vector.extract_strided_slice %add3A_14 {offsets = [4, 0], sizes = [4, 576], strides = [1, 1]} : vector<8x576xf32> to vector<4x576xf32>
    %add3A_17 = arith.addf %slice3A_15, %slice3A_16 : vector<4x576xf32>
    %slice3A_18 = vector.extract_strided_slice %add3A_17 {offsets = [0, 0], sizes = [2, 576], strides = [1, 1]} : vector<4x576xf32> to vector<2x576xf32>
    %slice3A_19 = vector.extract_strided_slice %add3A_17 {offsets = [2, 0], sizes = [2, 576], strides = [1, 1]} : vector<4x576xf32> to vector<2x576xf32>
    %add3A_20 = arith.addf %slice3A_18, %slice3A_19 : vector<2x576xf32>
    %slice3A_21 = vector.extract_strided_slice %add3A_20 {offsets = [0, 0], sizes = [1, 576], strides = [1, 1]} : vector<2x576xf32> to vector<1x576xf32>
    %slice3A_22 = vector.extract_strided_slice %add3A_20 {offsets = [1, 0], sizes = [1, 576], strides = [1, 1]} : vector<2x576xf32> to vector<1x576xf32>
    %add3A_23 = arith.addf %slice3A_21, %slice3A_22 : vector<1x576xf32>
    %get3A_24 = arith.constant 0 : index
    %get3A_25 = arith.constant 0 : index
    %get3A_26 = vector.load %arg3[%get3A_24, %get3A_25] : memref<1024x1xf32, #tpu.memory_space<vmem>>, vector<1024x1xf32>
    %add3A_27 = vector.broadcast %get3A_26 : vector<1024x1xf32> to vector<1024x576xf32>
    %add3A_28 = vector.broadcast %add3A_23 : vector<1x576xf32> to vector<1024x576xf32>
    %add3A_29 = arith.addf %add3A_27, %add3A_28 : vector<1024x576xf32>
    %mul3A_30 = arith.constant 2.000000e+00 : f32
    %mul3A_31 = vector.broadcast %mul3A_30 : f32 to vector<1024x576xf32>
    %mul3A_32 = arith.mulf %mul3A_31, %dot_general3A_7 : vector<1024x576xf32>
    %sub3A = arith.subf %add3A_29, %mul3A_32 : vector<1024x576xf32>
    %reduce_min3A = arith.constant dense<0x7F800000> : vector<576xf32>
    %reduce_min3A_33 = vector.multi_reduction <minimumf>, %sub3A, %reduce_min3A [0] : vector<1024x576xf32> to vector<576xf32>
    %broadcast_in_dim3A = vector.shape_cast %reduce_min3A_33 : vector<576xf32> to vector<1x576xf32>
    %iota3A = tpu.iota {dimensions = array<i32: 0>} : vector<1024x576xi32>
    %eq3A = vector.broadcast %broadcast_in_dim3A : vector<1x576xf32> to vector<1024x576xf32>
    %eq3A_34 = arith.cmpf oeq, %sub3A, %eq3A : vector<1024x576xf32>
    %jit3A = arith.constant 1024 : i32
    %broadcast_in_dim3A_35 = vector.broadcast %jit3A : i32 to vector<1024x576xi32>
    %select_n3A = arith.select %eq3A_34, %iota3A, %broadcast_in_dim3A_35 : vector<1024x576xi1>, vector<1024x576xi32>
    %reduce_min3A_36 = arith.constant dense<2147483647> : vector<576xi32>
    %reduce_min3A_37 = vector.multi_reduction <minsi>, %select_n3A, %reduce_min3A_36 [0] : vector<1024x576xi32> to vector<576xi32>
    %swap3A = arith.constant 0 : index
    %swap3A_38 = arith.constant 0 : index
    %swap3A_39 = vector.load %arg4[%swap3A, %swap3A_38] : memref<8x576xi32, #tpu.memory_space<vmem>>, vector<1x576xi32>
    %swap3A_40 = vector.shape_cast %swap3A_39 : vector<1x576xi32> to vector<576xi32>
    %swap3A_41 = vector.shape_cast %reduce_min3A_37 : vector<576xi32> to vector<1x576xi32>
    tpu.vector_store %arg4[%swap3A, %swap3A_38], %swap3A_41 {strides = array<i32>} : memref<8x576xi32, #tpu.memory_space<vmem>>, vector<1x576xi32>,
    %get3A_42 = arith.constant 1 : index
    %get3A_43 = arith.constant 0 : index
    %get3A_44 = arith.constant 0 : index
    %get3A_45 = vector.load %arg1[%get3A_42, %get3A_43, %get3A_44] : memref<8x64x576xf32, #tpu.memory_space<vmem>>, vector<1x64x576xf32>
    %get3A_46 = vector.shape_cast %get3A_45 : vector<1x64x576xf32> to vector<64x576xf32>
    %dot_general3A_47 = arith.constant dense<0.000000e+00> : vector<1024x576xf32>
    %dot_general3A_48 = tpu.matmul %get3A_1, %get3A_46, %dot_general3A_47 {dimension_numbers = #tpu.dot_dimension_numbers<[1], [0], [0], [1], [0, 0, 1, 1], [], []>, transpose_lhs_hint = false} : vector<1024x64xf32>, vector<64x576xf32>, vector<1024x576xf32> -> vector<1024x576xf32>
    %mul3A_49 = arith.mulf %get3A_46, %get3A_46 : vector<64x576xf32>
    %slice3A_50 = vector.extract_strided_slice %mul3A_49 {offsets = [0, 0], sizes = [32, 576], strides = [1, 1]} : vector<64x576xf32> to vector<32x576xf32>
    %slice3A_51 = vector.extract_strided_slice %mul3A_49 {offsets = [32, 0], sizes = [32, 576], strides = [1, 1]} : vector<64x576xf32> to vector<32x576xf32>
    %add3A_52 = arith.addf %slice3A_50, %slice3A_51 : vector<32x576xf32>
    %slice3A_53 = vector.extract_strided_slice %add3A_52 {offsets = [0, 0], sizes = [16, 576], strides = [1, 1]} : vector<32x576xf32> to vector<16x576xf32>
    %slice3A_54 = vector.extract_strided_slice %add3A_52 {offsets = [16, 0], sizes = [16, 576], strides = [1, 1]} : vector<32x576xf32> to vector<16x576xf32>
    %add3A_55 = arith.addf %slice3A_53, %slice3A_54 : vector<16x576xf32>
    %slice3A_56 = vector.extract_strided_slice %add3A_55 {offsets = [0, 0], sizes = [8, 576], strides = [1, 1]} : vector<16x576xf32> to vector<8x576xf32>
    %slice3A_57 = vector.extract_strided_slice %add3A_55 {offsets = [8, 0], sizes = [8, 576], strides = [1, 1]} : vector<16x576xf32> to vector<8x576xf32>
    %add3A_58 = arith.addf %slice3A_56, %slice3A_57 : vector<8x576xf32>
    %slice3A_59 = vector.extract_strided_slice %add3A_58 {offsets = [0, 0], sizes = [4, 576], strides = [1, 1]} : vector<8x576xf32> to vector<4x576xf32>
    %slice3A_60 = vector.extract_strided_slice %add3A_58 {offsets = [4, 0], sizes = [4, 576], strides = [1, 1]} : vector<8x576xf32> to vector<4x576xf32>
    %add3A_61 = arith.addf %slice3A_59, %slice3A_60 : vector<4x576xf32>
    %slice3A_62 = vector.extract_strided_slice %add3A_61 {offsets = [0, 0], sizes = [2, 576], strides = [1, 1]} : vector<4x576xf32> to vector<2x576xf32>
    %slice3A_63 = vector.extract_strided_slice %add3A_61 {offsets = [2, 0], sizes = [2, 576], strides = [1, 1]} : vector<4x576xf32> to vector<2x576xf32>
    %add3A_64 = arith.addf %slice3A_62, %slice3A_63 : vector<2x576xf32>
    %slice3A_65 = vector.extract_strided_slice %add3A_64 {offsets = [0, 0], sizes = [1, 576], strides = [1, 1]} : vector<2x576xf32> to vector<1x576xf32>
    %slice3A_66 = vector.extract_strided_slice %add3A_64 {offsets = [1, 0], sizes = [1, 576], strides = [1, 1]} : vector<2x576xf32> to vector<1x576xf32>
    %add3A_67 = arith.addf %slice3A_65, %slice3A_66 : vector<1x576xf32>
    %get3A_68 = arith.constant 0 : index
    %get3A_69 = arith.constant 0 : index
    %get3A_70 = vector.load %arg3[%get3A_68, %get3A_69] : memref<1024x1xf32, #tpu.memory_space<vmem>>, vector<1024x1xf32>
    %add3A_71 = vector.broadcast %get3A_70 : vector<1024x1xf32> to vector<1024x576xf32>
    %add3A_72 = vector.broadcast %add3A_67 : vector<1x576xf32> to vector<1024x576xf32>
    %add3A_73 = arith.addf %add3A_71, %add3A_72 : vector<1024x576xf32>
    %mul3A_74 = arith.constant 2.000000e+00 : f32
    %mul3A_75 = vector.broadcast %mul3A_74 : f32 to vector<1024x576xf32>
    %mul3A_76 = arith.mulf %mul3A_75, %dot_general3A_48 : vector<1024x576xf32>
    %sub3A_77 = arith.subf %add3A_73, %mul3A_76 : vector<1024x576xf32>
    %reduce_min3A_78 = arith.constant dense<0x7F800000> : vector<576xf32>
    %reduce_min3A_79 = vector.multi_reduction <minimumf>, %sub3A_77, %reduce_min3A_78 [0] : vector<1024x576xf32> to vector<576xf32>
    %broadcast_in_dim3A_80 = vector.shape_cast %reduce_min3A_79 : vector<576xf32> to vector<1x576xf32>
    %iota3A_81 = tpu.iota {dimensions = array<i32: 0>} : vector<1024x576xi32>
    %eq3A_82 = vector.broadcast %broadcast_in_dim3A_80 : vector<1x576xf32> to vector<1024x576xf32>
    %eq3A_83 = arith.cmpf oeq, %sub3A_77, %eq3A_82 : vector<1024x576xf32>
    %jit3A_84 = arith.constant 1024 : i32
    %broadcast_in_dim3A_85 = vector.broadcast %jit3A_84 : i32 to vector<1024x576xi32>
    %select_n3A_86 = arith.select %eq3A_83, %iota3A_81, %broadcast_in_dim3A_85 : vector<1024x576xi1>, vector<1024x576xi32>
    %reduce_min3A_87 = arith.constant dense<2147483647> : vector<576xi32>
    %reduce_min3A_88 = vector.multi_reduction <minsi>, %select_n3A_86, %reduce_min3A_87 [0] : vector<1024x576xi32> to vector<576xi32>
    %swap3A_89 = arith.constant 1 : index
    %swap3A_90 = arith.constant 0 : index
    %swap3A_91 = vector.load %arg4[%swap3A_89, %swap3A_90] : memref<8x576xi32, #tpu.memory_space<vmem>>, vector<1x576xi32>
    %swap3A_92 = vector.shape_cast %swap3A_91 : vector<1x576xi32> to vector<576xi32>
    %swap3A_93 = vector.shape_cast %reduce_min3A_88 : vector<576xi32> to vector<1x576xi32>
    tpu.vector_store %arg4[%swap3A_89, %swap3A_90], %swap3A_93 {strides = array<i32>} : memref<8x576xi32, #tpu.memory_space<vmem>>, vector<1x576xi32>,
    %get3A_94 = arith.constant 2 : index
    %get3A_95 = arith.constant 0 : index
    %get3A_96 = arith.constant 0 : index
    %get3A_97 = vector.load %arg1[%get3A_94, %get3A_95, %get3A_96] : memref<8x64x576xf32, #tpu.memory_space<vmem>>, vector<1x64x576xf32>
    %get3A_98 = vector.shape_cast %get3A_97 : vector<1x64x576xf32> to vector<64x576xf32>
    %dot_general3A_99 = arith.constant dense<0.000000e+00> : vector<1024x576xf32>
    %dot_general3A_100 = tpu.matmul %get3A_1, %get3A_98, %dot_general3A_99 {dimension_numbers = #tpu.dot_dimension_numbers<[1], [0], [0], [1], [0, 0, 1, 1], [], []>, transpose_lhs_hint = false} : vector<1024x64xf32>, vector<64x576xf32>, vector<1024x576xf32> -> vector<1024x576xf32>
    %mul3A_101 = arith.mulf %get3A_98, %get3A_98 : vector<64x576xf32>
    %slice3A_102 = vector.extract_strided_slice %mul3A_101 {offsets = [0, 0], sizes = [32, 576], strides = [1, 1]} : vector<64x576xf32> to vector<32x576xf32>
    %slice3A_103 = vector.extract_strided_slice %mul3A_101 {offsets = [32, 0], sizes = [32, 576], strides = [1, 1]} : vector<64x576xf32> to vector<32x576xf32>
    %add3A_104 = arith.addf %slice3A_102, %slice3A_103 : vector<32x576xf32>
    %slice3A_105 = vector.extract_strided_slice %add3A_104 {offsets = [0, 0], sizes = [16, 576], strides = [1, 1]} : vector<32x576xf32> to vector<16x576xf32>
    %slice3A_106 = vector.extract_strided_slice %add3A_104 {offsets = [16, 0], sizes = [16, 576], strides = [1, 1]} : vector<32x576xf32> to vector<16x576xf32>
    %add3A_107 = arith.addf %slice3A_105, %slice3A_106 : vector<16x576xf32>
    %slice3A_108 = vector.extract_strided_slice %add3A_107 {offsets = [0, 0], sizes = [8, 576], strides = [1, 1]} : vector<16x576xf32> to vector<8x576xf32>
    %slice3A_109 = vector.extract_strided_slice %add3A_107 {offsets = [8, 0], sizes = [8, 576], strides = [1, 1]} : vector<16x576xf32> to vector<8x576xf32>
    %add3A_110 = arith.addf %slice3A_108, %slice3A_109 : vector<8x576xf32>
    %slice3A_111 = vector.extract_strided_slice %add3A_110 {offsets = [0, 0], sizes = [4, 576], strides = [1, 1]} : vector<8x576xf32> to vector<4x576xf32>
    %slice3A_112 = vector.extract_strided_slice %add3A_110 {offsets = [4, 0], sizes = [4, 576], strides = [1, 1]} : vector<8x576xf32> to vector<4x576xf32>
    %add3A_113 = arith.addf %slice3A_111, %slice3A_112 : vector<4x576xf32>
    %slice3A_114 = vector.extract_strided_slice %add3A_113 {offsets = [0, 0], sizes = [2, 576], strides = [1, 1]} : vector<4x576xf32> to vector<2x576xf32>
    %slice3A_115 = vector.extract_strided_slice %add3A_113 {offsets = [2, 0], sizes = [2, 576], strides = [1, 1]} : vector<4x576xf32> to vector<2x576xf32>
    %add3A_116 = arith.addf %slice3A_114, %slice3A_115 : vector<2x576xf32>
    %slice3A_117 = vector.extract_strided_slice %add3A_116 {offsets = [0, 0], sizes = [1, 576], strides = [1, 1]} : vector<2x576xf32> to vector<1x576xf32>
    %slice3A_118 = vector.extract_strided_slice %add3A_116 {offsets = [1, 0], sizes = [1, 576], strides = [1, 1]} : vector<2x576xf32> to vector<1x576xf32>
    %add3A_119 = arith.addf %slice3A_117, %slice3A_118 : vector<1x576xf32>
    %get3A_120 = arith.constant 0 : index
    %get3A_121 = arith.constant 0 : index
    %get3A_122 = vector.load %arg3[%get3A_120, %get3A_121] : memref<1024x1xf32, #tpu.memory_space<vmem>>, vector<1024x1xf32>
    %add3A_123 = vector.broadcast %get3A_122 : vector<1024x1xf32> to vector<1024x576xf32>
    %add3A_124 = vector.broadcast %add3A_119 : vector<1x576xf32> to vector<1024x576xf32>
    %add3A_125 = arith.addf %add3A_123, %add3A_124 : vector<1024x576xf32>
    %mul3A_126 = arith.constant 2.000000e+00 : f32
    %mul3A_127 = vector.broadcast %mul3A_126 : f32 to vector<1024x576xf32>
    %mul3A_128 = arith.mulf %mul3A_127, %dot_general3A_100 : vector<1024x576xf32>
    %sub3A_129 = arith.subf %add3A_125, %mul3A_128 : vector<1024x576xf32>
    %reduce_min3A_130 = arith.constant dense<0x7F800000> : vector<576xf32>
    %reduce_min3A_131 = vector.multi_reduction <minimumf>, %sub3A_129, %reduce_min3A_130 [0] : vector<1024x576xf32> to vector<576xf32>
    %broadcast_in_dim3A_132 = vector.shape_cast %reduce_min3A_131 : vector<576xf32> to vector<1x576xf32>
    %iota3A_133 = tpu.iota {dimensions = array<i32: 0>} : vector<1024x576xi32>
    %eq3A_134 = vector.broadcast %broadcast_in_dim3A_132 : vector<1x576xf32> to vector<1024x576xf32>
    %eq3A_135 = arith.cmpf oeq, %sub3A_129, %eq3A_134 : vector<1024x576xf32>
    %jit3A_136 = arith.constant 1024 : i32
    %broadcast_in_dim3A_137 = vector.broadcast %jit3A_136 : i32 to vector<1024x576xi32>
    %select_n3A_138 = arith.select %eq3A_135, %iota3A_133, %broadcast_in_dim3A_137 : vector<1024x576xi1>, vector<1024x576xi32>
    %reduce_min3A_139 = arith.constant dense<2147483647> : vector<576xi32>
    %reduce_min3A_140 = vector.multi_reduction <minsi>, %select_n3A_138, %reduce_min3A_139 [0] : vector<1024x576xi32> to vector<576xi32>
    %swap3A_141 = arith.constant 2 : index
    %swap3A_142 = arith.constant 0 : index
    %swap3A_143 = vector.load %arg4[%swap3A_141, %swap3A_142] : memref<8x576xi32, #tpu.memory_space<vmem>>, vector<1x576xi32>
    %swap3A_144 = vector.shape_cast %swap3A_143 : vector<1x576xi32> to vector<576xi32>
    %swap3A_145 = vector.shape_cast %reduce_min3A_140 : vector<576xi32> to vector<1x576xi32>
    tpu.vector_store %arg4[%swap3A_141, %swap3A_142], %swap3A_145 {strides = array<i32>} : memref<8x576xi32, #tpu.memory_space<vmem>>, vector<1x576xi32>,
    %get3A_146 = arith.constant 3 : index
    %get3A_147 = arith.constant 0 : index
    %get3A_148 = arith.constant 0 : index
    %get3A_149 = vector.load %arg1[%get3A_146, %get3A_147, %get3A_148] : memref<8x64x576xf32, #tpu.memory_space<vmem>>, vector<1x64x576xf32>
    %get3A_150 = vector.shape_cast %get3A_149 : vector<1x64x576xf32> to vector<64x576xf32>
    %dot_general3A_151 = arith.constant dense<0.000000e+00> : vector<1024x576xf32>
    %dot_general3A_152 = tpu.matmul %get3A_1, %get3A_150, %dot_general3A_151 {dimension_numbers = #tpu.dot_dimension_numbers<[1], [0], [0], [1], [0, 0, 1, 1], [], []>, transpose_lhs_hint = false} : vector<1024x64xf32>, vector<64x576xf32>, vector<1024x576xf32> -> vector<1024x576xf32>
    %mul3A_153 = arith.mulf %get3A_150, %get3A_150 : vector<64x576xf32>
    %slice3A_154 = vector.extract_strided_slice %mul3A_153 {offsets = [0, 0], sizes = [32, 576], strides = [1, 1]} : vector<64x576xf32> to vector<32x576xf32>
    %slice3A_155 = vector.extract_strided_slice %mul3A_153 {offsets = [32, 0], sizes = [32, 576], strides = [1, 1]} : vector<64x576xf32> to vector<32x576xf32>
    %add3A_156 = arith.addf %slice3A_154, %slice3A_155 : vector<32x576xf32>
    %slice3A_157 = vector.extract_strided_slice %add3A_156 {offsets = [0, 0], sizes = [16, 576], strides = [1, 1]} : vector<32x576xf32> to vector<16x576xf32>
    %slice3A_158 = vector.extract_strided_slice %add3A_156 {offsets = [16, 0], sizes = [16, 576], strides = [1, 1]} : vector<32x576xf32> to vector<16x576xf32>
    %add3A_159 = arith.addf %slice3A_157, %slice3A_158 : vector<16x576xf32>
    %slice3A_160 = vector.extract_strided_slice %add3A_159 {offsets = [0, 0], sizes = [8, 576], strides = [1, 1]} : vector<16x576xf32> to vector<8x576xf32>
    %slice3A_161 = vector.extract_strided_slice %add3A_159 {offsets = [8, 0], sizes = [8, 576], strides = [1, 1]} : vector<16x576xf32> to vector<8x576xf32>
    %add3A_162 = arith.addf %slice3A_160, %slice3A_161 : vector<8x576xf32>
    %slice3A_163 = vector.extract_strided_slice %add3A_162 {offsets = [0, 0], sizes = [4, 576], strides = [1, 1]} : vector<8x576xf32> to vector<4x576xf32>
    %slice3A_164 = vector.extract_strided_slice %add3A_162 {offsets = [4, 0], sizes = [4, 576], strides = [1, 1]} : vector<8x576xf32> to vector<4x576xf32>
    %add3A_165 = arith.addf %slice3A_163, %slice3A_164 : vector<4x576xf32>
    %slice3A_166 = vector.extract_strided_slice %add3A_165 {offsets = [0, 0], sizes = [2, 576], strides = [1, 1]} : vector<4x576xf32> to vector<2x576xf32>
    %slice3A_167 = vector.extract_strided_slice %add3A_165 {offsets = [2, 0], sizes = [2, 576], strides = [1, 1]} : vector<4x576xf32> to vector<2x576xf32>
    %add3A_168 = arith.addf %slice3A_166, %slice3A_167 : vector<2x576xf32>
    %slice3A_169 = vector.extract_strided_slice %add3A_168 {offsets = [0, 0], sizes = [1, 576], strides = [1, 1]} : vector<2x576xf32> to vector<1x576xf32>
    %slice3A_170 = vector.extract_strided_slice %add3A_168 {offsets = [1, 0], sizes = [1, 576], strides = [1, 1]} : vector<2x576xf32> to vector<1x576xf32>
    %add3A_171 = arith.addf %slice3A_169, %slice3A_170 : vector<1x576xf32>
    %get3A_172 = arith.constant 0 : index
    %get3A_173 = arith.constant 0 : index
    %get3A_174 = vector.load %arg3[%get3A_172, %get3A_173] : memref<1024x1xf32, #tpu.memory_space<vmem>>, vector<1024x1xf32>
    %add3A_175 = vector.broadcast %get3A_174 : vector<1024x1xf32> to vector<1024x576xf32>
    %add3A_176 = vector.broadcast %add3A_171 : vector<1x576xf32> to vector<1024x576xf32>
    %add3A_177 = arith.addf %add3A_175, %add3A_176 : vector<1024x576xf32>
    %mul3A_178 = arith.constant 2.000000e+00 : f32
    %mul3A_179 = vector.broadcast %mul3A_178 : f32 to vector<1024x576xf32>
    %mul3A_180 = arith.mulf %mul3A_179, %dot_general3A_152 : vector<1024x576xf32>
    %sub3A_181 = arith.subf %add3A_177, %mul3A_180 : vector<1024x576xf32>
    %reduce_min3A_182 = arith.constant dense<0x7F800000> : vector<576xf32>
    %reduce_min3A_183 = vector.multi_reduction <minimumf>, %sub3A_181, %reduce_min3A_182 [0] : vector<1024x576xf32> to vector<576xf32>
    %broadcast_in_dim3A_184 = vector.shape_cast %reduce_min3A_183 : vector<576xf32> to vector<1x576xf32>
    %iota3A_185 = tpu.iota {dimensions = array<i32: 0>} : vector<1024x576xi32>
    %eq3A_186 = vector.broadcast %broadcast_in_dim3A_184 : vector<1x576xf32> to vector<1024x576xf32>
    %eq3A_187 = arith.cmpf oeq, %sub3A_181, %eq3A_186 : vector<1024x576xf32>
    %jit3A_188 = arith.constant 1024 : i32
    %broadcast_in_dim3A_189 = vector.broadcast %jit3A_188 : i32 to vector<1024x576xi32>
    %select_n3A_190 = arith.select %eq3A_187, %iota3A_185, %broadcast_in_dim3A_189 : vector<1024x576xi1>, vector<1024x576xi32>
    %reduce_min3A_191 = arith.constant dense<2147483647> : vector<576xi32>
    %reduce_min3A_192 = vector.multi_reduction <minsi>, %select_n3A_190, %reduce_min3A_191 [0] : vector<1024x576xi32> to vector<576xi32>
    %swap3A_193 = arith.constant 3 : index
    %swap3A_194 = arith.constant 0 : index
    %swap3A_195 = vector.load %arg4[%swap3A_193, %swap3A_194] : memref<8x576xi32, #tpu.memory_space<vmem>>, vector<1x576xi32>
    %swap3A_196 = vector.shape_cast %swap3A_195 : vector<1x576xi32> to vector<576xi32>
    %swap3A_197 = vector.shape_cast %reduce_min3A_192 : vector<576xi32> to vector<1x576xi32>
    tpu.vector_store %arg4[%swap3A_193, %swap3A_194], %swap3A_197 {strides = array<i32>} : memref<8x576xi32, #tpu.memory_space<vmem>>, vector<1x576xi32>,
    %get3A_198 = arith.constant 4 : index
    %get3A_199 = arith.constant 0 : index
    %get3A_200 = arith.constant 0 : index
    %get3A_201 = vector.load %arg1[%get3A_198, %get3A_199, %get3A_200] : memref<8x64x576xf32, #tpu.memory_space<vmem>>, vector<1x64x576xf32>
    %get3A_202 = vector.shape_cast %get3A_201 : vector<1x64x576xf32> to vector<64x576xf32>
    %dot_general3A_203 = arith.constant dense<0.000000e+00> : vector<1024x576xf32>
    %dot_general3A_204 = tpu.matmul %get3A_1, %get3A_202, %dot_general3A_203 {dimension_numbers = #tpu.dot_dimension_numbers<[1], [0], [0], [1], [0, 0, 1, 1], [], []>, transpose_lhs_hint = false} : vector<1024x64xf32>, vector<64x576xf32>, vector<1024x576xf32> -> vector<1024x576xf32>
    %mul3A_205 = arith.mulf %get3A_202, %get3A_202 : vector<64x576xf32>
    %slice3A_206 = vector.extract_strided_slice %mul3A_205 {offsets = [0, 0], sizes = [32, 576], strides = [1, 1]} : vector<64x576xf32> to vector<32x576xf32>
    %slice3A_207 = vector.extract_strided_slice %mul3A_205 {offsets = [32, 0], sizes = [32, 576], strides = [1, 1]} : vector<64x576xf32> to vector<32x576xf32>
    %add3A_208 = arith.addf %slice3A_206, %slice3A_207 : vector<32x576xf32>
    %slice3A_209 = vector.extract_strided_slice %add3A_208 {offsets = [0, 0], sizes = [16, 576], strides = [1, 1]} : vector<32x576xf32> to vector<16x576xf32>
    %slice3A_210 = vector.extract_strided_slice %add3A_208 {offsets = [16, 0], sizes = [16, 576], strides = [1, 1]} : vector<32x576xf32> to vector<16x576xf32>
    %add3A_211 = arith.addf %slice3A_209, %slice3A_210 : vector<16x576xf32>
    %slice3A_212 = vector.extract_strided_slice %add3A_211 {offsets = [0, 0], sizes = [8, 576], strides = [1, 1]} : vector<16x576xf32> to vector<8x576xf32>
    %slice3A_213 = vector.extract_strided_slice %add3A_211 {offsets = [8, 0], sizes = [8, 576], strides = [1, 1]} : vector<16x576xf32> to vector<8x576xf32>
    %add3A_214 = arith.addf %slice3A_212, %slice3A_213 : vector<8x576xf32>
    %slice3A_215 = vector.extract_strided_slice %add3A_214 {offsets = [0, 0], sizes = [4, 576], strides = [1, 1]} : vector<8x576xf32> to vector<4x576xf32>
    %slice3A_216 = vector.extract_strided_slice %add3A_214 {offsets = [4, 0], sizes = [4, 576], strides = [1, 1]} : vector<8x576xf32> to vector<4x576xf32>
    %add3A_217 = arith.addf %slice3A_215, %slice3A_216 : vector<4x576xf32>
    %slice3A_218 = vector.extract_strided_slice %add3A_217 {offsets = [0, 0], sizes = [2, 576], strides = [1, 1]} : vector<4x576xf32> to vector<2x576xf32>
    %slice3A_219 = vector.extract_strided_slice %add3A_217 {offsets = [2, 0], sizes = [2, 576], strides = [1, 1]} : vector<4x576xf32> to vector<2x576xf32>
    %add3A_220 = arith.addf %slice3A_218, %slice3A_219 : vector<2x576xf32>
    %slice3A_221 = vector.extract_strided_slice %add3A_220 {offsets = [0, 0], sizes = [1, 576], strides = [1, 1]} : vector<2x576xf32> to vector<1x576xf32>
    %slice3A_222 = vector.extract_strided_slice %add3A_220 {offsets = [1, 0], sizes = [1, 576], strides = [1, 1]} : vector<2x576xf32> to vector<1x576xf32>
    %add3A_223 = arith.addf %slice3A_221, %slice3A_222 : vector<1x576xf32>
    %get3A_224 = arith.constant 0 : index
    %get3A_225 = arith.constant 0 : index
    %get3A_226 = vector.load %arg3[%get3A_224, %get3A_225] : memref<1024x1xf32, #tpu.memory_space<vmem>>, vector<1024x1xf32>
    %add3A_227 = vector.broadcast %get3A_226 : vector<1024x1xf32> to vector<1024x576xf32>
    %add3A_228 = vector.broadcast %add3A_223 : vector<1x576xf32> to vector<1024x576xf32>
    %add3A_229 = arith.addf %add3A_227, %add3A_228 : vector<1024x576xf32>
    %mul3A_230 = arith.constant 2.000000e+00 : f32
    %mul3A_231 = vector.broadcast %mul3A_230 : f32 to vector<1024x576xf32>
    %mul3A_232 = arith.mulf %mul3A_231, %dot_general3A_204 : vector<1024x576xf32>
    %sub3A_233 = arith.subf %add3A_229, %mul3A_232 : vector<1024x576xf32>
    %reduce_min3A_234 = arith.constant dense<0x7F800000> : vector<576xf32>
    %reduce_min3A_235 = vector.multi_reduction <minimumf>, %sub3A_233, %reduce_min3A_234 [0] : vector<1024x576xf32> to vector<576xf32>
    %broadcast_in_dim3A_236 = vector.shape_cast %reduce_min3A_235 : vector<576xf32> to vector<1x576xf32>
    %iota3A_237 = tpu.iota {dimensions = array<i32: 0>} : vector<1024x576xi32>
    %eq3A_238 = vector.broadcast %broadcast_in_dim3A_236 : vector<1x576xf32> to vector<1024x576xf32>
    %eq3A_239 = arith.cmpf oeq, %sub3A_233, %eq3A_238 : vector<1024x576xf32>
    %jit3A_240 = arith.constant 1024 : i32
    %broadcast_in_dim3A_241 = vector.broadcast %jit3A_240 : i32 to vector<1024x576xi32>
    %select_n3A_242 = arith.select %eq3A_239, %iota3A_237, %broadcast_in_dim3A_241 : vector<1024x576xi1>, vector<1024x576xi32>
    %reduce_min3A_243 = arith.constant dense<2147483647> : vector<576xi32>
    %reduce_min3A_244 = vector.multi_reduction <minsi>, %select_n3A_242, %reduce_min3A_243 [0] : vector<1024x576xi32> to vector<576xi32>
    %swap3A_245 = arith.constant 4 : index
    %swap3A_246 = arith.constant 0 : index
    %swap3A_247 = vector.load %arg4[%swap3A_245, %swap3A_246] : memref<8x576xi32, #tpu.memory_space<vmem>>, vector<1x576xi32>
    %swap3A_248 = vector.shape_cast %swap3A_247 : vector<1x576xi32> to vector<576xi32>
    %swap3A_249 = vector.shape_cast %reduce_min3A_244 : vector<576xi32> to vector<1x576xi32>
    tpu.vector_store %arg4[%swap3A_245, %swap3A_246], %swap3A_249 {strides = array<i32>} : memref<8x576xi32, #tpu.memory_space<vmem>>, vector<1x576xi32>,
    %get3A_250 = arith.constant 5 : index
    %get3A_251 = arith.constant 0 : index
    %get3A_252 = arith.constant 0 : index
    %get3A_253 = vector.load %arg1[%get3A_250, %get3A_251, %get3A_252] : memref<8x64x576xf32, #tpu.memory_space<vmem>>, vector<1x64x576xf32>
    %get3A_254 = vector.shape_cast %get3A_253 : vector<1x64x576xf32> to vector<64x576xf32>
    %dot_general3A_255 = arith.constant dense<0.000000e+00> : vector<1024x576xf32>
    %dot_general3A_256 = tpu.matmul %get3A_1, %get3A_254, %dot_general3A_255 {dimension_numbers = #tpu.dot_dimension_numbers<[1], [0], [0], [1], [0, 0, 1, 1], [], []>, transpose_lhs_hint = false} : vector<1024x64xf32>, vector<64x576xf32>, vector<1024x576xf32> -> vector<1024x576xf32>
    %mul3A_257 = arith.mulf %get3A_254, %get3A_254 : vector<64x576xf32>
    %slice3A_258 = vector.extract_strided_slice %mul3A_257 {offsets = [0, 0], sizes = [32, 576], strides = [1, 1]} : vector<64x576xf32> to vector<32x576xf32>
    %slice3A_259 = vector.extract_strided_slice %mul3A_257 {offsets = [32, 0], sizes = [32, 576], strides = [1, 1]} : vector<64x576xf32> to vector<32x576xf32>
    %add3A_260 = arith.addf %slice3A_258, %slice3A_259 : vector<32x576xf32>
    %slice3A_261 = vector.extract_strided_slice %add3A_260 {offsets = [0, 0], sizes = [16, 576], strides = [1, 1]} : vector<32x576xf32> to vector<16x576xf32>
    %slice3A_262 = vector.extract_strided_slice %add3A_260 {offsets = [16, 0], sizes = [16, 576], strides = [1, 1]} : vector<32x576xf32> to vector<16x576xf32>
    %add3A_263 = arith.addf %slice3A_261, %slice3A_262 : vector<16x576xf32>
    %slice3A_264 = vector.extract_strided_slice %add3A_263 {offsets = [0, 0], sizes = [8, 576], strides = [1, 1]} : vector<16x576xf32> to vector<8x576xf32>
    %slice3A_265 = vector.extract_strided_slice %add3A_263 {offsets = [8, 0], sizes = [8, 576], strides = [1, 1]} : vector<16x576xf32> to vector<8x576xf32>
    %add3A_266 = arith.addf %slice3A_264, %slice3A_265 : vector<8x576xf32>
    %slice3A_267 = vector.extract_strided_slice %add3A_266 {offsets = [0, 0], sizes = [4, 576], strides = [1, 1]} : vector<8x576xf32> to vector<4x576xf32>
    %slice3A_268 = vector.extract_strided_slice %add3A_266 {offsets = [4, 0], sizes = [4, 576], strides = [1, 1]} : vector<8x576xf32> to vector<4x576xf32>
    %add3A_269 = arith.addf %slice3A_267, %slice3A_268 : vector<4x576xf32>
    %slice3A_270 = vector.extract_strided_slice %add3A_269 {offsets = [0, 0], sizes = [2, 576], strides = [1, 1]} : vector<4x576xf32> to vector<2x576xf32>
    %slice3A_271 = vector.extract_strided_slice %add3A_269 {offsets = [2, 0], sizes = [2, 576], strides = [1, 1]} : vector<4x576xf32> to vector<2x576xf32>
    %add3A_272 = arith.addf %slice3A_270, %slice3A_271 : vector<2x576xf32>
    %slice3A_273 = vector.extract_strided_slice %add3A_272 {offsets = [0, 0], sizes = [1, 576], strides = [1, 1]} : vector<2x576xf32> to vector<1x576xf32>
    %slice3A_274 = vector.extract_strided_slice %add3A_272 {offsets = [1, 0], sizes = [1, 576], strides = [1, 1]} : vector<2x576xf32> to vector<1x576xf32>
    %add3A_275 = arith.addf %slice3A_273, %slice3A_274 : vector<1x576xf32>
    %get3A_276 = arith.constant 0 : index
    %get3A_277 = arith.constant 0 : index
    %get3A_278 = vector.load %arg3[%get3A_276, %get3A_277] : memref<1024x1xf32, #tpu.memory_space<vmem>>, vector<1024x1xf32>
    %add3A_279 = vector.broadcast %get3A_278 : vector<1024x1xf32> to vector<1024x576xf32>
    %add3A_280 = vector.broadcast %add3A_275 : vector<1x576xf32> to vector<1024x576xf32>
    %add3A_281 = arith.addf %add3A_279, %add3A_280 : vector<1024x576xf32>
    %mul3A_282 = arith.constant 2.000000e+00 : f32
    %mul3A_283 = vector.broadcast %mul3A_282 : f32 to vector<1024x576xf32>
    %mul3A_284 = arith.mulf %mul3A_283, %dot_general3A_256 : vector<1024x576xf32>
    %sub3A_285 = arith.subf %add3A_281, %mul3A_284 : vector<1024x576xf32>
    %reduce_min3A_286 = arith.constant dense<0x7F800000> : vector<576xf32>
    %reduce_min3A_287 = vector.multi_reduction <minimumf>, %sub3A_285, %reduce_min3A_286 [0] : vector<1024x576xf32> to vector<576xf32>
    %broadcast_in_dim3A_288 = vector.shape_cast %reduce_min3A_287 : vector<576xf32> to vector<1x576xf32>
    %iota3A_289 = tpu.iota {dimensions = array<i32: 0>} : vector<1024x576xi32>
    %eq3A_290 = vector.broadcast %broadcast_in_dim3A_288 : vector<1x576xf32> to vector<1024x576xf32>
    %eq3A_291 = arith.cmpf oeq, %sub3A_285, %eq3A_290 : vector<1024x576xf32>
    %jit3A_292 = arith.constant 1024 : i32
    %broadcast_in_dim3A_293 = vector.broadcast %jit3A_292 : i32 to vector<1024x576xi32>
    %select_n3A_294 = arith.select %eq3A_291, %iota3A_289, %broadcast_in_dim3A_293 : vector<1024x576xi1>, vector<1024x576xi32>
    %reduce_min3A_295 = arith.constant dense<2147483647> : vector<576xi32>
    %reduce_min3A_296 = vector.multi_reduction <minsi>, %select_n3A_294, %reduce_min3A_295 [0] : vector<1024x576xi32> to vector<576xi32>
    %swap3A_297 = arith.constant 5 : index
    %swap3A_298 = arith.constant 0 : index
    %swap3A_299 = vector.load %arg4[%swap3A_297, %swap3A_298] : memref<8x576xi32, #tpu.memory_space<vmem>>, vector<1x576xi32>
    %swap3A_300 = vector.shape_cast %swap3A_299 : vector<1x576xi32> to vector<576xi32>
    %swap3A_301 = vector.shape_cast %reduce_min3A_296 : vector<576xi32> to vector<1x576xi32>
    tpu.vector_store %arg4[%swap3A_297, %swap3A_298], %swap3A_301 {strides = array<i32>} : memref<8x576xi32, #tpu.memory_space<vmem>>, vector<1x576xi32>,
    %get3A_302 = arith.constant 6 : index
    %get3A_303 = arith.constant 0 : index
    %get3A_304 = arith.constant 0 : index
    %get3A_305 = vector.load %arg1[%get3A_302, %get3A_303, %get3A_304] : memref<8x64x576xf32, #tpu.memory_space<vmem>>, vector<1x64x576xf32>
    %get3A_306 = vector.shape_cast %get3A_305 : vector<1x64x576xf32> to vector<64x576xf32>
    %dot_general3A_307 = arith.constant dense<0.000000e+00> : vector<1024x576xf32>
    %dot_general3A_308 = tpu.matmul %get3A_1, %get3A_306, %dot_general3A_307 {dimension_numbers = #tpu.dot_dimension_numbers<[1], [0], [0], [1], [0, 0, 1, 1], [], []>, transpose_lhs_hint = false} : vector<1024x64xf32>, vector<64x576xf32>, vector<1024x576xf32> -> vector<1024x576xf32>
    %mul3A_309 = arith.mulf %get3A_306, %get3A_306 : vector<64x576xf32>
    %slice3A_310 = vector.extract_strided_slice %mul3A_309 {offsets = [0, 0], sizes = [32, 576], strides = [1, 1]} : vector<64x576xf32> to vector<32x576xf32>
    %slice3A_311 = vector.extract_strided_slice %mul3A_309 {offsets = [32, 0], sizes = [32, 576], strides = [1, 1]} : vector<64x576xf32> to vector<32x576xf32>
    %add3A_312 = arith.addf %slice3A_310, %slice3A_311 : vector<32x576xf32>
    %slice3A_313 = vector.extract_strided_slice %add3A_312 {offsets = [0, 0], sizes = [16, 576], strides = [1, 1]} : vector<32x576xf32> to vector<16x576xf32>
    %slice3A_314 = vector.extract_strided_slice %add3A_312 {offsets = [16, 0], sizes = [16, 576], strides = [1, 1]} : vector<32x576xf32> to vector<16x576xf32>
    %add3A_315 = arith.addf %slice3A_313, %slice3A_314 : vector<16x576xf32>
    %slice3A_316 = vector.extract_strided_slice %add3A_315 {offsets = [0, 0], sizes = [8, 576], strides = [1, 1]} : vector<16x576xf32> to vector<8x576xf32>
    %slice3A_317 = vector.extract_strided_slice %add3A_315 {offsets = [8, 0], sizes = [8, 576], strides = [1, 1]} : vector<16x576xf32> to vector<8x576xf32>
    %add3A_318 = arith.addf %slice3A_316, %slice3A_317 : vector<8x576xf32>
    %slice3A_319 = vector.extract_strided_slice %add3A_318 {offsets = [0, 0], sizes = [4, 576], strides = [1, 1]} : vector<8x576xf32> to vector<4x576xf32>
    %slice3A_320 = vector.extract_strided_slice %add3A_318 {offsets = [4, 0], sizes = [4, 576], strides = [1, 1]} : vector<8x576xf32> to vector<4x576xf32>
    %add3A_321 = arith.addf %slice3A_319, %slice3A_320 : vector<4x576xf32>
    %slice3A_322 = vector.extract_strided_slice %add3A_321 {offsets = [0, 0], sizes = [2, 576], strides = [1, 1]} : vector<4x576xf32> to vector<2x576xf32>
    %slice3A_323 = vector.extract_strided_slice %add3A_321 {offsets = [2, 0], sizes = [2, 576], strides = [1, 1]} : vector<4x576xf32> to vector<2x576xf32>
    %add3A_324 = arith.addf %slice3A_322, %slice3A_323 : vector<2x576xf32>
    %slice3A_325 = vector.extract_strided_slice %add3A_324 {offsets = [0, 0], sizes = [1, 576], strides = [1, 1]} : vector<2x576xf32> to vector<1x576xf32>
    %slice3A_326 = vector.extract_strided_slice %add3A_324 {offsets = [1, 0], sizes = [1, 576], strides = [1, 1]} : vector<2x576xf32> to vector<1x576xf32>
    %add3A_327 = arith.addf %slice3A_325, %slice3A_326 : vector<1x576xf32>
    %get3A_328 = arith.constant 0 : index
    %get3A_329 = arith.constant 0 : index
    %get3A_330 = vector.load %arg3[%get3A_328, %get3A_329] : memref<1024x1xf32, #tpu.memory_space<vmem>>, vector<1024x1xf32>
    %add3A_331 = vector.broadcast %get3A_330 : vector<1024x1xf32> to vector<1024x576xf32>
    %add3A_332 = vector.broadcast %add3A_327 : vector<1x576xf32> to vector<1024x576xf32>
    %add3A_333 = arith.addf %add3A_331, %add3A_332 : vector<1024x576xf32>
    %mul3A_334 = arith.constant 2.000000e+00 : f32
    %mul3A_335 = vector.broadcast %mul3A_334 : f32 to vector<1024x576xf32>
    %mul3A_336 = arith.mulf %mul3A_335, %dot_general3A_308 : vector<1024x576xf32>
    %sub3A_337 = arith.subf %add3A_333, %mul3A_336 : vector<1024x576xf32>
    %reduce_min3A_338 = arith.constant dense<0x7F800000> : vector<576xf32>
    %reduce_min3A_339 = vector.multi_reduction <minimumf>, %sub3A_337, %reduce_min3A_338 [0] : vector<1024x576xf32> to vector<576xf32>
    %broadcast_in_dim3A_340 = vector.shape_cast %reduce_min3A_339 : vector<576xf32> to vector<1x576xf32>
    %iota3A_341 = tpu.iota {dimensions = array<i32: 0>} : vector<1024x576xi32>
    %eq3A_342 = vector.broadcast %broadcast_in_dim3A_340 : vector<1x576xf32> to vector<1024x576xf32>
    %eq3A_343 = arith.cmpf oeq, %sub3A_337, %eq3A_342 : vector<1024x576xf32>
    %jit3A_344 = arith.constant 1024 : i32
    %broadcast_in_dim3A_345 = vector.broadcast %jit3A_344 : i32 to vector<1024x576xi32>
    %select_n3A_346 = arith.select %eq3A_343, %iota3A_341, %broadcast_in_dim3A_345 : vector<1024x576xi1>, vector<1024x576xi32>
    %reduce_min3A_347 = arith.constant dense<2147483647> : vector<576xi32>
    %reduce_min3A_348 = vector.multi_reduction <minsi>, %select_n3A_346, %reduce_min3A_347 [0] : vector<1024x576xi32> to vector<576xi32>
    %swap3A_349 = arith.constant 6 : index
    %swap3A_350 = arith.constant 0 : index
    %swap3A_351 = vector.load %arg4[%swap3A_349, %swap3A_350] : memref<8x576xi32, #tpu.memory_space<vmem>>, vector<1x576xi32>
    %swap3A_352 = vector.shape_cast %swap3A_351 : vector<1x576xi32> to vector<576xi32>
    %swap3A_353 = vector.shape_cast %reduce_min3A_348 : vector<576xi32> to vector<1x576xi32>
    tpu.vector_store %arg4[%swap3A_349, %swap3A_350], %swap3A_353 {strides = array<i32>} : memref<8x576xi32, #tpu.memory_space<vmem>>, vector<1x576xi32>,
    %get3A_354 = arith.constant 7 : index
    %get3A_355 = arith.constant 0 : index
    %get3A_356 = arith.constant 0 : index
    %get3A_357 = vector.load %arg1[%get3A_354, %get3A_355, %get3A_356] : memref<8x64x576xf32, #tpu.memory_space<vmem>>, vector<1x64x576xf32>
    %get3A_358 = vector.shape_cast %get3A_357 : vector<1x64x576xf32> to vector<64x576xf32>
    %dot_general3A_359 = arith.constant dense<0.000000e+00> : vector<1024x576xf32>
    %dot_general3A_360 = tpu.matmul %get3A_1, %get3A_358, %dot_general3A_359 {dimension_numbers = #tpu.dot_dimension_numbers<[1], [0], [0], [1], [0, 0, 1, 1], [], []>, transpose_lhs_hint = false} : vector<1024x64xf32>, vector<64x576xf32>, vector<1024x576xf32> -> vector<1024x576xf32>
    %mul3A_361 = arith.mulf %get3A_358, %get3A_358 : vector<64x576xf32>
    %slice3A_362 = vector.extract_strided_slice %mul3A_361 {offsets = [0, 0], sizes = [32, 576], strides = [1, 1]} : vector<64x576xf32> to vector<32x576xf32>
    %slice3A_363 = vector.extract_strided_slice %mul3A_361 {offsets = [32, 0], sizes = [32, 576], strides = [1, 1]} : vector<64x576xf32> to vector<32x576xf32>
    %add3A_364 = arith.addf %slice3A_362, %slice3A_363 : vector<32x576xf32>
    %slice3A_365 = vector.extract_strided_slice %add3A_364 {offsets = [0, 0], sizes = [16, 576], strides = [1, 1]} : vector<32x576xf32> to vector<16x576xf32>
    %slice3A_366 = vector.extract_strided_slice %add3A_364 {offsets = [16, 0], sizes = [16, 576], strides = [1, 1]} : vector<32x576xf32> to vector<16x576xf32>
    %add3A_367 = arith.addf %slice3A_365, %slice3A_366 : vector<16x576xf32>
    %slice3A_368 = vector.extract_strided_slice %add3A_367 {offsets = [0, 0], sizes = [8, 576], strides = [1, 1]} : vector<16x576xf32> to vector<8x576xf32>
    %slice3A_369 = vector.extract_strided_slice %add3A_367 {offsets = [8, 0], sizes = [8, 576], strides = [1, 1]} : vector<16x576xf32> to vector<8x576xf32>
    %add3A_370 = arith.addf %slice3A_368, %slice3A_369 : vector<8x576xf32>
    %slice3A_371 = vector.extract_strided_slice %add3A_370 {offsets = [0, 0], sizes = [4, 576], strides = [1, 1]} : vector<8x576xf32> to vector<4x576xf32>
    %slice3A_372 = vector.extract_strided_slice %add3A_370 {offsets = [4, 0], sizes = [4, 576], strides = [1, 1]} : vector<8x576xf32> to vector<4x576xf32>
    %add3A_373 = arith.addf %slice3A_371, %slice3A_372 : vector<4x576xf32>
    %slice3A_374 = vector.extract_strided_slice %add3A_373 {offsets = [0, 0], sizes = [2, 576], strides = [1, 1]} : vector<4x576xf32> to vector<2x576xf32>
    %slice3A_375 = vector.extract_strided_slice %add3A_373 {offsets = [2, 0], sizes = [2, 576], strides = [1, 1]} : vector<4x576xf32> to vector<2x576xf32>
    %add3A_376 = arith.addf %slice3A_374, %slice3A_375 : vector<2x576xf32>
    %slice3A_377 = vector.extract_strided_slice %add3A_376 {offsets = [0, 0], sizes = [1, 576], strides = [1, 1]} : vector<2x576xf32> to vector<1x576xf32>
    %slice3A_378 = vector.extract_strided_slice %add3A_376 {offsets = [1, 0], sizes = [1, 576], strides = [1, 1]} : vector<2x576xf32> to vector<1x576xf32>
    %add3A_379 = arith.addf %slice3A_377, %slice3A_378 : vector<1x576xf32>
    %get3A_380 = arith.constant 0 : index
    %get3A_381 = arith.constant 0 : index
    %get3A_382 = vector.load %arg3[%get3A_380, %get3A_381] : memref<1024x1xf32, #tpu.memory_space<vmem>>, vector<1024x1xf32>
    %add3A_383 = vector.broadcast %get3A_382 : vector<1024x1xf32> to vector<1024x576xf32>
    %add3A_384 = vector.broadcast %add3A_379 : vector<1x576xf32> to vector<1024x576xf32>
    %add3A_385 = arith.addf %add3A_383, %add3A_384 : vector<1024x576xf32>
    %mul3A_386 = arith.constant 2.000000e+00 : f32
    %mul3A_387 = vector.broadcast %mul3A_386 : f32 to vector<1024x576xf32>
    %mul3A_388 = arith.mulf %mul3A_387, %dot_general3A_360 : vector<1024x576xf32>
    %sub3A_389 = arith.subf %add3A_385, %mul3A_388 : vector<1024x576xf32>
    %reduce_min3A_390 = arith.constant dense<0x7F800000> : vector<576xf32>
    %reduce_min3A_391 = vector.multi_reduction <minimumf>, %sub3A_389, %reduce_min3A_390 [0] : vector<1024x576xf32> to vector<576xf32>
    %broadcast_in_dim3A_392 = vector.shape_cast %reduce_min3A_391 : vector<576xf32> to vector<1x576xf32>
    %iota3A_393 = tpu.iota {dimensions = array<i32: 0>} : vector<1024x576xi32>
    %eq3A_394 = vector.broadcast %broadcast_in_dim3A_392 : vector<1x576xf32> to vector<1024x576xf32>
    %eq3A_395 = arith.cmpf oeq, %sub3A_389, %eq3A_394 : vector<1024x576xf32>
    %jit3A_396 = arith.constant 1024 : i32
    %broadcast_in_dim3A_397 = vector.broadcast %jit3A_396 : i32 to vector<1024x576xi32>
    %select_n3A_398 = arith.select %eq3A_395, %iota3A_393, %broadcast_in_dim3A_397 : vector<1024x576xi1>, vector<1024x576xi32>
    %reduce_min3A_399 = arith.constant dense<2147483647> : vector<576xi32>
    %reduce_min3A_400 = vector.multi_reduction <minsi>, %select_n3A_398, %reduce_min3A_399 [0] : vector<1024x576xi32> to vector<576xi32>
    %swap3A_401 = arith.constant 7 : index
    %swap3A_402 = arith.constant 0 : index
    %swap3A_403 = vector.load %arg4[%swap3A_401, %swap3A_402] : memref<8x576xi32, #tpu.memory_space<vmem>>, vector<1x576xi32>
    %swap3A_404 = vector.shape_cast %swap3A_403 : vector<1x576xi32> to vector<576xi32>
    %swap3A_405 = vector.shape_cast %reduce_min3A_400 : vector<576xi32> to vector<1x576xi32>
    tpu.vector_store %arg4[%swap3A_401, %swap3A_402], %swap3A_405 {strides = array<i32>} : memref<8x576xi32, #tpu.memory_space<vmem>>, vector<1x576xi32>,
    return
  }
  func.func @transform_0(%arg0: i32) -> (i32, i32, i32) {
    %add3A = arith.constant 0 : i32
    %add3A_0 = arith.addi %arg0, %add3A : i32
    %c0_i32 = arith.constant 0 : i32
    %c0_i32_1 = arith.constant 0 : i32
    %c0_i32_2 = arith.constant 0 : i32
    return %add3A_0, %c0_i32, %c0_i32_1 : i32, i32, i32
  }
  func.func @transform_1(%arg0: i32) -> (i32, i32) {
    %c0_i32 = arith.constant 0 : i32
    %c0_i32_0 = arith.constant 0 : i32
    %c0_i32_1 = arith.constant 0 : i32
    return %c0_i32, %c0_i32_0 : i32, i32
  }
  func.func @transform_2(%arg0: i32) -> (i32, i32) {
    %c0_i32 = arith.constant 0 : i32
    %c0_i32_0 = arith.constant 0 : i32
    %c0_i32_1 = arith.constant 0 : i32
    return %c0_i32, %c0_i32_0 : i32, i32
  }
  func.func @transform_3(%arg0: i32) -> (i32, i32) {
    %c0_i32 = arith.constant 0 : i32
    %c0_i32_0 = arith.constant 0 : i32
    return %arg0, %c0_i32 : i32, i32
  }
}

module attributes {stable_mosaic.version = 14 : i64} {
  func.func @_argmin_body(%arg0: i32, %arg1: memref<8x64x576xf32, #tpu.memory_space<vmem>>, %arg2: memref<1024x64xf32, #tpu.memory_space<vmem>>, %arg3: memref<1024x1xf32, #tpu.memory_space<vmem>>, %arg4: memref<8x576xi32, #tpu.memory_space<vmem>>) attributes {dimension_semantics = [#tpu.dimension_semantics<arbitrary>], iteration_bounds = array<i64: 4>, scalar_prefetch = 0 : i64, scratch_operands = 0 : i64, tpu.core_type = #tpu.core_type<tc>, window_params = [{transform_indices = @transform_0, window_bounds = array<i64: 8, 64, 576>}, {pipeline_mode = #tpu.pipeline_mode<synchronous>, transform_indices = @transform_1, window_bounds = array<i64: 1024, 64>}, {pipeline_mode = #tpu.pipeline_mode<synchronous>, transform_indices = @transform_2, window_bounds = array<i64: 1024, 1>}, {transform_indices = @transform_3, window_bounds = array<i64: 8, 576>}]} {
    %get3A = arith.constant 0 : index
    %get3A_0 = arith.constant 0 : index
    %get3A_1 = vector.load %arg2[%get3A, %get3A_0] : memref<1024x64xf32, #tpu.memory_space<vmem>>, vector<1024x64xf32>
    %get3A_2 = arith.constant 0 : index
    %get3A_3 = arith.constant 0 : index
    %get3A_4 = arith.constant 0 : index
    %get3A_5 = vector.load %arg1[%get3A_2, %get3A_3, %get3A_4] : memref<8x64x576xf32, #tpu.memory_space<vmem>>, vector<1x64x576xf32>
    %get3A_6 = vector.shape_cast %get3A_5 : vector<1x64x576xf32> to vector<64x576xf32>
    %dot_general3A = arith.constant dense<0.000000e+00> : vector<1024x576xf32>
    %dot_general3A_7 = tpu.matmul %get3A_1, %get3A_6, %dot_general3A {dimension_numbers = #tpu.dot_dimension_numbers<[1], [0], [0], [1], [0, 0, 1, 1], [], []>, transpose_lhs_hint = false} : vector<1024x64xf32>, vector<64x576xf32>, vector<1024x576xf32> -> vector<1024x576xf32>
    %mul3A = arith.mulf %get3A_6, %get3A_6 : vector<64x576xf32>
    %slice3A = vector.extract_strided_slice %mul3A {offsets = [0, 0], sizes = [32, 576], strides = [1, 1]} : vector<64x576xf32> to vector<32x576xf32>
    %slice3A_8 = vector.extract_strided_slice %mul3A {offsets = [32, 0], sizes = [32, 576], strides = [1, 1]} : vector<64x576xf32> to vector<32x576xf32>
    %add3A = arith.addf %slice3A, %slice3A_8 : vector<32x576xf32>
    %slice3A_9 = vector.extract_strided_slice %add3A {offsets = [0, 0], sizes = [16, 576], strides = [1, 1]} : vector<32x576xf32> to vector<16x576xf32>
    %slice3A_10 = vector.extract_strided_slice %add3A {offsets = [16, 0], sizes = [16, 576], strides = [1, 1]} : vector<32x576xf32> to vector<16x576xf32>
    %add3A_11 = arith.addf %slice3A_9, %slice3A_10 : vector<16x576xf32>
    %slice3A_12 = vector.extract_strided_slice %add3A_11 {offsets = [0, 0], sizes = [8, 576], strides = [1, 1]} : vector<16x576xf32> to vector<8x576xf32>
    %slice3A_13 = vector.extract_strided_slice %add3A_11 {offsets = [8, 0], sizes = [8, 576], strides = [1, 1]} : vector<16x576xf32> to vector<8x576xf32>
    %add3A_14 = arith.addf %slice3A_12, %slice3A_13 : vector<8x576xf32>
    %slice3A_15 = vector.extract_strided_slice %add3A_14 {offsets = [0, 0], sizes = [4, 576], strides = [1, 1]} : vector<8x576xf32> to vector<4x576xf32>
    %slice3A_16 = vector.extract_strided_slice %add3A_14 {offsets = [4, 0], sizes = [4, 576], strides = [1, 1]} : vector<8x576xf32> to vector<4x576xf32>
    %add3A_17 = arith.addf %slice3A_15, %slice3A_16 : vector<4x576xf32>
    %slice3A_18 = vector.extract_strided_slice %add3A_17 {offsets = [0, 0], sizes = [2, 576], strides = [1, 1]} : vector<4x576xf32> to vector<2x576xf32>
    %slice3A_19 = vector.extract_strided_slice %add3A_17 {offsets = [2, 0], sizes = [2, 576], strides = [1, 1]} : vector<4x576xf32> to vector<2x576xf32>
    %add3A_20 = arith.addf %slice3A_18, %slice3A_19 : vector<2x576xf32>
    %slice3A_21 = vector.extract_strided_slice %add3A_20 {offsets = [0, 0], sizes = [1, 576], strides = [1, 1]} : vector<2x576xf32> to vector<1x576xf32>
    %slice3A_22 = vector.extract_strided_slice %add3A_20 {offsets = [1, 0], sizes = [1, 576], strides = [1, 1]} : vector<2x576xf32> to vector<1x576xf32>
    %add3A_23 = arith.addf %slice3A_21, %slice3A_22 : vector<1x576xf32>
    %get3A_24 = arith.constant 0 : index
    %get3A_25 = arith.constant 0 : index
    %get3A_26 = vector.load %arg3[%get3A_24, %get3A_25] : memref<1024x1xf32, #tpu.memory_space<vmem>>, vector<1024x1xf32>
    %add3A_27 = vector.broadcast %get3A_26 : vector<1024x1xf32> to vector<1024x576xf32>
    %add3A_28 = vector.broadcast %add3A_23 : vector<1x576xf32> to vector<1024x576xf32>
    %add3A_29 = arith.addf %add3A_27, %add3A_28 : vector<1024x576xf32>
    %mul3A_30 = arith.constant 2.000000e+00 : f32
    %mul3A_31 = vector.broadcast %mul3A_30 : f32 to vector<1024x576xf32>
    %mul3A_32 = arith.mulf %mul3A_31, %dot_general3A_7 : vector<1024x576xf32>
    %sub3A = arith.subf %add3A_29, %mul3A_32 : vector<1024x576xf32>
    %reduce_min3A = arith.constant dense<0x7F800000> : vector<576xf32>
    %reduce_min3A_33 = vector.multi_reduction <minimumf>, %sub3A, %reduce_min3A [0] : vector<1024x576xf32> to vector<576xf32>
    %broadcast_in_dim3A = vector.shape_cast %reduce_min3A_33 : vector<576xf32> to vector<1x576xf32>
    %iota3A = tpu.iota {dimensions = array<i32: 0>} : vector<1024x576xi32>
    %eq3A = vector.broadcast %broadcast_in_dim3A : vector<1x576xf32> to vector<1024x576xf32>
    %eq3A_34 = arith.cmpf oeq, %sub3A, %eq3A : vector<1024x576xf32>
    %jit3A = arith.constant 1024 : i32
    %broadcast_in_dim3A_35 = vector.broadcast %jit3A : i32 to vector<1024x576xi32>
    %select_n3A = arith.select %eq3A_34, %iota3A, %broadcast_in_dim3A_35 : vector<1024x576xi1>, vector<1024x576xi32>
    %reduce_min3A_36 = arith.constant dense<2147483647> : vector<576xi32>
    %reduce_min3A_37 = vector.multi_reduction <minsi>, %select_n3A, %reduce_min3A_36 [0] : vector<1024x576xi32> to vector<576xi32>
    %swap3A = arith.constant 0 : index
    %swap3A_38 = arith.constant 0 : index
    %swap3A_39 = vector.load %arg4[%swap3A, %swap3A_38] : memref<8x576xi32, #tpu.memory_space<vmem>>, vector<1x576xi32>
    %swap3A_40 = vector.shape_cast %swap3A_39 : vector<1x576xi32> to vector<576xi32>
    %swap3A_41 = vector.shape_cast %reduce_min3A_37 : vector<576xi32> to vector<1x576xi32>
    tpu.vector_store %arg4[%swap3A, %swap3A_38], %swap3A_41 {strides = array<i32>} : memref<8x576xi32, #tpu.memory_space<vmem>>, vector<1x576xi32>,
    %get3A_42 = arith.constant 1 : index
    %get3A_43 = arith.constant 0 : index
    %get3A_44 = arith.constant 0 : index
    %get3A_45 = vector.load %arg1[%get3A_42, %get3A_43, %get3A_44] : memref<8x64x576xf32, #tpu.memory_space<vmem>>, vector<1x64x576xf32>
    %get3A_46 = vector.shape_cast %get3A_45 : vector<1x64x576xf32> to vector<64x576xf32>
    %dot_general3A_47 = arith.constant dense<0.000000e+00> : vector<1024x576xf32>
    %dot_general3A_48 = tpu.matmul %get3A_1, %get3A_46, %dot_general3A_47 {dimension_numbers = #tpu.dot_dimension_numbers<[1], [0], [0], [1], [0, 0, 1, 1], [], []>, transpose_lhs_hint = false} : vector<1024x64xf32>, vector<64x576xf32>, vector<1024x576xf32> -> vector<1024x576xf32>
    %mul3A_49 = arith.mulf %get3A_46, %get3A_46 : vector<64x576xf32>
    %slice3A_50 = vector.extract_strided_slice %mul3A_49 {offsets = [0, 0], sizes = [32, 576], strides = [1, 1]} : vector<64x576xf32> to vector<32x576xf32>
    %slice3A_51 = vector.extract_strided_slice %mul3A_49 {offsets = [32, 0], sizes = [32, 576], strides = [1, 1]} : vector<64x576xf32> to vector<32x576xf32>
    %add3A_52 = arith.addf %slice3A_50, %slice3A_51 : vector<32x576xf32>
    %slice3A_53 = vector.extract_strided_slice %add3A_52 {offsets = [0, 0], sizes = [16, 576], strides = [1, 1]} : vector<32x576xf32> to vector<16x576xf32>
    %slice3A_54 = vector.extract_strided_slice %add3A_52 {offsets = [16, 0], sizes = [16, 576], strides = [1, 1]} : vector<32x576xf32> to vector<16x576xf32>
    %add3A_55 = arith.addf %slice3A_53, %slice3A_54 : vector<16x576xf32>
    %slice3A_56 = vector.extract_strided_slice %add3A_55 {offsets = [0, 0], sizes = [8, 576], strides = [1, 1]} : vector<16x576xf32> to vector<8x576xf32>
    %slice3A_57 = vector.extract_strided_slice %add3A_55 {offsets = [8, 0], sizes = [8, 576], strides = [1, 1]} : vector<16x576xf32> to vector<8x576xf32>
    %add3A_58 = arith.addf %slice3A_56, %slice3A_57 : vector<8x576xf32>
    %slice3A_59 = vector.extract_strided_slice %add3A_58 {offsets = [0, 0], sizes = [4, 576], strides = [1, 1]} : vector<8x576xf32> to vector<4x576xf32>
    %slice3A_60 = vector.extract_strided_slice %add3A_58 {offsets = [4, 0], sizes = [4, 576], strides = [1, 1]} : vector<8x576xf32> to vector<4x576xf32>
    %add3A_61 = arith.addf %slice3A_59, %slice3A_60 : vector<4x576xf32>
    %slice3A_62 = vector.extract_strided_slice %add3A_61 {offsets = [0, 0], sizes = [2, 576], strides = [1, 1]} : vector<4x576xf32> to vector<2x576xf32>
    %slice3A_63 = vector.extract_strided_slice %add3A_61 {offsets = [2, 0], sizes = [2, 576], strides = [1, 1]} : vector<4x576xf32> to vector<2x576xf32>
    %add3A_64 = arith.addf %slice3A_62, %slice3A_63 : vector<2x576xf32>
    %slice3A_65 = vector.extract_strided_slice %add3A_64 {offsets = [0, 0], sizes = [1, 576], strides = [1, 1]} : vector<2x576xf32> to vector<1x576xf32>
    %slice3A_66 = vector.extract_strided_slice %add3A_64 {offsets = [1, 0], sizes = [1, 576], strides = [1, 1]} : vector<2x576xf32> to vector<1x576xf32>
    %add3A_67 = arith.addf %slice3A_65, %slice3A_66 : vector<1x576xf32>
    %get3A_68 = arith.constant 0 : index
    %get3A_69 = arith.constant 0 : index
    %get3A_70 = vector.load %arg3[%get3A_68, %get3A_69] : memref<1024x1xf32, #tpu.memory_space<vmem>>, vector<1024x1xf32>
    %add3A_71 = vector.broadcast %get3A_70 : vector<1024x1xf32> to vector<1024x576xf32>
    %add3A_72 = vector.broadcast %add3A_67 : vector<1x576xf32> to vector<1024x576xf32>
    %add3A_73 = arith.addf %add3A_71, %add3A_72 : vector<1024x576xf32>
    %mul3A_74 = arith.constant 2.000000e+00 : f32
    %mul3A_75 = vector.broadcast %mul3A_74 : f32 to vector<1024x576xf32>
    %mul3A_76 = arith.mulf %mul3A_75, %dot_general3A_48 : vector<1024x576xf32>
    %sub3A_77 = arith.subf %add3A_73, %mul3A_76 : vector<1024x576xf32>
    %reduce_min3A_78 = arith.constant dense<0x7F800000> : vector<576xf32>
    %reduce_min3A_79 = vector.multi_reduction <minimumf>, %sub3A_77, %reduce_min3A_78 [0] : vector<1024x576xf32> to vector<576xf32>
    %broadcast_in_dim3A_80 = vector.shape_cast %reduce_min3A_79 : vector<576xf32> to vector<1x576xf32>
    %iota3A_81 = tpu.iota {dimensions = array<i32: 0>} : vector<1024x576xi32>
    %eq3A_82 = vector.broadcast %broadcast_in_dim3A_80 : vector<1x576xf32> to vector<1024x576xf32>
    %eq3A_83 = arith.cmpf oeq, %sub3A_77, %eq3A_82 : vector<1024x576xf32>
    %jit3A_84 = arith.constant 1024 : i32
    %broadcast_in_dim3A_85 = vector.broadcast %jit3A_84 : i32 to vector<1024x576xi32>
    %select_n3A_86 = arith.select %eq3A_83, %iota3A_81, %broadcast_in_dim3A_85 : vector<1024x576xi1>, vector<1024x576xi32>
    %reduce_min3A_87 = arith.constant dense<2147483647> : vector<576xi32>
    %reduce_min3A_88 = vector.multi_reduction <minsi>, %select_n3A_86, %reduce_min3A_87 [0] : vector<1024x576xi32> to vector<576xi32>
    %swap3A_89 = arith.constant 1 : index
    %swap3A_90 = arith.constant 0 : index
    %swap3A_91 = vector.load %arg4[%swap3A_89, %swap3A_90] : memref<8x576xi32, #tpu.memory_space<vmem>>, vector<1x576xi32>
    %swap3A_92 = vector.shape_cast %swap3A_91 : vector<1x576xi32> to vector<576xi32>
    %swap3A_93 = vector.shape_cast %reduce_min3A_88 : vector<576xi32> to vector<1x576xi32>
    tpu.vector_store %arg4[%swap3A_89, %swap3A_90], %swap3A_93 {strides = array<i32>} : memref<8x576xi32, #tpu.memory_space<vmem>>, vector<1x576xi32>,
    %get3A_94 = arith.constant 2 : index
    %get3A_95 = arith.constant 0 : index
    %get3A_96 = arith.constant 0 : index
    %get3A_97 = vector.load %arg1[%get3A_94, %get3A_95, %get3A_96] : memref<8x64x576xf32, #tpu.memory_space<vmem>>, vector<1x64x576xf32>
    %get3A_98 = vector.shape_cast %get3A_97 : vector<1x64x576xf32> to vector<64x576xf32>
    %dot_general3A_99 = arith.constant dense<0.000000e+00> : vector<1024x576xf32>
    %dot_general3A_100 = tpu.matmul %get3A_1, %get3A_98, %dot_general3A_99 {dimension_numbers = #tpu.dot_dimension_numbers<[1], [0], [0], [1], [0, 0, 1, 1], [], []>, transpose_lhs_hint = false} : vector<1024x64xf32>, vector<64x576xf32>, vector<1024x576xf32> -> vector<1024x576xf32>
    %mul3A_101 = arith.mulf %get3A_98, %get3A_98 : vector<64x576xf32>
    %slice3A_102 = vector.extract_strided_slice %mul3A_101 {offsets = [0, 0], sizes = [32, 576], strides = [1, 1]} : vector<64x576xf32> to vector<32x576xf32>
    %slice3A_103 = vector.extract_strided_slice %mul3A_101 {offsets = [32, 0], sizes = [32, 576], strides = [1, 1]} : vector<64x576xf32> to vector<32x576xf32>
    %add3A_104 = arith.addf %slice3A_102, %slice3A_103 : vector<32x576xf32>
    %slice3A_105 = vector.extract_strided_slice %add3A_104 {offsets = [0, 0], sizes = [16, 576], strides = [1, 1]} : vector<32x576xf32> to vector<16x576xf32>
    %slice3A_106 = vector.extract_strided_slice %add3A_104 {offsets = [16, 0], sizes = [16, 576], strides = [1, 1]} : vector<32x576xf32> to vector<16x576xf32>
    %add3A_107 = arith.addf %slice3A_105, %slice3A_106 : vector<16x576xf32>
    %slice3A_108 = vector.extract_strided_slice %add3A_107 {offsets = [0, 0], sizes = [8, 576], strides = [1, 1]} : vector<16x576xf32> to vector<8x576xf32>
    %slice3A_109 = vector.extract_strided_slice %add3A_107 {offsets = [8, 0], sizes = [8, 576], strides = [1, 1]} : vector<16x576xf32> to vector<8x576xf32>
    %add3A_110 = arith.addf %slice3A_108, %slice3A_109 : vector<8x576xf32>
    %slice3A_111 = vector.extract_strided_slice %add3A_110 {offsets = [0, 0], sizes = [4, 576], strides = [1, 1]} : vector<8x576xf32> to vector<4x576xf32>
    %slice3A_112 = vector.extract_strided_slice %add3A_110 {offsets = [4, 0], sizes = [4, 576], strides = [1, 1]} : vector<8x576xf32> to vector<4x576xf32>
    %add3A_113 = arith.addf %slice3A_111, %slice3A_112 : vector<4x576xf32>
    %slice3A_114 = vector.extract_strided_slice %add3A_113 {offsets = [0, 0], sizes = [2, 576], strides = [1, 1]} : vector<4x576xf32> to vector<2x576xf32>
    %slice3A_115 = vector.extract_strided_slice %add3A_113 {offsets = [2, 0], sizes = [2, 576], strides = [1, 1]} : vector<4x576xf32> to vector<2x576xf32>
    %add3A_116 = arith.addf %slice3A_114, %slice3A_115 : vector<2x576xf32>
    %slice3A_117 = vector.extract_strided_slice %add3A_116 {offsets = [0, 0], sizes = [1, 576], strides = [1, 1]} : vector<2x576xf32> to vector<1x576xf32>
    %slice3A_118 = vector.extract_strided_slice %add3A_116 {offsets = [1, 0], sizes = [1, 576], strides = [1, 1]} : vector<2x576xf32> to vector<1x576xf32>
    %add3A_119 = arith.addf %slice3A_117, %slice3A_118 : vector<1x576xf32>
    %get3A_120 = arith.constant 0 : index
    %get3A_121 = arith.constant 0 : index
    %get3A_122 = vector.load %arg3[%get3A_120, %get3A_121] : memref<1024x1xf32, #tpu.memory_space<vmem>>, vector<1024x1xf32>
    %add3A_123 = vector.broadcast %get3A_122 : vector<1024x1xf32> to vector<1024x576xf32>
    %add3A_124 = vector.broadcast %add3A_119 : vector<1x576xf32> to vector<1024x576xf32>
    %add3A_125 = arith.addf %add3A_123, %add3A_124 : vector<1024x576xf32>
    %mul3A_126 = arith.constant 2.000000e+00 : f32
    %mul3A_127 = vector.broadcast %mul3A_126 : f32 to vector<1024x576xf32>
    %mul3A_128 = arith.mulf %mul3A_127, %dot_general3A_100 : vector<1024x576xf32>
    %sub3A_129 = arith.subf %add3A_125, %mul3A_128 : vector<1024x576xf32>
    %reduce_min3A_130 = arith.constant dense<0x7F800000> : vector<576xf32>
    %reduce_min3A_131 = vector.multi_reduction <minimumf>, %sub3A_129, %reduce_min3A_130 [0] : vector<1024x576xf32> to vector<576xf32>
    %broadcast_in_dim3A_132 = vector.shape_cast %reduce_min3A_131 : vector<576xf32> to vector<1x576xf32>
    %iota3A_133 = tpu.iota {dimensions = array<i32: 0>} : vector<1024x576xi32>
    %eq3A_134 = vector.broadcast %broadcast_in_dim3A_132 : vector<1x576xf32> to vector<1024x576xf32>
    %eq3A_135 = arith.cmpf oeq, %sub3A_129, %eq3A_134 : vector<1024x576xf32>
    %jit3A_136 = arith.constant 1024 : i32
    %broadcast_in_dim3A_137 = vector.broadcast %jit3A_136 : i32 to vector<1024x576xi32>
    %select_n3A_138 = arith.select %eq3A_135, %iota3A_133, %broadcast_in_dim3A_137 : vector<1024x576xi1>, vector<1024x576xi32>
    %reduce_min3A_139 = arith.constant dense<2147483647> : vector<576xi32>
    %reduce_min3A_140 = vector.multi_reduction <minsi>, %select_n3A_138, %reduce_min3A_139 [0] : vector<1024x576xi32> to vector<576xi32>
    %swap3A_141 = arith.constant 2 : index
    %swap3A_142 = arith.constant 0 : index
    %swap3A_143 = vector.load %arg4[%swap3A_141, %swap3A_142] : memref<8x576xi32, #tpu.memory_space<vmem>>, vector<1x576xi32>
    %swap3A_144 = vector.shape_cast %swap3A_143 : vector<1x576xi32> to vector<576xi32>
    %swap3A_145 = vector.shape_cast %reduce_min3A_140 : vector<576xi32> to vector<1x576xi32>
    tpu.vector_store %arg4[%swap3A_141, %swap3A_142], %swap3A_145 {strides = array<i32>} : memref<8x576xi32, #tpu.memory_space<vmem>>, vector<1x576xi32>,
    %get3A_146 = arith.constant 3 : index
    %get3A_147 = arith.constant 0 : index
    %get3A_148 = arith.constant 0 : index
    %get3A_149 = vector.load %arg1[%get3A_146, %get3A_147, %get3A_148] : memref<8x64x576xf32, #tpu.memory_space<vmem>>, vector<1x64x576xf32>
    %get3A_150 = vector.shape_cast %get3A_149 : vector<1x64x576xf32> to vector<64x576xf32>
    %dot_general3A_151 = arith.constant dense<0.000000e+00> : vector<1024x576xf32>
    %dot_general3A_152 = tpu.matmul %get3A_1, %get3A_150, %dot_general3A_151 {dimension_numbers = #tpu.dot_dimension_numbers<[1], [0], [0], [1], [0, 0, 1, 1], [], []>, transpose_lhs_hint = false} : vector<1024x64xf32>, vector<64x576xf32>, vector<1024x576xf32> -> vector<1024x576xf32>
    %mul3A_153 = arith.mulf %get3A_150, %get3A_150 : vector<64x576xf32>
    %slice3A_154 = vector.extract_strided_slice %mul3A_153 {offsets = [0, 0], sizes = [32, 576], strides = [1, 1]} : vector<64x576xf32> to vector<32x576xf32>
    %slice3A_155 = vector.extract_strided_slice %mul3A_153 {offsets = [32, 0], sizes = [32, 576], strides = [1, 1]} : vector<64x576xf32> to vector<32x576xf32>
    %add3A_156 = arith.addf %slice3A_154, %slice3A_155 : vector<32x576xf32>
    %slice3A_157 = vector.extract_strided_slice %add3A_156 {offsets = [0, 0], sizes = [16, 576], strides = [1, 1]} : vector<32x576xf32> to vector<16x576xf32>
    %slice3A_158 = vector.extract_strided_slice %add3A_156 {offsets = [16, 0], sizes = [16, 576], strides = [1, 1]} : vector<32x576xf32> to vector<16x576xf32>
    %add3A_159 = arith.addf %slice3A_157, %slice3A_158 : vector<16x576xf32>
    %slice3A_160 = vector.extract_strided_slice %add3A_159 {offsets = [0, 0], sizes = [8, 576], strides = [1, 1]} : vector<16x576xf32> to vector<8x576xf32>
    %slice3A_161 = vector.extract_strided_slice %add3A_159 {offsets = [8, 0], sizes = [8, 576], strides = [1, 1]} : vector<16x576xf32> to vector<8x576xf32>
    %add3A_162 = arith.addf %slice3A_160, %slice3A_161 : vector<8x576xf32>
    %slice3A_163 = vector.extract_strided_slice %add3A_162 {offsets = [0, 0], sizes = [4, 576], strides = [1, 1]} : vector<8x576xf32> to vector<4x576xf32>
    %slice3A_164 = vector.extract_strided_slice %add3A_162 {offsets = [4, 0], sizes = [4, 576], strides = [1, 1]} : vector<8x576xf32> to vector<4x576xf32>
    %add3A_165 = arith.addf %slice3A_163, %slice3A_164 : vector<4x576xf32>
    %slice3A_166 = vector.extract_strided_slice %add3A_165 {offsets = [0, 0], sizes = [2, 576], strides = [1, 1]} : vector<4x576xf32> to vector<2x576xf32>
    %slice3A_167 = vector.extract_strided_slice %add3A_165 {offsets = [2, 0], sizes = [2, 576], strides = [1, 1]} : vector<4x576xf32> to vector<2x576xf32>
    %add3A_168 = arith.addf %slice3A_166, %slice3A_167 : vector<2x576xf32>
    %slice3A_169 = vector.extract_strided_slice %add3A_168 {offsets = [0, 0], sizes = [1, 576], strides = [1, 1]} : vector<2x576xf32> to vector<1x576xf32>
    %slice3A_170 = vector.extract_strided_slice %add3A_168 {offsets = [1, 0], sizes = [1, 576], strides = [1, 1]} : vector<2x576xf32> to vector<1x576xf32>
    %add3A_171 = arith.addf %slice3A_169, %slice3A_170 : vector<1x576xf32>
    %get3A_172 = arith.constant 0 : index
    %get3A_173 = arith.constant 0 : index
    %get3A_174 = vector.load %arg3[%get3A_172, %get3A_173] : memref<1024x1xf32, #tpu.memory_space<vmem>>, vector<1024x1xf32>
    %add3A_175 = vector.broadcast %get3A_174 : vector<1024x1xf32> to vector<1024x576xf32>
    %add3A_176 = vector.broadcast %add3A_171 : vector<1x576xf32> to vector<1024x576xf32>
    %add3A_177 = arith.addf %add3A_175, %add3A_176 : vector<1024x576xf32>
    %mul3A_178 = arith.constant 2.000000e+00 : f32
    %mul3A_179 = vector.broadcast %mul3A_178 : f32 to vector<1024x576xf32>
    %mul3A_180 = arith.mulf %mul3A_179, %dot_general3A_152 : vector<1024x576xf32>
    %sub3A_181 = arith.subf %add3A_177, %mul3A_180 : vector<1024x576xf32>
    %reduce_min3A_182 = arith.constant dense<0x7F800000> : vector<576xf32>
    %reduce_min3A_183 = vector.multi_reduction <minimumf>, %sub3A_181, %reduce_min3A_182 [0] : vector<1024x576xf32> to vector<576xf32>
    %broadcast_in_dim3A_184 = vector.shape_cast %reduce_min3A_183 : vector<576xf32> to vector<1x576xf32>
    %iota3A_185 = tpu.iota {dimensions = array<i32: 0>} : vector<1024x576xi32>
    %eq3A_186 = vector.broadcast %broadcast_in_dim3A_184 : vector<1x576xf32> to vector<1024x576xf32>
    %eq3A_187 = arith.cmpf oeq, %sub3A_181, %eq3A_186 : vector<1024x576xf32>
    %jit3A_188 = arith.constant 1024 : i32
    %broadcast_in_dim3A_189 = vector.broadcast %jit3A_188 : i32 to vector<1024x576xi32>
    %select_n3A_190 = arith.select %eq3A_187, %iota3A_185, %broadcast_in_dim3A_189 : vector<1024x576xi1>, vector<1024x576xi32>
    %reduce_min3A_191 = arith.constant dense<2147483647> : vector<576xi32>
    %reduce_min3A_192 = vector.multi_reduction <minsi>, %select_n3A_190, %reduce_min3A_191 [0] : vector<1024x576xi32> to vector<576xi32>
    %swap3A_193 = arith.constant 3 : index
    %swap3A_194 = arith.constant 0 : index
    %swap3A_195 = vector.load %arg4[%swap3A_193, %swap3A_194] : memref<8x576xi32, #tpu.memory_space<vmem>>, vector<1x576xi32>
    %swap3A_196 = vector.shape_cast %swap3A_195 : vector<1x576xi32> to vector<576xi32>
    %swap3A_197 = vector.shape_cast %reduce_min3A_192 : vector<576xi32> to vector<1x576xi32>
    tpu.vector_store %arg4[%swap3A_193, %swap3A_194], %swap3A_197 {strides = array<i32>} : memref<8x576xi32, #tpu.memory_space<vmem>>, vector<1x576xi32>,
    %get3A_198 = arith.constant 4 : index
    %get3A_199 = arith.constant 0 : index
    %get3A_200 = arith.constant 0 : index
    %get3A_201 = vector.load %arg1[%get3A_198, %get3A_199, %get3A_200] : memref<8x64x576xf32, #tpu.memory_space<vmem>>, vector<1x64x576xf32>
    %get3A_202 = vector.shape_cast %get3A_201 : vector<1x64x576xf32> to vector<64x576xf32>
    %dot_general3A_203 = arith.constant dense<0.000000e+00> : vector<1024x576xf32>
    %dot_general3A_204 = tpu.matmul %get3A_1, %get3A_202, %dot_general3A_203 {dimension_numbers = #tpu.dot_dimension_numbers<[1], [0], [0], [1], [0, 0, 1, 1], [], []>, transpose_lhs_hint = false} : vector<1024x64xf32>, vector<64x576xf32>, vector<1024x576xf32> -> vector<1024x576xf32>
    %mul3A_205 = arith.mulf %get3A_202, %get3A_202 : vector<64x576xf32>
    %slice3A_206 = vector.extract_strided_slice %mul3A_205 {offsets = [0, 0], sizes = [32, 576], strides = [1, 1]} : vector<64x576xf32> to vector<32x576xf32>
    %slice3A_207 = vector.extract_strided_slice %mul3A_205 {offsets = [32, 0], sizes = [32, 576], strides = [1, 1]} : vector<64x576xf32> to vector<32x576xf32>
    %add3A_208 = arith.addf %slice3A_206, %slice3A_207 : vector<32x576xf32>
    %slice3A_209 = vector.extract_strided_slice %add3A_208 {offsets = [0, 0], sizes = [16, 576], strides = [1, 1]} : vector<32x576xf32> to vector<16x576xf32>
    %slice3A_210 = vector.extract_strided_slice %add3A_208 {offsets = [16, 0], sizes = [16, 576], strides = [1, 1]} : vector<32x576xf32> to vector<16x576xf32>
    %add3A_211 = arith.addf %slice3A_209, %slice3A_210 : vector<16x576xf32>
    %slice3A_212 = vector.extract_strided_slice %add3A_211 {offsets = [0, 0], sizes = [8, 576], strides = [1, 1]} : vector<16x576xf32> to vector<8x576xf32>
    %slice3A_213 = vector.extract_strided_slice %add3A_211 {offsets = [8, 0], sizes = [8, 576], strides = [1, 1]} : vector<16x576xf32> to vector<8x576xf32>
    %add3A_214 = arith.addf %slice3A_212, %slice3A_213 : vector<8x576xf32>
    %slice3A_215 = vector.extract_strided_slice %add3A_214 {offsets = [0, 0], sizes = [4, 576], strides = [1, 1]} : vector<8x576xf32> to vector<4x576xf32>
    %slice3A_216 = vector.extract_strided_slice %add3A_214 {offsets = [4, 0], sizes = [4, 576], strides = [1, 1]} : vector<8x576xf32> to vector<4x576xf32>
    %add3A_217 = arith.addf %slice3A_215, %slice3A_216 : vector<4x576xf32>
    %slice3A_218 = vector.extract_strided_slice %add3A_217 {offsets = [0, 0], sizes = [2, 576], strides = [1, 1]} : vector<4x576xf32> to vector<2x576xf32>
    %slice3A_219 = vector.extract_strided_slice %add3A_217 {offsets = [2, 0], sizes = [2, 576], strides = [1, 1]} : vector<4x576xf32> to vector<2x576xf32>
    %add3A_220 = arith.addf %slice3A_218, %slice3A_219 : vector<2x576xf32>
    %slice3A_221 = vector.extract_strided_slice %add3A_220 {offsets = [0, 0], sizes = [1, 576], strides = [1, 1]} : vector<2x576xf32> to vector<1x576xf32>
    %slice3A_222 = vector.extract_strided_slice %add3A_220 {offsets = [1, 0], sizes = [1, 576], strides = [1, 1]} : vector<2x576xf32> to vector<1x576xf32>
    %add3A_223 = arith.addf %slice3A_221, %slice3A_222 : vector<1x576xf32>
    %get3A_224 = arith.constant 0 : index
    %get3A_225 = arith.constant 0 : index
    %get3A_226 = vector.load %arg3[%get3A_224, %get3A_225] : memref<1024x1xf32, #tpu.memory_space<vmem>>, vector<1024x1xf32>
    %add3A_227 = vector.broadcast %get3A_226 : vector<1024x1xf32> to vector<1024x576xf32>
    %add3A_228 = vector.broadcast %add3A_223 : vector<1x576xf32> to vector<1024x576xf32>
    %add3A_229 = arith.addf %add3A_227, %add3A_228 : vector<1024x576xf32>
    %mul3A_230 = arith.constant 2.000000e+00 : f32
    %mul3A_231 = vector.broadcast %mul3A_230 : f32 to vector<1024x576xf32>
    %mul3A_232 = arith.mulf %mul3A_231, %dot_general3A_204 : vector<1024x576xf32>
    %sub3A_233 = arith.subf %add3A_229, %mul3A_232 : vector<1024x576xf32>
    %reduce_min3A_234 = arith.constant dense<0x7F800000> : vector<576xf32>
    %reduce_min3A_235 = vector.multi_reduction <minimumf>, %sub3A_233, %reduce_min3A_234 [0] : vector<1024x576xf32> to vector<576xf32>
    %broadcast_in_dim3A_236 = vector.shape_cast %reduce_min3A_235 : vector<576xf32> to vector<1x576xf32>
    %iota3A_237 = tpu.iota {dimensions = array<i32: 0>} : vector<1024x576xi32>
    %eq3A_238 = vector.broadcast %broadcast_in_dim3A_236 : vector<1x576xf32> to vector<1024x576xf32>
    %eq3A_239 = arith.cmpf oeq, %sub3A_233, %eq3A_238 : vector<1024x576xf32>
    %jit3A_240 = arith.constant 1024 : i32
    %broadcast_in_dim3A_241 = vector.broadcast %jit3A_240 : i32 to vector<1024x576xi32>
    %select_n3A_242 = arith.select %eq3A_239, %iota3A_237, %broadcast_in_dim3A_241 : vector<1024x576xi1>, vector<1024x576xi32>
    %reduce_min3A_243 = arith.constant dense<2147483647> : vector<576xi32>
    %reduce_min3A_244 = vector.multi_reduction <minsi>, %select_n3A_242, %reduce_min3A_243 [0] : vector<1024x576xi32> to vector<576xi32>
    %swap3A_245 = arith.constant 4 : index
    %swap3A_246 = arith.constant 0 : index
    %swap3A_247 = vector.load %arg4[%swap3A_245, %swap3A_246] : memref<8x576xi32, #tpu.memory_space<vmem>>, vector<1x576xi32>
    %swap3A_248 = vector.shape_cast %swap3A_247 : vector<1x576xi32> to vector<576xi32>
    %swap3A_249 = vector.shape_cast %reduce_min3A_244 : vector<576xi32> to vector<1x576xi32>
    tpu.vector_store %arg4[%swap3A_245, %swap3A_246], %swap3A_249 {strides = array<i32>} : memref<8x576xi32, #tpu.memory_space<vmem>>, vector<1x576xi32>,
    %get3A_250 = arith.constant 5 : index
    %get3A_251 = arith.constant 0 : index
    %get3A_252 = arith.constant 0 : index
    %get3A_253 = vector.load %arg1[%get3A_250, %get3A_251, %get3A_252] : memref<8x64x576xf32, #tpu.memory_space<vmem>>, vector<1x64x576xf32>
    %get3A_254 = vector.shape_cast %get3A_253 : vector<1x64x576xf32> to vector<64x576xf32>
    %dot_general3A_255 = arith.constant dense<0.000000e+00> : vector<1024x576xf32>
    %dot_general3A_256 = tpu.matmul %get3A_1, %get3A_254, %dot_general3A_255 {dimension_numbers = #tpu.dot_dimension_numbers<[1], [0], [0], [1], [0, 0, 1, 1], [], []>, transpose_lhs_hint = false} : vector<1024x64xf32>, vector<64x576xf32>, vector<1024x576xf32> -> vector<1024x576xf32>
    %mul3A_257 = arith.mulf %get3A_254, %get3A_254 : vector<64x576xf32>
    %slice3A_258 = vector.extract_strided_slice %mul3A_257 {offsets = [0, 0], sizes = [32, 576], strides = [1, 1]} : vector<64x576xf32> to vector<32x576xf32>
    %slice3A_259 = vector.extract_strided_slice %mul3A_257 {offsets = [32, 0], sizes = [32, 576], strides = [1, 1]} : vector<64x576xf32> to vector<32x576xf32>
    %add3A_260 = arith.addf %slice3A_258, %slice3A_259 : vector<32x576xf32>
    %slice3A_261 = vector.extract_strided_slice %add3A_260 {offsets = [0, 0], sizes = [16, 576], strides = [1, 1]} : vector<32x576xf32> to vector<16x576xf32>
    %slice3A_262 = vector.extract_strided_slice %add3A_260 {offsets = [16, 0], sizes = [16, 576], strides = [1, 1]} : vector<32x576xf32> to vector<16x576xf32>
    %add3A_263 = arith.addf %slice3A_261, %slice3A_262 : vector<16x576xf32>
    %slice3A_264 = vector.extract_strided_slice %add3A_263 {offsets = [0, 0], sizes = [8, 576], strides = [1, 1]} : vector<16x576xf32> to vector<8x576xf32>
    %slice3A_265 = vector.extract_strided_slice %add3A_263 {offsets = [8, 0], sizes = [8, 576], strides = [1, 1]} : vector<16x576xf32> to vector<8x576xf32>
    %add3A_266 = arith.addf %slice3A_264, %slice3A_265 : vector<8x576xf32>
    %slice3A_267 = vector.extract_strided_slice %add3A_266 {offsets = [0, 0], sizes = [4, 576], strides = [1, 1]} : vector<8x576xf32> to vector<4x576xf32>
    %slice3A_268 = vector.extract_strided_slice %add3A_266 {offsets = [4, 0], sizes = [4, 576], strides = [1, 1]} : vector<8x576xf32> to vector<4x576xf32>
    %add3A_269 = arith.addf %slice3A_267, %slice3A_268 : vector<4x576xf32>
    %slice3A_270 = vector.extract_strided_slice %add3A_269 {offsets = [0, 0], sizes = [2, 576], strides = [1, 1]} : vector<4x576xf32> to vector<2x576xf32>
    %slice3A_271 = vector.extract_strided_slice %add3A_269 {offsets = [2, 0], sizes = [2, 576], strides = [1, 1]} : vector<4x576xf32> to vector<2x576xf32>
    %add3A_272 = arith.addf %slice3A_270, %slice3A_271 : vector<2x576xf32>
    %slice3A_273 = vector.extract_strided_slice %add3A_272 {offsets = [0, 0], sizes = [1, 576], strides = [1, 1]} : vector<2x576xf32> to vector<1x576xf32>
    %slice3A_274 = vector.extract_strided_slice %add3A_272 {offsets = [1, 0], sizes = [1, 576], strides = [1, 1]} : vector<2x576xf32> to vector<1x576xf32>
    %add3A_275 = arith.addf %slice3A_273, %slice3A_274 : vector<1x576xf32>
    %get3A_276 = arith.constant 0 : index
    %get3A_277 = arith.constant 0 : index
    %get3A_278 = vector.load %arg3[%get3A_276, %get3A_277] : memref<1024x1xf32, #tpu.memory_space<vmem>>, vector<1024x1xf32>
    %add3A_279 = vector.broadcast %get3A_278 : vector<1024x1xf32> to vector<1024x576xf32>
    %add3A_280 = vector.broadcast %add3A_275 : vector<1x576xf32> to vector<1024x576xf32>
    %add3A_281 = arith.addf %add3A_279, %add3A_280 : vector<1024x576xf32>
    %mul3A_282 = arith.constant 2.000000e+00 : f32
    %mul3A_283 = vector.broadcast %mul3A_282 : f32 to vector<1024x576xf32>
    %mul3A_284 = arith.mulf %mul3A_283, %dot_general3A_256 : vector<1024x576xf32>
    %sub3A_285 = arith.subf %add3A_281, %mul3A_284 : vector<1024x576xf32>
    %reduce_min3A_286 = arith.constant dense<0x7F800000> : vector<576xf32>
    %reduce_min3A_287 = vector.multi_reduction <minimumf>, %sub3A_285, %reduce_min3A_286 [0] : vector<1024x576xf32> to vector<576xf32>
    %broadcast_in_dim3A_288 = vector.shape_cast %reduce_min3A_287 : vector<576xf32> to vector<1x576xf32>
    %iota3A_289 = tpu.iota {dimensions = array<i32: 0>} : vector<1024x576xi32>
    %eq3A_290 = vector.broadcast %broadcast_in_dim3A_288 : vector<1x576xf32> to vector<1024x576xf32>
    %eq3A_291 = arith.cmpf oeq, %sub3A_285, %eq3A_290 : vector<1024x576xf32>
    %jit3A_292 = arith.constant 1024 : i32
    %broadcast_in_dim3A_293 = vector.broadcast %jit3A_292 : i32 to vector<1024x576xi32>
    %select_n3A_294 = arith.select %eq3A_291, %iota3A_289, %broadcast_in_dim3A_293 : vector<1024x576xi1>, vector<1024x576xi32>
    %reduce_min3A_295 = arith.constant dense<2147483647> : vector<576xi32>
    %reduce_min3A_296 = vector.multi_reduction <minsi>, %select_n3A_294, %reduce_min3A_295 [0] : vector<1024x576xi32> to vector<576xi32>
    %swap3A_297 = arith.constant 5 : index
    %swap3A_298 = arith.constant 0 : index
    %swap3A_299 = vector.load %arg4[%swap3A_297, %swap3A_298] : memref<8x576xi32, #tpu.memory_space<vmem>>, vector<1x576xi32>
    %swap3A_300 = vector.shape_cast %swap3A_299 : vector<1x576xi32> to vector<576xi32>
    %swap3A_301 = vector.shape_cast %reduce_min3A_296 : vector<576xi32> to vector<1x576xi32>
    tpu.vector_store %arg4[%swap3A_297, %swap3A_298], %swap3A_301 {strides = array<i32>} : memref<8x576xi32, #tpu.memory_space<vmem>>, vector<1x576xi32>,
    %get3A_302 = arith.constant 6 : index
    %get3A_303 = arith.constant 0 : index
    %get3A_304 = arith.constant 0 : index
    %get3A_305 = vector.load %arg1[%get3A_302, %get3A_303, %get3A_304] : memref<8x64x576xf32, #tpu.memory_space<vmem>>, vector<1x64x576xf32>
    %get3A_306 = vector.shape_cast %get3A_305 : vector<1x64x576xf32> to vector<64x576xf32>
    %dot_general3A_307 = arith.constant dense<0.000000e+00> : vector<1024x576xf32>
    %dot_general3A_308 = tpu.matmul %get3A_1, %get3A_306, %dot_general3A_307 {dimension_numbers = #tpu.dot_dimension_numbers<[1], [0], [0], [1], [0, 0, 1, 1], [], []>, transpose_lhs_hint = false} : vector<1024x64xf32>, vector<64x576xf32>, vector<1024x576xf32> -> vector<1024x576xf32>
    %mul3A_309 = arith.mulf %get3A_306, %get3A_306 : vector<64x576xf32>
    %slice3A_310 = vector.extract_strided_slice %mul3A_309 {offsets = [0, 0], sizes = [32, 576], strides = [1, 1]} : vector<64x576xf32> to vector<32x576xf32>
    %slice3A_311 = vector.extract_strided_slice %mul3A_309 {offsets = [32, 0], sizes = [32, 576], strides = [1, 1]} : vector<64x576xf32> to vector<32x576xf32>
    %add3A_312 = arith.addf %slice3A_310, %slice3A_311 : vector<32x576xf32>
    %slice3A_313 = vector.extract_strided_slice %add3A_312 {offsets = [0, 0], sizes = [16, 576], strides = [1, 1]} : vector<32x576xf32> to vector<16x576xf32>
    %slice3A_314 = vector.extract_strided_slice %add3A_312 {offsets = [16, 0], sizes = [16, 576], strides = [1, 1]} : vector<32x576xf32> to vector<16x576xf32>
    %add3A_315 = arith.addf %slice3A_313, %slice3A_314 : vector<16x576xf32>
    %slice3A_316 = vector.extract_strided_slice %add3A_315 {offsets = [0, 0], sizes = [8, 576], strides = [1, 1]} : vector<16x576xf32> to vector<8x576xf32>
    %slice3A_317 = vector.extract_strided_slice %add3A_315 {offsets = [8, 0], sizes = [8, 576], strides = [1, 1]} : vector<16x576xf32> to vector<8x576xf32>
    %add3A_318 = arith.addf %slice3A_316, %slice3A_317 : vector<8x576xf32>
    %slice3A_319 = vector.extract_strided_slice %add3A_318 {offsets = [0, 0], sizes = [4, 576], strides = [1, 1]} : vector<8x576xf32> to vector<4x576xf32>
    %slice3A_320 = vector.extract_strided_slice %add3A_318 {offsets = [4, 0], sizes = [4, 576], strides = [1, 1]} : vector<8x576xf32> to vector<4x576xf32>
    %add3A_321 = arith.addf %slice3A_319, %slice3A_320 : vector<4x576xf32>
    %slice3A_322 = vector.extract_strided_slice %add3A_321 {offsets = [0, 0], sizes = [2, 576], strides = [1, 1]} : vector<4x576xf32> to vector<2x576xf32>
    %slice3A_323 = vector.extract_strided_slice %add3A_321 {offsets = [2, 0], sizes = [2, 576], strides = [1, 1]} : vector<4x576xf32> to vector<2x576xf32>
    %add3A_324 = arith.addf %slice3A_322, %slice3A_323 : vector<2x576xf32>
    %slice3A_325 = vector.extract_strided_slice %add3A_324 {offsets = [0, 0], sizes = [1, 576], strides = [1, 1]} : vector<2x576xf32> to vector<1x576xf32>
    %slice3A_326 = vector.extract_strided_slice %add3A_324 {offsets = [1, 0], sizes = [1, 576], strides = [1, 1]} : vector<2x576xf32> to vector<1x576xf32>
    %add3A_327 = arith.addf %slice3A_325, %slice3A_326 : vector<1x576xf32>
    %get3A_328 = arith.constant 0 : index
    %get3A_329 = arith.constant 0 : index
    %get3A_330 = vector.load %arg3[%get3A_328, %get3A_329] : memref<1024x1xf32, #tpu.memory_space<vmem>>, vector<1024x1xf32>
    %add3A_331 = vector.broadcast %get3A_330 : vector<1024x1xf32> to vector<1024x576xf32>
    %add3A_332 = vector.broadcast %add3A_327 : vector<1x576xf32> to vector<1024x576xf32>
    %add3A_333 = arith.addf %add3A_331, %add3A_332 : vector<1024x576xf32>
    %mul3A_334 = arith.constant 2.000000e+00 : f32
    %mul3A_335 = vector.broadcast %mul3A_334 : f32 to vector<1024x576xf32>
    %mul3A_336 = arith.mulf %mul3A_335, %dot_general3A_308 : vector<1024x576xf32>
    %sub3A_337 = arith.subf %add3A_333, %mul3A_336 : vector<1024x576xf32>
    %reduce_min3A_338 = arith.constant dense<0x7F800000> : vector<576xf32>
    %reduce_min3A_339 = vector.multi_reduction <minimumf>, %sub3A_337, %reduce_min3A_338 [0] : vector<1024x576xf32> to vector<576xf32>
    %broadcast_in_dim3A_340 = vector.shape_cast %reduce_min3A_339 : vector<576xf32> to vector<1x576xf32>
    %iota3A_341 = tpu.iota {dimensions = array<i32: 0>} : vector<1024x576xi32>
    %eq3A_342 = vector.broadcast %broadcast_in_dim3A_340 : vector<1x576xf32> to vector<1024x576xf32>
    %eq3A_343 = arith.cmpf oeq, %sub3A_337, %eq3A_342 : vector<1024x576xf32>
    %jit3A_344 = arith.constant 1024 : i32
    %broadcast_in_dim3A_345 = vector.broadcast %jit3A_344 : i32 to vector<1024x576xi32>
    %select_n3A_346 = arith.select %eq3A_343, %iota3A_341, %broadcast_in_dim3A_345 : vector<1024x576xi1>, vector<1024x576xi32>
    %reduce_min3A_347 = arith.constant dense<2147483647> : vector<576xi32>
    %reduce_min3A_348 = vector.multi_reduction <minsi>, %select_n3A_346, %reduce_min3A_347 [0] : vector<1024x576xi32> to vector<576xi32>
    %swap3A_349 = arith.constant 6 : index
    %swap3A_350 = arith.constant 0 : index
    %swap3A_351 = vector.load %arg4[%swap3A_349, %swap3A_350] : memref<8x576xi32, #tpu.memory_space<vmem>>, vector<1x576xi32>
    %swap3A_352 = vector.shape_cast %swap3A_351 : vector<1x576xi32> to vector<576xi32>
    %swap3A_353 = vector.shape_cast %reduce_min3A_348 : vector<576xi32> to vector<1x576xi32>
    tpu.vector_store %arg4[%swap3A_349, %swap3A_350], %swap3A_353 {strides = array<i32>} : memref<8x576xi32, #tpu.memory_space<vmem>>, vector<1x576xi32>,
    %get3A_354 = arith.constant 7 : index
    %get3A_355 = arith.constant 0 : index
    %get3A_356 = arith.constant 0 : index
    %get3A_357 = vector.load %arg1[%get3A_354, %get3A_355, %get3A_356] : memref<8x64x576xf32, #tpu.memory_space<vmem>>, vector<1x64x576xf32>
    %get3A_358 = vector.shape_cast %get3A_357 : vector<1x64x576xf32> to vector<64x576xf32>
    %dot_general3A_359 = arith.constant dense<0.000000e+00> : vector<1024x576xf32>
    %dot_general3A_360 = tpu.matmul %get3A_1, %get3A_358, %dot_general3A_359 {dimension_numbers = #tpu.dot_dimension_numbers<[1], [0], [0], [1], [0, 0, 1, 1], [], []>, transpose_lhs_hint = false} : vector<1024x64xf32>, vector<64x576xf32>, vector<1024x576xf32> -> vector<1024x576xf32>
    %mul3A_361 = arith.mulf %get3A_358, %get3A_358 : vector<64x576xf32>
    %slice3A_362 = vector.extract_strided_slice %mul3A_361 {offsets = [0, 0], sizes = [32, 576], strides = [1, 1]} : vector<64x576xf32> to vector<32x576xf32>
    %slice3A_363 = vector.extract_strided_slice %mul3A_361 {offsets = [32, 0], sizes = [32, 576], strides = [1, 1]} : vector<64x576xf32> to vector<32x576xf32>
    %add3A_364 = arith.addf %slice3A_362, %slice3A_363 : vector<32x576xf32>
    %slice3A_365 = vector.extract_strided_slice %add3A_364 {offsets = [0, 0], sizes = [16, 576], strides = [1, 1]} : vector<32x576xf32> to vector<16x576xf32>
    %slice3A_366 = vector.extract_strided_slice %add3A_364 {offsets = [16, 0], sizes = [16, 576], strides = [1, 1]} : vector<32x576xf32> to vector<16x576xf32>
    %add3A_367 = arith.addf %slice3A_365, %slice3A_366 : vector<16x576xf32>
    %slice3A_368 = vector.extract_strided_slice %add3A_367 {offsets = [0, 0], sizes = [8, 576], strides = [1, 1]} : vector<16x576xf32> to vector<8x576xf32>
    %slice3A_369 = vector.extract_strided_slice %add3A_367 {offsets = [8, 0], sizes = [8, 576], strides = [1, 1]} : vector<16x576xf32> to vector<8x576xf32>
    %add3A_370 = arith.addf %slice3A_368, %slice3A_369 : vector<8x576xf32>
    %slice3A_371 = vector.extract_strided_slice %add3A_370 {offsets = [0, 0], sizes = [4, 576], strides = [1, 1]} : vector<8x576xf32> to vector<4x576xf32>
    %slice3A_372 = vector.extract_strided_slice %add3A_370 {offsets = [4, 0], sizes = [4, 576], strides = [1, 1]} : vector<8x576xf32> to vector<4x576xf32>
    %add3A_373 = arith.addf %slice3A_371, %slice3A_372 : vector<4x576xf32>
    %slice3A_374 = vector.extract_strided_slice %add3A_373 {offsets = [0, 0], sizes = [2, 576], strides = [1, 1]} : vector<4x576xf32> to vector<2x576xf32>
    %slice3A_375 = vector.extract_strided_slice %add3A_373 {offsets = [2, 0], sizes = [2, 576], strides = [1, 1]} : vector<4x576xf32> to vector<2x576xf32>
    %add3A_376 = arith.addf %slice3A_374, %slice3A_375 : vector<2x576xf32>
    %slice3A_377 = vector.extract_strided_slice %add3A_376 {offsets = [0, 0], sizes = [1, 576], strides = [1, 1]} : vector<2x576xf32> to vector<1x576xf32>
    %slice3A_378 = vector.extract_strided_slice %add3A_376 {offsets = [1, 0], sizes = [1, 576], strides = [1, 1]} : vector<2x576xf32> to vector<1x576xf32>
    %add3A_379 = arith.addf %slice3A_377, %slice3A_378 : vector<1x576xf32>
    %get3A_380 = arith.constant 0 : index
    %get3A_381 = arith.constant 0 : index
    %get3A_382 = vector.load %arg3[%get3A_380, %get3A_381] : memref<1024x1xf32, #tpu.memory_space<vmem>>, vector<1024x1xf32>
    %add3A_383 = vector.broadcast %get3A_382 : vector<1024x1xf32> to vector<1024x576xf32>
    %add3A_384 = vector.broadcast %add3A_379 : vector<1x576xf32> to vector<1024x576xf32>
    %add3A_385 = arith.addf %add3A_383, %add3A_384 : vector<1024x576xf32>
    %mul3A_386 = arith.constant 2.000000e+00 : f32
    %mul3A_387 = vector.broadcast %mul3A_386 : f32 to vector<1024x576xf32>
    %mul3A_388 = arith.mulf %mul3A_387, %dot_general3A_360 : vector<1024x576xf32>
    %sub3A_389 = arith.subf %add3A_385, %mul3A_388 : vector<1024x576xf32>
    %reduce_min3A_390 = arith.constant dense<0x7F800000> : vector<576xf32>
    %reduce_min3A_391 = vector.multi_reduction <minimumf>, %sub3A_389, %reduce_min3A_390 [0] : vector<1024x576xf32> to vector<576xf32>
    %broadcast_in_dim3A_392 = vector.shape_cast %reduce_min3A_391 : vector<576xf32> to vector<1x576xf32>
    %iota3A_393 = tpu.iota {dimensions = array<i32: 0>} : vector<1024x576xi32>
    %eq3A_394 = vector.broadcast %broadcast_in_dim3A_392 : vector<1x576xf32> to vector<1024x576xf32>
    %eq3A_395 = arith.cmpf oeq, %sub3A_389, %eq3A_394 : vector<1024x576xf32>
    %jit3A_396 = arith.constant 1024 : i32
    %broadcast_in_dim3A_397 = vector.broadcast %jit3A_396 : i32 to vector<1024x576xi32>
    %select_n3A_398 = arith.select %eq3A_395, %iota3A_393, %broadcast_in_dim3A_397 : vector<1024x576xi1>, vector<1024x576xi32>
    %reduce_min3A_399 = arith.constant dense<2147483647> : vector<576xi32>
    %reduce_min3A_400 = vector.multi_reduction <minsi>, %select_n3A_398, %reduce_min3A_399 [0] : vector<1024x576xi32> to vector<576xi32>
    %swap3A_401 = arith.constant 7 : index
    %swap3A_402 = arith.constant 0 : index
    %swap3A_403 = vector.load %arg4[%swap3A_401, %swap3A_402] : memref<8x576xi32, #tpu.memory_space<vmem>>, vector<1x576xi32>
    %swap3A_404 = vector.shape_cast %swap3A_403 : vector<1x576xi32> to vector<576xi32>
    %swap3A_405 = vector.shape_cast %reduce_min3A_400 : vector<576xi32> to vector<1x576xi32>
    tpu.vector_store %arg4[%swap3A_401, %swap3A_402], %swap3A_405 {strides = array<i32>} : memref<8x576xi32, #tpu.memory_space<vmem>>, vector<1x576xi32>,
    return
  }
  func.func @transform_0(%arg0: i32) -> (i32, i32, i32) {
    %add3A = arith.constant 4 : i32
    %add3A_0 = arith.addi %arg0, %add3A : i32
    %c0_i32 = arith.constant 0 : i32
    %c0_i32_1 = arith.constant 0 : i32
    %c0_i32_2 = arith.constant 0 : i32
    return %add3A_0, %c0_i32, %c0_i32_1 : i32, i32, i32
  }
  func.func @transform_1(%arg0: i32) -> (i32, i32) {
    %c0_i32 = arith.constant 0 : i32
    %c0_i32_0 = arith.constant 0 : i32
    %c0_i32_1 = arith.constant 0 : i32
    return %c0_i32, %c0_i32_0 : i32, i32
  }
  func.func @transform_2(%arg0: i32) -> (i32, i32) {
    %c0_i32 = arith.constant 0 : i32
    %c0_i32_0 = arith.constant 0 : i32
    %c0_i32_1 = arith.constant 0 : i32
    return %c0_i32, %c0_i32_0 : i32, i32
  }
  func.func @transform_3(%arg0: i32) -> (i32, i32) {
    %c0_i32 = arith.constant 0 : i32
    %c0_i32_0 = arith.constant 0 : i32
    return %arg0, %c0_i32 : i32, i32
  }
}

</mosaic_0001>

<sc_bundles>
// kernel: kernel.6.cloned.1.call-start
scs
__scs_entry_jumppad:
0x0: {  	(pc) =	sbr.rel $0x88, $3  }
0x1: {  	(tag) =	ssettag $0x0;
	lr =	simm.s32 $0x1  }
0x2: {  	[smem:$0x3F9F] =	sst lr;
	_ =	strace $0xD0000000  }
0x3: {  	_ = 	snop  }
0x4: {  	_ = 	snop  }
0x5: {  	_ = 	snop  }
0x6: {  	_ = 	snop  }
0x7: {  	_ = 	snop  }
__scs_overlays_trampoline_lowered:
0x8: {  	[smem:$0x3FAE] =	sst s0  }
0x9: {  	[smem:$0x3FAF] =	sst s1  }
0xa: {  	[smem:$0x3FB0] =	sst s2  }
0xb: {  	[smem:$0x3FB1] =	sst s3  }
0xc: {  	[smem:$0x3FB2] =	sst s4  }
0xd: {  	[smem:$0x3FB3] =	sst s5  }
0xe: {  	[smem:$0x3FB4] =	sst s6  }
0xf: {  	[smem:$0x3FB5] =	sst s7  }
0x10: {  	[smem:$0x3FB6] =	sst s8  }
0x11: {  	[smem:$0x3FB7] =	sst s9;
	s0 =	simm.s32 @!p0 $0x0  }
0x12: {  	s1 =	sld [smem:$0x3F9D];
	s0 =	simm.s32 @p0 $0x1  }
0x13: {  	[smem:$0x3FB8] =	sst s0;
	s0 =	simm.s32 @!p1 $0x0  }
0x14: {  	s2 =	sld [smem:$0x3F9C];
	s0 =	simm.s32 @p1 $0x1  }
0x15: {  	[smem:$0x3FB9] =	sst s0;
	s0 =	simm.s32 @!p2 $0x0  }
0x16: {  	s3 =	sld [smem:$0x3FDB];
	s0 =	simm.s32 @p2 $0x1  }
0x17: {  	s4 =	simm.s32 $0x1BF5;
	[smem:$0x3FBB] =	sst s0  }
0x18: {  	s0 =	sld [smem:$0x3F9E];
	_ =	swait.ge [sflag:s4], $0x0  }
0x19: {  	s7 =	sld [smem:$0x3F9F]  }
0x1a: {  	s8 =	sadd.s32 $0xFFFFE003, lr  }
0x1b: {  	s9 =	sadd.s32 $0xFFFFFEF7, lr;
	s5 =	simm.s32 $0xFFFFFFFF;
	p2 =	slt.u32 s8, $0xFFFFF086  }
0x1c: {  	p1 =	slt.u32 s9, $0xF7A;
	s5 =	simm.s32 @!p2 $0x0  }
0x1d: {  	s5 =	simm.s32 @p1 $0x1;
	p0 =	seq.s32 s7, s2  }
0x1e: {  	s7 =	smul.u32 @!p0 $0xF7A, s2;
	p2 =	seq.s32 @!p0 s5, $0x0  }
0x1f: {  	s9 =	smul.u32 $0xF7A, s1;
	s8 =	simm.s32 @!p0 $0x1BF5;
	p2 =	por !p2, p0  }
0x20: {  	[sflag:s8] =	ssyncset.s32 @!p0 $0xFFFFF086;
	s6 =	sadd.s32 @!p0 s3, s7;
	s7 =	simm.s32 @!p0 $0x108  }
0x21: {  	s3 =	sadd.s32 s3, s9;
	s6 =	sadd.s32 @!p0 $0x88, s6;
	s7 =	simm.s32 @p2 $0x1082  }
0x22: {  	[simem:s7], [sflag:s8] =	dma.local @!p0 [hbm:s6], $0xF7A  }
0x23: {  	s9 =	sor.u32 $0xD0000000, s2;
	s6 =	simm.s32 $0x108;
	_ =	swait.ge @!p0 [sflag:s8], $0x0  }
0x24: {  	s3 =	sadd.s32 $0x88, s3;
	s6 =	simm.s32 @!p1 $0x1082;
	[sflag:s4] =	ssyncset.s32 $0xFFFFF086  }
0x25: {  	[simem:s6], [sflag:s4] =	dma.local [hbm:s3], $0xF7A  }
0x26: {  	[smem:$0x3F9F] =	sst s1;
	(tag) =	ssettag s2;
	_ =	strace s9  }
0x27: {  	s1 =	sld [smem:$0x3FAF]  }
0x28: {  	s2 =	sld [smem:$0x3FB0]  }
0x29: {  	s4 =	sld [smem:$0x3FB2]  }
0x2a: {  	p0 =	seq.s32 s5, $0x0;
	s5 =	sld [smem:$0x3FB3]  }
0x2b: {  	s6 =	sld [smem:$0x3FB4]  }
0x2c: {  	s7 =	sld [smem:$0x3FB5]  }
0x2d: {  	s3 =	simm.s32 $0x108;
	s8 =	sld [smem:$0x3FB6]  }
0x2e: {  	s3 =	simm.s32 @!p0 $0x1082;
	s9 =	sld [smem:$0x3FB7]  }
0x2f: {  	lr =	sadd.s32 s0, s3;
	s0 =	sld [smem:$0x3FAE]  }
0x30: {  	s3 =	sld [smem:$0x3FB1]  }
0x31: {  	[smem:$0x3FBA] =	sst s10  }
0x32: {  	s10 =	sld [smem:$0x3FB8];
	_ =	sdelay $0x3  }
0x33: {  	p0 =	seq.s32 s10, $0x1;
	s10 =	sld [smem:$0x3FBA];
	_ =	sdelay $0x3  }
0x34: {  	[smem:$0x3FBA] =	sst s10  }
0x35: {  	s10 =	sld [smem:$0x3FB9];
	_ =	sdelay $0x3  }
0x36: {  	p1 =	seq.s32 s10, $0x1;
	s10 =	sld [smem:$0x3FBA];
	_ =	sdelay $0x3  }
0x37: {  	[smem:$0x3FBA] =	sst s10  }
0x38: {  	s10 =	sld [smem:$0x3FBB]  }
0x39: {  	_ = 	snop;
	(pc) =	sbr.ind lr, $3  }
0x3a: {  	_ = 	snop  }
0x3b: {  	_ = 	snop  }
0x3c: {  	p2 =	seq.s32 s10, $0x1;
	s10 =	sld [smem:$0x3FBA]  }
0x3d: {  	_ =	shalt  }
0x3e: {  	_ =	shalt  }
0x3f: {  	_ =	shalt  }
0x40: {  	_ =	shalt  }
0x41: {  	_ =	shalt  }
0x42: {  	_ =	shalt  }
0x43: {  	_ =	shalt  }
0x44: {  	_ =	shalt  }
0x45: {  	_ =	shalt  }
0x46: {  	_ =	shalt  }
0x47: {  	_ =	shalt  }
0x48: {  	_ =	shalt  }
0x49: {  	_ =	shalt  }
0x4a: {  	_ =	shalt  }
0x4b: {  	_ =	shalt  }
0x4c: {  	_ =	shalt  }
0x4d: {  	_ =	shalt  }
0x4e: {  	_ =	shalt  }
0x4f: {  	_ =	shalt  }
0x50: {  	_ =	shalt  }
0x51: {  	_ =	shalt  }
0x52: {  	_ =	shalt  }
0x53: {  	_ =	shalt  }
0x54: {  	_ =	shalt  }
0x55: {  	_ =	shalt  }
0x56: {  	_ =	shalt  }
0x57: {  	_ =	shalt  }
0x58: {  	_ =	shalt  }
0x59: {  	_ =	shalt  }
0x5a: {  	_ =	shalt  }
0x5b: {  	_ =	shalt  }
0x5c: {  	_ =	shalt  }
0x5d: {  	_ =	shalt  }
0x5e: {  	_ =	shalt  }
0x5f: {  	_ =	shalt  }
0x60: {  	_ =	shalt  }
0x61: {  	_ =	shalt  }
0x62: {  	_ =	shalt  }
0x63: {  	_ =	shalt  }
0x64: {  	_ =	shalt  }
0x65: {  	_ =	shalt  }
0x66: {  	_ =	shalt  }
0x67: {  	_ =	shalt  }
0x68: {  	_ =	shalt  }
0x69: {  	_ =	shalt  }
0x6a: {  	_ =	shalt  }
0x6b: {  	_ =	shalt  }
0x6c: {  	_ =	shalt  }
0x6d: {  	_ =	shalt  }
0x6e: {  	_ =	shalt  }
0x6f: {  	_ =	shalt  }
0x70: {  	_ =	shalt  }
0x71: {  	_ =	shalt  }
0x72: {  	_ =	shalt  }
0x73: {  	_ =	shalt  }
0x74: {  	_ =	shalt  }
0x75: {  	_ =	shalt  }
0x76: {  	_ =	shalt  }
0x77: {  	_ =	shalt  }
0x78: {  	_ =	shalt  }
0x79: {  	_ =	shalt  }
0x7a: {  	_ =	shalt  }
0x7b: {  	_ =	shalt  }
0x7c: {  	_ =	shalt  }
0x7d: {  	_ =	shalt  }
0x7e: {  	_ =	shalt  }
0x7f: {  	_ =	shalt  }
0x80: {  	_ =	shalt  }
0x81: {  	_ =	shalt  }
0x82: {  	_ =	shalt  }
0x83: {  	_ =	shalt  }
0x84: {  	_ =	shalt  }
0x85: {  	_ =	shalt  }
0x86: {  	_ =	shalt  }
0x87: {  	_ =	shalt  }
.Lfunc_end0:
.L_simem_size_0:
called_computation_lowered:
.L_overlay_start_0:
0x88: {  	s2 =	sld [smem:$0x3FD9]  }
0x89: {  	s3 =	sld [smem:$0x3FFE];
	_ =	sdelay $0x1  }
0x8a: {  	s1 =	srdreg.scid  }
0x8b: {  	s0 =	sand.u32 $0x1, s1  }
0x8c: {  	s14 =	sshll.u32 s0, $0xA;
	s2 =	sadd.s32 s3, s2  }
0x8d: {  	s2 =	sadd.s32 s2, s14  }
0x8e: {  	[smem:$0x3FC6] =	sst s2  }
0x8f: {  	_ = 	snop  }
0x90: {  	s2 =	sld [smem:$0x3FD0];
	_ =	sdelay $0x2  }
0x91: {  	s15 =	simm.s32 $0xB;
	s4 =	simm.s32 $0x10  }
0x92: {  	[smem:s4], [sflag:s15] =	dma.local [hbm:s2], $0x1  }
0x93: {  	_ =	swait.eq [sflag:s15], $0x1  }
0x94: {  	[sflag:s15] =	ssyncset.done $0x0  }
0x95: {  	[sflag:s15] =	ssyncadd.s32 $0xFFFFFFFF  }
0x96: {  	s16 =	sld [smem:$0x10];
	(tm) =	ssettm $0x1  }
0x97: {  	s17 =	sld [smem:$0x3FFB];
	_ =	sdelay $0x3  }
0x98: {  	_ =	strace s17  }
0x99: {  	s3 =	sld [smem:$0x3FFC];
	_ =	sdelay $0x3  }
0x9a: {  	_ =	strace s3  }
0x9b: {  	s3 =	sld [smem:$0x3FFD];
	_ =	sdelay $0x3  }
0x9c: {  	_ =	strace s3  }
0x9d: {  	_ =	strace $0x8FFFFFFF  }
0x9e: {  	s18 =	sld [smem:$0x3FDB];
	_ =	sdelay $0x1  }
0x9f: {  	s19 =	simm.s32 $_scs_section_size  }
0xa0: {  	s5 =	simm.s32 $_size__tile_overlayer_lowered;
	s6 =	simm.s32 $_tile_overlayer_lowered  }
0xa1: {  	s22 =	simm.s32 $0x1BFF;
	s21 =	sshll.u32 s6, $0x1;
	s3 =	sadd.s32 s19, s18  }
0xa2: {  	s7 =	simm.s32 $0x0;
	s20 =	sshll.u32 s5, $0x1;
	s5 =	sadd.s32 s21, s3  }
0xa3: {  	[timem:s7], [sflag:s22] =	dma.local [hbm:s5], s20  }
0xa4: {  	_ =	swait.ge [sflag:s22], s20  }
0xa5: {  	s4 =	ssub.s32 $0x0, s20;
	[sflag:s22] =	ssyncset.done $0x0  }
0xa6: {  	[sflag:s22] =	ssyncadd.s32 s4;
	_ =	sdelay $0x1  }
0xa7: {  	s23 =	simm.s32 $0x1B8B  }
0xa8: {  	_ =	swait.ge [sflag:s23], $0x1  }
0xa9: {  	[sflag:s23] =	ssyncset.done $0x0  }
0xaa: {  	s25 =	simm.s32 $0x1B8E;
	s24 =	sld [smem:$0x3FFE];
	[sflag:s23] =	ssyncadd.s32 $0xFFFFFFFF  }
0xab: {  	s26 =	simm.s32 $execute0_lowered;
	[smem:$0x3FD2] =	sst s25  }
0xac: {  	s5 =	sshll.u32 s26, $0x1;
	_ =	strace $0x80000046;
	[dreg:$0x1] =	wrdreg $0xFFFFFFFF  }
0xad: {  	s28 =	simm.s32 $_size_execute0_lowered;
	s3 =	sadd.s32 s3, s5;
	[dreg:$0x0] =	wrdreg $0x0  }
0xae: {  	s5 =	sshll.u32 s28, $0x1;
	[dreg:$0x2] =	wrdreg s3  }
0xaf: {  	[dreg:$0x3] =	wrdreg s5  }
0xb0: {  	[dreg:$0x4] =	wrdreg $0xC0  }
0xb1: {  	_ =	task [dreg:s7], $0x5FFFF  }
0xb2: {  	[dreg:$0x1] =	wrdreg $0xFFFFFFFF  }
0xb3: {  	[dreg:$0x0] =	wrdreg $0x60  }
0xb4: {  	[dreg:$0x2] =	wrdreg s24  }
0xb5: {  	[dreg:$0x3] =	wrdreg s16  }
0xb6: {  	[dreg:$0x4] =	wrdreg $0x9  }
0xb7: {  	_ =	task.clear_ibuf [dreg:s7], $0x5FFFF;
	_ =	strace $0x90000046  }
0xb8: {  	s29 =	simm.s32 $0x9;
	_ =	strace $0x80000048  }
0xb9: {  	_ =	swait.ge [sflag:s29], $0x1  }
0xba: {  	[sflag:s29] =	ssyncadd.s32 $0xFFFFFFFF  }
0xbb: {  	_ =	strace $0x90000048  }
0xbc: {  	_ =	sfence  }
0xbd: {  	s30 =	sld [smem:$0x0];
	_ =	sdelay $0x2  }
0xbe: {  	s31 =	sshll.u32 s1, $0xD;
	s1 =	sshrl.u32 s1, $0x2  }
0xbf: {  	s3 =	sand.u32 $0x4000, s31;
	s1 =	sadd.s32 s1, s30  }
0xc0: {  	s0 =	sor.u32 s3, s0;
	s1 =	sshll.u32 s1, $0x11  }
0xc1: {  	s0 =	sor.u32 s1, s0  }
0xc2: {  	s0 =	sadd.s32 $0x8F2B, s0  }
0xc3: {  	[sflag:s0] =	ssyncadd.remote.s32 $0x1  }
0xc4: {  	_ =	sfence.sel $0xFFFF  }
0xc5: {  	[dreg:$0x0] =	wrdreg $0xFFFFFFFF;
	(pc) =	sbr.abs _section_cstart, $3  }
0xc6: {  	[dreg:$0x1] =	wrdreg $0xFFFFFFFF  }
0xc7: {  	_ =	task.clear_ibuf [dreg:s7], $0x2FFFF;
	_ =	strace $0x9FFFFFFF  }
0xc8: {  	(tm) =	ssettm $0x7FFFFFFF  }
0xc9: {  	_ =	shalt  }
tec
execute0_lowered:
.L_overlay_start_1:
0x0: {  	(tag) =	ssettag $0x1  }
0x1: {  	s0 =	stileid.u32;
	s3 =	rddreg [dreg:$0x0]  }
0x2: {  	s1 =	srdreg.scid;
	s4 =	rddreg [dreg:$0x1];
	s10 =	simm.s32 $0x1  }
0x3: {  	s11 =	simm.s32 $0x4000;
	s12 =	simm.s32 $0x4900;
	s13 =	simm.s32 $0x0  }
0x4: {  	s2 =	sshll.u32 s0, $0x1;
	s5 =	sand.u32 $0x1, s1;
	s7 =	sshrl.u32 s0, $0x1  }
0x5: {  	s1 =	rddreg [dreg:$0x2];
	s2 =	sand.u32 $0x2, s2;
	s9 =	smul.u32 $0x24000, s7  }
0x6: {  	s7 =	smul.u32 $0x120, s7;
	s6 =	sor.u32 s5, s2;
	s2 =	simm.s32 $0x0  }
0x7: {  	s5 =	ssub.s32 $0x2, s5;
	s8 =	smul.u32 $0x2400, s6;
	[smem:$0x7FF] =	sst s2  }
0x8: {  	s6 =	sshll.u32 s6, $0xB;
	s7 =	sadd.s32 s7, s3;
	s30 =	sshrl.u32 s5, $0x1  }
0x9: {  	_ =	strace $0x80000047;
	s6 =	sadd.s32 s6, s3;
	s8 =	sadd.s32 s9, s8  }
0xa: {  	s31 =	ssub.s32 s5, s30;
	s5 =	sadd.s32 $0x2C00, s7;
	s8 =	sshrl.u32 s8, $0x3  }
0xb: {  	s3 =	sadd.s32 $0xC00, s6;
	s9 =	smax.u32 s31, $0x1;
	s4 =	sadd.s32 s4, s8  }
0xc: {  	s6 =	sadd.s32 $0x1200, s4;
	s7 =	sadd.s32 $0x2400, s4;
	s8 =	sadd.s32 $0x3600, s4  }
.LBB2_1:
0xd: {  	[tilespmem:s2], [sflag:$0x1] =	stream.linear.gather [hbm4b:s3+s2], $0x4000, $0x38;
	[tilespmem:$0x6D00] =	vst v63  }
0xe: {  	_ =	swait.ge [sflag:s10], $0x4000  }
0xf: {  	[sflag:s10] =	ssyncset.done $0x0  }
0x10: {  	[sflag:s10] =	ssyncadd.s32 $0xFFFFC000  }
0x11: {  	[tilespmem:s11], [sflag:$0x1] =	stream.linear.gather [hbm4b:s5+s2], $0x900, $0x38;
	[tilespmem:$0x6D00] =	vst v63  }
0x12: {  	_ =	swait.ge [sflag:s10], $0x900  }
0x13: {  	[sflag:s10] =	ssyncset.done $0x0  }
0x14: {  	s20 =	simm.s32 $0x0;
	[sflag:s10] =	ssyncadd.s32 $0xFFFFF700  }
0x15: {  	v7 =	vld [tilespmem:s20+$0x4000];
	_ =	sdelay $0x7  }
0x16: {  	v0 =	vld.idx.msk [tilespmem:v7+s2+$0x0], $0xffff  }
0x17: {  	v1 =	vadd.s32 $0x400, v7;
	_ =	sdelay $0x2  }
0x18: {  	s16 =	simm.s32 $0x10  }
0x19: {  	v3 =	vld [tilespmem:s16+$0x4000];
	[tilespmem:s20+$0x4900] =	vst v0  }
0x1a: {  	v0 =	vld.idx.msk [tilespmem:v1+s2+$0x0], $0xffff  }
0x1b: {  	v1 =	vadd.s32 $0x800, v7;
	_ =	sdelay $0x3  }
0x1c: {  	[tilespmem:s20+$0x4B40] =	vst v0  }
0x1d: {  	v0 =	vld.idx.msk [tilespmem:v1+s2+$0x0], $0xffff  }
0x1e: {  	v1 =	vadd.s32 $0xC00, v7  }
0x1f: {  	v2 =	vld.idx.msk [tilespmem:v3+s2+$0x0], $0xffff  }
0x20: {  	v4 =	vadd.s32 $0x400, v3;
	_ =	sdelay $0x1  }
0x21: {  	[tilespmem:s20+$0x4D80] =	vst v0  }
0x22: {  	v1 =	vld.idx.msk [tilespmem:v1+s2+$0x0], $0xffff  }
0x23: {  	v5 =	vadd.s32 $0x1000, v7;
	[tilespmem:s16+$0x4900] =	vst v2  }
0x24: {  	s14 =	simm.s32 $0x20;
	v2 =	vld.idx.msk [tilespmem:v4+s2+$0x0], $0xffff  }
0x25: {  	v0 =	vld [tilespmem:s14+$0x4000]  }
0x26: {  	v4 =	vadd.s32 $0x800, v3  }
0x27: {  	[tilespmem:s20+$0x4FC0] =	vst v1  }
0x28: {  	v1 =	vld.idx.msk [tilespmem:v5+s2+$0x0], $0xffff  }
0x29: {  	v5 =	vadd.s32 $0x1400, v7  }
0x2a: {  	[tilespmem:s16+$0x4B40] =	vst v2  }
0x2b: {  	v2 =	vld.idx.msk [tilespmem:v4+s2+$0x0], $0xffff  }
0x2c: {  	v4 =	vadd.s32 $0xC00, v3  }
0x2d: {  	v6 =	vld.idx.msk [tilespmem:v0+s2+$0x0], $0xffff;
	[tilespmem:s20+$0x5200] =	vst v1  }
0x2e: {  	v8 =	vadd.s32 $0x400, v0;
	v5 =	vld.idx.msk [tilespmem:v5+s2+$0x0], $0xffff  }
0x2f: {  	v9 =	vadd.s32 $0x1800, v7  }
0x30: {  	[tilespmem:s16+$0x4D80] =	vst v2  }
0x31: {  	s15 =	simm.s32 $0x30;
	v2 =	vld.idx.msk [tilespmem:v4+s2+$0x0], $0xffff  }
0x32: {  	v4 =	vadd.s32 $0x1000, v3;
	v1 =	vld [tilespmem:s15+$0x4000];
	[tilespmem:s14+$0x4900] =	vst v6  }
0x33: {  	v6 =	vld.idx.msk [tilespmem:v8+s2+$0x0], $0xffff;
	[tilespmem:s20+$0x5440] =	vst v5  }
0x34: {  	v8 =	vadd.s32 $0x800, v0;
	v5 =	vld.idx.msk [tilespmem:v9+s2+$0x0], $0xffff  }
0x35: {  	v9 =	vadd.s32 $0x1C00, v7  }
0x36: {  	[tilespmem:s16+$0x4FC0] =	vst v2  }
0x37: {  	v2 =	vld.idx.msk [tilespmem:v4+s2+$0x0], $0xffff  }
0x38: {  	v4 =	vadd.s32 $0x1400, v3;
	[tilespmem:s14+$0x4B40] =	vst v6  }
0x39: {  	v6 =	vld.idx.msk [tilespmem:v8+s2+$0x0], $0xffff;
	[tilespmem:s20+$0x5680] =	vst v5  }
0x3a: {  	v8 =	vadd.s32 $0xC00, v0;
	v5 =	vld.idx.msk [tilespmem:v9+s2+$0x0], $0xffff  }
0x3b: {  	v9 =	vadd.s32 $0x2000, v7  }
0x3c: {  	[tilespmem:s16+$0x5200] =	vst v2;
	v10 =	vld.idx.msk [tilespmem:v1+s2+$0x0], $0xffff  }
0x3d: {  	s17 =	simm.s32 $0x40;
	v4 =	vld.idx.msk [tilespmem:v4+s2+$0x0], $0xffff;
	v11 =	vadd.s32 $0x400, v1  }
0x3e: {  	v2 =	vld [tilespmem:s17+$0x4000];
	[tilespmem:s14+$0x4D80] =	vst v6;
	v6 =	vadd.s32 $0x1800, v3  }
0x3f: {  	v8 =	vld.idx.msk [tilespmem:v8+s2+$0x0], $0xffff;
	[tilespmem:s20+$0x58C0] =	vst v5  }
0x40: {  	v5 =	vld.idx.msk [tilespmem:v9+s2+$0x0], $0xffff;
	v9 =	vadd.s32 $0x1000, v0  }
0x41: {  	[tilespmem:s15+$0x4900] =	vst v10;
	v10 =	vadd.s32 $0x2400, v7  }
0x42: {  	[tilespmem:s16+$0x5440] =	vst v4;
	v11 =	vld.idx.msk [tilespmem:v11+s2+$0x0], $0xffff  }
0x43: {  	v4 =	vld.idx.msk [tilespmem:v6+s2+$0x0], $0xffff;
	v6 =	vadd.s32 $0x800, v1  }
0x44: {  	[tilespmem:s14+$0x4FC0] =	vst v8;
	v8 =	vadd.s32 $0x1C00, v3  }
0x45: {  	v9 =	vld.idx.msk [tilespmem:v9+s2+$0x0], $0xffff;
	[tilespmem:s20+$0x5B00] =	vst v5  }
0x46: {  	v5 =	vld.idx.msk [tilespmem:v10+s2+$0x0], $0xffff;
	v10 =	vadd.s32 $0x1400, v0  }
0x47: {  	v13 =	vld.idx.msk [tilespmem:v2+s2+$0x0], $0xffff;
	[tilespmem:s15+$0x4B40] =	vst v11;
	v11 =	vadd.s32 $0x2800, v7  }
0x48: {  	v6 =	vld.idx.msk [tilespmem:v6+s2+$0x0], $0xffff;
	[tilespmem:s16+$0x5680] =	vst v4  }
0x49: {  	s18 =	simm.s32 $0x50;
	v12 =	vadd.s32 $0xC00, v1;
	v8 =	vld.idx.msk [tilespmem:v8+s2+$0x0], $0xffff  }
0x4a: {  	v4 =	vld [tilespmem:s18+$0x4000];
	[tilespmem:s14+$0x5200] =	vst v9;
	v9 =	vadd.s32 $0x2000, v3  }
0x4b: {  	v10 =	vld.idx.msk [tilespmem:v10+s2+$0x0], $0xffff;
	[tilespmem:s20+$0x5D40] =	vst v5;
	v5 =	vadd.s32 $0x400, v2  }
0x4c: {  	v14 =	vadd.s32 $0x1800, v0;
	v11 =	vld.idx.msk [tilespmem:v11+s2+$0x0], $0xffff  }
0x4d: {  	[tilespmem:s15+$0x4D80] =	vst v6;
	v6 =	vadd.s32 $0x2C00, v7  }
0x4e: {  	v12 =	vld.idx.msk [tilespmem:v12+s2+$0x0], $0xffff;
	[tilespmem:s16+$0x58C0] =	vst v8  }
0x4f: {  	[tilespmem:s17+$0x4900] =	vst v13;
	v8 =	vld.idx.msk [tilespmem:v9+s2+$0x0], $0xffff;
	v9 =	vadd.s32 $0x1000, v1  }
0x50: {  	v13 =	vld.idx.msk [tilespmem:v5+s2+$0x0], $0xffff;
	[tilespmem:s14+$0x5440] =	vst v10;
	v10 =	vadd.s32 $0x2400, v3  }
0x51: {  	v14 =	vld.idx.msk [tilespmem:v14+s2+$0x0], $0xffff;
	[tilespmem:s20+$0x5F80] =	vst v11;
	v11 =	vadd.s32 $0x800, v2  }
0x52: {  	v15 =	vadd.s32 $0x1C00, v0;
	v6 =	vld.idx.msk [tilespmem:v6+s2+$0x0], $0xffff  }
0x53: {  	v16 =	vld.idx.msk [tilespmem:v4+s2+$0x0], $0xffff;
	[tilespmem:s15+$0x4FC0] =	vst v12;
	v12 =	vadd.s32 $0x3000, v7  }
0x54: {  	v9 =	vld.idx.msk [tilespmem:v9+s2+$0x0], $0xffff;
	[tilespmem:s16+$0x5B00] =	vst v8  }
0x55: {  	v8 =	vld.idx.msk [tilespmem:v10+s2+$0x0], $0xffff;
	[tilespmem:s17+$0x4B40] =	vst v13;
	v10 =	vadd.s32 $0x1400, v1  }
0x56: {  	v13 =	vadd.s32 $0x2800, v3;
	v11 =	vld.idx.msk [tilespmem:v11+s2+$0x0], $0xffff;
	[tilespmem:s14+$0x5680] =	vst v14  }
0x57: {  	v14 =	vld.idx.msk [tilespmem:v15+s2+$0x0], $0xffff;
	[tilespmem:s20+$0x61C0] =	vst v6;
	v6 =	vadd.s32 $0xC00, v2  }
0x58: {  	s19 =	simm.s32 $0x60;
	v15 =	vadd.s32 $0x2000, v0;
	v12 =	vld.idx.msk [tilespmem:v12+s2+$0x0], $0xffff  }
0x59: {  	v5 =	vld [tilespmem:s19+$0x4000];
	[tilespmem:s15+$0x5200] =	vst v9;
	v9 =	vadd.s32 $0x3400, v7  }
0x5a: {  	v10 =	vld.idx.msk [tilespmem:v10+s2+$0x0], $0xffff;
	[tilespmem:s16+$0x5D40] =	vst v8;
	v8 =	vadd.s32 $0x400, v4  }
0x5b: {  	v13 =	vld.idx.msk [tilespmem:v13+s2+$0x0], $0xffff;
	[tilespmem:s17+$0x4D80] =	vst v11;
	v11 =	vadd.s32 $0x1800, v1  }
0x5c: {  	v17 =	vld.idx.msk [tilespmem:v6+s2+$0x0], $0xffff;
	[tilespmem:s14+$0x58C0] =	vst v14;
	v6 =	vadd.s32 $0x2C00, v3  }
0x5d: {  	v14 =	vld.idx.msk [tilespmem:v15+s2+$0x0], $0xffff;
	[tilespmem:s20+$0x6400] =	vst v12  }
0x5e: {  	[tilespmem:s18+$0x4900] =	vst v16;
	v12 =	vadd.s32 $0x1000, v2;
	v9 =	vld.idx.msk [tilespmem:v9+s2+$0x0], $0xffff  }
0x5f: {  	v8 =	vld.idx.msk [tilespmem:v8+s2+$0x0], $0xffff;
	[tilespmem:s15+$0x5440] =	vst v10;
	v10 =	vadd.s32 $0x2400, v0  }
0x60: {  	v11 =	vld.idx.msk [tilespmem:v11+s2+$0x0], $0xffff;
	[tilespmem:s16+$0x5F80] =	vst v13;
	v13 =	vadd.s32 $0x3800, v7  }
0x61: {  	s21 =	simm.s32 $0x70;
	v15 =	vadd.s32 $0x800, v4;
	v16 =	vld.idx.msk [tilespmem:v6+s2+$0x0], $0xffff  }
0x62: {  	v6 =	vld [tilespmem:s21+$0x4000];
	[tilespmem:s17+$0x4FC0] =	vst v17;
	v17 =	vadd.s32 $0x1C00, v1  }
0x63: {  	v12 =	vld.idx.msk [tilespmem:v12+s2+$0x0], $0xffff;
	[tilespmem:s14+$0x5B00] =	vst v14  }
0x64: {  	v14 =	vadd.s32 $0x3000, v3;
	[tilespmem:s20+$0x6640] =	vst v9;
	v10 =	vld.idx.msk [tilespmem:v10+s2+$0x0], $0xffff  }
0x65: {  	[tilespmem:s18+$0x4B40] =	vst v8;
	v8 =	vadd.s32 $0x1400, v2;
	v9 =	vld.idx.msk [tilespmem:v13+s2+$0x0], $0xffff  }
0x66: {  	v13 =	vld.idx.msk [tilespmem:v15+s2+$0x0], $0xffff;
	[tilespmem:s15+$0x5680] =	vst v11;
	v11 =	vadd.s32 $0x2800, v0  }
0x67: {  	v7 =	vadd.s32 $0x3C00, v7;
	v17 =	vld.idx.msk [tilespmem:v17+s2+$0x0], $0xffff  }
0x68: {  	v15 =	vadd.s32 $0xC00, v4;
	[tilespmem:s16+$0x61C0] =	vst v16;
	v16 =	vld.idx.msk [tilespmem:v5+s2+$0x0], $0xffff  }
0x69: {  	v18 =	vadd.s32 $0x2000, v1;
	v14 =	vld.idx.msk [tilespmem:v14+s2+$0x0], $0xffff;
	[tilespmem:s17+$0x5200] =	vst v12  }
0x6a: {  	v19 =	vld.idx.msk [tilespmem:v8+s2+$0x0], $0xffff;
	[tilespmem:s14+$0x5D40] =	vst v10;
	v8 =	vadd.s32 $0x3400, v3  }
0x6b: {  	v10 =	vadd.s32 $0x400, v5;
	v20 =	vld.idx.msk [tilespmem:v11+s2+$0x0], $0xffff;
	[tilespmem:s20+$0x6880] =	vst v9  }
0x6c: {  	[tilespmem:s18+$0x4D80] =	vst v13;
	v13 =	vadd.s32 $0x1800, v2;
	v12 =	vld.idx.msk [tilespmem:v7+s2+$0x0], $0xffff  }
0x6d: {  	v11 =	vadd.s32 $0x2C00, v0;
	v15 =	vld.idx.msk [tilespmem:v15+s2+$0x0], $0xffff;
	[tilespmem:s15+$0x58C0] =	vst v17  }
0x6e: {  	v9 =	vld.idx.msk [tilespmem:v18+s2+$0x0], $0xffff;
	[tilespmem:s16+$0x6400] =	vst v14  }
0x6f: {  	[tilespmem:s19+$0x4900] =	vst v16;
	v16 =	vadd.s32 $0x1000, v4;
	v8 =	vld.idx.msk [tilespmem:v8+s2+$0x0], $0xffff  }
0x70: {  	v17 =	vld.idx.msk [tilespmem:v10+s2+$0x0], $0xffff;
	[tilespmem:s17+$0x5440] =	vst v19;
	v10 =	vadd.s32 $0x2400, v1  }
0x71: {  	s22 =	simm.s32 $0x200;
	v7 =	vadd.s32 $0x3800, v3;
	v14 =	vmov v6;
	v13 =	vld.idx.msk [tilespmem:v13+s2+$0x0], $0xffff;
	[tilespmem:s14+$0x5F80] =	vst v20  }
.LBB2_2:
0x72: {  	s23 =	sshra.s32 s22, $0x2;
	p0 =	sne.s32 s22, $0x8C0;
	v18 =	vadd.s32 $0x800, v5;
	v11 =	vld.idx.msk [tilespmem:v11+s2+$0x0], $0xffff;
	[tilespmem:s20+$0x6AC0] =	vst v12;
	s20 =	smov.u32 s16  }
0x73: {  	s16 =	smov.u32 s14;
	s14 =	smov.u32 s15;
	s15 =	smov.u32 s17;
	v12 =	vld [tilespmem:s23+$0x4000];
	[tilespmem:s18+$0x4FC0] =	vst v15;
	v15 =	vadd.s32 $0x1C00, v2  }
0x74: {  	s17 =	smov.u32 s18;
	s18 =	smov.u32 s19;
	s19 =	smov.u32 s21;
	v16 =	vld.idx.msk [tilespmem:v16+s2+$0x0], $0xffff;
	[tilespmem:s14+$0x5B00] =	vst v9;
	v9 =	vadd.s32 $0x3000, v0  }
0x75: {  	s21 =	smov.u32 s23;
	v10 =	vld.idx.msk [tilespmem:v10+s2+$0x0], $0xffff;
	[tilespmem:s20+$0x6640] =	vst v8  }
0x76: {  	v8 =	vadd.s32 $0x1400, v4;
	[tilespmem:s18+$0x4B40] =	vst v17;
	v7 =	vld.idx.msk [tilespmem:v7+s2+$0x0], $0xffff  }
0x77: {  	v17 =	vld.idx.msk [tilespmem:v18+s2+$0x0], $0xffff;
	[tilespmem:s15+$0x5680] =	vst v13;
	v13 =	vadd.s32 $0x2800, v1  }
0x78: {  	v18 =	vld.idx.msk [tilespmem:v15+s2+$0x0], $0xffff;
	[tilespmem:s16+$0x61C0] =	vst v11;
	v11 =	vadd.s32 $0x3C00, v3;
	v3 =	vmovc v0;
	v0 =	vmovc v1;
	v1 =	vmov v2;
	v2 =	vmov v4  }
0x79: {  	v15 =	vadd.s32 $0xC00, v5;
	v4 =	vmovc v5;
	v5 =	vmov v6;
	v6 =	vmov v12;
	v19 =	vld.idx.msk [tilespmem:v9+s2+$0x0], $0xffff  }
0x7a: {  	v9 =	vadd.s32 $0x2000, v1;
	v20 =	vld.idx.msk [tilespmem:v14+s2+$0x0], $0xffff;
	[tilespmem:s17+$0x5200] =	vst v16;
	v14 =	vmov v12  }
0x7b: {  	v21 =	vld.idx.msk [tilespmem:v8+s2+$0x0], $0xffff;
	[tilespmem:s14+$0x5D40] =	vst v10;
	v8 =	vadd.s32 $0x3400, v3  }
0x7c: {  	v10 =	vadd.s32 $0x400, v5;
	v22 =	vld.idx.msk [tilespmem:v13+s2+$0x0], $0xffff;
	[tilespmem:s20+$0x6880] =	vst v7  }
0x7d: {  	v7 =	vadd.s32 $0x1800, v2;
	[tilespmem:s18+$0x4D80] =	vst v17;
	v12 =	vld.idx.msk [tilespmem:v11+s2+$0x0], $0xffff  }
.Ltmp0:
0x7e: {  	v11 =	vadd.s32 $0x2C00, v0;
	v15 =	vld.idx.msk [tilespmem:v15+s2+$0x0], $0xffff;
	[tilespmem:s15+$0x58C0] =	vst v18;
	(pc) =	sbr.rel @p0 .LBB2_2-.Ltmp0, $4  }
0x7f: {  	v9 =	vld.idx.msk [tilespmem:v9+s2+$0x0], $0xffff;
	[tilespmem:s16+$0x6400] =	vst v19  }
0x80: {  	v16 =	vadd.s32 $0x1000, v4;
	[tilespmem:s19+$0x4900] =	vst v20;
	v8 =	vld.idx.msk [tilespmem:v8+s2+$0x0], $0xffff  }
0x81: {  	v17 =	vld.idx.msk [tilespmem:v10+s2+$0x0], $0xffff;
	[tilespmem:s17+$0x5440] =	vst v21;
	v10 =	vadd.s32 $0x2400, v1  }
0x82: {  	s22 =	sadd.s32 $0x40, s22;
	v13 =	vld.idx.msk [tilespmem:v7+s2+$0x0], $0xffff;
	[tilespmem:s14+$0x5F80] =	vst v22;
	v7 =	vadd.s32 $0x3800, v3  }
0x83: {  	_ =	sdelay $0x3  }
0x84: {  	v14 =	vld.idx.msk [tilespmem:v14+s2+$0x0], $0xffff  }
0x85: {  	v18 =	vadd.s32 $0x400, v6;
	_ =	sdelay $0x3  }
0x86: {  	[tilespmem:s21+$0x4900] =	vst v14  }
0x87: {  	v14 =	vadd.s32 $0x800, v5;
	v18 =	vld.idx.msk [tilespmem:v18+s2+$0x0], $0xffff  }
0x88: {  	v19 =	vadd.s32 $0x800, v6;
	_ =	sdelay $0x2  }
0x89: {  	[tilespmem:s19+$0x4B40] =	vst v17  }
0x8a: {  	v14 =	vld.idx.msk [tilespmem:v14+s2+$0x0], $0xffff;
	[tilespmem:s21+$0x4B40] =	vst v18  }
0x8b: {  	v17 =	vadd.s32 $0xC00, v5;
	v18 =	vld.idx.msk [tilespmem:v19+s2+$0x0], $0xffff  }
0x8c: {  	v19 =	vadd.s32 $0xC00, v6;
	_ =	sdelay $0x2  }
0x8d: {  	[tilespmem:s19+$0x4D80] =	vst v14  }
0x8e: {  	v14 =	vld.idx.msk [tilespmem:v17+s2+$0x0], $0xffff;
	[tilespmem:s21+$0x4D80] =	vst v18  }
0x8f: {  	v17 =	vadd.s32 $0x1000, v5;
	v18 =	vld.idx.msk [tilespmem:v19+s2+$0x0], $0xffff  }
0x90: {  	v19 =	vadd.s32 $0x1000, v6;
	_ =	sdelay $0x1  }
0x91: {  	[tilespmem:s18+$0x4FC0] =	vst v15  }
0x92: {  	v15 =	vld.idx.msk [tilespmem:v16+s2+$0x0], $0xffff;
	[tilespmem:s19+$0x4FC0] =	vst v14  }
0x93: {  	v14 =	vadd.s32 $0x1400, v4;
	v16 =	vld.idx.msk [tilespmem:v17+s2+$0x0], $0xffff;
	[tilespmem:s21+$0x4FC0] =	vst v18  }
0x94: {  	v17 =	vadd.s32 $0x1400, v5;
	v18 =	vld.idx.msk [tilespmem:v19+s2+$0x0], $0xffff  }
0x95: {  	v19 =	vadd.s32 $0x1400, v6;
	_ =	sdelay $0x1  }
0x96: {  	[tilespmem:s18+$0x5200] =	vst v15  }
0x97: {  	v14 =	vld.idx.msk [tilespmem:v14+s2+$0x0], $0xffff;
	[tilespmem:s19+$0x5200] =	vst v16  }
0x98: {  	v15 =	vadd.s32 $0x1800, v4;
	v16 =	vld.idx.msk [tilespmem:v17+s2+$0x0], $0xffff;
	[tilespmem:s21+$0x5200] =	vst v18  }
0x99: {  	v17 =	vadd.s32 $0x1800, v5;
	v18 =	vld.idx.msk [tilespmem:v19+s2+$0x0], $0xffff  }
0x9a: {  	v19 =	vadd.s32 $0x1800, v6;
	_ =	sdelay $0x1  }
0x9b: {  	[tilespmem:s18+$0x5440] =	vst v14  }
0x9c: {  	v14 =	vadd.s32 $0x1C00, v2;
	v15 =	vld.idx.msk [tilespmem:v15+s2+$0x0], $0xffff;
	[tilespmem:s19+$0x5440] =	vst v16  }
0x9d: {  	v16 =	vadd.s32 $0x1C00, v4;
	v17 =	vld.idx.msk [tilespmem:v17+s2+$0x0], $0xffff;
	[tilespmem:s21+$0x5440] =	vst v18  }
0x9e: {  	v18 =	vadd.s32 $0x1C00, v5;
	v19 =	vld.idx.msk [tilespmem:v19+s2+$0x0], $0xffff  }
0x9f: {  	v20 =	vadd.s32 $0x1C00, v6  }
0xa0: {  	[tilespmem:s17+$0x5680] =	vst v13  }
0xa1: {  	v13 =	vld.idx.msk [tilespmem:v14+s2+$0x0], $0xffff;
	[tilespmem:s18+$0x5680] =	vst v15  }
0xa2: {  	v14 =	vadd.s32 $0x2000, v2;
	v15 =	vld.idx.msk [tilespmem:v16+s2+$0x0], $0xffff;
	[tilespmem:s19+$0x5680] =	vst v17  }
0xa3: {  	v16 =	vadd.s32 $0x2000, v4;
	v17 =	vld.idx.msk [tilespmem:v18+s2+$0x0], $0xffff;
	[tilespmem:s21+$0x5680] =	vst v19  }
0xa4: {  	v18 =	vadd.s32 $0x2000, v5;
	v19 =	vld.idx.msk [tilespmem:v20+s2+$0x0], $0xffff  }
0xa5: {  	[tilespmem:s20+$0x6AC0] =	vst v12;
	v12 =	vadd.s32 $0x2000, v6  }
0xa6: {  	[tilespmem:s17+$0x58C0] =	vst v13  }
0xa7: {  	v13 =	vld.idx.msk [tilespmem:v14+s2+$0x0], $0xffff;
	[tilespmem:s18+$0x58C0] =	vst v15  }
0xa8: {  	v14 =	vadd.s32 $0x2400, v2;
	v15 =	vld.idx.msk [tilespmem:v16+s2+$0x0], $0xffff;
	[tilespmem:s19+$0x58C0] =	vst v17  }
0xa9: {  	v16 =	vadd.s32 $0x2400, v4;
	v17 =	vld.idx.msk [tilespmem:v18+s2+$0x0], $0xffff;
	[tilespmem:s21+$0x58C0] =	vst v19  }
0xaa: {  	[tilespmem:s15+$0x5B00] =	vst v9;
	v9 =	vadd.s32 $0x2400, v5;
	v12 =	vld.idx.msk [tilespmem:v12+s2+$0x0], $0xffff  }
0xab: {  	v11 =	vld.idx.msk [tilespmem:v11+s2+$0x0], $0xffff;
	[tilespmem:s16+$0x6640] =	vst v8;
	v8 =	vadd.s32 $0x2400, v6  }
0xac: {  	v10 =	vld.idx.msk [tilespmem:v10+s2+$0x0], $0xffff;
	[tilespmem:s17+$0x5B00] =	vst v13  }
0xad: {  	v13 =	vadd.s32 $0x2800, v1;
	v14 =	vld.idx.msk [tilespmem:v14+s2+$0x0], $0xffff;
	[tilespmem:s18+$0x5B00] =	vst v15  }
0xae: {  	v15 =	vadd.s32 $0x2800, v2;
	v16 =	vld.idx.msk [tilespmem:v16+s2+$0x0], $0xffff;
	[tilespmem:s19+$0x5B00] =	vst v17  }
0xaf: {  	v17 =	vadd.s32 $0x2800, v4;
	v9 =	vld.idx.msk [tilespmem:v9+s2+$0x0], $0xffff;
	[tilespmem:s21+$0x5B00] =	vst v12  }
0xb0: {  	[tilespmem:s14+$0x61C0] =	vst v11;
	v11 =	vadd.s32 $0x2800, v5;
	v8 =	vld.idx.msk [tilespmem:v8+s2+$0x0], $0xffff  }
0xb1: {  	v7 =	vld.idx.msk [tilespmem:v7+s2+$0x0], $0xffff;
	[tilespmem:s15+$0x5D40] =	vst v10;
	v10 =	vadd.s32 $0x2800, v6  }
0xb2: {  	v13 =	vld.idx.msk [tilespmem:v13+s2+$0x0], $0xffff;
	v12 =	vadd.s32 $0x3000, v0;
	[tilespmem:s17+$0x5D40] =	vst v14  }
0xb3: {  	v14 =	vadd.s32 $0x2C00, v1;
	v15 =	vld.idx.msk [tilespmem:v15+s2+$0x0], $0xffff;
	[tilespmem:s18+$0x5D40] =	vst v16  }
0xb4: {  	v16 =	vadd.s32 $0x2C00, v2;
	v17 =	vld.idx.msk [tilespmem:v17+s2+$0x0], $0xffff;
	[tilespmem:s19+$0x5D40] =	vst v9  }
0xb5: {  	v9 =	vadd.s32 $0x2C00, v4;
	v11 =	vld.idx.msk [tilespmem:v11+s2+$0x0], $0xffff;
	[tilespmem:s21+$0x5D40] =	vst v8  }
0xb6: {  	[tilespmem:s16+$0x6880] =	vst v7;
	v7 =	vadd.s32 $0x2C00, v5;
	v8 =	vld.idx.msk [tilespmem:v10+s2+$0x0], $0xffff  }
0xb7: {  	[tilespmem:s15+$0x5F80] =	vst v13;
	v10 =	vld.idx.msk [tilespmem:v12+s2+$0x0], $0xffff;
	v12 =	vadd.s32 $0x2C00, v6  }
0xb8: {  	v3 =	vadd.s32 $0x3C00, v3;
	v13 =	vld.idx.msk [tilespmem:v14+s2+$0x0], $0xffff;
	[tilespmem:s17+$0x5F80] =	vst v15  }
0xb9: {  	v14 =	vadd.s32 $0x3000, v1;
	v15 =	vld.idx.msk [tilespmem:v16+s2+$0x0], $0xffff;
	[tilespmem:s18+$0x5F80] =	vst v17  }
0xba: {  	v16 =	vadd.s32 $0x3000, v2;
	v9 =	vld.idx.msk [tilespmem:v9+s2+$0x0], $0xffff;
	[tilespmem:s19+$0x5F80] =	vst v11  }
0xbb: {  	v11 =	vadd.s32 $0x3000, v4;
	v7 =	vld.idx.msk [tilespmem:v7+s2+$0x0], $0xffff;
	[tilespmem:s21+$0x5F80] =	vst v8  }
0xbc: {  	[tilespmem:s14+$0x6400] =	vst v10;
	v8 =	vadd.s32 $0x3000, v5;
	v10 =	vld.idx.msk [tilespmem:v12+s2+$0x0], $0xffff  }
0xbd: {  	v3 =	vld.idx.msk [tilespmem:v3+s2+$0x0], $0xffff;
	[tilespmem:s15+$0x61C0] =	vst v13;
	v12 =	vadd.s32 $0x3000, v6  }
0xbe: {  	v13 =	vadd.s32 $0x3400, v0;
	v14 =	vld.idx.msk [tilespmem:v14+s2+$0x0], $0xffff;
	[tilespmem:s17+$0x61C0] =	vst v15  }
0xbf: {  	v15 =	vadd.s32 $0x3400, v1;
	v16 =	vld.idx.msk [tilespmem:v16+s2+$0x0], $0xffff;
	[tilespmem:s18+$0x61C0] =	vst v9  }
0xc0: {  	v9 =	vadd.s32 $0x3400, v2;
	v11 =	vld.idx.msk [tilespmem:v11+s2+$0x0], $0xffff;
	[tilespmem:s19+$0x61C0] =	vst v7  }
0xc1: {  	v7 =	vadd.s32 $0x3400, v4;
	v8 =	vld.idx.msk [tilespmem:v8+s2+$0x0], $0xffff;
	[tilespmem:s21+$0x61C0] =	vst v10  }
0xc2: {  	[tilespmem:s16+$0x6AC0] =	vst v3;
	v3 =	vadd.s32 $0x3400, v5;
	v10 =	vld.idx.msk [tilespmem:v12+s2+$0x0], $0xffff  }
0xc3: {  	[tilespmem:s15+$0x6400] =	vst v14;
	v12 =	vld.idx.msk [tilespmem:v13+s2+$0x0], $0xffff;
	v13 =	vadd.s32 $0x3400, v6  }
0xc4: {  	v14 =	vadd.s32 $0x3800, v0;
	v15 =	vld.idx.msk [tilespmem:v15+s2+$0x0], $0xffff;
	[tilespmem:s17+$0x6400] =	vst v16  }
0xc5: {  	v16 =	vadd.s32 $0x3800, v1;
	v9 =	vld.idx.msk [tilespmem:v9+s2+$0x0], $0xffff;
	[tilespmem:s18+$0x6400] =	vst v11  }
0xc6: {  	v11 =	vadd.s32 $0x3800, v2;
	v7 =	vld.idx.msk [tilespmem:v7+s2+$0x0], $0xffff;
	[tilespmem:s19+$0x6400] =	vst v8  }
0xc7: {  	v8 =	vadd.s32 $0x3800, v4;
	v3 =	vld.idx.msk [tilespmem:v3+s2+$0x0], $0xffff;
	[tilespmem:s21+$0x6400] =	vst v10  }
0xc8: {  	[tilespmem:s14+$0x6640] =	vst v12;
	v10 =	vadd.s32 $0x3800, v5;
	v12 =	vld.idx.msk [tilespmem:v13+s2+$0x0], $0xffff  }
0xc9: {  	[tilespmem:s15+$0x6640] =	vst v15;
	v13 =	vld.idx.msk [tilespmem:v14+s2+$0x0], $0xffff;
	v14 =	vadd.s32 $0x3800, v6  }
0xca: {  	v0 =	vadd.s32 $0x3C00, v0;
	v15 =	vld.idx.msk [tilespmem:v16+s2+$0x0], $0xffff;
	[tilespmem:s17+$0x6640] =	vst v9  }
0xcb: {  	v1 =	vadd.s32 $0x3C00, v1;
	v9 =	vld.idx.msk [tilespmem:v11+s2+$0x0], $0xffff;
	[tilespmem:s18+$0x6640] =	vst v7  }
0xcc: {  	v2 =	vadd.s32 $0x3C00, v2;
	v7 =	vld.idx.msk [tilespmem:v8+s2+$0x0], $0xffff;
	[tilespmem:s19+$0x6640] =	vst v3  }
0xcd: {  	v3 =	vadd.s32 $0x3C00, v4;
	v4 =	vld.idx.msk [tilespmem:v10+s2+$0x0], $0xffff;
	[tilespmem:s21+$0x6640] =	vst v12  }
0xce: {  	v5 =	vadd.s32 $0x3C00, v5;
	[tilespmem:s14+$0x6880] =	vst v13;
	v8 =	vld.idx.msk [tilespmem:v14+s2+$0x0], $0xffff  }
0xcf: {  	v6 =	vadd.s32 $0x3C00, v6;
	[tilespmem:s15+$0x6880] =	vst v15;
	v0 =	vld.idx.msk [tilespmem:v0+s2+$0x0], $0xffff  }
0xd0: {  	v1 =	vld.idx.msk [tilespmem:v1+s2+$0x0], $0xffff;
	[tilespmem:s17+$0x6880] =	vst v9  }
0xd1: {  	v2 =	vld.idx.msk [tilespmem:v2+s2+$0x0], $0xffff;
	[tilespmem:s18+$0x6880] =	vst v7  }
0xd2: {  	v3 =	vld.idx.msk [tilespmem:v3+s2+$0x0], $0xffff;
	[tilespmem:s19+$0x6880] =	vst v4  }
0xd3: {  	v4 =	vld.idx.msk [tilespmem:v5+s2+$0x0], $0xffff;
	[tilespmem:s21+$0x6880] =	vst v8  }
0xd4: {  	[tilespmem:s14+$0x6AC0] =	vst v0;
	v0 =	vld.idx.msk [tilespmem:v6+s2+$0x0], $0xffff  }
0xd5: {  	[tilespmem:s15+$0x6AC0] =	vst v1  }
0xd6: {  	[tilespmem:s17+$0x6AC0] =	vst v2  }
0xd7: {  	[tilespmem:s18+$0x6AC0] =	vst v3  }
0xd8: {  	[tilespmem:s19+$0x6AC0] =	vst v4  }
0xd9: {  	s31 =	simm.s32 $0x0;
	[tilespmem:s21+$0x6AC0] =	vst v0  }
0xda: {  	[hbm4b:s4+s31] =	stream.linear.scatter [tilespmem:s12], [sflag:$0x1], $0x2400, $0x38;
	[tilespmem:$0x6D00] =	vst v63  }
0xdb: {  	_ =	swait.ge [sflag:s10], $0x2400  }
0xdc: {  	[sflag:s10] =	ssyncset.done $0x0  }
0xdd: {  	s20 =	simm.s32 $0x0;
	[sflag:s10] =	ssyncadd.s32 $0xFFFFDC00  }
0xde: {  	v7 =	vld [tilespmem:s20+$0x4240];
	_ =	sdelay $0x7  }
0xdf: {  	v0 =	vld.idx.msk [tilespmem:v7+s2+$0x0], $0xffff  }
0xe0: {  	v1 =	vadd.s32 $0x400, v7;
	_ =	sdelay $0x2  }
0xe1: {  	s16 =	simm.s32 $0x10  }
0xe2: {  	v3 =	vld [tilespmem:s16+$0x4240];
	[tilespmem:s20+$0x4900] =	vst v0  }
0xe3: {  	v0 =	vld.idx.msk [tilespmem:v1+s2+$0x0], $0xffff  }
0xe4: {  	v1 =	vadd.s32 $0x800, v7;
	_ =	sdelay $0x3  }
0xe5: {  	[tilespmem:s20+$0x4B40] =	vst v0  }
0xe6: {  	v0 =	vld.idx.msk [tilespmem:v1+s2+$0x0], $0xffff  }
0xe7: {  	v1 =	vadd.s32 $0xC00, v7  }
0xe8: {  	v2 =	vld.idx.msk [tilespmem:v3+s2+$0x0], $0xffff  }
0xe9: {  	v4 =	vadd.s32 $0x400, v3;
	_ =	sdelay $0x1  }
0xea: {  	[tilespmem:s20+$0x4D80] =	vst v0  }
0xeb: {  	v1 =	vld.idx.msk [tilespmem:v1+s2+$0x0], $0xffff  }
0xec: {  	v5 =	vadd.s32 $0x1000, v7;
	[tilespmem:s16+$0x4900] =	vst v2  }
0xed: {  	s14 =	simm.s32 $0x20;
	v2 =	vld.idx.msk [tilespmem:v4+s2+$0x0], $0xffff  }
0xee: {  	v0 =	vld [tilespmem:s14+$0x4240]  }
0xef: {  	v4 =	vadd.s32 $0x800, v3  }
0xf0: {  	[tilespmem:s20+$0x4FC0] =	vst v1  }
0xf1: {  	v1 =	vld.idx.msk [tilespmem:v5+s2+$0x0], $0xffff  }
0xf2: {  	v5 =	vadd.s32 $0x1400, v7  }
0xf3: {  	[tilespmem:s16+$0x4B40] =	vst v2  }
0xf4: {  	v2 =	vld.idx.msk [tilespmem:v4+s2+$0x0], $0xffff  }
0xf5: {  	v4 =	vadd.s32 $0xC00, v3  }
0xf6: {  	v6 =	vld.idx.msk [tilespmem:v0+s2+$0x0], $0xffff;
	[tilespmem:s20+$0x5200] =	vst v1  }
0xf7: {  	v8 =	vadd.s32 $0x400, v0;
	v5 =	vld.idx.msk [tilespmem:v5+s2+$0x0], $0xffff  }
0xf8: {  	v9 =	vadd.s32 $0x1800, v7  }
0xf9: {  	[tilespmem:s16+$0x4D80] =	vst v2  }
0xfa: {  	s15 =	simm.s32 $0x30;
	v2 =	vld.idx.msk [tilespmem:v4+s2+$0x0], $0xffff  }
0xfb: {  	v4 =	vadd.s32 $0x1000, v3;
	v1 =	vld [tilespmem:s15+$0x4240];
	[tilespmem:s14+$0x4900] =	vst v6  }
0xfc: {  	v6 =	vld.idx.msk [tilespmem:v8+s2+$0x0], $0xffff;
	[tilespmem:s20+$0x5440] =	vst v5  }
0xfd: {  	v8 =	vadd.s32 $0x800, v0;
	v5 =	vld.idx.msk [tilespmem:v9+s2+$0x0], $0xffff  }
0xfe: {  	v9 =	vadd.s32 $0x1C00, v7  }
0xff: {  	[tilespmem:s16+$0x4FC0] =	vst v2  }
0x100: {  	v2 =	vld.idx.msk [tilespmem:v4+s2+$0x0], $0xffff  }
0x101: {  	v4 =	vadd.s32 $0x1400, v3;
	[tilespmem:s14+$0x4B40] =	vst v6  }
0x102: {  	v6 =	vld.idx.msk [tilespmem:v8+s2+$0x0], $0xffff;
	[tilespmem:s20+$0x5680] =	vst v5  }
0x103: {  	v8 =	vadd.s32 $0xC00, v0;
	v5 =	vld.idx.msk [tilespmem:v9+s2+$0x0], $0xffff  }
0x104: {  	v9 =	vadd.s32 $0x2000, v7  }
0x105: {  	[tilespmem:s16+$0x5200] =	vst v2;
	v10 =	vld.idx.msk [tilespmem:v1+s2+$0x0], $0xffff  }
0x106: {  	s17 =	simm.s32 $0x40;
	v4 =	vld.idx.msk [tilespmem:v4+s2+$0x0], $0xffff;
	v11 =	vadd.s32 $0x400, v1  }
0x107: {  	v2 =	vld [tilespmem:s17+$0x4240];
	[tilespmem:s14+$0x4D80] =	vst v6;
	v6 =	vadd.s32 $0x1800, v3  }
0x108: {  	v8 =	vld.idx.msk [tilespmem:v8+s2+$0x0], $0xffff;
	[tilespmem:s20+$0x58C0] =	vst v5  }
0x109: {  	v5 =	vld.idx.msk [tilespmem:v9+s2+$0x0], $0xffff;
	v9 =	vadd.s32 $0x1000, v0  }
0x10a: {  	[tilespmem:s15+$0x4900] =	vst v10;
	v10 =	vadd.s32 $0x2400, v7  }
0x10b: {  	[tilespmem:s16+$0x5440] =	vst v4;
	v11 =	vld.idx.msk [tilespmem:v11+s2+$0x0], $0xffff  }
0x10c: {  	v4 =	vld.idx.msk [tilespmem:v6+s2+$0x0], $0xffff;
	v6 =	vadd.s32 $0x800, v1  }
0x10d: {  	[tilespmem:s14+$0x4FC0] =	vst v8;
	v8 =	vadd.s32 $0x1C00, v3  }
0x10e: {  	v9 =	vld.idx.msk [tilespmem:v9+s2+$0x0], $0xffff;
	[tilespmem:s20+$0x5B00] =	vst v5  }
0x10f: {  	v5 =	vld.idx.msk [tilespmem:v10+s2+$0x0], $0xffff;
	v10 =	vadd.s32 $0x1400, v0  }
0x110: {  	v13 =	vld.idx.msk [tilespmem:v2+s2+$0x0], $0xffff;
	[tilespmem:s15+$0x4B40] =	vst v11;
	v11 =	vadd.s32 $0x2800, v7  }
0x111: {  	v6 =	vld.idx.msk [tilespmem:v6+s2+$0x0], $0xffff;
	[tilespmem:s16+$0x5680] =	vst v4  }
0x112: {  	s18 =	simm.s32 $0x50;
	v12 =	vadd.s32 $0xC00, v1;
	v8 =	vld.idx.msk [tilespmem:v8+s2+$0x0], $0xffff  }
0x113: {  	v4 =	vld [tilespmem:s18+$0x4240];
	[tilespmem:s14+$0x5200] =	vst v9;
	v9 =	vadd.s32 $0x2000, v3  }
0x114: {  	v10 =	vld.idx.msk [tilespmem:v10+s2+$0x0], $0xffff;
	[tilespmem:s20+$0x5D40] =	vst v5;
	v5 =	vadd.s32 $0x400, v2  }
0x115: {  	v14 =	vadd.s32 $0x1800, v0;
	v11 =	vld.idx.msk [tilespmem:v11+s2+$0x0], $0xffff  }
0x116: {  	[tilespmem:s15+$0x4D80] =	vst v6;
	v6 =	vadd.s32 $0x2C00, v7  }
0x117: {  	v12 =	vld.idx.msk [tilespmem:v12+s2+$0x0], $0xffff;
	[tilespmem:s16+$0x58C0] =	vst v8  }
0x118: {  	[tilespmem:s17+$0x4900] =	vst v13;
	v8 =	vld.idx.msk [tilespmem:v9+s2+$0x0], $0xffff;
	v9 =	vadd.s32 $0x1000, v1  }
0x119: {  	v13 =	vld.idx.msk [tilespmem:v5+s2+$0x0], $0xffff;
	[tilespmem:s14+$0x5440] =	vst v10;
	v10 =	vadd.s32 $0x2400, v3  }
0x11a: {  	v14 =	vld.idx.msk [tilespmem:v14+s2+$0x0], $0xffff;
	[tilespmem:s20+$0x5F80] =	vst v11;
	v11 =	vadd.s32 $0x800, v2  }
0x11b: {  	v15 =	vadd.s32 $0x1C00, v0;
	v6 =	vld.idx.msk [tilespmem:v6+s2+$0x0], $0xffff  }
0x11c: {  	v16 =	vld.idx.msk [tilespmem:v4+s2+$0x0], $0xffff;
	[tilespmem:s15+$0x4FC0] =	vst v12;
	v12 =	vadd.s32 $0x3000, v7  }
0x11d: {  	v9 =	vld.idx.msk [tilespmem:v9+s2+$0x0], $0xffff;
	[tilespmem:s16+$0x5B00] =	vst v8  }
0x11e: {  	v8 =	vld.idx.msk [tilespmem:v10+s2+$0x0], $0xffff;
	[tilespmem:s17+$0x4B40] =	vst v13;
	v10 =	vadd.s32 $0x1400, v1  }
0x11f: {  	v13 =	vadd.s32 $0x2800, v3;
	v11 =	vld.idx.msk [tilespmem:v11+s2+$0x0], $0xffff;
	[tilespmem:s14+$0x5680] =	vst v14  }
0x120: {  	v14 =	vld.idx.msk [tilespmem:v15+s2+$0x0], $0xffff;
	[tilespmem:s20+$0x61C0] =	vst v6;
	v6 =	vadd.s32 $0xC00, v2  }
0x121: {  	s19 =	simm.s32 $0x60;
	v15 =	vadd.s32 $0x2000, v0;
	v12 =	vld.idx.msk [tilespmem:v12+s2+$0x0], $0xffff  }
0x122: {  	v5 =	vld [tilespmem:s19+$0x4240];
	[tilespmem:s15+$0x5200] =	vst v9;
	v9 =	vadd.s32 $0x3400, v7  }
0x123: {  	v10 =	vld.idx.msk [tilespmem:v10+s2+$0x0], $0xffff;
	[tilespmem:s16+$0x5D40] =	vst v8;
	v8 =	vadd.s32 $0x400, v4  }
0x124: {  	v13 =	vld.idx.msk [tilespmem:v13+s2+$0x0], $0xffff;
	[tilespmem:s17+$0x4D80] =	vst v11;
	v11 =	vadd.s32 $0x1800, v1  }
0x125: {  	v17 =	vld.idx.msk [tilespmem:v6+s2+$0x0], $0xffff;
	[tilespmem:s14+$0x58C0] =	vst v14;
	v6 =	vadd.s32 $0x2C00, v3  }
0x126: {  	v14 =	vld.idx.msk [tilespmem:v15+s2+$0x0], $0xffff;
	[tilespmem:s20+$0x6400] =	vst v12  }
0x127: {  	[tilespmem:s18+$0x4900] =	vst v16;
	v12 =	vadd.s32 $0x1000, v2;
	v9 =	vld.idx.msk [tilespmem:v9+s2+$0x0], $0xffff  }
0x128: {  	v8 =	vld.idx.msk [tilespmem:v8+s2+$0x0], $0xffff;
	[tilespmem:s15+$0x5440] =	vst v10;
	v10 =	vadd.s32 $0x2400, v0  }
0x129: {  	v11 =	vld.idx.msk [tilespmem:v11+s2+$0x0], $0xffff;
	[tilespmem:s16+$0x5F80] =	vst v13;
	v13 =	vadd.s32 $0x3800, v7  }
0x12a: {  	s21 =	simm.s32 $0x70;
	v15 =	vadd.s32 $0x800, v4;
	v16 =	vld.idx.msk [tilespmem:v6+s2+$0x0], $0xffff  }
0x12b: {  	v6 =	vld [tilespmem:s21+$0x4240];
	[tilespmem:s17+$0x4FC0] =	vst v17;
	v17 =	vadd.s32 $0x1C00, v1  }
0x12c: {  	v12 =	vld.idx.msk [tilespmem:v12+s2+$0x0], $0xffff;
	[tilespmem:s14+$0x5B00] =	vst v14  }
0x12d: {  	v14 =	vadd.s32 $0x3000, v3;
	[tilespmem:s20+$0x6640] =	vst v9;
	v10 =	vld.idx.msk [tilespmem:v10+s2+$0x0], $0xffff  }
0x12e: {  	[tilespmem:s18+$0x4B40] =	vst v8;
	v8 =	vadd.s32 $0x1400, v2;
	v9 =	vld.idx.msk [tilespmem:v13+s2+$0x0], $0xffff  }
0x12f: {  	v13 =	vld.idx.msk [tilespmem:v15+s2+$0x0], $0xffff;
	[tilespmem:s15+$0x5680] =	vst v11;
	v11 =	vadd.s32 $0x2800, v0  }
0x130: {  	v7 =	vadd.s32 $0x3C00, v7;
	v17 =	vld.idx.msk [tilespmem:v17+s2+$0x0], $0xffff  }
0x131: {  	v15 =	vadd.s32 $0xC00, v4;
	[tilespmem:s16+$0x61C0] =	vst v16;
	v16 =	vld.idx.msk [tilespmem:v5+s2+$0x0], $0xffff  }
0x132: {  	v18 =	vadd.s32 $0x2000, v1;
	v14 =	vld.idx.msk [tilespmem:v14+s2+$0x0], $0xffff;
	[tilespmem:s17+$0x5200] =	vst v12  }
0x133: {  	v19 =	vld.idx.msk [tilespmem:v8+s2+$0x0], $0xffff;
	[tilespmem:s14+$0x5D40] =	vst v10;
	v8 =	vadd.s32 $0x3400, v3  }
0x134: {  	v10 =	vadd.s32 $0x400, v5;
	v63 =	vld.idx.msk [tilespmem:v11+s2+$0x0], $0xffff;
	[tilespmem:s20+$0x6880] =	vst v9  }
0x135: {  	[tilespmem:s18+$0x4D80] =	vst v13;
	v13 =	vadd.s32 $0x1800, v2;
	v12 =	vld.idx.msk [tilespmem:v7+s2+$0x0], $0xffff  }
0x136: {  	v11 =	vadd.s32 $0x2C00, v0;
	v15 =	vld.idx.msk [tilespmem:v15+s2+$0x0], $0xffff;
	[tilespmem:s15+$0x58C0] =	vst v17  }
0x137: {  	v9 =	vld.idx.msk [tilespmem:v18+s2+$0x0], $0xffff;
	[tilespmem:s16+$0x6400] =	vst v14  }
0x138: {  	[tilespmem:s19+$0x4900] =	vst v16;
	v16 =	vadd.s32 $0x1000, v4;
	v8 =	vld.idx.msk [tilespmem:v8+s2+$0x0], $0xffff  }
0x139: {  	v17 =	vld.idx.msk [tilespmem:v10+s2+$0x0], $0xffff;
	[tilespmem:s17+$0x5440] =	vst v19;
	v10 =	vadd.s32 $0x2400, v1  }
0x13a: {  	s22 =	simm.s32 $0x200;
	v7 =	vadd.s32 $0x3800, v3;
	v14 =	vmov v6;
	v13 =	vld.idx.msk [tilespmem:v13+s2+$0x0], $0xffff;
	[tilespmem:s14+$0x5F80] =	vst v63  }
.LBB2_4:
0x13b: {  	s23 =	sshra.s32 s22, $0x2;
	p0 =	sne.s32 s22, $0x8C0;
	v18 =	vadd.s32 $0x800, v5;
	v11 =	vld.idx.msk [tilespmem:v11+s2+$0x0], $0xffff;
	[tilespmem:s20+$0x6AC0] =	vst v12;
	s20 =	smov.u32 s16  }
0x13c: {  	s16 =	smov.u32 s14;
	s14 =	smov.u32 s15;
	s15 =	smov.u32 s17;
	v12 =	vld [tilespmem:s23+$0x4240];
	[tilespmem:s18+$0x4FC0] =	vst v15;
	v15 =	vadd.s32 $0x1C00, v2  }
0x13d: {  	s17 =	smov.u32 s18;
	s18 =	smov.u32 s19;
	s19 =	smov.u32 s21;
	v16 =	vld.idx.msk [tilespmem:v16+s2+$0x0], $0xffff;
	[tilespmem:s14+$0x5B00] =	vst v9;
	v9 =	vadd.s32 $0x3000, v0  }
0x13e: {  	s21 =	smov.u32 s23;
	v10 =	vld.idx.msk [tilespmem:v10+s2+$0x0], $0xffff;
	[tilespmem:s20+$0x6640] =	vst v8  }
0x13f: {  	v8 =	vadd.s32 $0x1400, v4;
	[tilespmem:s18+$0x4B40] =	vst v17;
	v7 =	vld.idx.msk [tilespmem:v7+s2+$0x0], $0xffff  }
0x140: {  	v17 =	vld.idx.msk [tilespmem:v18+s2+$0x0], $0xffff;
	[tilespmem:s15+$0x5680] =	vst v13;
	v13 =	vadd.s32 $0x2800, v1  }
0x141: {  	v18 =	vld.idx.msk [tilespmem:v15+s2+$0x0], $0xffff;
	[tilespmem:s16+$0x61C0] =	vst v11;
	v11 =	vadd.s32 $0x3C00, v3;
	v3 =	vmovc v0;
	v0 =	vmovc v1;
	v1 =	vmov v2;
	v2 =	vmov v4  }
0x142: {  	v15 =	vadd.s32 $0xC00, v5;
	v4 =	vmovc v5;
	v5 =	vmov v6;
	v6 =	vmov v12;
	v19 =	vld.idx.msk [tilespmem:v9+s2+$0x0], $0xffff  }
0x143: {  	v9 =	vadd.s32 $0x2000, v1;
	v20 =	vld.idx.msk [tilespmem:v14+s2+$0x0], $0xffff;
	[tilespmem:s17+$0x5200] =	vst v16;
	v14 =	vmov v12  }
0x144: {  	v21 =	vld.idx.msk [tilespmem:v8+s2+$0x0], $0xffff;
	[tilespmem:s14+$0x5D40] =	vst v10;
	v8 =	vadd.s32 $0x3400, v3  }
0x145: {  	v10 =	vadd.s32 $0x400, v5;
	v22 =	vld.idx.msk [tilespmem:v13+s2+$0x0], $0xffff;
	[tilespmem:s20+$0x6880] =	vst v7  }
0x146: {  	v7 =	vadd.s32 $0x1800, v2;
	[tilespmem:s18+$0x4D80] =	vst v17;
	v12 =	vld.idx.msk [tilespmem:v11+s2+$0x0], $0xffff  }
.Ltmp1:
0x147: {  	v11 =	vadd.s32 $0x2C00, v0;
	v15 =	vld.idx.msk [tilespmem:v15+s2+$0x0], $0xffff;
	[tilespmem:s15+$0x58C0] =	vst v18;
	(pc) =	sbr.rel @p0 .LBB2_4-.Ltmp1, $4  }
0x148: {  	v9 =	vld.idx.msk [tilespmem:v9+s2+$0x0], $0xffff;
	[tilespmem:s16+$0x6400] =	vst v19  }
0x149: {  	v16 =	vadd.s32 $0x1000, v4;
	[tilespmem:s19+$0x4900] =	vst v20;
	v8 =	vld.idx.msk [tilespmem:v8+s2+$0x0], $0xffff  }
0x14a: {  	v17 =	vld.idx.msk [tilespmem:v10+s2+$0x0], $0xffff;
	[tilespmem:s17+$0x5440] =	vst v21;
	v10 =	vadd.s32 $0x2400, v1  }
0x14b: {  	s22 =	sadd.s32 $0x40, s22;
	v13 =	vld.idx.msk [tilespmem:v7+s2+$0x0], $0xffff;
	[tilespmem:s14+$0x5F80] =	vst v22;
	v7 =	vadd.s32 $0x3800, v3  }
0x14c: {  	_ =	sdelay $0x3  }
0x14d: {  	v14 =	vld.idx.msk [tilespmem:v14+s2+$0x0], $0xffff  }
0x14e: {  	v18 =	vadd.s32 $0x400, v6;
	_ =	sdelay $0x3  }
0x14f: {  	[tilespmem:s21+$0x4900] =	vst v14  }
0x150: {  	v14 =	vadd.s32 $0x800, v5;
	v18 =	vld.idx.msk [tilespmem:v18+s2+$0x0], $0xffff  }
0x151: {  	v19 =	vadd.s32 $0x800, v6;
	_ =	sdelay $0x2  }
0x152: {  	[tilespmem:s19+$0x4B40] =	vst v17  }
0x153: {  	v14 =	vld.idx.msk [tilespmem:v14+s2+$0x0], $0xffff;
	[tilespmem:s21+$0x4B40] =	vst v18  }
0x154: {  	v17 =	vadd.s32 $0xC00, v5;
	v18 =	vld.idx.msk [tilespmem:v19+s2+$0x0], $0xffff  }
0x155: {  	v19 =	vadd.s32 $0xC00, v6;
	_ =	sdelay $0x2  }
0x156: {  	[tilespmem:s19+$0x4D80] =	vst v14  }
0x157: {  	v14 =	vld.idx.msk [tilespmem:v17+s2+$0x0], $0xffff;
	[tilespmem:s21+$0x4D80] =	vst v18  }
0x158: {  	v17 =	vadd.s32 $0x1000, v5;
	v18 =	vld.idx.msk [tilespmem:v19+s2+$0x0], $0xffff  }
0x159: {  	v19 =	vadd.s32 $0x1000, v6;
	_ =	sdelay $0x1  }
0x15a: {  	[tilespmem:s18+$0x4FC0] =	vst v15  }
0x15b: {  	v15 =	vld.idx.msk [tilespmem:v16+s2+$0x0], $0xffff;
	[tilespmem:s19+$0x4FC0] =	vst v14  }
0x15c: {  	v14 =	vadd.s32 $0x1400, v4;
	v16 =	vld.idx.msk [tilespmem:v17+s2+$0x0], $0xffff;
	[tilespmem:s21+$0x4FC0] =	vst v18  }
0x15d: {  	v17 =	vadd.s32 $0x1400, v5;
	v18 =	vld.idx.msk [tilespmem:v19+s2+$0x0], $0xffff  }
0x15e: {  	v19 =	vadd.s32 $0x1400, v6;
	_ =	sdelay $0x1  }
0x15f: {  	[tilespmem:s18+$0x5200] =	vst v15  }
0x160: {  	v14 =	vld.idx.msk [tilespmem:v14+s2+$0x0], $0xffff;
	[tilespmem:s19+$0x5200] =	vst v16  }
0x161: {  	v15 =	vadd.s32 $0x1800, v4;
	v16 =	vld.idx.msk [tilespmem:v17+s2+$0x0], $0xffff;
	[tilespmem:s21+$0x5200] =	vst v18  }
0x162: {  	v17 =	vadd.s32 $0x1800, v5;
	v18 =	vld.idx.msk [tilespmem:v19+s2+$0x0], $0xffff  }
0x163: {  	v19 =	vadd.s32 $0x1800, v6;
	_ =	sdelay $0x1  }
0x164: {  	[tilespmem:s18+$0x5440] =	vst v14  }
0x165: {  	v14 =	vadd.s32 $0x1C00, v2;
	v15 =	vld.idx.msk [tilespmem:v15+s2+$0x0], $0xffff;
	[tilespmem:s19+$0x5440] =	vst v16  }
0x166: {  	v16 =	vadd.s32 $0x1C00, v4;
	v17 =	vld.idx.msk [tilespmem:v17+s2+$0x0], $0xffff;
	[tilespmem:s21+$0x5440] =	vst v18  }
0x167: {  	v18 =	vadd.s32 $0x1C00, v5;
	v19 =	vld.idx.msk [tilespmem:v19+s2+$0x0], $0xffff  }
0x168: {  	v20 =	vadd.s32 $0x1C00, v6  }
0x169: {  	[tilespmem:s17+$0x5680] =	vst v13  }
0x16a: {  	v13 =	vld.idx.msk [tilespmem:v14+s2+$0x0], $0xffff;
	[tilespmem:s18+$0x5680] =	vst v15  }
0x16b: {  	v14 =	vadd.s32 $0x2000, v2;
	v15 =	vld.idx.msk [tilespmem:v16+s2+$0x0], $0xffff;
	[tilespmem:s19+$0x5680] =	vst v17  }
0x16c: {  	v16 =	vadd.s32 $0x2000, v4;
	v17 =	vld.idx.msk [tilespmem:v18+s2+$0x0], $0xffff;
	[tilespmem:s21+$0x5680] =	vst v19  }
0x16d: {  	v18 =	vadd.s32 $0x2000, v5;
	v19 =	vld.idx.msk [tilespmem:v20+s2+$0x0], $0xffff  }
0x16e: {  	[tilespmem:s20+$0x6AC0] =	vst v12;
	v12 =	vadd.s32 $0x2000, v6  }
0x16f: {  	[tilespmem:s17+$0x58C0] =	vst v13  }
0x170: {  	v13 =	vld.idx.msk [tilespmem:v14+s2+$0x0], $0xffff;
	[tilespmem:s18+$0x58C0] =	vst v15  }
0x171: {  	v14 =	vadd.s32 $0x2400, v2;
	v15 =	vld.idx.msk [tilespmem:v16+s2+$0x0], $0xffff;
	[tilespmem:s19+$0x58C0] =	vst v17  }
0x172: {  	v16 =	vadd.s32 $0x2400, v4;
	v17 =	vld.idx.msk [tilespmem:v18+s2+$0x0], $0xffff;
	[tilespmem:s21+$0x58C0] =	vst v19  }
0x173: {  	[tilespmem:s15+$0x5B00] =	vst v9;
	v9 =	vadd.s32 $0x2400, v5;
	v12 =	vld.idx.msk [tilespmem:v12+s2+$0x0], $0xffff  }
0x174: {  	v11 =	vld.idx.msk [tilespmem:v11+s2+$0x0], $0xffff;
	[tilespmem:s16+$0x6640] =	vst v8;
	v8 =	vadd.s32 $0x2400, v6  }
0x175: {  	v10 =	vld.idx.msk [tilespmem:v10+s2+$0x0], $0xffff;
	[tilespmem:s17+$0x5B00] =	vst v13  }
0x176: {  	v13 =	vadd.s32 $0x2800, v1;
	v14 =	vld.idx.msk [tilespmem:v14+s2+$0x0], $0xffff;
	[tilespmem:s18+$0x5B00] =	vst v15  }
0x177: {  	v15 =	vadd.s32 $0x2800, v2;
	v16 =	vld.idx.msk [tilespmem:v16+s2+$0x0], $0xffff;
	[tilespmem:s19+$0x5B00] =	vst v17  }
0x178: {  	v17 =	vadd.s32 $0x2800, v4;
	v9 =	vld.idx.msk [tilespmem:v9+s2+$0x0], $0xffff;
	[tilespmem:s21+$0x5B00] =	vst v12  }
0x179: {  	[tilespmem:s14+$0x61C0] =	vst v11;
	v11 =	vadd.s32 $0x2800, v5;
	v8 =	vld.idx.msk [tilespmem:v8+s2+$0x0], $0xffff  }
0x17a: {  	v7 =	vld.idx.msk [tilespmem:v7+s2+$0x0], $0xffff;
	[tilespmem:s15+$0x5D40] =	vst v10;
	v10 =	vadd.s32 $0x2800, v6  }
0x17b: {  	v13 =	vld.idx.msk [tilespmem:v13+s2+$0x0], $0xffff;
	v12 =	vadd.s32 $0x3000, v0;
	[tilespmem:s17+$0x5D40] =	vst v14  }
0x17c: {  	v14 =	vadd.s32 $0x2C00, v1;
	v15 =	vld.idx.msk [tilespmem:v15+s2+$0x0], $0xffff;
	[tilespmem:s18+$0x5D40] =	vst v16  }
0x17d: {  	v16 =	vadd.s32 $0x2C00, v2;
	v17 =	vld.idx.msk [tilespmem:v17+s2+$0x0], $0xffff;
	[tilespmem:s19+$0x5D40] =	vst v9  }
0x17e: {  	v9 =	vadd.s32 $0x2C00, v4;
	v11 =	vld.idx.msk [tilespmem:v11+s2+$0x0], $0xffff;
	[tilespmem:s21+$0x5D40] =	vst v8  }
0x17f: {  	[tilespmem:s16+$0x6880] =	vst v7;
	v7 =	vadd.s32 $0x2C00, v5;
	v8 =	vld.idx.msk [tilespmem:v10+s2+$0x0], $0xffff  }
0x180: {  	[tilespmem:s15+$0x5F80] =	vst v13;
	v10 =	vld.idx.msk [tilespmem:v12+s2+$0x0], $0xffff;
	v12 =	vadd.s32 $0x2C00, v6  }
0x181: {  	v3 =	vadd.s32 $0x3C00, v3;
	v13 =	vld.idx.msk [tilespmem:v14+s2+$0x0], $0xffff;
	[tilespmem:s17+$0x5F80] =	vst v15  }
0x182: {  	v14 =	vadd.s32 $0x3000, v1;
	v15 =	vld.idx.msk [tilespmem:v16+s2+$0x0], $0xffff;
	[tilespmem:s18+$0x5F80] =	vst v17  }
0x183: {  	v16 =	vadd.s32 $0x3000, v2;
	v9 =	vld.idx.msk [tilespmem:v9+s2+$0x0], $0xffff;
	[tilespmem:s19+$0x5F80] =	vst v11  }
0x184: {  	v11 =	vadd.s32 $0x3000, v4;
	v7 =	vld.idx.msk [tilespmem:v7+s2+$0x0], $0xffff;
	[tilespmem:s21+$0x5F80] =	vst v8  }
0x185: {  	[tilespmem:s14+$0x6400] =	vst v10;
	v8 =	vadd.s32 $0x3000, v5;
	v10 =	vld.idx.msk [tilespmem:v12+s2+$0x0], $0xffff  }
0x186: {  	v3 =	vld.idx.msk [tilespmem:v3+s2+$0x0], $0xffff;
	[tilespmem:s15+$0x61C0] =	vst v13;
	v12 =	vadd.s32 $0x3000, v6  }
0x187: {  	v13 =	vadd.s32 $0x3400, v0;
	v14 =	vld.idx.msk [tilespmem:v14+s2+$0x0], $0xffff;
	[tilespmem:s17+$0x61C0] =	vst v15  }
0x188: {  	v15 =	vadd.s32 $0x3400, v1;
	v16 =	vld.idx.msk [tilespmem:v16+s2+$0x0], $0xffff;
	[tilespmem:s18+$0x61C0] =	vst v9  }
0x189: {  	v9 =	vadd.s32 $0x3400, v2;
	v11 =	vld.idx.msk [tilespmem:v11+s2+$0x0], $0xffff;
	[tilespmem:s19+$0x61C0] =	vst v7  }
0x18a: {  	v7 =	vadd.s32 $0x3400, v4;
	v8 =	vld.idx.msk [tilespmem:v8+s2+$0x0], $0xffff;
	[tilespmem:s21+$0x61C0] =	vst v10  }
0x18b: {  	[tilespmem:s16+$0x6AC0] =	vst v3;
	v3 =	vadd.s32 $0x3400, v5;
	v10 =	vld.idx.msk [tilespmem:v12+s2+$0x0], $0xffff  }
0x18c: {  	[tilespmem:s15+$0x6400] =	vst v14;
	v12 =	vld.idx.msk [tilespmem:v13+s2+$0x0], $0xffff;
	v13 =	vadd.s32 $0x3400, v6  }
0x18d: {  	v14 =	vadd.s32 $0x3800, v0;
	v15 =	vld.idx.msk [tilespmem:v15+s2+$0x0], $0xffff;
	[tilespmem:s17+$0x6400] =	vst v16  }
0x18e: {  	v16 =	vadd.s32 $0x3800, v1;
	v9 =	vld.idx.msk [tilespmem:v9+s2+$0x0], $0xffff;
	[tilespmem:s18+$0x6400] =	vst v11  }
0x18f: {  	v11 =	vadd.s32 $0x3800, v2;
	v7 =	vld.idx.msk [tilespmem:v7+s2+$0x0], $0xffff;
	[tilespmem:s19+$0x6400] =	vst v8  }
0x190: {  	v8 =	vadd.s32 $0x3800, v4;
	v3 =	vld.idx.msk [tilespmem:v3+s2+$0x0], $0xffff;
	[tilespmem:s21+$0x6400] =	vst v10  }
0x191: {  	[tilespmem:s14+$0x6640] =	vst v12;
	v10 =	vadd.s32 $0x3800, v5;
	v12 =	vld.idx.msk [tilespmem:v13+s2+$0x0], $0xffff  }
0x192: {  	[tilespmem:s15+$0x6640] =	vst v15;
	v13 =	vld.idx.msk [tilespmem:v14+s2+$0x0], $0xffff;
	v14 =	vadd.s32 $0x3800, v6  }
0x193: {  	v0 =	vadd.s32 $0x3C00, v0;
	v15 =	vld.idx.msk [tilespmem:v16+s2+$0x0], $0xffff;
	[tilespmem:s17+$0x6640] =	vst v9  }
0x194: {  	v1 =	vadd.s32 $0x3C00, v1;
	v9 =	vld.idx.msk [tilespmem:v11+s2+$0x0], $0xffff;
	[tilespmem:s18+$0x6640] =	vst v7  }
0x195: {  	v2 =	vadd.s32 $0x3C00, v2;
	v7 =	vld.idx.msk [tilespmem:v8+s2+$0x0], $0xffff;
	[tilespmem:s19+$0x6640] =	vst v3  }
0x196: {  	v3 =	vadd.s32 $0x3C00, v4;
	v4 =	vld.idx.msk [tilespmem:v10+s2+$0x0], $0xffff;
	[tilespmem:s21+$0x6640] =	vst v12  }
0x197: {  	v5 =	vadd.s32 $0x3C00, v5;
	[tilespmem:s14+$0x6880] =	vst v13;
	v8 =	vld.idx.msk [tilespmem:v14+s2+$0x0], $0xffff  }
0x198: {  	v6 =	vadd.s32 $0x3C00, v6;
	[tilespmem:s15+$0x6880] =	vst v15;
	v0 =	vld.idx.msk [tilespmem:v0+s2+$0x0], $0xffff  }
0x199: {  	v1 =	vld.idx.msk [tilespmem:v1+s2+$0x0], $0xffff;
	[tilespmem:s17+$0x6880] =	vst v9  }
0x19a: {  	v2 =	vld.idx.msk [tilespmem:v2+s2+$0x0], $0xffff;
	[tilespmem:s18+$0x6880] =	vst v7  }
0x19b: {  	v3 =	vld.idx.msk [tilespmem:v3+s2+$0x0], $0xffff;
	[tilespmem:s19+$0x6880] =	vst v4  }
0x19c: {  	v4 =	vld.idx.msk [tilespmem:v5+s2+$0x0], $0xffff;
	[tilespmem:s21+$0x6880] =	vst v8  }
0x19d: {  	[tilespmem:s14+$0x6AC0] =	vst v0;
	v0 =	vld.idx.msk [tilespmem:v6+s2+$0x0], $0xffff  }
0x19e: {  	[tilespmem:s15+$0x6AC0] =	vst v1  }
0x19f: {  	[tilespmem:s17+$0x6AC0] =	vst v2  }
0x1a0: {  	[tilespmem:s18+$0x6AC0] =	vst v3  }
0x1a1: {  	[tilespmem:s19+$0x6AC0] =	vst v4  }
0x1a2: {  	s31 =	simm.s32 $0x0;
	[tilespmem:s21+$0x6AC0] =	vst v0  }
0x1a3: {  	[hbm4b:s6+s31] =	stream.linear.scatter [tilespmem:s12], [sflag:$0x1], $0x2400, $0x38;
	[tilespmem:$0x6D00] =	vst v63  }
0x1a4: {  	_ =	swait.ge [sflag:s10], $0x2400  }
0x1a5: {  	[sflag:s10] =	ssyncset.done $0x0  }
0x1a6: {  	s20 =	simm.s32 $0x0;
	[sflag:s10] =	ssyncadd.s32 $0xFFFFDC00  }
0x1a7: {  	v7 =	vld [tilespmem:s20+$0x4480];
	_ =	sdelay $0x7  }
0x1a8: {  	v0 =	vld.idx.msk [tilespmem:v7+s2+$0x0], $0xffff  }
0x1a9: {  	v1 =	vadd.s32 $0x400, v7;
	_ =	sdelay $0x2  }
0x1aa: {  	s16 =	simm.s32 $0x10  }
0x1ab: {  	v3 =	vld [tilespmem:s16+$0x4480];
	[tilespmem:s20+$0x4900] =	vst v0  }
0x1ac: {  	v0 =	vld.idx.msk [tilespmem:v1+s2+$0x0], $0xffff  }
0x1ad: {  	v1 =	vadd.s32 $0x800, v7;
	_ =	sdelay $0x3  }
0x1ae: {  	[tilespmem:s20+$0x4B40] =	vst v0  }
0x1af: {  	v0 =	vld.idx.msk [tilespmem:v1+s2+$0x0], $0xffff  }
0x1b0: {  	v1 =	vadd.s32 $0xC00, v7  }
0x1b1: {  	v2 =	vld.idx.msk [tilespmem:v3+s2+$0x0], $0xffff  }
0x1b2: {  	v4 =	vadd.s32 $0x400, v3;
	_ =	sdelay $0x1  }
0x1b3: {  	[tilespmem:s20+$0x4D80] =	vst v0  }
0x1b4: {  	v1 =	vld.idx.msk [tilespmem:v1+s2+$0x0], $0xffff  }
0x1b5: {  	v5 =	vadd.s32 $0x1000, v7;
	[tilespmem:s16+$0x4900] =	vst v2  }
0x1b6: {  	s14 =	simm.s32 $0x20;
	v2 =	vld.idx.msk [tilespmem:v4+s2+$0x0], $0xffff  }
0x1b7: {  	v0 =	vld [tilespmem:s14+$0x4480]  }
0x1b8: {  	v4 =	vadd.s32 $0x800, v3  }
0x1b9: {  	[tilespmem:s20+$0x4FC0] =	vst v1  }
0x1ba: {  	v1 =	vld.idx.msk [tilespmem:v5+s2+$0x0], $0xffff  }
0x1bb: {  	v5 =	vadd.s32 $0x1400, v7  }
0x1bc: {  	[tilespmem:s16+$0x4B40] =	vst v2  }
0x1bd: {  	v2 =	vld.idx.msk [tilespmem:v4+s2+$0x0], $0xffff  }
0x1be: {  	v4 =	vadd.s32 $0xC00, v3  }
0x1bf: {  	v6 =	vld.idx.msk [tilespmem:v0+s2+$0x0], $0xffff;
	[tilespmem:s20+$0x5200] =	vst v1  }
0x1c0: {  	v8 =	vadd.s32 $0x400, v0;
	v5 =	vld.idx.msk [tilespmem:v5+s2+$0x0], $0xffff  }
0x1c1: {  	v9 =	vadd.s32 $0x1800, v7  }
0x1c2: {  	[tilespmem:s16+$0x4D80] =	vst v2  }
0x1c3: {  	s15 =	simm.s32 $0x30;
	v2 =	vld.idx.msk [tilespmem:v4+s2+$0x0], $0xffff  }
0x1c4: {  	v4 =	vadd.s32 $0x1000, v3;
	v1 =	vld [tilespmem:s15+$0x4480];
	[tilespmem:s14+$0x4900] =	vst v6  }
0x1c5: {  	v6 =	vld.idx.msk [tilespmem:v8+s2+$0x0], $0xffff;
	[tilespmem:s20+$0x5440] =	vst v5  }
0x1c6: {  	v8 =	vadd.s32 $0x800, v0;
	v5 =	vld.idx.msk [tilespmem:v9+s2+$0x0], $0xffff  }
0x1c7: {  	v9 =	vadd.s32 $0x1C00, v7  }
0x1c8: {  	[tilespmem:s16+$0x4FC0] =	vst v2  }
0x1c9: {  	v2 =	vld.idx.msk [tilespmem:v4+s2+$0x0], $0xffff  }
0x1ca: {  	v4 =	vadd.s32 $0x1400, v3;
	[tilespmem:s14+$0x4B40] =	vst v6  }
0x1cb: {  	v6 =	vld.idx.msk [tilespmem:v8+s2+$0x0], $0xffff;
	[tilespmem:s20+$0x5680] =	vst v5  }
0x1cc: {  	v8 =	vadd.s32 $0xC00, v0;
	v5 =	vld.idx.msk [tilespmem:v9+s2+$0x0], $0xffff  }
0x1cd: {  	v9 =	vadd.s32 $0x2000, v7  }
0x1ce: {  	[tilespmem:s16+$0x5200] =	vst v2;
	v10 =	vld.idx.msk [tilespmem:v1+s2+$0x0], $0xffff  }
0x1cf: {  	s17 =	simm.s32 $0x40;
	v4 =	vld.idx.msk [tilespmem:v4+s2+$0x0], $0xffff;
	v11 =	vadd.s32 $0x400, v1  }
0x1d0: {  	v2 =	vld [tilespmem:s17+$0x4480];
	[tilespmem:s14+$0x4D80] =	vst v6;
	v6 =	vadd.s32 $0x1800, v3  }
0x1d1: {  	v8 =	vld.idx.msk [tilespmem:v8+s2+$0x0], $0xffff;
	[tilespmem:s20+$0x58C0] =	vst v5  }
0x1d2: {  	v5 =	vld.idx.msk [tilespmem:v9+s2+$0x0], $0xffff;
	v9 =	vadd.s32 $0x1000, v0  }
0x1d3: {  	[tilespmem:s15+$0x4900] =	vst v10;
	v10 =	vadd.s32 $0x2400, v7  }
0x1d4: {  	[tilespmem:s16+$0x5440] =	vst v4;
	v11 =	vld.idx.msk [tilespmem:v11+s2+$0x0], $0xffff  }
0x1d5: {  	v4 =	vld.idx.msk [tilespmem:v6+s2+$0x0], $0xffff;
	v6 =	vadd.s32 $0x800, v1  }
0x1d6: {  	[tilespmem:s14+$0x4FC0] =	vst v8;
	v8 =	vadd.s32 $0x1C00, v3  }
0x1d7: {  	v9 =	vld.idx.msk [tilespmem:v9+s2+$0x0], $0xffff;
	[tilespmem:s20+$0x5B00] =	vst v5  }
0x1d8: {  	v5 =	vld.idx.msk [tilespmem:v10+s2+$0x0], $0xffff;
	v10 =	vadd.s32 $0x1400, v0  }
0x1d9: {  	v13 =	vld.idx.msk [tilespmem:v2+s2+$0x0], $0xffff;
	[tilespmem:s15+$0x4B40] =	vst v11;
	v11 =	vadd.s32 $0x2800, v7  }
0x1da: {  	v6 =	vld.idx.msk [tilespmem:v6+s2+$0x0], $0xffff;
	[tilespmem:s16+$0x5680] =	vst v4  }
0x1db: {  	s18 =	simm.s32 $0x50;
	v12 =	vadd.s32 $0xC00, v1;
	v8 =	vld.idx.msk [tilespmem:v8+s2+$0x0], $0xffff  }
0x1dc: {  	v4 =	vld [tilespmem:s18+$0x4480];
	[tilespmem:s14+$0x5200] =	vst v9;
	v9 =	vadd.s32 $0x2000, v3  }
0x1dd: {  	v10 =	vld.idx.msk [tilespmem:v10+s2+$0x0], $0xffff;
	[tilespmem:s20+$0x5D40] =	vst v5;
	v5 =	vadd.s32 $0x400, v2  }
0x1de: {  	v14 =	vadd.s32 $0x1800, v0;
	v11 =	vld.idx.msk [tilespmem:v11+s2+$0x0], $0xffff  }
0x1df: {  	[tilespmem:s15+$0x4D80] =	vst v6;
	v6 =	vadd.s32 $0x2C00, v7  }
0x1e0: {  	v12 =	vld.idx.msk [tilespmem:v12+s2+$0x0], $0xffff;
	[tilespmem:s16+$0x58C0] =	vst v8  }
0x1e1: {  	[tilespmem:s17+$0x4900] =	vst v13;
	v8 =	vld.idx.msk [tilespmem:v9+s2+$0x0], $0xffff;
	v9 =	vadd.s32 $0x1000, v1  }
0x1e2: {  	v13 =	vld.idx.msk [tilespmem:v5+s2+$0x0], $0xffff;
	[tilespmem:s14+$0x5440] =	vst v10;
	v10 =	vadd.s32 $0x2400, v3  }
0x1e3: {  	v14 =	vld.idx.msk [tilespmem:v14+s2+$0x0], $0xffff;
	[tilespmem:s20+$0x5F80] =	vst v11;
	v11 =	vadd.s32 $0x800, v2  }
0x1e4: {  	v15 =	vadd.s32 $0x1C00, v0;
	v6 =	vld.idx.msk [tilespmem:v6+s2+$0x0], $0xffff  }
0x1e5: {  	v16 =	vld.idx.msk [tilespmem:v4+s2+$0x0], $0xffff;
	[tilespmem:s15+$0x4FC0] =	vst v12;
	v12 =	vadd.s32 $0x3000, v7  }
0x1e6: {  	v9 =	vld.idx.msk [tilespmem:v9+s2+$0x0], $0xffff;
	[tilespmem:s16+$0x5B00] =	vst v8  }
0x1e7: {  	v8 =	vld.idx.msk [tilespmem:v10+s2+$0x0], $0xffff;
	[tilespmem:s17+$0x4B40] =	vst v13;
	v10 =	vadd.s32 $0x1400, v1  }
0x1e8: {  	v13 =	vadd.s32 $0x2800, v3;
	v11 =	vld.idx.msk [tilespmem:v11+s2+$0x0], $0xffff;
	[tilespmem:s14+$0x5680] =	vst v14  }
0x1e9: {  	v14 =	vld.idx.msk [tilespmem:v15+s2+$0x0], $0xffff;
	[tilespmem:s20+$0x61C0] =	vst v6;
	v6 =	vadd.s32 $0xC00, v2  }
0x1ea: {  	s19 =	simm.s32 $0x60;
	v15 =	vadd.s32 $0x2000, v0;
	v12 =	vld.idx.msk [tilespmem:v12+s2+$0x0], $0xffff  }
0x1eb: {  	v5 =	vld [tilespmem:s19+$0x4480];
	[tilespmem:s15+$0x5200] =	vst v9;
	v9 =	vadd.s32 $0x3400, v7  }
0x1ec: {  	v10 =	vld.idx.msk [tilespmem:v10+s2+$0x0], $0xffff;
	[tilespmem:s16+$0x5D40] =	vst v8;
	v8 =	vadd.s32 $0x400, v4  }
0x1ed: {  	v13 =	vld.idx.msk [tilespmem:v13+s2+$0x0], $0xffff;
	[tilespmem:s17+$0x4D80] =	vst v11;
	v11 =	vadd.s32 $0x1800, v1  }
0x1ee: {  	v17 =	vld.idx.msk [tilespmem:v6+s2+$0x0], $0xffff;
	[tilespmem:s14+$0x58C0] =	vst v14;
	v6 =	vadd.s32 $0x2C00, v3  }
0x1ef: {  	v14 =	vld.idx.msk [tilespmem:v15+s2+$0x0], $0xffff;
	[tilespmem:s20+$0x6400] =	vst v12  }
0x1f0: {  	[tilespmem:s18+$0x4900] =	vst v16;
	v12 =	vadd.s32 $0x1000, v2;
	v9 =	vld.idx.msk [tilespmem:v9+s2+$0x0], $0xffff  }
0x1f1: {  	v8 =	vld.idx.msk [tilespmem:v8+s2+$0x0], $0xffff;
	[tilespmem:s15+$0x5440] =	vst v10;
	v10 =	vadd.s32 $0x2400, v0  }
0x1f2: {  	v11 =	vld.idx.msk [tilespmem:v11+s2+$0x0], $0xffff;
	[tilespmem:s16+$0x5F80] =	vst v13;
	v13 =	vadd.s32 $0x3800, v7  }
0x1f3: {  	s21 =	simm.s32 $0x70;
	v15 =	vadd.s32 $0x800, v4;
	v16 =	vld.idx.msk [tilespmem:v6+s2+$0x0], $0xffff  }
0x1f4: {  	v6 =	vld [tilespmem:s21+$0x4480];
	[tilespmem:s17+$0x4FC0] =	vst v17;
	v17 =	vadd.s32 $0x1C00, v1  }
0x1f5: {  	v12 =	vld.idx.msk [tilespmem:v12+s2+$0x0], $0xffff;
	[tilespmem:s14+$0x5B00] =	vst v14  }
0x1f6: {  	v14 =	vadd.s32 $0x3000, v3;
	[tilespmem:s20+$0x6640] =	vst v9;
	v10 =	vld.idx.msk [tilespmem:v10+s2+$0x0], $0xffff  }
0x1f7: {  	[tilespmem:s18+$0x4B40] =	vst v8;
	v8 =	vadd.s32 $0x1400, v2;
	v9 =	vld.idx.msk [tilespmem:v13+s2+$0x0], $0xffff  }
0x1f8: {  	v13 =	vld.idx.msk [tilespmem:v15+s2+$0x0], $0xffff;
	[tilespmem:s15+$0x5680] =	vst v11;
	v11 =	vadd.s32 $0x2800, v0  }
0x1f9: {  	v7 =	vadd.s32 $0x3C00, v7;
	v17 =	vld.idx.msk [tilespmem:v17+s2+$0x0], $0xffff  }
0x1fa: {  	v15 =	vadd.s32 $0xC00, v4;
	[tilespmem:s16+$0x61C0] =	vst v16;
	v16 =	vld.idx.msk [tilespmem:v5+s2+$0x0], $0xffff  }
0x1fb: {  	v18 =	vadd.s32 $0x2000, v1;
	v14 =	vld.idx.msk [tilespmem:v14+s2+$0x0], $0xffff;
	[tilespmem:s17+$0x5200] =	vst v12  }
0x1fc: {  	v19 =	vld.idx.msk [tilespmem:v8+s2+$0x0], $0xffff;
	[tilespmem:s14+$0x5D40] =	vst v10;
	v8 =	vadd.s32 $0x3400, v3  }
0x1fd: {  	v10 =	vadd.s32 $0x400, v5;
	v63 =	vld.idx.msk [tilespmem:v11+s2+$0x0], $0xffff;
	[tilespmem:s20+$0x6880] =	vst v9  }
0x1fe: {  	[tilespmem:s18+$0x4D80] =	vst v13;
	v13 =	vadd.s32 $0x1800, v2;
	v12 =	vld.idx.msk [tilespmem:v7+s2+$0x0], $0xffff  }
0x1ff: {  	v11 =	vadd.s32 $0x2C00, v0;
	v15 =	vld.idx.msk [tilespmem:v15+s2+$0x0], $0xffff;
	[tilespmem:s15+$0x58C0] =	vst v17  }
0x200: {  	v9 =	vld.idx.msk [tilespmem:v18+s2+$0x0], $0xffff;
	[tilespmem:s16+$0x6400] =	vst v14  }
0x201: {  	[tilespmem:s19+$0x4900] =	vst v16;
	v16 =	vadd.s32 $0x1000, v4;
	v8 =	vld.idx.msk [tilespmem:v8+s2+$0x0], $0xffff  }
0x202: {  	v17 =	vld.idx.msk [tilespmem:v10+s2+$0x0], $0xffff;
	[tilespmem:s17+$0x5440] =	vst v19;
	v10 =	vadd.s32 $0x2400, v1  }
0x203: {  	s22 =	simm.s32 $0x200;
	v7 =	vadd.s32 $0x3800, v3;
	v14 =	vmov v6;
	v13 =	vld.idx.msk [tilespmem:v13+s2+$0x0], $0xffff;
	[tilespmem:s14+$0x5F80] =	vst v63  }
.LBB2_6:
0x204: {  	s23 =	sshra.s32 s22, $0x2;
	p0 =	sne.s32 s22, $0x8C0;
	v18 =	vadd.s32 $0x800, v5;
	v11 =	vld.idx.msk [tilespmem:v11+s2+$0x0], $0xffff;
	[tilespmem:s20+$0x6AC0] =	vst v12;
	s20 =	smov.u32 s16  }
0x205: {  	s16 =	smov.u32 s14;
	s14 =	smov.u32 s15;
	s15 =	smov.u32 s17;
	v12 =	vld [tilespmem:s23+$0x4480];
	[tilespmem:s18+$0x4FC0] =	vst v15;
	v15 =	vadd.s32 $0x1C00, v2  }
0x206: {  	s17 =	smov.u32 s18;
	s18 =	smov.u32 s19;
	s19 =	smov.u32 s21;
	v16 =	vld.idx.msk [tilespmem:v16+s2+$0x0], $0xffff;
	[tilespmem:s14+$0x5B00] =	vst v9;
	v9 =	vadd.s32 $0x3000, v0  }
0x207: {  	s21 =	smov.u32 s23;
	v10 =	vld.idx.msk [tilespmem:v10+s2+$0x0], $0xffff;
	[tilespmem:s20+$0x6640] =	vst v8  }
0x208: {  	v8 =	vadd.s32 $0x1400, v4;
	[tilespmem:s18+$0x4B40] =	vst v17;
	v7 =	vld.idx.msk [tilespmem:v7+s2+$0x0], $0xffff  }
0x209: {  	v17 =	vld.idx.msk [tilespmem:v18+s2+$0x0], $0xffff;
	[tilespmem:s15+$0x5680] =	vst v13;
	v13 =	vadd.s32 $0x2800, v1  }
0x20a: {  	v18 =	vld.idx.msk [tilespmem:v15+s2+$0x0], $0xffff;
	[tilespmem:s16+$0x61C0] =	vst v11;
	v11 =	vadd.s32 $0x3C00, v3;
	v3 =	vmovc v0;
	v0 =	vmovc v1;
	v1 =	vmov v2;
	v2 =	vmov v4  }
0x20b: {  	v15 =	vadd.s32 $0xC00, v5;
	v4 =	vmovc v5;
	v5 =	vmov v6;
	v6 =	vmov v12;
	v19 =	vld.idx.msk [tilespmem:v9+s2+$0x0], $0xffff  }
0x20c: {  	v9 =	vadd.s32 $0x2000, v1;
	v20 =	vld.idx.msk [tilespmem:v14+s2+$0x0], $0xffff;
	[tilespmem:s17+$0x5200] =	vst v16;
	v14 =	vmov v12  }
0x20d: {  	v21 =	vld.idx.msk [tilespmem:v8+s2+$0x0], $0xffff;
	[tilespmem:s14+$0x5D40] =	vst v10;
	v8 =	vadd.s32 $0x3400, v3  }
0x20e: {  	v10 =	vadd.s32 $0x400, v5;
	v22 =	vld.idx.msk [tilespmem:v13+s2+$0x0], $0xffff;
	[tilespmem:s20+$0x6880] =	vst v7  }
0x20f: {  	v7 =	vadd.s32 $0x1800, v2;
	[tilespmem:s18+$0x4D80] =	vst v17;
	v12 =	vld.idx.msk [tilespmem:v11+s2+$0x0], $0xffff  }
.Ltmp2:
0x210: {  	v11 =	vadd.s32 $0x2C00, v0;
	v15 =	vld.idx.msk [tilespmem:v15+s2+$0x0], $0xffff;
	[tilespmem:s15+$0x58C0] =	vst v18;
	(pc) =	sbr.rel @p0 .LBB2_6-.Ltmp2, $4  }
0x211: {  	v9 =	vld.idx.msk [tilespmem:v9+s2+$0x0], $0xffff;
	[tilespmem:s16+$0x6400] =	vst v19  }
0x212: {  	v16 =	vadd.s32 $0x1000, v4;
	[tilespmem:s19+$0x4900] =	vst v20;
	v8 =	vld.idx.msk [tilespmem:v8+s2+$0x0], $0xffff  }
0x213: {  	v17 =	vld.idx.msk [tilespmem:v10+s2+$0x0], $0xffff;
	[tilespmem:s17+$0x5440] =	vst v21;
	v10 =	vadd.s32 $0x2400, v1  }
0x214: {  	s22 =	sadd.s32 $0x40, s22;
	v13 =	vld.idx.msk [tilespmem:v7+s2+$0x0], $0xffff;
	[tilespmem:s14+$0x5F80] =	vst v22;
	v7 =	vadd.s32 $0x3800, v3  }
0x215: {  	_ =	sdelay $0x3  }
0x216: {  	v14 =	vld.idx.msk [tilespmem:v14+s2+$0x0], $0xffff  }
0x217: {  	v18 =	vadd.s32 $0x400, v6;
	_ =	sdelay $0x3  }
0x218: {  	[tilespmem:s21+$0x4900] =	vst v14  }
0x219: {  	v14 =	vadd.s32 $0x800, v5;
	v18 =	vld.idx.msk [tilespmem:v18+s2+$0x0], $0xffff  }
0x21a: {  	v19 =	vadd.s32 $0x800, v6;
	_ =	sdelay $0x2  }
0x21b: {  	[tilespmem:s19+$0x4B40] =	vst v17  }
0x21c: {  	v14 =	vld.idx.msk [tilespmem:v14+s2+$0x0], $0xffff;
	[tilespmem:s21+$0x4B40] =	vst v18  }
0x21d: {  	v17 =	vadd.s32 $0xC00, v5;
	v18 =	vld.idx.msk [tilespmem:v19+s2+$0x0], $0xffff  }
0x21e: {  	v19 =	vadd.s32 $0xC00, v6;
	_ =	sdelay $0x2  }
0x21f: {  	[tilespmem:s19+$0x4D80] =	vst v14  }
0x220: {  	v14 =	vld.idx.msk [tilespmem:v17+s2+$0x0], $0xffff;
	[tilespmem:s21+$0x4D80] =	vst v18  }
0x221: {  	v17 =	vadd.s32 $0x1000, v5;
	v18 =	vld.idx.msk [tilespmem:v19+s2+$0x0], $0xffff  }
0x222: {  	v19 =	vadd.s32 $0x1000, v6;
	_ =	sdelay $0x1  }
0x223: {  	[tilespmem:s18+$0x4FC0] =	vst v15  }
0x224: {  	v15 =	vld.idx.msk [tilespmem:v16+s2+$0x0], $0xffff;
	[tilespmem:s19+$0x4FC0] =	vst v14  }
0x225: {  	v14 =	vadd.s32 $0x1400, v4;
	v16 =	vld.idx.msk [tilespmem:v17+s2+$0x0], $0xffff;
	[tilespmem:s21+$0x4FC0] =	vst v18  }
0x226: {  	v17 =	vadd.s32 $0x1400, v5;
	v18 =	vld.idx.msk [tilespmem:v19+s2+$0x0], $0xffff  }
0x227: {  	v19 =	vadd.s32 $0x1400, v6;
	_ =	sdelay $0x1  }
0x228: {  	[tilespmem:s18+$0x5200] =	vst v15  }
0x229: {  	v14 =	vld.idx.msk [tilespmem:v14+s2+$0x0], $0xffff;
	[tilespmem:s19+$0x5200] =	vst v16  }
0x22a: {  	v15 =	vadd.s32 $0x1800, v4;
	v16 =	vld.idx.msk [tilespmem:v17+s2+$0x0], $0xffff;
	[tilespmem:s21+$0x5200] =	vst v18  }
0x22b: {  	v17 =	vadd.s32 $0x1800, v5;
	v18 =	vld.idx.msk [tilespmem:v19+s2+$0x0], $0xffff  }
0x22c: {  	v19 =	vadd.s32 $0x1800, v6;
	_ =	sdelay $0x1  }
0x22d: {  	[tilespmem:s18+$0x5440] =	vst v14  }
0x22e: {  	v14 =	vadd.s32 $0x1C00, v2;
	v15 =	vld.idx.msk [tilespmem:v15+s2+$0x0], $0xffff;
	[tilespmem:s19+$0x5440] =	vst v16  }
0x22f: {  	v16 =	vadd.s32 $0x1C00, v4;
	v17 =	vld.idx.msk [tilespmem:v17+s2+$0x0], $0xffff;
	[tilespmem:s21+$0x5440] =	vst v18  }
0x230: {  	v18 =	vadd.s32 $0x1C00, v5;
	v19 =	vld.idx.msk [tilespmem:v19+s2+$0x0], $0xffff  }
0x231: {  	v20 =	vadd.s32 $0x1C00, v6  }
0x232: {  	[tilespmem:s17+$0x5680] =	vst v13  }
0x233: {  	v13 =	vld.idx.msk [tilespmem:v14+s2+$0x0], $0xffff;
	[tilespmem:s18+$0x5680] =	vst v15  }
0x234: {  	v14 =	vadd.s32 $0x2000, v2;
	v15 =	vld.idx.msk [tilespmem:v16+s2+$0x0], $0xffff;
	[tilespmem:s19+$0x5680] =	vst v17  }
0x235: {  	v16 =	vadd.s32 $0x2000, v4;
	v17 =	vld.idx.msk [tilespmem:v18+s2+$0x0], $0xffff;
	[tilespmem:s21+$0x5680] =	vst v19  }
0x236: {  	v18 =	vadd.s32 $0x2000, v5;
	v19 =	vld.idx.msk [tilespmem:v20+s2+$0x0], $0xffff  }
0x237: {  	[tilespmem:s20+$0x6AC0] =	vst v12;
	v12 =	vadd.s32 $0x2000, v6  }
0x238: {  	[tilespmem:s17+$0x58C0] =	vst v13  }
0x239: {  	v13 =	vld.idx.msk [tilespmem:v14+s2+$0x0], $0xffff;
	[tilespmem:s18+$0x58C0] =	vst v15  }
0x23a: {  	v14 =	vadd.s32 $0x2400, v2;
	v15 =	vld.idx.msk [tilespmem:v16+s2+$0x0], $0xffff;
	[tilespmem:s19+$0x58C0] =	vst v17  }
0x23b: {  	v16 =	vadd.s32 $0x2400, v4;
	v17 =	vld.idx.msk [tilespmem:v18+s2+$0x0], $0xffff;
	[tilespmem:s21+$0x58C0] =	vst v19  }
0x23c: {  	[tilespmem:s15+$0x5B00] =	vst v9;
	v9 =	vadd.s32 $0x2400, v5;
	v12 =	vld.idx.msk [tilespmem:v12+s2+$0x0], $0xffff  }
0x23d: {  	v11 =	vld.idx.msk [tilespmem:v11+s2+$0x0], $0xffff;
	[tilespmem:s16+$0x6640] =	vst v8;
	v8 =	vadd.s32 $0x2400, v6  }
0x23e: {  	v10 =	vld.idx.msk [tilespmem:v10+s2+$0x0], $0xffff;
	[tilespmem:s17+$0x5B00] =	vst v13  }
0x23f: {  	v13 =	vadd.s32 $0x2800, v1;
	v14 =	vld.idx.msk [tilespmem:v14+s2+$0x0], $0xffff;
	[tilespmem:s18+$0x5B00] =	vst v15  }
0x240: {  	v15 =	vadd.s32 $0x2800, v2;
	v16 =	vld.idx.msk [tilespmem:v16+s2+$0x0], $0xffff;
	[tilespmem:s19+$0x5B00] =	vst v17  }
0x241: {  	v17 =	vadd.s32 $0x2800, v4;
	v9 =	vld.idx.msk [tilespmem:v9+s2+$0x0], $0xffff;
	[tilespmem:s21+$0x5B00] =	vst v12  }
0x242: {  	[tilespmem:s14+$0x61C0] =	vst v11;
	v11 =	vadd.s32 $0x2800, v5;
	v8 =	vld.idx.msk [tilespmem:v8+s2+$0x0], $0xffff  }
0x243: {  	v7 =	vld.idx.msk [tilespmem:v7+s2+$0x0], $0xffff;
	[tilespmem:s15+$0x5D40] =	vst v10;
	v10 =	vadd.s32 $0x2800, v6  }
0x244: {  	v13 =	vld.idx.msk [tilespmem:v13+s2+$0x0], $0xffff;
	v12 =	vadd.s32 $0x3000, v0;
	[tilespmem:s17+$0x5D40] =	vst v14  }
0x245: {  	v14 =	vadd.s32 $0x2C00, v1;
	v15 =	vld.idx.msk [tilespmem:v15+s2+$0x0], $0xffff;
	[tilespmem:s18+$0x5D40] =	vst v16  }
0x246: {  	v16 =	vadd.s32 $0x2C00, v2;
	v17 =	vld.idx.msk [tilespmem:v17+s2+$0x0], $0xffff;
	[tilespmem:s19+$0x5D40] =	vst v9  }
0x247: {  	v9 =	vadd.s32 $0x2C00, v4;
	v11 =	vld.idx.msk [tilespmem:v11+s2+$0x0], $0xffff;
	[tilespmem:s21+$0x5D40] =	vst v8  }
0x248: {  	[tilespmem:s16+$0x6880] =	vst v7;
	v7 =	vadd.s32 $0x2C00, v5;
	v8 =	vld.idx.msk [tilespmem:v10+s2+$0x0], $0xffff  }
0x249: {  	[tilespmem:s15+$0x5F80] =	vst v13;
	v10 =	vld.idx.msk [tilespmem:v12+s2+$0x0], $0xffff;
	v12 =	vadd.s32 $0x2C00, v6  }
0x24a: {  	v3 =	vadd.s32 $0x3C00, v3;
	v13 =	vld.idx.msk [tilespmem:v14+s2+$0x0], $0xffff;
	[tilespmem:s17+$0x5F80] =	vst v15  }
0x24b: {  	v14 =	vadd.s32 $0x3000, v1;
	v15 =	vld.idx.msk [tilespmem:v16+s2+$0x0], $0xffff;
	[tilespmem:s18+$0x5F80] =	vst v17  }
0x24c: {  	v16 =	vadd.s32 $0x3000, v2;
	v9 =	vld.idx.msk [tilespmem:v9+s2+$0x0], $0xffff;
	[tilespmem:s19+$0x5F80] =	vst v11  }
0x24d: {  	v11 =	vadd.s32 $0x3000, v4;
	v7 =	vld.idx.msk [tilespmem:v7+s2+$0x0], $0xffff;
	[tilespmem:s21+$0x5F80] =	vst v8  }
0x24e: {  	[tilespmem:s14+$0x6400] =	vst v10;
	v8 =	vadd.s32 $0x3000, v5;
	v10 =	vld.idx.msk [tilespmem:v12+s2+$0x0], $0xffff  }
0x24f: {  	v3 =	vld.idx.msk [tilespmem:v3+s2+$0x0], $0xffff;
	[tilespmem:s15+$0x61C0] =	vst v13;
	v12 =	vadd.s32 $0x3000, v6  }
0x250: {  	v13 =	vadd.s32 $0x3400, v0;
	v14 =	vld.idx.msk [tilespmem:v14+s2+$0x0], $0xffff;
	[tilespmem:s17+$0x61C0] =	vst v15  }
0x251: {  	v15 =	vadd.s32 $0x3400, v1;
	v16 =	vld.idx.msk [tilespmem:v16+s2+$0x0], $0xffff;
	[tilespmem:s18+$0x61C0] =	vst v9  }
0x252: {  	v9 =	vadd.s32 $0x3400, v2;
	v11 =	vld.idx.msk [tilespmem:v11+s2+$0x0], $0xffff;
	[tilespmem:s19+$0x61C0] =	vst v7  }
0x253: {  	v7 =	vadd.s32 $0x3400, v4;
	v8 =	vld.idx.msk [tilespmem:v8+s2+$0x0], $0xffff;
	[tilespmem:s21+$0x61C0] =	vst v10  }
0x254: {  	[tilespmem:s16+$0x6AC0] =	vst v3;
	v3 =	vadd.s32 $0x3400, v5;
	v10 =	vld.idx.msk [tilespmem:v12+s2+$0x0], $0xffff  }
0x255: {  	[tilespmem:s15+$0x6400] =	vst v14;
	v12 =	vld.idx.msk [tilespmem:v13+s2+$0x0], $0xffff;
	v13 =	vadd.s32 $0x3400, v6  }
0x256: {  	v14 =	vadd.s32 $0x3800, v0;
	v15 =	vld.idx.msk [tilespmem:v15+s2+$0x0], $0xffff;
	[tilespmem:s17+$0x6400] =	vst v16  }
0x257: {  	v16 =	vadd.s32 $0x3800, v1;
	v9 =	vld.idx.msk [tilespmem:v9+s2+$0x0], $0xffff;
	[tilespmem:s18+$0x6400] =	vst v11  }
0x258: {  	v11 =	vadd.s32 $0x3800, v2;
	v7 =	vld.idx.msk [tilespmem:v7+s2+$0x0], $0xffff;
	[tilespmem:s19+$0x6400] =	vst v8  }
0x259: {  	v8 =	vadd.s32 $0x3800, v4;
	v3 =	vld.idx.msk [tilespmem:v3+s2+$0x0], $0xffff;
	[tilespmem:s21+$0x6400] =	vst v10  }
0x25a: {  	[tilespmem:s14+$0x6640] =	vst v12;
	v10 =	vadd.s32 $0x3800, v5;
	v12 =	vld.idx.msk [tilespmem:v13+s2+$0x0], $0xffff  }
0x25b: {  	[tilespmem:s15+$0x6640] =	vst v15;
	v13 =	vld.idx.msk [tilespmem:v14+s2+$0x0], $0xffff;
	v14 =	vadd.s32 $0x3800, v6  }
0x25c: {  	v0 =	vadd.s32 $0x3C00, v0;
	v15 =	vld.idx.msk [tilespmem:v16+s2+$0x0], $0xffff;
	[tilespmem:s17+$0x6640] =	vst v9  }
0x25d: {  	v1 =	vadd.s32 $0x3C00, v1;
	v9 =	vld.idx.msk [tilespmem:v11+s2+$0x0], $0xffff;
	[tilespmem:s18+$0x6640] =	vst v7  }
0x25e: {  	v2 =	vadd.s32 $0x3C00, v2;
	v7 =	vld.idx.msk [tilespmem:v8+s2+$0x0], $0xffff;
	[tilespmem:s19+$0x6640] =	vst v3  }
0x25f: {  	v3 =	vadd.s32 $0x3C00, v4;
	v4 =	vld.idx.msk [tilespmem:v10+s2+$0x0], $0xffff;
	[tilespmem:s21+$0x6640] =	vst v12  }
0x260: {  	v5 =	vadd.s32 $0x3C00, v5;
	[tilespmem:s14+$0x6880] =	vst v13;
	v8 =	vld.idx.msk [tilespmem:v14+s2+$0x0], $0xffff  }
0x261: {  	v6 =	vadd.s32 $0x3C00, v6;
	[tilespmem:s15+$0x6880] =	vst v15;
	v0 =	vld.idx.msk [tilespmem:v0+s2+$0x0], $0xffff  }
0x262: {  	v1 =	vld.idx.msk [tilespmem:v1+s2+$0x0], $0xffff;
	[tilespmem:s17+$0x6880] =	vst v9  }
0x263: {  	v2 =	vld.idx.msk [tilespmem:v2+s2+$0x0], $0xffff;
	[tilespmem:s18+$0x6880] =	vst v7  }
0x264: {  	v3 =	vld.idx.msk [tilespmem:v3+s2+$0x0], $0xffff;
	[tilespmem:s19+$0x6880] =	vst v4  }
0x265: {  	v4 =	vld.idx.msk [tilespmem:v5+s2+$0x0], $0xffff;
	[tilespmem:s21+$0x6880] =	vst v8  }
0x266: {  	[tilespmem:s14+$0x6AC0] =	vst v0;
	v0 =	vld.idx.msk [tilespmem:v6+s2+$0x0], $0xffff  }
0x267: {  	[tilespmem:s15+$0x6AC0] =	vst v1  }
0x268: {  	[tilespmem:s17+$0x6AC0] =	vst v2  }
0x269: {  	[tilespmem:s18+$0x6AC0] =	vst v3  }
0x26a: {  	[tilespmem:s19+$0x6AC0] =	vst v4  }
0x26b: {  	s31 =	simm.s32 $0x0;
	[tilespmem:s21+$0x6AC0] =	vst v0  }
0x26c: {  	[hbm4b:s7+s31] =	stream.linear.scatter [tilespmem:s12], [sflag:$0x1], $0x2400, $0x38;
	[tilespmem:$0x6D00] =	vst v63  }
0x26d: {  	_ =	swait.ge [sflag:s10], $0x2400  }
0x26e: {  	[sflag:s10] =	ssyncset.done $0x0  }
0x26f: {  	s20 =	simm.s32 $0x0;
	[sflag:s10] =	ssyncadd.s32 $0xFFFFDC00  }
0x270: {  	v7 =	vld [tilespmem:s20+$0x46C0];
	_ =	sdelay $0x7  }
0x271: {  	v0 =	vld.idx.msk [tilespmem:v7+s2+$0x0], $0xffff  }
0x272: {  	v1 =	vadd.s32 $0x400, v7;
	_ =	sdelay $0x2  }
0x273: {  	s16 =	simm.s32 $0x10  }
0x274: {  	v3 =	vld [tilespmem:s16+$0x46C0];
	[tilespmem:s20+$0x4900] =	vst v0  }
0x275: {  	v0 =	vld.idx.msk [tilespmem:v1+s2+$0x0], $0xffff  }
0x276: {  	v1 =	vadd.s32 $0x800, v7;
	_ =	sdelay $0x3  }
0x277: {  	[tilespmem:s20+$0x4B40] =	vst v0  }
0x278: {  	v0 =	vld.idx.msk [tilespmem:v1+s2+$0x0], $0xffff  }
0x279: {  	v1 =	vadd.s32 $0xC00, v7  }
0x27a: {  	v2 =	vld.idx.msk [tilespmem:v3+s2+$0x0], $0xffff  }
0x27b: {  	v4 =	vadd.s32 $0x400, v3;
	_ =	sdelay $0x1  }
0x27c: {  	[tilespmem:s20+$0x4D80] =	vst v0  }
0x27d: {  	v1 =	vld.idx.msk [tilespmem:v1+s2+$0x0], $0xffff  }
0x27e: {  	v5 =	vadd.s32 $0x1000, v7;
	[tilespmem:s16+$0x4900] =	vst v2  }
0x27f: {  	s14 =	simm.s32 $0x20;
	v2 =	vld.idx.msk [tilespmem:v4+s2+$0x0], $0xffff  }
0x280: {  	v0 =	vld [tilespmem:s14+$0x46C0]  }
0x281: {  	v4 =	vadd.s32 $0x800, v3  }
0x282: {  	[tilespmem:s20+$0x4FC0] =	vst v1  }
0x283: {  	v1 =	vld.idx.msk [tilespmem:v5+s2+$0x0], $0xffff  }
0x284: {  	v5 =	vadd.s32 $0x1400, v7  }
0x285: {  	[tilespmem:s16+$0x4B40] =	vst v2  }
0x286: {  	v2 =	vld.idx.msk [tilespmem:v4+s2+$0x0], $0xffff  }
0x287: {  	v4 =	vadd.s32 $0xC00, v3  }
0x288: {  	v6 =	vld.idx.msk [tilespmem:v0+s2+$0x0], $0xffff;
	[tilespmem:s20+$0x5200] =	vst v1  }
0x289: {  	v8 =	vadd.s32 $0x400, v0;
	v5 =	vld.idx.msk [tilespmem:v5+s2+$0x0], $0xffff  }
0x28a: {  	v9 =	vadd.s32 $0x1800, v7  }
0x28b: {  	[tilespmem:s16+$0x4D80] =	vst v2  }
0x28c: {  	s15 =	simm.s32 $0x30;
	v2 =	vld.idx.msk [tilespmem:v4+s2+$0x0], $0xffff  }
0x28d: {  	v4 =	vadd.s32 $0x1000, v3;
	v1 =	vld [tilespmem:s15+$0x46C0];
	[tilespmem:s14+$0x4900] =	vst v6  }
0x28e: {  	v6 =	vld.idx.msk [tilespmem:v8+s2+$0x0], $0xffff;
	[tilespmem:s20+$0x5440] =	vst v5  }
0x28f: {  	v8 =	vadd.s32 $0x800, v0;
	v5 =	vld.idx.msk [tilespmem:v9+s2+$0x0], $0xffff  }
0x290: {  	v9 =	vadd.s32 $0x1C00, v7  }
0x291: {  	[tilespmem:s16+$0x4FC0] =	vst v2  }
0x292: {  	v2 =	vld.idx.msk [tilespmem:v4+s2+$0x0], $0xffff  }
0x293: {  	v4 =	vadd.s32 $0x1400, v3;
	[tilespmem:s14+$0x4B40] =	vst v6  }
0x294: {  	v6 =	vld.idx.msk [tilespmem:v8+s2+$0x0], $0xffff;
	[tilespmem:s20+$0x5680] =	vst v5  }
0x295: {  	v8 =	vadd.s32 $0xC00, v0;
	v5 =	vld.idx.msk [tilespmem:v9+s2+$0x0], $0xffff  }
0x296: {  	v9 =	vadd.s32 $0x2000, v7  }
0x297: {  	[tilespmem:s16+$0x5200] =	vst v2;
	v10 =	vld.idx.msk [tilespmem:v1+s2+$0x0], $0xffff  }
0x298: {  	s17 =	simm.s32 $0x40;
	v4 =	vld.idx.msk [tilespmem:v4+s2+$0x0], $0xffff;
	v11 =	vadd.s32 $0x400, v1  }
0x299: {  	v2 =	vld [tilespmem:s17+$0x46C0];
	[tilespmem:s14+$0x4D80] =	vst v6;
	v6 =	vadd.s32 $0x1800, v3  }
0x29a: {  	v8 =	vld.idx.msk [tilespmem:v8+s2+$0x0], $0xffff;
	[tilespmem:s20+$0x58C0] =	vst v5  }
0x29b: {  	v5 =	vld.idx.msk [tilespmem:v9+s2+$0x0], $0xffff;
	v9 =	vadd.s32 $0x1000, v0  }
0x29c: {  	[tilespmem:s15+$0x4900] =	vst v10;
	v10 =	vadd.s32 $0x2400, v7  }
0x29d: {  	[tilespmem:s16+$0x5440] =	vst v4;
	v11 =	vld.idx.msk [tilespmem:v11+s2+$0x0], $0xffff  }
0x29e: {  	v4 =	vld.idx.msk [tilespmem:v6+s2+$0x0], $0xffff;
	v6 =	vadd.s32 $0x800, v1  }
0x29f: {  	[tilespmem:s14+$0x4FC0] =	vst v8;
	v8 =	vadd.s32 $0x1C00, v3  }
0x2a0: {  	v9 =	vld.idx.msk [tilespmem:v9+s2+$0x0], $0xffff;
	[tilespmem:s20+$0x5B00] =	vst v5  }
0x2a1: {  	v5 =	vld.idx.msk [tilespmem:v10+s2+$0x0], $0xffff;
	v10 =	vadd.s32 $0x1400, v0  }
0x2a2: {  	v13 =	vld.idx.msk [tilespmem:v2+s2+$0x0], $0xffff;
	[tilespmem:s15+$0x4B40] =	vst v11;
	v11 =	vadd.s32 $0x2800, v7  }
0x2a3: {  	v6 =	vld.idx.msk [tilespmem:v6+s2+$0x0], $0xffff;
	[tilespmem:s16+$0x5680] =	vst v4  }
0x2a4: {  	s18 =	simm.s32 $0x50;
	v12 =	vadd.s32 $0xC00, v1;
	v8 =	vld.idx.msk [tilespmem:v8+s2+$0x0], $0xffff  }
0x2a5: {  	v4 =	vld [tilespmem:s18+$0x46C0];
	[tilespmem:s14+$0x5200] =	vst v9;
	v9 =	vadd.s32 $0x2000, v3  }
0x2a6: {  	v10 =	vld.idx.msk [tilespmem:v10+s2+$0x0], $0xffff;
	[tilespmem:s20+$0x5D40] =	vst v5;
	v5 =	vadd.s32 $0x400, v2  }
0x2a7: {  	v14 =	vadd.s32 $0x1800, v0;
	v11 =	vld.idx.msk [tilespmem:v11+s2+$0x0], $0xffff  }
0x2a8: {  	[tilespmem:s15+$0x4D80] =	vst v6;
	v6 =	vadd.s32 $0x2C00, v7  }
0x2a9: {  	v12 =	vld.idx.msk [tilespmem:v12+s2+$0x0], $0xffff;
	[tilespmem:s16+$0x58C0] =	vst v8  }
0x2aa: {  	[tilespmem:s17+$0x4900] =	vst v13;
	v8 =	vld.idx.msk [tilespmem:v9+s2+$0x0], $0xffff;
	v9 =	vadd.s32 $0x1000, v1  }
0x2ab: {  	v13 =	vld.idx.msk [tilespmem:v5+s2+$0x0], $0xffff;
	[tilespmem:s14+$0x5440] =	vst v10;
	v10 =	vadd.s32 $0x2400, v3  }
0x2ac: {  	v14 =	vld.idx.msk [tilespmem:v14+s2+$0x0], $0xffff;
	[tilespmem:s20+$0x5F80] =	vst v11;
	v11 =	vadd.s32 $0x800, v2  }
0x2ad: {  	v15 =	vadd.s32 $0x1C00, v0;
	v6 =	vld.idx.msk [tilespmem:v6+s2+$0x0], $0xffff  }
0x2ae: {  	v16 =	vld.idx.msk [tilespmem:v4+s2+$0x0], $0xffff;
	[tilespmem:s15+$0x4FC0] =	vst v12;
	v12 =	vadd.s32 $0x3000, v7  }
0x2af: {  	v9 =	vld.idx.msk [tilespmem:v9+s2+$0x0], $0xffff;
	[tilespmem:s16+$0x5B00] =	vst v8  }
0x2b0: {  	v8 =	vld.idx.msk [tilespmem:v10+s2+$0x0], $0xffff;
	[tilespmem:s17+$0x4B40] =	vst v13;
	v10 =	vadd.s32 $0x1400, v1  }
0x2b1: {  	v13 =	vadd.s32 $0x2800, v3;
	v11 =	vld.idx.msk [tilespmem:v11+s2+$0x0], $0xffff;
	[tilespmem:s14+$0x5680] =	vst v14  }
0x2b2: {  	v14 =	vld.idx.msk [tilespmem:v15+s2+$0x0], $0xffff;
	[tilespmem:s20+$0x61C0] =	vst v6;
	v6 =	vadd.s32 $0xC00, v2  }
0x2b3: {  	s19 =	simm.s32 $0x60;
	v15 =	vadd.s32 $0x2000, v0;
	v12 =	vld.idx.msk [tilespmem:v12+s2+$0x0], $0xffff  }
0x2b4: {  	v5 =	vld [tilespmem:s19+$0x46C0];
	[tilespmem:s15+$0x5200] =	vst v9;
	v9 =	vadd.s32 $0x3400, v7  }
0x2b5: {  	v10 =	vld.idx.msk [tilespmem:v10+s2+$0x0], $0xffff;
	[tilespmem:s16+$0x5D40] =	vst v8;
	v8 =	vadd.s32 $0x400, v4  }
0x2b6: {  	v13 =	vld.idx.msk [tilespmem:v13+s2+$0x0], $0xffff;
	[tilespmem:s17+$0x4D80] =	vst v11;
	v11 =	vadd.s32 $0x1800, v1  }
0x2b7: {  	v17 =	vld.idx.msk [tilespmem:v6+s2+$0x0], $0xffff;
	[tilespmem:s14+$0x58C0] =	vst v14;
	v6 =	vadd.s32 $0x2C00, v3  }
0x2b8: {  	v14 =	vld.idx.msk [tilespmem:v15+s2+$0x0], $0xffff;
	[tilespmem:s20+$0x6400] =	vst v12  }
0x2b9: {  	[tilespmem:s18+$0x4900] =	vst v16;
	v12 =	vadd.s32 $0x1000, v2;
	v9 =	vld.idx.msk [tilespmem:v9+s2+$0x0], $0xffff  }
0x2ba: {  	v8 =	vld.idx.msk [tilespmem:v8+s2+$0x0], $0xffff;
	[tilespmem:s15+$0x5440] =	vst v10;
	v10 =	vadd.s32 $0x2400, v0  }
0x2bb: {  	v11 =	vld.idx.msk [tilespmem:v11+s2+$0x0], $0xffff;
	[tilespmem:s16+$0x5F80] =	vst v13;
	v13 =	vadd.s32 $0x3800, v7  }
0x2bc: {  	s21 =	simm.s32 $0x70;
	v15 =	vadd.s32 $0x800, v4;
	v16 =	vld.idx.msk [tilespmem:v6+s2+$0x0], $0xffff  }
0x2bd: {  	v6 =	vld [tilespmem:s21+$0x46C0];
	[tilespmem:s17+$0x4FC0] =	vst v17;
	v17 =	vadd.s32 $0x1C00, v1  }
0x2be: {  	v12 =	vld.idx.msk [tilespmem:v12+s2+$0x0], $0xffff;
	[tilespmem:s14+$0x5B00] =	vst v14  }
0x2bf: {  	v14 =	vadd.s32 $0x3000, v3;
	[tilespmem:s20+$0x6640] =	vst v9;
	v10 =	vld.idx.msk [tilespmem:v10+s2+$0x0], $0xffff  }
0x2c0: {  	[tilespmem:s18+$0x4B40] =	vst v8;
	v8 =	vadd.s32 $0x1400, v2;
	v9 =	vld.idx.msk [tilespmem:v13+s2+$0x0], $0xffff  }
0x2c1: {  	v13 =	vld.idx.msk [tilespmem:v15+s2+$0x0], $0xffff;
	[tilespmem:s15+$0x5680] =	vst v11;
	v11 =	vadd.s32 $0x2800, v0  }
0x2c2: {  	v7 =	vadd.s32 $0x3C00, v7;
	v17 =	vld.idx.msk [tilespmem:v17+s2+$0x0], $0xffff  }
0x2c3: {  	v15 =	vadd.s32 $0xC00, v4;
	[tilespmem:s16+$0x61C0] =	vst v16;
	v16 =	vld.idx.msk [tilespmem:v5+s2+$0x0], $0xffff  }
0x2c4: {  	v18 =	vadd.s32 $0x2000, v1;
	v14 =	vld.idx.msk [tilespmem:v14+s2+$0x0], $0xffff;
	[tilespmem:s17+$0x5200] =	vst v12  }
0x2c5: {  	v19 =	vld.idx.msk [tilespmem:v8+s2+$0x0], $0xffff;
	[tilespmem:s14+$0x5D40] =	vst v10;
	v8 =	vadd.s32 $0x3400, v3  }
0x2c6: {  	v10 =	vadd.s32 $0x400, v5;
	v63 =	vld.idx.msk [tilespmem:v11+s2+$0x0], $0xffff;
	[tilespmem:s20+$0x6880] =	vst v9  }
0x2c7: {  	[tilespmem:s18+$0x4D80] =	vst v13;
	v13 =	vadd.s32 $0x1800, v2;
	v12 =	vld.idx.msk [tilespmem:v7+s2+$0x0], $0xffff  }
0x2c8: {  	v11 =	vadd.s32 $0x2C00, v0;
	v15 =	vld.idx.msk [tilespmem:v15+s2+$0x0], $0xffff;
	[tilespmem:s15+$0x58C0] =	vst v17  }
0x2c9: {  	v9 =	vld.idx.msk [tilespmem:v18+s2+$0x0], $0xffff;
	[tilespmem:s16+$0x6400] =	vst v14  }
0x2ca: {  	[tilespmem:s19+$0x4900] =	vst v16;
	v16 =	vadd.s32 $0x1000, v4;
	v8 =	vld.idx.msk [tilespmem:v8+s2+$0x0], $0xffff  }
0x2cb: {  	v17 =	vld.idx.msk [tilespmem:v10+s2+$0x0], $0xffff;
	[tilespmem:s17+$0x5440] =	vst v19;
	v10 =	vadd.s32 $0x2400, v1  }
0x2cc: {  	s22 =	simm.s32 $0x200;
	v7 =	vadd.s32 $0x3800, v3;
	v14 =	vmov v6;
	v13 =	vld.idx.msk [tilespmem:v13+s2+$0x0], $0xffff;
	[tilespmem:s14+$0x5F80] =	vst v63  }
.LBB2_8:
0x2cd: {  	s23 =	sshra.s32 s22, $0x2;
	p0 =	sne.s32 s22, $0x8C0;
	v18 =	vadd.s32 $0x800, v5;
	v11 =	vld.idx.msk [tilespmem:v11+s2+$0x0], $0xffff;
	[tilespmem:s20+$0x6AC0] =	vst v12;
	s20 =	smov.u32 s16  }
0x2ce: {  	s16 =	smov.u32 s14;
	s14 =	smov.u32 s15;
	s15 =	smov.u32 s17;
	v12 =	vld [tilespmem:s23+$0x46C0];
	[tilespmem:s18+$0x4FC0] =	vst v15;
	v15 =	vadd.s32 $0x1C00, v2  }
0x2cf: {  	s17 =	smov.u32 s18;
	s18 =	smov.u32 s19;
	s19 =	smov.u32 s21;
	v16 =	vld.idx.msk [tilespmem:v16+s2+$0x0], $0xffff;
	[tilespmem:s14+$0x5B00] =	vst v9;
	v9 =	vadd.s32 $0x3000, v0  }
0x2d0: {  	s21 =	smov.u32 s23;
	v10 =	vld.idx.msk [tilespmem:v10+s2+$0x0], $0xffff;
	[tilespmem:s20+$0x6640] =	vst v8  }
0x2d1: {  	v8 =	vadd.s32 $0x1400, v4;
	[tilespmem:s18+$0x4B40] =	vst v17;
	v7 =	vld.idx.msk [tilespmem:v7+s2+$0x0], $0xffff  }
0x2d2: {  	v17 =	vld.idx.msk [tilespmem:v18+s2+$0x0], $0xffff;
	[tilespmem:s15+$0x5680] =	vst v13;
	v13 =	vadd.s32 $0x2800, v1  }
0x2d3: {  	v18 =	vld.idx.msk [tilespmem:v15+s2+$0x0], $0xffff;
	[tilespmem:s16+$0x61C0] =	vst v11;
	v11 =	vadd.s32 $0x3C00, v3;
	v3 =	vmovc v0;
	v0 =	vmovc v1;
	v1 =	vmov v2;
	v2 =	vmov v4  }
0x2d4: {  	v15 =	vadd.s32 $0xC00, v5;
	v4 =	vmovc v5;
	v5 =	vmov v6;
	v6 =	vmov v12;
	v19 =	vld.idx.msk [tilespmem:v9+s2+$0x0], $0xffff  }
0x2d5: {  	v9 =	vadd.s32 $0x2000, v1;
	v20 =	vld.idx.msk [tilespmem:v14+s2+$0x0], $0xffff;
	[tilespmem:s17+$0x5200] =	vst v16;
	v14 =	vmov v12  }
0x2d6: {  	v21 =	vld.idx.msk [tilespmem:v8+s2+$0x0], $0xffff;
	[tilespmem:s14+$0x5D40] =	vst v10;
	v8 =	vadd.s32 $0x3400, v3  }
0x2d7: {  	v10 =	vadd.s32 $0x400, v5;
	v22 =	vld.idx.msk [tilespmem:v13+s2+$0x0], $0xffff;
	[tilespmem:s20+$0x6880] =	vst v7  }
0x2d8: {  	v7 =	vadd.s32 $0x1800, v2;
	[tilespmem:s18+$0x4D80] =	vst v17;
	v12 =	vld.idx.msk [tilespmem:v11+s2+$0x0], $0xffff  }
.Ltmp3:
0x2d9: {  	v11 =	vadd.s32 $0x2C00, v0;
	v15 =	vld.idx.msk [tilespmem:v15+s2+$0x0], $0xffff;
	[tilespmem:s15+$0x58C0] =	vst v18;
	(pc) =	sbr.rel @p0 .LBB2_8-.Ltmp3, $4  }
0x2da: {  	v9 =	vld.idx.msk [tilespmem:v9+s2+$0x0], $0xffff;
	[tilespmem:s16+$0x6400] =	vst v19  }
0x2db: {  	v16 =	vadd.s32 $0x1000, v4;
	[tilespmem:s19+$0x4900] =	vst v20;
	v8 =	vld.idx.msk [tilespmem:v8+s2+$0x0], $0xffff  }
0x2dc: {  	v17 =	vld.idx.msk [tilespmem:v10+s2+$0x0], $0xffff;
	[tilespmem:s17+$0x5440] =	vst v21;
	v10 =	vadd.s32 $0x2400, v1  }
0x2dd: {  	s22 =	sadd.s32 $0x40, s22;
	v13 =	vld.idx.msk [tilespmem:v7+s2+$0x0], $0xffff;
	[tilespmem:s14+$0x5F80] =	vst v22;
	v7 =	vadd.s32 $0x3800, v3  }
0x2de: {  	_ =	sdelay $0x3  }
0x2df: {  	v14 =	vld.idx.msk [tilespmem:v14+s2+$0x0], $0xffff  }
0x2e0: {  	v18 =	vadd.s32 $0x400, v6;
	_ =	sdelay $0x3  }
0x2e1: {  	[tilespmem:s21+$0x4900] =	vst v14  }
0x2e2: {  	v43 =	vadd.s32 $0x800, v5;
	v18 =	vld.idx.msk [tilespmem:v18+s2+$0x0], $0xffff  }
0x2e3: {  	v19 =	vadd.s32 $0x800, v6;
	_ =	sdelay $0x2  }
0x2e4: {  	[tilespmem:s19+$0x4B40] =	vst v17  }
0x2e5: {  	v14 =	vld.idx.msk [tilespmem:v43+s2+$0x0], $0xffff;
	[tilespmem:s21+$0x4B40] =	vst v18  }
0x2e6: {  	v44 =	vadd.s32 $0xC00, v5;
	v18 =	vld.idx.msk [tilespmem:v19+s2+$0x0], $0xffff  }
0x2e7: {  	v45 =	vadd.s32 $0xC00, v6;
	_ =	sdelay $0x2  }
0x2e8: {  	[tilespmem:s19+$0x4D80] =	vst v14  }
0x2e9: {  	v14 =	vld.idx.msk [tilespmem:v44+s2+$0x0], $0xffff;
	[tilespmem:s21+$0x4D80] =	vst v18  }
0x2ea: {  	v46 =	vadd.s32 $0x1000, v5;
	v18 =	vld.idx.msk [tilespmem:v45+s2+$0x0], $0xffff  }
0x2eb: {  	v47 =	vadd.s32 $0x1000, v6;
	_ =	sdelay $0x1  }
0x2ec: {  	[tilespmem:s18+$0x4FC0] =	vst v15  }
0x2ed: {  	v15 =	vld.idx.msk [tilespmem:v16+s2+$0x0], $0xffff;
	[tilespmem:s19+$0x4FC0] =	vst v14  }
0x2ee: {  	v48 =	vadd.s32 $0x1400, v4;
	v49 =	vld.idx.msk [tilespmem:v46+s2+$0x0], $0xffff;
	[tilespmem:s21+$0x4FC0] =	vst v18  }
0x2ef: {  	v50 =	vadd.s32 $0x1400, v5;
	v18 =	vld.idx.msk [tilespmem:v47+s2+$0x0], $0xffff  }
0x2f0: {  	v51 =	vadd.s32 $0x1400, v6;
	_ =	sdelay $0x1  }
0x2f1: {  	[tilespmem:s18+$0x5200] =	vst v15  }
0x2f2: {  	v14 =	vld.idx.msk [tilespmem:v48+s2+$0x0], $0xffff;
	[tilespmem:s19+$0x5200] =	vst v49  }
0x2f3: {  	v52 =	vadd.s32 $0x1800, v4;
	v16 =	vld.idx.msk [tilespmem:v50+s2+$0x0], $0xffff;
	[tilespmem:s21+$0x5200] =	vst v18  }
0x2f4: {  	v53 =	vadd.s32 $0x1800, v5;
	v18 =	vld.idx.msk [tilespmem:v51+s2+$0x0], $0xffff  }
0x2f5: {  	v54 =	vadd.s32 $0x1800, v6;
	_ =	sdelay $0x1  }
0x2f6: {  	[tilespmem:s18+$0x5440] =	vst v14  }
0x2f7: {  	v55 =	vadd.s32 $0x1C00, v2;
	v15 =	vld.idx.msk [tilespmem:v52+s2+$0x0], $0xffff;
	[tilespmem:s19+$0x5440] =	vst v16  }
0x2f8: {  	v56 =	vadd.s32 $0x1C00, v4;
	v17 =	vld.idx.msk [tilespmem:v53+s2+$0x0], $0xffff;
	[tilespmem:s21+$0x5440] =	vst v18  }
0x2f9: {  	v57 =	vadd.s32 $0x1C00, v5;
	v19 =	vld.idx.msk [tilespmem:v54+s2+$0x0], $0xffff  }
0x2fa: {  	v20 =	vadd.s32 $0x1C00, v6  }
0x2fb: {  	[tilespmem:s17+$0x5680] =	vst v13  }
0x2fc: {  	v13 =	vld.idx.msk [tilespmem:v55+s2+$0x0], $0xffff;
	[tilespmem:s18+$0x5680] =	vst v15  }
0x2fd: {  	v58 =	vadd.s32 $0x2000, v2;
	v15 =	vld.idx.msk [tilespmem:v56+s2+$0x0], $0xffff;
	[tilespmem:s19+$0x5680] =	vst v17  }
0x2fe: {  	v59 =	vadd.s32 $0x2000, v4;
	v17 =	vld.idx.msk [tilespmem:v57+s2+$0x0], $0xffff;
	[tilespmem:s21+$0x5680] =	vst v19  }
0x2ff: {  	v60 =	vadd.s32 $0x2000, v5;
	v19 =	vld.idx.msk [tilespmem:v20+s2+$0x0], $0xffff  }
0x300: {  	[tilespmem:s20+$0x6AC0] =	vst v12;
	v61 =	vadd.s32 $0x2000, v6  }
0x301: {  	[tilespmem:s17+$0x58C0] =	vst v13  }
0x302: {  	v13 =	vld.idx.msk [tilespmem:v58+s2+$0x0], $0xffff;
	[tilespmem:s18+$0x58C0] =	vst v15  }
0x303: {  	v62 =	vadd.s32 $0x2400, v2;
	v15 =	vld.idx.msk [tilespmem:v59+s2+$0x0], $0xffff;
	[tilespmem:s19+$0x58C0] =	vst v17  }
0x304: {  	v63 =	vadd.s32 $0x2400, v4;
	v17 =	vld.idx.msk [tilespmem:v60+s2+$0x0], $0xffff;
	[tilespmem:s21+$0x58C0] =	vst v19  }
0x305: {  	[tilespmem:s15+$0x5B00] =	vst v9;
	v20 =	vadd.s32 $0x2400, v5;
	v12 =	vld.idx.msk [tilespmem:v61+s2+$0x0], $0xffff  }
0x306: {  	v11 =	vld.idx.msk [tilespmem:v11+s2+$0x0], $0xffff;
	v21 =	vadd.s32 $0x2400, v6;
	[tilespmem:s16+$0x6640] =	vst v8  }
0x307: {  	v10 =	vld.idx.msk [tilespmem:v10+s2+$0x0], $0xffff;
	[tilespmem:s17+$0x5B00] =	vst v13  }
0x308: {  	v22 =	vadd.s32 $0x2800, v1;
	v14 =	vld.idx.msk [tilespmem:v62+s2+$0x0], $0xffff;
	[tilespmem:s18+$0x5B00] =	vst v15  }
0x309: {  	v23 =	vadd.s32 $0x2800, v2;
	v16 =	vld.idx.msk [tilespmem:v63+s2+$0x0], $0xffff;
	[tilespmem:s19+$0x5B00] =	vst v17  }
0x30a: {  	v24 =	vadd.s32 $0x2800, v4;
	v9 =	vld.idx.msk [tilespmem:v20+s2+$0x0], $0xffff;
	[tilespmem:s21+$0x5B00] =	vst v12  }
0x30b: {  	v25 =	vadd.s32 $0x2800, v5;
	[tilespmem:s14+$0x61C0] =	vst v11;
	v8 =	vld.idx.msk [tilespmem:v21+s2+$0x0], $0xffff  }
0x30c: {  	v26 =	vadd.s32 $0x2800, v6;
	v7 =	vld.idx.msk [tilespmem:v7+s2+$0x0], $0xffff;
	[tilespmem:s15+$0x5D40] =	vst v10  }
0x30d: {  	v27 =	vadd.s32 $0x3000, v0;
	v13 =	vld.idx.msk [tilespmem:v22+s2+$0x0], $0xffff;
	[tilespmem:s17+$0x5D40] =	vst v14  }
0x30e: {  	v28 =	vadd.s32 $0x2C00, v1;
	v15 =	vld.idx.msk [tilespmem:v23+s2+$0x0], $0xffff;
	[tilespmem:s18+$0x5D40] =	vst v16  }
0x30f: {  	v29 =	vadd.s32 $0x2C00, v2;
	v17 =	vld.idx.msk [tilespmem:v24+s2+$0x0], $0xffff;
	[tilespmem:s19+$0x5D40] =	vst v9  }
0x310: {  	v30 =	vadd.s32 $0x2C00, v4;
	v11 =	vld.idx.msk [tilespmem:v25+s2+$0x0], $0xffff;
	[tilespmem:s21+$0x5D40] =	vst v8  }
0x311: {  	v31 =	vadd.s32 $0x2C00, v5;
	[tilespmem:s16+$0x6880] =	vst v7;
	v8 =	vld.idx.msk [tilespmem:v26+s2+$0x0], $0xffff  }
0x312: {  	v33 =	vadd.s32 $0x2C00, v6;
	v32 =	vld.idx.msk [tilespmem:v27+s2+$0x0], $0xffff;
	[tilespmem:s15+$0x5F80] =	vst v13  }
0x313: {  	v3 =	vadd.s32 $0x3C00, v3;
	v13 =	vld.idx.msk [tilespmem:v28+s2+$0x0], $0xffff;
	[tilespmem:s17+$0x5F80] =	vst v15  }
0x314: {  	v34 =	vadd.s32 $0x3000, v1;
	v15 =	vld.idx.msk [tilespmem:v29+s2+$0x0], $0xffff;
	[tilespmem:s18+$0x5F80] =	vst v17  }
0x315: {  	v35 =	vadd.s32 $0x3000, v2;
	v9 =	vld.idx.msk [tilespmem:v30+s2+$0x0], $0xffff;
	[tilespmem:s19+$0x5F80] =	vst v11  }
0x316: {  	v36 =	vadd.s32 $0x3000, v4;
	v7 =	vld.idx.msk [tilespmem:v31+s2+$0x0], $0xffff;
	[tilespmem:s21+$0x5F80] =	vst v8  }
0x317: {  	v37 =	vadd.s32 $0x3000, v5;
	[tilespmem:s14+$0x6400] =	vst v32;
	v38 =	vld.idx.msk [tilespmem:v33+s2+$0x0], $0xffff  }
0x318: {  	v39 =	vadd.s32 $0x3000, v6;
	v3 =	vld.idx.msk [tilespmem:v3+s2+$0x0], $0xffff;
	[tilespmem:s15+$0x61C0] =	vst v13  }
0x319: {  	v40 =	vadd.s32 $0x3400, v0;
	v14 =	vld.idx.msk [tilespmem:v34+s2+$0x0], $0xffff;
	[tilespmem:s17+$0x61C0] =	vst v15  }
0x31a: {  	v41 =	vadd.s32 $0x3400, v1;
	v16 =	vld.idx.msk [tilespmem:v35+s2+$0x0], $0xffff;
	[tilespmem:s18+$0x61C0] =	vst v9  }
0x31b: {  	v42 =	vadd.s32 $0x3400, v2;
	v11 =	vld.idx.msk [tilespmem:v36+s2+$0x0], $0xffff;
	[tilespmem:s19+$0x61C0] =	vst v7  }
0x31c: {  	v43 =	vadd.s32 $0x3400, v4;
	v8 =	vld.idx.msk [tilespmem:v37+s2+$0x0], $0xffff;
	[tilespmem:s21+$0x61C0] =	vst v38  }
0x31d: {  	v44 =	vadd.s32 $0x3400, v5;
	[tilespmem:s16+$0x6AC0] =	vst v3;
	v10 =	vld.idx.msk [tilespmem:v39+s2+$0x0], $0xffff  }
0x31e: {  	v46 =	vadd.s32 $0x3400, v6;
	v45 =	vld.idx.msk [tilespmem:v40+s2+$0x0], $0xffff;
	[tilespmem:s15+$0x6400] =	vst v14  }
0x31f: {  	v47 =	vadd.s32 $0x3800, v0;
	v15 =	vld.idx.msk [tilespmem:v41+s2+$0x0], $0xffff;
	[tilespmem:s17+$0x6400] =	vst v16  }
0x320: {  	v48 =	vadd.s32 $0x3800, v1;
	v9 =	vld.idx.msk [tilespmem:v42+s2+$0x0], $0xffff;
	[tilespmem:s18+$0x6400] =	vst v11  }
0x321: {  	v49 =	vadd.s32 $0x3800, v2;
	v7 =	vld.idx.msk [tilespmem:v43+s2+$0x0], $0xffff;
	[tilespmem:s19+$0x6400] =	vst v8  }
0x322: {  	v50 =	vadd.s32 $0x3800, v4;
	v3 =	vld.idx.msk [tilespmem:v44+s2+$0x0], $0xffff;
	[tilespmem:s21+$0x6400] =	vst v10  }
0x323: {  	[tilespmem:s14+$0x6640] =	vst v45;
	v51 =	vadd.s32 $0x3800, v5;
	v52 =	vld.idx.msk [tilespmem:v46+s2+$0x0], $0xffff  }
0x324: {  	v53 =	vld.idx.msk [tilespmem:v47+s2+$0x0], $0xffff;
	v54 =	vadd.s32 $0x3800, v6;
	[tilespmem:s15+$0x6640] =	vst v15  }
0x325: {  	v55 =	vadd.s32 $0x3C00, v0;
	v15 =	vld.idx.msk [tilespmem:v48+s2+$0x0], $0xffff;
	[tilespmem:s17+$0x6640] =	vst v9  }
0x326: {  	v56 =	vadd.s32 $0x3C00, v1;
	v9 =	vld.idx.msk [tilespmem:v49+s2+$0x0], $0xffff;
	[tilespmem:s18+$0x6640] =	vst v7  }
0x327: {  	v57 =	vadd.s32 $0x3C00, v2;
	v7 =	vld.idx.msk [tilespmem:v50+s2+$0x0], $0xffff;
	[tilespmem:s19+$0x6640] =	vst v3  }
0x328: {  	v58 =	vadd.s32 $0x3C00, v4;
	v59 =	vld.idx.msk [tilespmem:v51+s2+$0x0], $0xffff;
	[tilespmem:s21+$0x6640] =	vst v52  }
0x329: {  	[tilespmem:s14+$0x6880] =	vst v53;
	v60 =	vadd.s32 $0x3C00, v5;
	v61 =	vld.idx.msk [tilespmem:v54+s2+$0x0], $0xffff  }
0x32a: {  	v62 =	vadd.s32 $0x3C00, v6;
	v0 =	vld.idx.msk [tilespmem:v55+s2+$0x0], $0xffff;
	[tilespmem:s15+$0x6880] =	vst v15  }
0x32b: {  	v1 =	vld.idx.msk [tilespmem:v56+s2+$0x0], $0xffff;
	[tilespmem:s17+$0x6880] =	vst v9  }
0x32c: {  	v2 =	vld.idx.msk [tilespmem:v57+s2+$0x0], $0xffff;
	[tilespmem:s18+$0x6880] =	vst v7  }
0x32d: {  	v3 =	vld.idx.msk [tilespmem:v58+s2+$0x0], $0xffff;
	[tilespmem:s19+$0x6880] =	vst v59  }
0x32e: {  	v4 =	vld.idx.msk [tilespmem:v60+s2+$0x0], $0xffff;
	[tilespmem:s21+$0x6880] =	vst v61  }
0x32f: {  	[tilespmem:s14+$0x6AC0] =	vst v0;
	v63 =	vld.idx.msk [tilespmem:v62+s2+$0x0], $0xffff  }
0x330: {  	[tilespmem:s15+$0x6AC0] =	vst v1  }
0x331: {  	[tilespmem:s17+$0x6AC0] =	vst v2  }
0x332: {  	s13 =	sadd.s32 $0x1, s13;
	[tilespmem:s18+$0x6AC0] =	vst v3  }
0x333: {  	p0 =	sne.s32 s13, s9;
	[tilespmem:s19+$0x6AC0] =	vst v4  }
.Ltmp4:
0x334: {  	[tilespmem:s21+$0x6AC0] =	vst v63;
	(pc) =	sbr.rel @p0 .LBB2_1-.Ltmp4, $4  }
0x335: {  	[hbm4b:s8+s2] =	stream.linear.scatter [tilespmem:s12], [sflag:$0x1], $0x2400, $0x38;
	[tilespmem:$0x6D00] =	vst v63  }
0x336: {  	_ =	swait.ge [sflag:s10], $0x2400  }
0x337: {  	[sflag:s10] =	ssyncset.done $0x0  }
0x338: {  	[sflag:s10] =	ssyncadd.s32 $0xFFFFDC00  }
0x339: {  	_ =	sfence.sel $0x180000  }
0x33a: {  	[bflag:$0x0] =	sbarrier.arrive $0xFFFF  }
0x33b: {  	p0 =	sne.s32 s0, $0x0;
	_ =	strace $0x90000047  }
0x33c: {  	s0 =	sadd.s32 @!p0 $0x100000, s1;
	[bflag:$0x2] =	sbarrier.arrive $0xFFFF  }
0x33d: {  	[sflag:s0] =	ssyncadd.tile.s32 @!p0 $0x1;
	_ =	shalt  }
.Lfunc_end2:
_tile_overlayer_lowered:
.L_overlay_start_2:
0x33e: {  	(tag) =	ssettag $0x2  }
0x33f: {  	s0 =	rddreg [dreg:$0x0];
	s2 =	stileid.u32  }
0x340: {  	s1 =	rddreg [dreg:$0x1];
	p0 =	sne.s32 s2, $0x0  }
0x341: {  	s3 =	rddreg [dreg:$0x2];
	[bflag:$0x3] =	sbarrier.arrive $0xFFFF;
	s2 =	simm.s32 @!p0 $0x1C01  }
0x342: {  	[timem:s3], [sflag:s2] =	dma.local @!p0 [hbm:s0], s1  }
0x343: {  	s0 =	simm.s32 @!p0 $0x1  }
0x344: {  	_ =	swait.ge @!p0 [sflag:s0], s1  }
0x345: {  	s1 =	ssub.s32 @!p0 $0x0, s1;
	[sflag:s0] =	ssyncset.done @!p0 $0x0  }
0x346: {  	[sflag:s0] =	ssyncadd.s32 @!p0 s1  }
0x347: {  	[bflag:$0x3] =	sbarrier.arrive $0xFFFF  }
0x348: {  	_ =	shalt  }

// kernel: kernel.9.cloned.1.call-start
scs
__scs_entry_jumppad:
0x0: {  	(pc) =	sbr.rel $0x88, $3  }
0x1: {  	(tag) =	ssettag $0x0;
	lr =	simm.s32 $0x1  }
0x2: {  	[smem:$0x3F9F] =	sst lr;
	_ =	strace $0xD0000000  }
0x3: {  	_ = 	snop  }
0x4: {  	_ = 	snop  }
0x5: {  	_ = 	snop  }
0x6: {  	_ = 	snop  }
0x7: {  	_ = 	snop  }
__scs_overlays_trampoline_lowered:
0x8: {  	[smem:$0x3FAE] =	sst s0  }
0x9: {  	[smem:$0x3FAF] =	sst s1  }
0xa: {  	[smem:$0x3FB0] =	sst s2  }
0xb: {  	[smem:$0x3FB1] =	sst s3  }
0xc: {  	[smem:$0x3FB2] =	sst s4  }
0xd: {  	[smem:$0x3FB3] =	sst s5  }
0xe: {  	[smem:$0x3FB4] =	sst s6  }
0xf: {  	[smem:$0x3FB5] =	sst s7  }
0x10: {  	[smem:$0x3FB6] =	sst s8  }
0x11: {  	[smem:$0x3FB7] =	sst s9;
	s0 =	simm.s32 @!p0 $0x0  }
0x12: {  	s1 =	sld [smem:$0x3F9D];
	s0 =	simm.s32 @p0 $0x1  }
0x13: {  	[smem:$0x3FB8] =	sst s0;
	s0 =	simm.s32 @!p1 $0x0  }
0x14: {  	s2 =	sld [smem:$0x3F9C];
	s0 =	simm.s32 @p1 $0x1  }
0x15: {  	[smem:$0x3FB9] =	sst s0;
	s0 =	simm.s32 @!p2 $0x0  }
0x16: {  	s3 =	sld [smem:$0x3FDB];
	s0 =	simm.s32 @p2 $0x1  }
0x17: {  	s4 =	simm.s32 $0x1BF5;
	[smem:$0x3FBB] =	sst s0  }
0x18: {  	s0 =	sld [smem:$0x3F9E];
	_ =	swait.ge [sflag:s4], $0x0  }
0x19: {  	s7 =	sld [smem:$0x3F9F]  }
0x1a: {  	s8 =	sadd.s32 $0xFFFFE003, lr  }
0x1b: {  	s9 =	sadd.s32 $0xFFFFFEF7, lr;
	s5 =	simm.s32 $0xFFFFFFFF;
	p2 =	slt.u32 s8, $0xFFFFF086  }
0x1c: {  	p1 =	slt.u32 s9, $0xF7A;
	s5 =	simm.s32 @!p2 $0x0  }
0x1d: {  	s5 =	simm.s32 @p1 $0x1;
	p0 =	seq.s32 s7, s2  }
0x1e: {  	s7 =	smul.u32 @!p0 $0xF7A, s2;
	p2 =	seq.s32 @!p0 s5, $0x0  }
0x1f: {  	s9 =	smul.u32 $0xF7A, s1;
	s8 =	simm.s32 @!p0 $0x1BF5;
	p2 =	por !p2, p0  }
0x20: {  	[sflag:s8] =	ssyncset.s32 @!p0 $0xFFFFF086;
	s6 =	sadd.s32 @!p0 s3, s7;
	s7 =	simm.s32 @!p0 $0x108  }
0x21: {  	s3 =	sadd.s32 s3, s9;
	s6 =	sadd.s32 @!p0 $0x88, s6;
	s7 =	simm.s32 @p2 $0x1082  }
0x22: {  	[simem:s7], [sflag:s8] =	dma.local @!p0 [hbm:s6], $0xF7A  }
0x23: {  	s9 =	sor.u32 $0xD0000000, s2;
	s6 =	simm.s32 $0x108;
	_ =	swait.ge @!p0 [sflag:s8], $0x0  }
0x24: {  	s3 =	sadd.s32 $0x88, s3;
	s6 =	simm.s32 @!p1 $0x1082;
	[sflag:s4] =	ssyncset.s32 $0xFFFFF086  }
0x25: {  	[simem:s6], [sflag:s4] =	dma.local [hbm:s3], $0xF7A  }
0x26: {  	[smem:$0x3F9F] =	sst s1;
	(tag) =	ssettag s2;
	_ =	strace s9  }
0x27: {  	s1 =	sld [smem:$0x3FAF]  }
0x28: {  	s2 =	sld [smem:$0x3FB0]  }
0x29: {  	s4 =	sld [smem:$0x3FB2]  }
0x2a: {  	p0 =	seq.s32 s5, $0x0;
	s5 =	sld [smem:$0x3FB3]  }
0x2b: {  	s6 =	sld [smem:$0x3FB4]  }
0x2c: {  	s7 =	sld [smem:$0x3FB5]  }
0x2d: {  	s3 =	simm.s32 $0x108;
	s8 =	sld [smem:$0x3FB6]  }
0x2e: {  	s3 =	simm.s32 @!p0 $0x1082;
	s9 =	sld [smem:$0x3FB7]  }
0x2f: {  	lr =	sadd.s32 s0, s3;
	s0 =	sld [smem:$0x3FAE]  }
0x30: {  	s3 =	sld [smem:$0x3FB1]  }
0x31: {  	[smem:$0x3FBA] =	sst s10  }
0x32: {  	s10 =	sld [smem:$0x3FB8];
	_ =	sdelay $0x3  }
0x33: {  	p0 =	seq.s32 s10, $0x1;
	s10 =	sld [smem:$0x3FBA];
	_ =	sdelay $0x3  }
0x34: {  	[smem:$0x3FBA] =	sst s10  }
0x35: {  	s10 =	sld [smem:$0x3FB9];
	_ =	sdelay $0x3  }
0x36: {  	p1 =	seq.s32 s10, $0x1;
	s10 =	sld [smem:$0x3FBA];
	_ =	sdelay $0x3  }
0x37: {  	[smem:$0x3FBA] =	sst s10  }
0x38: {  	s10 =	sld [smem:$0x3FBB]  }
0x39: {  	_ = 	snop;
	(pc) =	sbr.ind lr, $3  }
0x3a: {  	_ = 	snop  }
0x3b: {  	_ = 	snop  }
0x3c: {  	p2 =	seq.s32 s10, $0x1;
	s10 =	sld [smem:$0x3FBA]  }
0x3d: {  	_ =	shalt  }
0x3e: {  	_ =	shalt  }
0x3f: {  	_ =	shalt  }
0x40: {  	_ =	shalt  }
0x41: {  	_ =	shalt  }
0x42: {  	_ =	shalt  }
0x43: {  	_ =	shalt  }
0x44: {  	_ =	shalt  }
0x45: {  	_ =	shalt  }
0x46: {  	_ =	shalt  }
0x47: {  	_ =	shalt  }
0x48: {  	_ =	shalt  }
0x49: {  	_ =	shalt  }
0x4a: {  	_ =	shalt  }
0x4b: {  	_ =	shalt  }
0x4c: {  	_ =	shalt  }
0x4d: {  	_ =	shalt  }
0x4e: {  	_ =	shalt  }
0x4f: {  	_ =	shalt  }
0x50: {  	_ =	shalt  }
0x51: {  	_ =	shalt  }
0x52: {  	_ =	shalt  }
0x53: {  	_ =	shalt  }
0x54: {  	_ =	shalt  }
0x55: {  	_ =	shalt  }
0x56: {  	_ =	shalt  }
0x57: {  	_ =	shalt  }
0x58: {  	_ =	shalt  }
0x59: {  	_ =	shalt  }
0x5a: {  	_ =	shalt  }
0x5b: {  	_ =	shalt  }
0x5c: {  	_ =	shalt  }
0x5d: {  	_ =	shalt  }
0x5e: {  	_ =	shalt  }
0x5f: {  	_ =	shalt  }
0x60: {  	_ =	shalt  }
0x61: {  	_ =	shalt  }
0x62: {  	_ =	shalt  }
0x63: {  	_ =	shalt  }
0x64: {  	_ =	shalt  }
0x65: {  	_ =	shalt  }
0x66: {  	_ =	shalt  }
0x67: {  	_ =	shalt  }
0x68: {  	_ =	shalt  }
0x69: {  	_ =	shalt  }
0x6a: {  	_ =	shalt  }
0x6b: {  	_ =	shalt  }
0x6c: {  	_ =	shalt  }
0x6d: {  	_ =	shalt  }
0x6e: {  	_ =	shalt  }
0x6f: {  	_ =	shalt  }
0x70: {  	_ =	shalt  }
0x71: {  	_ =	shalt  }
0x72: {  	_ =	shalt  }
0x73: {  	_ =	shalt  }
0x74: {  	_ =	shalt  }
0x75: {  	_ =	shalt  }
0x76: {  	_ =	shalt  }
0x77: {  	_ =	shalt  }
0x78: {  	_ =	shalt  }
0x79: {  	_ =	shalt  }
0x7a: {  	_ =	shalt  }
0x7b: {  	_ =	shalt  }
0x7c: {  	_ =	shalt  }
0x7d: {  	_ =	shalt  }
0x7e: {  	_ =	shalt  }
0x7f: {  	_ =	shalt  }
0x80: {  	_ =	shalt  }
0x81: {  	_ =	shalt  }
0x82: {  	_ =	shalt  }
0x83: {  	_ =	shalt  }
0x84: {  	_ =	shalt  }
0x85: {  	_ =	shalt  }
0x86: {  	_ =	shalt  }
0x87: {  	_ =	shalt  }
.Lfunc_end0:
.L_simem_size_0:
called_computation.1_lowered:
.L_overlay_start_0:
0x88: {  	s2 =	sld [smem:$0x3FD9]  }
0x89: {  	s3 =	sld [smem:$0x3FFE];
	_ =	sdelay $0x1  }
0x8a: {  	s1 =	srdreg.scid  }
0x8b: {  	s0 =	sand.u32 $0x1, s1  }
0x8c: {  	s15 =	sshll.u32 s0, $0xA;
	s2 =	sadd.s32 s3, s2  }
0x8d: {  	s2 =	sadd.s32 s2, s15  }
0x8e: {  	[smem:$0x3FC6] =	sst s2  }
0x8f: {  	_ = 	snop  }
0x90: {  	s2 =	sld [smem:$0x3FD0];
	_ =	sdelay $0x2  }
0x91: {  	s16 =	simm.s32 $0xB;
	s4 =	simm.s32 $0x10  }
0x92: {  	[smem:s4], [sflag:s16] =	dma.local [hbm:s2], $0x1  }
0x93: {  	_ =	swait.eq [sflag:s16], $0x1  }
0x94: {  	[sflag:s16] =	ssyncset.done $0x0  }
0x95: {  	[sflag:s16] =	ssyncadd.s32 $0xFFFFFFFF  }
0x96: {  	s17 =	sld [smem:$0x11];
	(tm) =	ssettm $0x1  }
0x97: {  	s18 =	sld [smem:$0x3FFB];
	_ =	sdelay $0x3  }
0x98: {  	_ =	strace s18  }
0x99: {  	s2 =	sld [smem:$0x3FFC];
	_ =	sdelay $0x3  }
0x9a: {  	_ =	strace s2  }
0x9b: {  	s2 =	sld [smem:$0x3FFD];
	_ =	sdelay $0x3  }
0x9c: {  	_ =	strace s2  }
0x9d: {  	_ =	strace $0x8FFFFFFF  }
0x9e: {  	s19 =	sld [smem:$0x3FDB];
	_ =	sdelay $0x1  }
0x9f: {  	s20 =	simm.s32 $_scs_section_size  }
0xa0: {  	s5 =	simm.s32 $_size__tile_overlayer_lowered;
	s6 =	simm.s32 $_tile_overlayer_lowered  }
0xa1: {  	s7 =	simm.s32 $0x1BFF;
	s21 =	sshll.u32 s6, $0x1;
	s4 =	sadd.s32 s20, s19  }
0xa2: {  	s22 =	simm.s32 $0x0;
	s5 =	sshll.u32 s5, $0x1;
	s6 =	sadd.s32 s21, s4  }
0xa3: {  	[timem:s22], [sflag:s7] =	dma.local [hbm:s6], s5  }
0xa4: {  	_ =	swait.ge [sflag:s7], s5  }
0xa5: {  	s5 =	ssub.s32 $0x0, s5;
	[sflag:s7] =	ssyncset.done $0x0  }
0xa6: {  	[sflag:s7] =	ssyncadd.s32 s5;
	_ =	sdelay $0x1  }
0xa7: {  	s23 =	simm.s32 $0x1B8B  }
0xa8: {  	_ =	swait.ge [sflag:s23], $0x1  }
0xa9: {  	[sflag:s23] =	ssyncset.done $0x0  }
0xaa: {  	[sflag:s23] =	ssyncadd.s32 $0xFFFFFFFF  }
0xab: {  	s5 =	sld [smem:$0x0]  }
0xac: {  	s6 =	sand.u32 $0xFFFFFFFE, s1  }
0xad: {  	p0 =	sne.s32 s1, s6  }
0xae: {  	s6 =	sshll.u32 @p0 s6, $0xE  }
0xaf: {  	s6 =	sadd.s32 @p0 $0x11B8D, s6;
	s7 =	sshll.u32 @p0 s5, $0x11  }
0xb0: {  	s6 =	sor.u32 @p0 s7, s6  }
0xb1: {  	[sflag:s6] =	ssyncadd.remote.s32 @p0 $0x1;
	_ =	sdelay $0x1  }
0xb2: {  	s6 =	simm.s32 @p0 $0x1B8D  }
0xb3: {  	_ =	swait.eq @p0 [sflag:s6], $0x1  }
0xb4: {  	[sflag:s6] =	ssyncadd.s32 @p0 $0xFFFFFFFF  }
0xb5: {  	s7 =	sshll.u32 @!p0 s1, $0xE  }
0xb6: {  	s7 =	sor.u32 @!p0 $0x4000, s7;
	s6 =	simm.s32 @!p0 $0x1B8D  }
0xb7: {  	s5 =	sshll.u32 @!p0 s5, $0x11;
	s7 =	sadd.s32 @!p0 $0x11B8D, s7;
	_ =	swait.eq @!p0 [sflag:s6], $0x1  }
0xb8: {  	s5 =	sor.u32 @!p0 s5, s7;
	[sflag:s6] =	ssyncadd.s32 @!p0 $0xFFFFFFFF  }
0xb9: {  	s25 =	simm.s32 $0x1B8E;
	s24 =	sld [smem:$0x3FFE];
	[sflag:s5] =	ssyncadd.remote.s32 @!p0 $0x1  }
0xba: {  	s26 =	simm.s32 $execute0_lowered;
	[smem:$0x3FD2] =	sst s25  }
0xbb: {  	s6 =	sshll.u32 s26, $0x1;
	_ =	strace $0x80000049;
	[dreg:$0x1] =	wrdreg $0xFFFFFFFF  }
0xbc: {  	s28 =	simm.s32 $_size_execute0_lowered;
	s4 =	sadd.s32 s4, s6;
	[dreg:$0x0] =	wrdreg $0x0  }
0xbd: {  	s6 =	sshll.u32 s28, $0x1;
	[dreg:$0x2] =	wrdreg s4  }
0xbe: {  	[dreg:$0x3] =	wrdreg s6  }
0xbf: {  	[dreg:$0x4] =	wrdreg $0xC0  }
0xc0: {  	_ =	task [dreg:s22], $0x5FFFF  }
0xc1: {  	[dreg:$0x1] =	wrdreg $0xFFFFFFFF  }
0xc2: {  	[dreg:$0x0] =	wrdreg $0x60  }
0xc3: {  	[dreg:$0x2] =	wrdreg s24  }
0xc4: {  	[dreg:$0x3] =	wrdreg s17  }
0xc5: {  	[dreg:$0x4] =	wrdreg $0xA  }
0xc6: {  	_ =	task.clear_ibuf [dreg:s22], $0x5FFFF;
	_ =	strace $0x90000049  }
0xc7: {  	s29 =	simm.s32 $0xA;
	_ =	strace $0x8000004B  }
0xc8: {  	_ =	swait.ge [sflag:s29], $0x1  }
0xc9: {  	[sflag:s29] =	ssyncadd.s32 $0xFFFFFFFF  }
0xca: {  	_ =	strace $0x9000004B  }
0xcb: {  	_ =	sfence  }
0xcc: {  	s30 =	sld [smem:$0x0];
	_ =	sdelay $0x2  }
0xcd: {  	s31 =	sshll.u32 s1, $0xD;
	s1 =	sshrl.u32 s1, $0x2  }
0xce: {  	s4 =	sand.u32 $0x4000, s31;
	s1 =	sadd.s32 s1, s30  }
0xcf: {  	s0 =	sor.u32 s4, s0;
	s1 =	sshll.u32 s1, $0x11  }
0xd0: {  	s0 =	sor.u32 s1, s0  }
0xd1: {  	s0 =	sadd.s32 $0x8F2B, s0  }
0xd2: {  	[sflag:s0] =	ssyncadd.remote.s32 $0x1  }
0xd3: {  	_ =	sfence.sel $0xFFFF  }
0xd4: {  	[dreg:$0x0] =	wrdreg $0xFFFFFFFF;
	(pc) =	sbr.abs _section_cstart, $3  }
0xd5: {  	[dreg:$0x1] =	wrdreg $0xFFFFFFFF  }
0xd6: {  	_ =	task.clear_ibuf [dreg:s22], $0x2FFFF;
	_ =	strace $0x9FFFFFFF  }
0xd7: {  	(tm) =	ssettm $0x7FFFFFFF  }
tec
execute0_lowered:
.L_overlay_start_1:
0x0: {  	(tag) =	ssettag $0x1  }
0x1: {  	s0 =	stileid.u32;
	s3 =	rddreg [dreg:$0x0]  }
0x2: {  	s1 =	srdreg.scid;
	s4 =	rddreg [dreg:$0x1];
	s10 =	simm.s32 $0x1  }
0x3: {  	s11 =	simm.s32 $0x4000;
	s12 =	simm.s32 $0x4900;
	s13 =	simm.s32 $0x0  }
0x4: {  	s2 =	sshll.u32 s0, $0x1;
	s5 =	sand.u32 $0x1, s1;
	s7 =	sshrl.u32 s0, $0x1  }
0x5: {  	s1 =	rddreg [dreg:$0x2];
	s2 =	sand.u32 $0x2, s2;
	s9 =	smul.u32 $0x24000, s7  }
0x6: {  	s7 =	smul.u32 $0x120, s7;
	s6 =	sor.u32 s5, s2;
	s2 =	simm.s32 $0x0  }
0x7: {  	s5 =	ssub.s32 $0x2, s5;
	s8 =	smul.u32 $0x2400, s6;
	[smem:$0x7FF] =	sst s2  }
0x8: {  	s6 =	sshll.u32 s6, $0xB;
	s7 =	sadd.s32 s7, s3;
	s30 =	sshrl.u32 s5, $0x1  }
0x9: {  	_ =	strace $0x8000004A;
	s6 =	sadd.s32 s6, s3;
	s8 =	sadd.s32 s9, s8  }
0xa: {  	s31 =	ssub.s32 s5, s30;
	s5 =	sadd.s32 $0x3600, s7;
	s8 =	sshrl.u32 s8, $0x3  }
0xb: {  	s3 =	sadd.s32 $0xC00, s6;
	s9 =	smax.u32 s31, $0x1;
	s4 =	sadd.s32 s4, s8  }
0xc: {  	s6 =	sadd.s32 $0x1200, s4;
	s7 =	sadd.s32 $0x2400, s4;
	s8 =	sadd.s32 $0x3600, s4  }
.LBB2_1:
0xd: {  	[tilespmem:s2], [sflag:$0x1] =	stream.linear.gather [hbm4b:s3+s2], $0x4000, $0x38;
	[tilespmem:$0x6D00] =	vst v63  }
0xe: {  	_ =	swait.ge [sflag:s10], $0x4000  }
0xf: {  	[sflag:s10] =	ssyncset.done $0x0  }
0x10: {  	[sflag:s10] =	ssyncadd.s32 $0xFFFFC000  }
0x11: {  	[tilespmem:s11], [sflag:$0x1] =	stream.linear.gather [hbm4b:s5+s2], $0x900, $0x38;
	[tilespmem:$0x6D00] =	vst v63  }
0x12: {  	_ =	swait.ge [sflag:s10], $0x900  }
0x13: {  	[sflag:s10] =	ssyncset.done $0x0  }
0x14: {  	s20 =	simm.s32 $0x0;
	[sflag:s10] =	ssyncadd.s32 $0xFFFFF700  }
0x15: {  	v7 =	vld [tilespmem:s20+$0x4000];
	_ =	sdelay $0x7  }
0x16: {  	v0 =	vld.idx.msk [tilespmem:v7+s2+$0x0], $0xffff  }
0x17: {  	v1 =	vadd.s32 $0x400, v7;
	_ =	sdelay $0x2  }
0x18: {  	s16 =	simm.s32 $0x10  }
0x19: {  	v3 =	vld [tilespmem:s16+$0x4000];
	[tilespmem:s20+$0x4900] =	vst v0  }
0x1a: {  	v0 =	vld.idx.msk [tilespmem:v1+s2+$0x0], $0xffff  }
0x1b: {  	v1 =	vadd.s32 $0x800, v7;
	_ =	sdelay $0x3  }
0x1c: {  	[tilespmem:s20+$0x4B40] =	vst v0  }
0x1d: {  	v0 =	vld.idx.msk [tilespmem:v1+s2+$0x0], $0xffff  }
0x1e: {  	v1 =	vadd.s32 $0xC00, v7  }
0x1f: {  	v2 =	vld.idx.msk [tilespmem:v3+s2+$0x0], $0xffff  }
0x20: {  	v4 =	vadd.s32 $0x400, v3;
	_ =	sdelay $0x1  }
0x21: {  	[tilespmem:s20+$0x4D80] =	vst v0  }
0x22: {  	v1 =	vld.idx.msk [tilespmem:v1+s2+$0x0], $0xffff  }
0x23: {  	v5 =	vadd.s32 $0x1000, v7;
	[tilespmem:s16+$0x4900] =	vst v2  }
0x24: {  	s14 =	simm.s32 $0x20;
	v2 =	vld.idx.msk [tilespmem:v4+s2+$0x0], $0xffff  }
0x25: {  	v0 =	vld [tilespmem:s14+$0x4000]  }
0x26: {  	v4 =	vadd.s32 $0x800, v3  }
0x27: {  	[tilespmem:s20+$0x4FC0] =	vst v1  }
0x28: {  	v1 =	vld.idx.msk [tilespmem:v5+s2+$0x0], $0xffff  }
0x29: {  	v5 =	vadd.s32 $0x1400, v7  }
0x2a: {  	[tilespmem:s16+$0x4B40] =	vst v2  }
0x2b: {  	v2 =	vld.idx.msk [tilespmem:v4+s2+$0x0], $0xffff  }
0x2c: {  	v4 =	vadd.s32 $0xC00, v3  }
0x2d: {  	v6 =	vld.idx.msk [tilespmem:v0+s2+$0x0], $0xffff;
	[tilespmem:s20+$0x5200] =	vst v1  }
0x2e: {  	v8 =	vadd.s32 $0x400, v0;
	v5 =	vld.idx.msk [tilespmem:v5+s2+$0x0], $0xffff  }
0x2f: {  	v9 =	vadd.s32 $0x1800, v7  }
0x30: {  	[tilespmem:s16+$0x4D80] =	vst v2  }
0x31: {  	s15 =	simm.s32 $0x30;
	v2 =	vld.idx.msk [tilespmem:v4+s2+$0x0], $0xffff  }
0x32: {  	v4 =	vadd.s32 $0x1000, v3;
	v1 =	vld [tilespmem:s15+$0x4000];
	[tilespmem:s14+$0x4900] =	vst v6  }
0x33: {  	v6 =	vld.idx.msk [tilespmem:v8+s2+$0x0], $0xffff;
	[tilespmem:s20+$0x5440] =	vst v5  }
0x34: {  	v8 =	vadd.s32 $0x800, v0;
	v5 =	vld.idx.msk [tilespmem:v9+s2+$0x0], $0xffff  }
0x35: {  	v9 =	vadd.s32 $0x1C00, v7  }
0x36: {  	[tilespmem:s16+$0x4FC0] =	vst v2  }
0x37: {  	v2 =	vld.idx.msk [tilespmem:v4+s2+$0x0], $0xffff  }
0x38: {  	v4 =	vadd.s32 $0x1400, v3;
	[tilespmem:s14+$0x4B40] =	vst v6  }
0x39: {  	v6 =	vld.idx.msk [tilespmem:v8+s2+$0x0], $0xffff;
	[tilespmem:s20+$0x5680] =	vst v5  }
0x3a: {  	v8 =	vadd.s32 $0xC00, v0;
	v5 =	vld.idx.msk [tilespmem:v9+s2+$0x0], $0xffff  }
0x3b: {  	v9 =	vadd.s32 $0x2000, v7  }
0x3c: {  	[tilespmem:s16+$0x5200] =	vst v2;
	v10 =	vld.idx.msk [tilespmem:v1+s2+$0x0], $0xffff  }
0x3d: {  	s17 =	simm.s32 $0x40;
	v4 =	vld.idx.msk [tilespmem:v4+s2+$0x0], $0xffff;
	v11 =	vadd.s32 $0x400, v1  }
0x3e: {  	v2 =	vld [tilespmem:s17+$0x4000];
	[tilespmem:s14+$0x4D80] =	vst v6;
	v6 =	vadd.s32 $0x1800, v3  }
0x3f: {  	v8 =	vld.idx.msk [tilespmem:v8+s2+$0x0], $0xffff;
	[tilespmem:s20+$0x58C0] =	vst v5  }
0x40: {  	v5 =	vld.idx.msk [tilespmem:v9+s2+$0x0], $0xffff;
	v9 =	vadd.s32 $0x1000, v0  }
0x41: {  	[tilespmem:s15+$0x4900] =	vst v10;
	v10 =	vadd.s32 $0x2400, v7  }
0x42: {  	[tilespmem:s16+$0x5440] =	vst v4;
	v11 =	vld.idx.msk [tilespmem:v11+s2+$0x0], $0xffff  }
0x43: {  	v4 =	vld.idx.msk [tilespmem:v6+s2+$0x0], $0xffff;
	v6 =	vadd.s32 $0x800, v1  }
0x44: {  	[tilespmem:s14+$0x4FC0] =	vst v8;
	v8 =	vadd.s32 $0x1C00, v3  }
0x45: {  	v9 =	vld.idx.msk [tilespmem:v9+s2+$0x0], $0xffff;
	[tilespmem:s20+$0x5B00] =	vst v5  }
0x46: {  	v5 =	vld.idx.msk [tilespmem:v10+s2+$0x0], $0xffff;
	v10 =	vadd.s32 $0x1400, v0  }
0x47: {  	v13 =	vld.idx.msk [tilespmem:v2+s2+$0x0], $0xffff;
	[tilespmem:s15+$0x4B40] =	vst v11;
	v11 =	vadd.s32 $0x2800, v7  }
0x48: {  	v6 =	vld.idx.msk [tilespmem:v6+s2+$0x0], $0xffff;
	[tilespmem:s16+$0x5680] =	vst v4  }
0x49: {  	s18 =	simm.s32 $0x50;
	v12 =	vadd.s32 $0xC00, v1;
	v8 =	vld.idx.msk [tilespmem:v8+s2+$0x0], $0xffff  }
0x4a: {  	v4 =	vld [tilespmem:s18+$0x4000];
	[tilespmem:s14+$0x5200] =	vst v9;
	v9 =	vadd.s32 $0x2000, v3  }
0x4b: {  	v10 =	vld.idx.msk [tilespmem:v10+s2+$0x0], $0xffff;
	[tilespmem:s20+$0x5D40] =	vst v5;
	v5 =	vadd.s32 $0x400, v2  }
0x4c: {  	v14 =	vadd.s32 $0x1800, v0;
	v11 =	vld.idx.msk [tilespmem:v11+s2+$0x0], $0xffff  }
0x4d: {  	[tilespmem:s15+$0x4D80] =	vst v6;
	v6 =	vadd.s32 $0x2C00, v7  }
0x4e: {  	v12 =	vld.idx.msk [tilespmem:v12+s2+$0x0], $0xffff;
	[tilespmem:s16+$0x58C0] =	vst v8  }
0x4f: {  	[tilespmem:s17+$0x4900] =	vst v13;
	v8 =	vld.idx.msk [tilespmem:v9+s2+$0x0], $0xffff;
	v9 =	vadd.s32 $0x1000, v1  }
0x50: {  	v13 =	vld.idx.msk [tilespmem:v5+s2+$0x0], $0xffff;
	[tilespmem:s14+$0x5440] =	vst v10;
	v10 =	vadd.s32 $0x2400, v3  }
0x51: {  	v14 =	vld.idx.msk [tilespmem:v14+s2+$0x0], $0xffff;
	[tilespmem:s20+$0x5F80] =	vst v11;
	v11 =	vadd.s32 $0x800, v2  }
0x52: {  	v15 =	vadd.s32 $0x1C00, v0;
	v6 =	vld.idx.msk [tilespmem:v6+s2+$0x0], $0xffff  }
0x53: {  	v16 =	vld.idx.msk [tilespmem:v4+s2+$0x0], $0xffff;
	[tilespmem:s15+$0x4FC0] =	vst v12;
	v12 =	vadd.s32 $0x3000, v7  }
0x54: {  	v9 =	vld.idx.msk [tilespmem:v9+s2+$0x0], $0xffff;
	[tilespmem:s16+$0x5B00] =	vst v8  }
0x55: {  	v8 =	vld.idx.msk [tilespmem:v10+s2+$0x0], $0xffff;
	[tilespmem:s17+$0x4B40] =	vst v13;
	v10 =	vadd.s32 $0x1400, v1  }
0x56: {  	v13 =	vadd.s32 $0x2800, v3;
	v11 =	vld.idx.msk [tilespmem:v11+s2+$0x0], $0xffff;
	[tilespmem:s14+$0x5680] =	vst v14  }
0x57: {  	v14 =	vld.idx.msk [tilespmem:v15+s2+$0x0], $0xffff;
	[tilespmem:s20+$0x61C0] =	vst v6;
	v6 =	vadd.s32 $0xC00, v2  }
0x58: {  	s19 =	simm.s32 $0x60;
	v15 =	vadd.s32 $0x2000, v0;
	v12 =	vld.idx.msk [tilespmem:v12+s2+$0x0], $0xffff  }
0x59: {  	v5 =	vld [tilespmem:s19+$0x4000];
	[tilespmem:s15+$0x5200] =	vst v9;
	v9 =	vadd.s32 $0x3400, v7  }
0x5a: {  	v10 =	vld.idx.msk [tilespmem:v10+s2+$0x0], $0xffff;
	[tilespmem:s16+$0x5D40] =	vst v8;
	v8 =	vadd.s32 $0x400, v4  }
0x5b: {  	v13 =	vld.idx.msk [tilespmem:v13+s2+$0x0], $0xffff;
	[tilespmem:s17+$0x4D80] =	vst v11;
	v11 =	vadd.s32 $0x1800, v1  }
0x5c: {  	v17 =	vld.idx.msk [tilespmem:v6+s2+$0x0], $0xffff;
	[tilespmem:s14+$0x58C0] =	vst v14;
	v6 =	vadd.s32 $0x2C00, v3  }
0x5d: {  	v14 =	vld.idx.msk [tilespmem:v15+s2+$0x0], $0xffff;
	[tilespmem:s20+$0x6400] =	vst v12  }
0x5e: {  	[tilespmem:s18+$0x4900] =	vst v16;
	v12 =	vadd.s32 $0x1000, v2;
	v9 =	vld.idx.msk [tilespmem:v9+s2+$0x0], $0xffff  }
0x5f: {  	v8 =	vld.idx.msk [tilespmem:v8+s2+$0x0], $0xffff;
	[tilespmem:s15+$0x5440] =	vst v10;
	v10 =	vadd.s32 $0x2400, v0  }
0x60: {  	v11 =	vld.idx.msk [tilespmem:v11+s2+$0x0], $0xffff;
	[tilespmem:s16+$0x5F80] =	vst v13;
	v13 =	vadd.s32 $0x3800, v7  }
0x61: {  	s21 =	simm.s32 $0x70;
	v15 =	vadd.s32 $0x800, v4;
	v16 =	vld.idx.msk [tilespmem:v6+s2+$0x0], $0xffff  }
0x62: {  	v6 =	vld [tilespmem:s21+$0x4000];
	[tilespmem:s17+$0x4FC0] =	vst v17;
	v17 =	vadd.s32 $0x1C00, v1  }
0x63: {  	v12 =	vld.idx.msk [tilespmem:v12+s2+$0x0], $0xffff;
	[tilespmem:s14+$0x5B00] =	vst v14  }
0x64: {  	v14 =	vadd.s32 $0x3000, v3;
	[tilespmem:s20+$0x6640] =	vst v9;
	v10 =	vld.idx.msk [tilespmem:v10+s2+$0x0], $0xffff  }
0x65: {  	[tilespmem:s18+$0x4B40] =	vst v8;
	v8 =	vadd.s32 $0x1400, v2;
	v9 =	vld.idx.msk [tilespmem:v13+s2+$0x0], $0xffff  }
0x66: {  	v13 =	vld.idx.msk [tilespmem:v15+s2+$0x0], $0xffff;
	[tilespmem:s15+$0x5680] =	vst v11;
	v11 =	vadd.s32 $0x2800, v0  }
0x67: {  	v7 =	vadd.s32 $0x3C00, v7;
	v17 =	vld.idx.msk [tilespmem:v17+s2+$0x0], $0xffff  }
0x68: {  	v15 =	vadd.s32 $0xC00, v4;
	[tilespmem:s16+$0x61C0] =	vst v16;
	v16 =	vld.idx.msk [tilespmem:v5+s2+$0x0], $0xffff  }
0x69: {  	v18 =	vadd.s32 $0x2000, v1;
	v14 =	vld.idx.msk [tilespmem:v14+s2+$0x0], $0xffff;
	[tilespmem:s17+$0x5200] =	vst v12  }
0x6a: {  	v19 =	vld.idx.msk [tilespmem:v8+s2+$0x0], $0xffff;
	[tilespmem:s14+$0x5D40] =	vst v10;
	v8 =	vadd.s32 $0x3400, v3  }
0x6b: {  	v10 =	vadd.s32 $0x400, v5;
	v20 =	vld.idx.msk [tilespmem:v11+s2+$0x0], $0xffff;
	[tilespmem:s20+$0x6880] =	vst v9  }
0x6c: {  	[tilespmem:s18+$0x4D80] =	vst v13;
	v13 =	vadd.s32 $0x1800, v2;
	v12 =	vld.idx.msk [tilespmem:v7+s2+$0x0], $0xffff  }
0x6d: {  	v11 =	vadd.s32 $0x2C00, v0;
	v15 =	vld.idx.msk [tilespmem:v15+s2+$0x0], $0xffff;
	[tilespmem:s15+$0x58C0] =	vst v17  }
0x6e: {  	v9 =	vld.idx.msk [tilespmem:v18+s2+$0x0], $0xffff;
	[tilespmem:s16+$0x6400] =	vst v14  }
0x6f: {  	[tilespmem:s19+$0x4900] =	vst v16;
	v16 =	vadd.s32 $0x1000, v4;
	v8 =	vld.idx.msk [tilespmem:v8+s2+$0x0], $0xffff  }
0x70: {  	v17 =	vld.idx.msk [tilespmem:v10+s2+$0x0], $0xffff;
	[tilespmem:s17+$0x5440] =	vst v19;
	v10 =	vadd.s32 $0x2400, v1  }
0x71: {  	s22 =	simm.s32 $0x200;
	v7 =	vadd.s32 $0x3800, v3;
	v14 =	vmov v6;
	v13 =	vld.idx.msk [tilespmem:v13+s2+$0x0], $0xffff;
	[tilespmem:s14+$0x5F80] =	vst v20  }
.LBB2_2:
0x72: {  	s23 =	sshra.s32 s22, $0x2;
	p0 =	sne.s32 s22, $0x8C0;
	v18 =	vadd.s32 $0x800, v5;
	v11 =	vld.idx.msk [tilespmem:v11+s2+$0x0], $0xffff;
	[tilespmem:s20+$0x6AC0] =	vst v12;
	s20 =	smov.u32 s16  }
0x73: {  	s16 =	smov.u32 s14;
	s14 =	smov.u32 s15;
	s15 =	smov.u32 s17;
	v12 =	vld [tilespmem:s23+$0x4000];
	[tilespmem:s18+$0x4FC0] =	vst v15;
	v15 =	vadd.s32 $0x1C00, v2  }
0x74: {  	s17 =	smov.u32 s18;
	s18 =	smov.u32 s19;
	s19 =	smov.u32 s21;
	v16 =	vld.idx.msk [tilespmem:v16+s2+$0x0], $0xffff;
	[tilespmem:s14+$0x5B00] =	vst v9;
	v9 =	vadd.s32 $0x3000, v0  }
0x75: {  	s21 =	smov.u32 s23;
	v10 =	vld.idx.msk [tilespmem:v10+s2+$0x0], $0xffff;
	[tilespmem:s20+$0x6640] =	vst v8  }
0x76: {  	v8 =	vadd.s32 $0x1400, v4;
	[tilespmem:s18+$0x4B40] =	vst v17;
	v7 =	vld.idx.msk [tilespmem:v7+s2+$0x0], $0xffff  }
0x77: {  	v17 =	vld.idx.msk [tilespmem:v18+s2+$0x0], $0xffff;
	[tilespmem:s15+$0x5680] =	vst v13;
	v13 =	vadd.s32 $0x2800, v1  }
0x78: {  	v18 =	vld.idx.msk [tilespmem:v15+s2+$0x0], $0xffff;
	[tilespmem:s16+$0x61C0] =	vst v11;
	v11 =	vadd.s32 $0x3C00, v3;
	v3 =	vmovc v0;
	v0 =	vmovc v1;
	v1 =	vmov v2;
	v2 =	vmov v4  }
0x79: {  	v15 =	vadd.s32 $0xC00, v5;
	v4 =	vmovc v5;
	v5 =	vmov v6;
	v6 =	vmov v12;
	v19 =	vld.idx.msk [tilespmem:v9+s2+$0x0], $0xffff  }
0x7a: {  	v9 =	vadd.s32 $0x2000, v1;
	v20 =	vld.idx.msk [tilespmem:v14+s2+$0x0], $0xffff;
	[tilespmem:s17+$0x5200] =	vst v16;
	v14 =	vmov v12  }
0x7b: {  	v21 =	vld.idx.msk [tilespmem:v8+s2+$0x0], $0xffff;
	[tilespmem:s14+$0x5D40] =	vst v10;
	v8 =	vadd.s32 $0x3400, v3  }
0x7c: {  	v10 =	vadd.s32 $0x400, v5;
	v22 =	vld.idx.msk [tilespmem:v13+s2+$0x0], $0xffff;
	[tilespmem:s20+$0x6880] =	vst v7  }
0x7d: {  	v7 =	vadd.s32 $0x1800, v2;
	[tilespmem:s18+$0x4D80] =	vst v17;
	v12 =	vld.idx.msk [tilespmem:v11+s2+$0x0], $0xffff  }
.Ltmp0:
0x7e: {  	v11 =	vadd.s32 $0x2C00, v0;
	v15 =	vld.idx.msk [tilespmem:v15+s2+$0x0], $0xffff;
	[tilespmem:s15+$0x58C0] =	vst v18;
	(pc) =	sbr.rel @p0 .LBB2_2-.Ltmp0, $4  }
0x7f: {  	v9 =	vld.idx.msk [tilespmem:v9+s2+$0x0], $0xffff;
	[tilespmem:s16+$0x6400] =	vst v19  }
0x80: {  	v16 =	vadd.s32 $0x1000, v4;
	[tilespmem:s19+$0x4900] =	vst v20;
	v8 =	vld.idx.msk [tilespmem:v8+s2+$0x0], $0xffff  }
0x81: {  	v17 =	vld.idx.msk [tilespmem:v10+s2+$0x0], $0xffff;
	[tilespmem:s17+$0x5440] =	vst v21;
	v10 =	vadd.s32 $0x2400, v1  }
0x82: {  	s22 =	sadd.s32 $0x40, s22;
	v13 =	vld.idx.msk [tilespmem:v7+s2+$0x0], $0xffff;
	[tilespmem:s14+$0x5F80] =	vst v22;
	v7 =	vadd.s32 $0x3800, v3  }
0x83: {  	_ =	sdelay $0x3  }
0x84: {  	v14 =	vld.idx.msk [tilespmem:v14+s2+$0x0], $0xffff  }
0x85: {  	v18 =	vadd.s32 $0x400, v6;
	_ =	sdelay $0x3  }
0x86: {  	[tilespmem:s21+$0x4900] =	vst v14  }
0x87: {  	v14 =	vadd.s32 $0x800, v5;
	v18 =	vld.idx.msk [tilespmem:v18+s2+$0x0], $0xffff  }
0x88: {  	v19 =	vadd.s32 $0x800, v6;
	_ =	sdelay $0x2  }
0x89: {  	[tilespmem:s19+$0x4B40] =	vst v17  }
0x8a: {  	v14 =	vld.idx.msk [tilespmem:v14+s2+$0x0], $0xffff;
	[tilespmem:s21+$0x4B40] =	vst v18  }
0x8b: {  	v17 =	vadd.s32 $0xC00, v5;
	v18 =	vld.idx.msk [tilespmem:v19+s2+$0x0], $0xffff  }
0x8c: {  	v19 =	vadd.s32 $0xC00, v6;
	_ =	sdelay $0x2  }
0x8d: {  	[tilespmem:s19+$0x4D80] =	vst v14  }
0x8e: {  	v14 =	vld.idx.msk [tilespmem:v17+s2+$0x0], $0xffff;
	[tilespmem:s21+$0x4D80] =	vst v18  }
0x8f: {  	v17 =	vadd.s32 $0x1000, v5;
	v18 =	vld.idx.msk [tilespmem:v19+s2+$0x0], $0xffff  }
0x90: {  	v19 =	vadd.s32 $0x1000, v6;
	_ =	sdelay $0x1  }
0x91: {  	[tilespmem:s18+$0x4FC0] =	vst v15  }
0x92: {  	v15 =	vld.idx.msk [tilespmem:v16+s2+$0x0], $0xffff;
	[tilespmem:s19+$0x4FC0] =	vst v14  }
0x93: {  	v14 =	vadd.s32 $0x1400, v4;
	v16 =	vld.idx.msk [tilespmem:v17+s2+$0x0], $0xffff;
	[tilespmem:s21+$0x4FC0] =	vst v18  }
0x94: {  	v17 =	vadd.s32 $0x1400, v5;
	v18 =	vld.idx.msk [tilespmem:v19+s2+$0x0], $0xffff  }
0x95: {  	v19 =	vadd.s32 $0x1400, v6;
	_ =	sdelay $0x1  }
0x96: {  	[tilespmem:s18+$0x5200] =	vst v15  }
0x97: {  	v14 =	vld.idx.msk [tilespmem:v14+s2+$0x0], $0xffff;
	[tilespmem:s19+$0x5200] =	vst v16  }
0x98: {  	v15 =	vadd.s32 $0x1800, v4;
	v16 =	vld.idx.msk [tilespmem:v17+s2+$0x0], $0xffff;
	[tilespmem:s21+$0x5200] =	vst v18  }
0x99: {  	v17 =	vadd.s32 $0x1800, v5;
	v18 =	vld.idx.msk [tilespmem:v19+s2+$0x0], $0xffff  }
0x9a: {  	v19 =	vadd.s32 $0x1800, v6;
	_ =	sdelay $0x1  }
0x9b: {  	[tilespmem:s18+$0x5440] =	vst v14  }
0x9c: {  	v14 =	vadd.s32 $0x1C00, v2;
	v15 =	vld.idx.msk [tilespmem:v15+s2+$0x0], $0xffff;
	[tilespmem:s19+$0x5440] =	vst v16  }
0x9d: {  	v16 =	vadd.s32 $0x1C00, v4;
	v17 =	vld.idx.msk [tilespmem:v17+s2+$0x0], $0xffff;
	[tilespmem:s21+$0x5440] =	vst v18  }
0x9e: {  	v18 =	vadd.s32 $0x1C00, v5;
	v19 =	vld.idx.msk [tilespmem:v19+s2+$0x0], $0xffff  }
0x9f: {  	v20 =	vadd.s32 $0x1C00, v6  }
0xa0: {  	[tilespmem:s17+$0x5680] =	vst v13  }
0xa1: {  	v13 =	vld.idx.msk [tilespmem:v14+s2+$0x0], $0xffff;
	[tilespmem:s18+$0x5680] =	vst v15  }
0xa2: {  	v14 =	vadd.s32 $0x2000, v2;
	v15 =	vld.idx.msk [tilespmem:v16+s2+$0x0], $0xffff;
	[tilespmem:s19+$0x5680] =	vst v17  }
0xa3: {  	v16 =	vadd.s32 $0x2000, v4;
	v17 =	vld.idx.msk [tilespmem:v18+s2+$0x0], $0xffff;
	[tilespmem:s21+$0x5680] =	vst v19  }
0xa4: {  	v18 =	vadd.s32 $0x2000, v5;
	v19 =	vld.idx.msk [tilespmem:v20+s2+$0x0], $0xffff  }
0xa5: {  	[tilespmem:s20+$0x6AC0] =	vst v12;
	v12 =	vadd.s32 $0x2000, v6  }
0xa6: {  	[tilespmem:s17+$0x58C0] =	vst v13  }
0xa7: {  	v13 =	vld.idx.msk [tilespmem:v14+s2+$0x0], $0xffff;
	[tilespmem:s18+$0x58C0] =	vst v15  }
0xa8: {  	v14 =	vadd.s32 $0x2400, v2;
	v15 =	vld.idx.msk [tilespmem:v16+s2+$0x0], $0xffff;
	[tilespmem:s19+$0x58C0] =	vst v17  }
0xa9: {  	v16 =	vadd.s32 $0x2400, v4;
	v17 =	vld.idx.msk [tilespmem:v18+s2+$0x0], $0xffff;
	[tilespmem:s21+$0x58C0] =	vst v19  }
0xaa: {  	[tilespmem:s15+$0x5B00] =	vst v9;
	v9 =	vadd.s32 $0x2400, v5;
	v12 =	vld.idx.msk [tilespmem:v12+s2+$0x0], $0xffff  }
0xab: {  	v11 =	vld.idx.msk [tilespmem:v11+s2+$0x0], $0xffff;
	[tilespmem:s16+$0x6640] =	vst v8;
	v8 =	vadd.s32 $0x2400, v6  }
0xac: {  	v10 =	vld.idx.msk [tilespmem:v10+s2+$0x0], $0xffff;
	[tilespmem:s17+$0x5B00] =	vst v13  }
0xad: {  	v13 =	vadd.s32 $0x2800, v1;
	v14 =	vld.idx.msk [tilespmem:v14+s2+$0x0], $0xffff;
	[tilespmem:s18+$0x5B00] =	vst v15  }
0xae: {  	v15 =	vadd.s32 $0x2800, v2;
	v16 =	vld.idx.msk [tilespmem:v16+s2+$0x0], $0xffff;
	[tilespmem:s19+$0x5B00] =	vst v17  }
0xaf: {  	v17 =	vadd.s32 $0x2800, v4;
	v9 =	vld.idx.msk [tilespmem:v9+s2+$0x0], $0xffff;
	[tilespmem:s21+$0x5B00] =	vst v12  }
0xb0: {  	[tilespmem:s14+$0x61C0] =	vst v11;
	v11 =	vadd.s32 $0x2800, v5;
	v8 =	vld.idx.msk [tilespmem:v8+s2+$0x0], $0xffff  }
0xb1: {  	v7 =	vld.idx.msk [tilespmem:v7+s2+$0x0], $0xffff;
	[tilespmem:s15+$0x5D40] =	vst v10;
	v10 =	vadd.s32 $0x2800, v6  }
0xb2: {  	v13 =	vld.idx.msk [tilespmem:v13+s2+$0x0], $0xffff;
	v12 =	vadd.s32 $0x3000, v0;
	[tilespmem:s17+$0x5D40] =	vst v14  }
0xb3: {  	v14 =	vadd.s32 $0x2C00, v1;
	v15 =	vld.idx.msk [tilespmem:v15+s2+$0x0], $0xffff;
	[tilespmem:s18+$0x5D40] =	vst v16  }
0xb4: {  	v16 =	vadd.s32 $0x2C00, v2;
	v17 =	vld.idx.msk [tilespmem:v17+s2+$0x0], $0xffff;
	[tilespmem:s19+$0x5D40] =	vst v9  }
0xb5: {  	v9 =	vadd.s32 $0x2C00, v4;
	v11 =	vld.idx.msk [tilespmem:v11+s2+$0x0], $0xffff;
	[tilespmem:s21+$0x5D40] =	vst v8  }
0xb6: {  	[tilespmem:s16+$0x6880] =	vst v7;
	v7 =	vadd.s32 $0x2C00, v5;
	v8 =	vld.idx.msk [tilespmem:v10+s2+$0x0], $0xffff  }
0xb7: {  	[tilespmem:s15+$0x5F80] =	vst v13;
	v10 =	vld.idx.msk [tilespmem:v12+s2+$0x0], $0xffff;
	v12 =	vadd.s32 $0x2C00, v6  }
0xb8: {  	v3 =	vadd.s32 $0x3C00, v3;
	v13 =	vld.idx.msk [tilespmem:v14+s2+$0x0], $0xffff;
	[tilespmem:s17+$0x5F80] =	vst v15  }
0xb9: {  	v14 =	vadd.s32 $0x3000, v1;
	v15 =	vld.idx.msk [tilespmem:v16+s2+$0x0], $0xffff;
	[tilespmem:s18+$0x5F80] =	vst v17  }
0xba: {  	v16 =	vadd.s32 $0x3000, v2;
	v9 =	vld.idx.msk [tilespmem:v9+s2+$0x0], $0xffff;
	[tilespmem:s19+$0x5F80] =	vst v11  }
0xbb: {  	v11 =	vadd.s32 $0x3000, v4;
	v7 =	vld.idx.msk [tilespmem:v7+s2+$0x0], $0xffff;
	[tilespmem:s21+$0x5F80] =	vst v8  }
0xbc: {  	[tilespmem:s14+$0x6400] =	vst v10;
	v8 =	vadd.s32 $0x3000, v5;
	v10 =	vld.idx.msk [tilespmem:v12+s2+$0x0], $0xffff  }
0xbd: {  	v3 =	vld.idx.msk [tilespmem:v3+s2+$0x0], $0xffff;
	[tilespmem:s15+$0x61C0] =	vst v13;
	v12 =	vadd.s32 $0x3000, v6  }
0xbe: {  	v13 =	vadd.s32 $0x3400, v0;
	v14 =	vld.idx.msk [tilespmem:v14+s2+$0x0], $0xffff;
	[tilespmem:s17+$0x61C0] =	vst v15  }
0xbf: {  	v15 =	vadd.s32 $0x3400, v1;
	v16 =	vld.idx.msk [tilespmem:v16+s2+$0x0], $0xffff;
	[tilespmem:s18+$0x61C0] =	vst v9  }
0xc0: {  	v9 =	vadd.s32 $0x3400, v2;
	v11 =	vld.idx.msk [tilespmem:v11+s2+$0x0], $0xffff;
	[tilespmem:s19+$0x61C0] =	vst v7  }
0xc1: {  	v7 =	vadd.s32 $0x3400, v4;
	v8 =	vld.idx.msk [tilespmem:v8+s2+$0x0], $0xffff;
	[tilespmem:s21+$0x61C0] =	vst v10  }
0xc2: {  	[tilespmem:s16+$0x6AC0] =	vst v3;
	v3 =	vadd.s32 $0x3400, v5;
	v10 =	vld.idx.msk [tilespmem:v12+s2+$0x0], $0xffff  }
0xc3: {  	[tilespmem:s15+$0x6400] =	vst v14;
	v12 =	vld.idx.msk [tilespmem:v13+s2+$0x0], $0xffff;
	v13 =	vadd.s32 $0x3400, v6  }
0xc4: {  	v14 =	vadd.s32 $0x3800, v0;
	v15 =	vld.idx.msk [tilespmem:v15+s2+$0x0], $0xffff;
	[tilespmem:s17+$0x6400] =	vst v16  }
0xc5: {  	v16 =	vadd.s32 $0x3800, v1;
	v9 =	vld.idx.msk [tilespmem:v9+s2+$0x0], $0xffff;
	[tilespmem:s18+$0x6400] =	vst v11  }
0xc6: {  	v11 =	vadd.s32 $0x3800, v2;
	v7 =	vld.idx.msk [tilespmem:v7+s2+$0x0], $0xffff;
	[tilespmem:s19+$0x6400] =	vst v8  }
0xc7: {  	v8 =	vadd.s32 $0x3800, v4;
	v3 =	vld.idx.msk [tilespmem:v3+s2+$0x0], $0xffff;
	[tilespmem:s21+$0x6400] =	vst v10  }
0xc8: {  	[tilespmem:s14+$0x6640] =	vst v12;
	v10 =	vadd.s32 $0x3800, v5;
	v12 =	vld.idx.msk [tilespmem:v13+s2+$0x0], $0xffff  }
0xc9: {  	[tilespmem:s15+$0x6640] =	vst v15;
	v13 =	vld.idx.msk [tilespmem:v14+s2+$0x0], $0xffff;
	v14 =	vadd.s32 $0x3800, v6  }
0xca: {  	v0 =	vadd.s32 $0x3C00, v0;
	v15 =	vld.idx.msk [tilespmem:v16+s2+$0x0], $0xffff;
	[tilespmem:s17+$0x6640] =	vst v9  }
0xcb: {  	v1 =	vadd.s32 $0x3C00, v1;
	v9 =	vld.idx.msk [tilespmem:v11+s2+$0x0], $0xffff;
	[tilespmem:s18+$0x6640] =	vst v7  }
0xcc: {  	v2 =	vadd.s32 $0x3C00, v2;
	v7 =	vld.idx.msk [tilespmem:v8+s2+$0x0], $0xffff;
	[tilespmem:s19+$0x6640] =	vst v3  }
0xcd: {  	v3 =	vadd.s32 $0x3C00, v4;
	v4 =	vld.idx.msk [tilespmem:v10+s2+$0x0], $0xffff;
	[tilespmem:s21+$0x6640] =	vst v12  }
0xce: {  	v5 =	vadd.s32 $0x3C00, v5;
	[tilespmem:s14+$0x6880] =	vst v13;
	v8 =	vld.idx.msk [tilespmem:v14+s2+$0x0], $0xffff  }
0xcf: {  	v6 =	vadd.s32 $0x3C00, v6;
	[tilespmem:s15+$0x6880] =	vst v15;
	v0 =	vld.idx.msk [tilespmem:v0+s2+$0x0], $0xffff  }
0xd0: {  	v1 =	vld.idx.msk [tilespmem:v1+s2+$0x0], $0xffff;
	[tilespmem:s17+$0x6880] =	vst v9  }
0xd1: {  	v2 =	vld.idx.msk [tilespmem:v2+s2+$0x0], $0xffff;
	[tilespmem:s18+$0x6880] =	vst v7  }
0xd2: {  	v3 =	vld.idx.msk [tilespmem:v3+s2+$0x0], $0xffff;
	[tilespmem:s19+$0x6880] =	vst v4  }
0xd3: {  	v4 =	vld.idx.msk [tilespmem:v5+s2+$0x0], $0xffff;
	[tilespmem:s21+$0x6880] =	vst v8  }
0xd4: {  	[tilespmem:s14+$0x6AC0] =	vst v0;
	v0 =	vld.idx.msk [tilespmem:v6+s2+$0x0], $0xffff  }
0xd5: {  	[tilespmem:s15+$0x6AC0] =	vst v1  }
0xd6: {  	[tilespmem:s17+$0x6AC0] =	vst v2  }
0xd7: {  	[tilespmem:s18+$0x6AC0] =	vst v3  }
0xd8: {  	[tilespmem:s19+$0x6AC0] =	vst v4  }
0xd9: {  	s31 =	simm.s32 $0x0;
	[tilespmem:s21+$0x6AC0] =	vst v0  }
0xda: {  	[hbm4b:s4+s31] =	stream.linear.scatter [tilespmem:s12], [sflag:$0x1], $0x2400, $0x38;
	[tilespmem:$0x6D00] =	vst v63  }
0xdb: {  	_ =	swait.ge [sflag:s10], $0x2400  }
0xdc: {  	[sflag:s10] =	ssyncset.done $0x0  }
0xdd: {  	s20 =	simm.s32 $0x0;
	[sflag:s10] =	ssyncadd.s32 $0xFFFFDC00  }
0xde: {  	v7 =	vld [tilespmem:s20+$0x4240];
	_ =	sdelay $0x7  }
0xdf: {  	v0 =	vld.idx.msk [tilespmem:v7+s2+$0x0], $0xffff  }
0xe0: {  	v1 =	vadd.s32 $0x400, v7;
	_ =	sdelay $0x2  }
0xe1: {  	s16 =	simm.s32 $0x10  }
0xe2: {  	v3 =	vld [tilespmem:s16+$0x4240];
	[tilespmem:s20+$0x4900] =	vst v0  }
0xe3: {  	v0 =	vld.idx.msk [tilespmem:v1+s2+$0x0], $0xffff  }
0xe4: {  	v1 =	vadd.s32 $0x800, v7;
	_ =	sdelay $0x3  }
0xe5: {  	[tilespmem:s20+$0x4B40] =	vst v0  }
0xe6: {  	v0 =	vld.idx.msk [tilespmem:v1+s2+$0x0], $0xffff  }
0xe7: {  	v1 =	vadd.s32 $0xC00, v7  }
0xe8: {  	v2 =	vld.idx.msk [tilespmem:v3+s2+$0x0], $0xffff  }
0xe9: {  	v4 =	vadd.s32 $0x400, v3;
	_ =	sdelay $0x1  }
0xea: {  	[tilespmem:s20+$0x4D80] =	vst v0  }
0xeb: {  	v1 =	vld.idx.msk [tilespmem:v1+s2+$0x0], $0xffff  }
0xec: {  	v5 =	vadd.s32 $0x1000, v7;
	[tilespmem:s16+$0x4900] =	vst v2  }
0xed: {  	s14 =	simm.s32 $0x20;
	v2 =	vld.idx.msk [tilespmem:v4+s2+$0x0], $0xffff  }
0xee: {  	v0 =	vld [tilespmem:s14+$0x4240]  }
0xef: {  	v4 =	vadd.s32 $0x800, v3  }
0xf0: {  	[tilespmem:s20+$0x4FC0] =	vst v1  }
0xf1: {  	v1 =	vld.idx.msk [tilespmem:v5+s2+$0x0], $0xffff  }
0xf2: {  	v5 =	vadd.s32 $0x1400, v7  }
0xf3: {  	[tilespmem:s16+$0x4B40] =	vst v2  }
0xf4: {  	v2 =	vld.idx.msk [tilespmem:v4+s2+$0x0], $0xffff  }
0xf5: {  	v4 =	vadd.s32 $0xC00, v3  }
0xf6: {  	v6 =	vld.idx.msk [tilespmem:v0+s2+$0x0], $0xffff;
	[tilespmem:s20+$0x5200] =	vst v1  }
0xf7: {  	v8 =	vadd.s32 $0x400, v0;
	v5 =	vld.idx.msk [tilespmem:v5+s2+$0x0], $0xffff  }
0xf8: {  	v9 =	vadd.s32 $0x1800, v7  }
0xf9: {  	[tilespmem:s16+$0x4D80] =	vst v2  }
0xfa: {  	s15 =	simm.s32 $0x30;
	v2 =	vld.idx.msk [tilespmem:v4+s2+$0x0], $0xffff  }
0xfb: {  	v4 =	vadd.s32 $0x1000, v3;
	v1 =	vld [tilespmem:s15+$0x4240];
	[tilespmem:s14+$0x4900] =	vst v6  }
0xfc: {  	v6 =	vld.idx.msk [tilespmem:v8+s2+$0x0], $0xffff;
	[tilespmem:s20+$0x5440] =	vst v5  }
0xfd: {  	v8 =	vadd.s32 $0x800, v0;
	v5 =	vld.idx.msk [tilespmem:v9+s2+$0x0], $0xffff  }
0xfe: {  	v9 =	vadd.s32 $0x1C00, v7  }
0xff: {  	[tilespmem:s16+$0x4FC0] =	vst v2  }
0x100: {  	v2 =	vld.idx.msk [tilespmem:v4+s2+$0x0], $0xffff  }
0x101: {  	v4 =	vadd.s32 $0x1400, v3;
	[tilespmem:s14+$0x4B40] =	vst v6  }
0x102: {  	v6 =	vld.idx.msk [tilespmem:v8+s2+$0x0], $0xffff;
	[tilespmem:s20+$0x5680] =	vst v5  }
0x103: {  	v8 =	vadd.s32 $0xC00, v0;
	v5 =	vld.idx.msk [tilespmem:v9+s2+$0x0], $0xffff  }
0x104: {  	v9 =	vadd.s32 $0x2000, v7  }
0x105: {  	[tilespmem:s16+$0x5200] =	vst v2;
	v10 =	vld.idx.msk [tilespmem:v1+s2+$0x0], $0xffff  }
0x106: {  	s17 =	simm.s32 $0x40;
	v4 =	vld.idx.msk [tilespmem:v4+s2+$0x0], $0xffff;
	v11 =	vadd.s32 $0x400, v1  }
0x107: {  	v2 =	vld [tilespmem:s17+$0x4240];
	[tilespmem:s14+$0x4D80] =	vst v6;
	v6 =	vadd.s32 $0x1800, v3  }
0x108: {  	v8 =	vld.idx.msk [tilespmem:v8+s2+$0x0], $0xffff;
	[tilespmem:s20+$0x58C0] =	vst v5  }
0x109: {  	v5 =	vld.idx.msk [tilespmem:v9+s2+$0x0], $0xffff;
	v9 =	vadd.s32 $0x1000, v0  }
0x10a: {  	[tilespmem:s15+$0x4900] =	vst v10;
	v10 =	vadd.s32 $0x2400, v7  }
0x10b: {  	[tilespmem:s16+$0x5440] =	vst v4;
	v11 =	vld.idx.msk [tilespmem:v11+s2+$0x0], $0xffff  }
0x10c: {  	v4 =	vld.idx.msk [tilespmem:v6+s2+$0x0], $0xffff;
	v6 =	vadd.s32 $0x800, v1  }
0x10d: {  	[tilespmem:s14+$0x4FC0] =	vst v8;
	v8 =	vadd.s32 $0x1C00, v3  }
0x10e: {  	v9 =	vld.idx.msk [tilespmem:v9+s2+$0x0], $0xffff;
	[tilespmem:s20+$0x5B00] =	vst v5  }
0x10f: {  	v5 =	vld.idx.msk [tilespmem:v10+s2+$0x0], $0xffff;
	v10 =	vadd.s32 $0x1400, v0  }
0x110: {  	v13 =	vld.idx.msk [tilespmem:v2+s2+$0x0], $0xffff;
	[tilespmem:s15+$0x4B40] =	vst v11;
	v11 =	vadd.s32 $0x2800, v7  }
0x111: {  	v6 =	vld.idx.msk [tilespmem:v6+s2+$0x0], $0xffff;
	[tilespmem:s16+$0x5680] =	vst v4  }
0x112: {  	s18 =	simm.s32 $0x50;
	v12 =	vadd.s32 $0xC00, v1;
	v8 =	vld.idx.msk [tilespmem:v8+s2+$0x0], $0xffff  }
0x113: {  	v4 =	vld [tilespmem:s18+$0x4240];
	[tilespmem:s14+$0x5200] =	vst v9;
	v9 =	vadd.s32 $0x2000, v3  }
0x114: {  	v10 =	vld.idx.msk [tilespmem:v10+s2+$0x0], $0xffff;
	[tilespmem:s20+$0x5D40] =	vst v5;
	v5 =	vadd.s32 $0x400, v2  }
0x115: {  	v14 =	vadd.s32 $0x1800, v0;
	v11 =	vld.idx.msk [tilespmem:v11+s2+$0x0], $0xffff  }
0x116: {  	[tilespmem:s15+$0x4D80] =	vst v6;
	v6 =	vadd.s32 $0x2C00, v7  }
0x117: {  	v12 =	vld.idx.msk [tilespmem:v12+s2+$0x0], $0xffff;
	[tilespmem:s16+$0x58C0] =	vst v8  }
0x118: {  	[tilespmem:s17+$0x4900] =	vst v13;
	v8 =	vld.idx.msk [tilespmem:v9+s2+$0x0], $0xffff;
	v9 =	vadd.s32 $0x1000, v1  }
0x119: {  	v13 =	vld.idx.msk [tilespmem:v5+s2+$0x0], $0xffff;
	[tilespmem:s14+$0x5440] =	vst v10;
	v10 =	vadd.s32 $0x2400, v3  }
0x11a: {  	v14 =	vld.idx.msk [tilespmem:v14+s2+$0x0], $0xffff;
	[tilespmem:s20+$0x5F80] =	vst v11;
	v11 =	vadd.s32 $0x800, v2  }
0x11b: {  	v15 =	vadd.s32 $0x1C00, v0;
	v6 =	vld.idx.msk [tilespmem:v6+s2+$0x0], $0xffff  }
0x11c: {  	v16 =	vld.idx.msk [tilespmem:v4+s2+$0x0], $0xffff;
	[tilespmem:s15+$0x4FC0] =	vst v12;
	v12 =	vadd.s32 $0x3000, v7  }
0x11d: {  	v9 =	vld.idx.msk [tilespmem:v9+s2+$0x0], $0xffff;
	[tilespmem:s16+$0x5B00] =	vst v8  }
0x11e: {  	v8 =	vld.idx.msk [tilespmem:v10+s2+$0x0], $0xffff;
	[tilespmem:s17+$0x4B40] =	vst v13;
	v10 =	vadd.s32 $0x1400, v1  }
0x11f: {  	v13 =	vadd.s32 $0x2800, v3;
	v11 =	vld.idx.msk [tilespmem:v11+s2+$0x0], $0xffff;
	[tilespmem:s14+$0x5680] =	vst v14  }
0x120: {  	v14 =	vld.idx.msk [tilespmem:v15+s2+$0x0], $0xffff;
	[tilespmem:s20+$0x61C0] =	vst v6;
	v6 =	vadd.s32 $0xC00, v2  }
0x121: {  	s19 =	simm.s32 $0x60;
	v15 =	vadd.s32 $0x2000, v0;
	v12 =	vld.idx.msk [tilespmem:v12+s2+$0x0], $0xffff  }
0x122: {  	v5 =	vld [tilespmem:s19+$0x4240];
	[tilespmem:s15+$0x5200] =	vst v9;
	v9 =	vadd.s32 $0x3400, v7  }
0x123: {  	v10 =	vld.idx.msk [tilespmem:v10+s2+$0x0], $0xffff;
	[tilespmem:s16+$0x5D40] =	vst v8;
	v8 =	vadd.s32 $0x400, v4  }
0x124: {  	v13 =	vld.idx.msk [tilespmem:v13+s2+$0x0], $0xffff;
	[tilespmem:s17+$0x4D80] =	vst v11;
	v11 =	vadd.s32 $0x1800, v1  }
0x125: {  	v17 =	vld.idx.msk [tilespmem:v6+s2+$0x0], $0xffff;
	[tilespmem:s14+$0x58C0] =	vst v14;
	v6 =	vadd.s32 $0x2C00, v3  }
0x126: {  	v14 =	vld.idx.msk [tilespmem:v15+s2+$0x0], $0xffff;
	[tilespmem:s20+$0x6400] =	vst v12  }
0x127: {  	[tilespmem:s18+$0x4900] =	vst v16;
	v12 =	vadd.s32 $0x1000, v2;
	v9 =	vld.idx.msk [tilespmem:v9+s2+$0x0], $0xffff  }
0x128: {  	v8 =	vld.idx.msk [tilespmem:v8+s2+$0x0], $0xffff;
	[tilespmem:s15+$0x5440] =	vst v10;
	v10 =	vadd.s32 $0x2400, v0  }
0x129: {  	v11 =	vld.idx.msk [tilespmem:v11+s2+$0x0], $0xffff;
	[tilespmem:s16+$0x5F80] =	vst v13;
	v13 =	vadd.s32 $0x3800, v7  }
0x12a: {  	s21 =	simm.s32 $0x70;
	v15 =	vadd.s32 $0x800, v4;
	v16 =	vld.idx.msk [tilespmem:v6+s2+$0x0], $0xffff  }
0x12b: {  	v6 =	vld [tilespmem:s21+$0x4240];
	[tilespmem:s17+$0x4FC0] =	vst v17;
	v17 =	vadd.s32 $0x1C00, v1  }
0x12c: {  	v12 =	vld.idx.msk [tilespmem:v12+s2+$0x0], $0xffff;
	[tilespmem:s14+$0x5B00] =	vst v14  }
0x12d: {  	v14 =	vadd.s32 $0x3000, v3;
	[tilespmem:s20+$0x6640] =	vst v9;
	v10 =	vld.idx.msk [tilespmem:v10+s2+$0x0], $0xffff  }
0x12e: {  	[tilespmem:s18+$0x4B40] =	vst v8;
	v8 =	vadd.s32 $0x1400, v2;
	v9 =	vld.idx.msk [tilespmem:v13+s2+$0x0], $0xffff  }
0x12f: {  	v13 =	vld.idx.msk [tilespmem:v15+s2+$0x0], $0xffff;
	[tilespmem:s15+$0x5680] =	vst v11;
	v11 =	vadd.s32 $0x2800, v0  }
0x130: {  	v7 =	vadd.s32 $0x3C00, v7;
	v17 =	vld.idx.msk [tilespmem:v17+s2+$0x0], $0xffff  }
0x131: {  	v15 =	vadd.s32 $0xC00, v4;
	[tilespmem:s16+$0x61C0] =	vst v16;
	v16 =	vld.idx.msk [tilespmem:v5+s2+$0x0], $0xffff  }
0x132: {  	v18 =	vadd.s32 $0x2000, v1;
	v14 =	vld.idx.msk [tilespmem:v14+s2+$0x0], $0xffff;
	[tilespmem:s17+$0x5200] =	vst v12  }
0x133: {  	v19 =	vld.idx.msk [tilespmem:v8+s2+$0x0], $0xffff;
	[tilespmem:s14+$0x5D40] =	vst v10;
	v8 =	vadd.s32 $0x3400, v3  }
0x134: {  	v10 =	vadd.s32 $0x400, v5;
	v63 =	vld.idx.msk [tilespmem:v11+s2+$0x0], $0xffff;
	[tilespmem:s20+$0x6880] =	vst v9  }
0x135: {  	[tilespmem:s18+$0x4D80] =	vst v13;
	v13 =	vadd.s32 $0x1800, v2;
	v12 =	vld.idx.msk [tilespmem:v7+s2+$0x0], $0xffff  }
0x136: {  	v11 =	vadd.s32 $0x2C00, v0;
	v15 =	vld.idx.msk [tilespmem:v15+s2+$0x0], $0xffff;
	[tilespmem:s15+$0x58C0] =	vst v17  }
0x137: {  	v9 =	vld.idx.msk [tilespmem:v18+s2+$0x0], $0xffff;
	[tilespmem:s16+$0x6400] =	vst v14  }
0x138: {  	[tilespmem:s19+$0x4900] =	vst v16;
	v16 =	vadd.s32 $0x1000, v4;
	v8 =	vld.idx.msk [tilespmem:v8+s2+$0x0], $0xffff  }
0x139: {  	v17 =	vld.idx.msk [tilespmem:v10+s2+$0x0], $0xffff;
	[tilespmem:s17+$0x5440] =	vst v19;
	v10 =	vadd.s32 $0x2400, v1  }
0x13a: {  	s22 =	simm.s32 $0x200;
	v7 =	vadd.s32 $0x3800, v3;
	v14 =	vmov v6;
	v13 =	vld.idx.msk [tilespmem:v13+s2+$0x0], $0xffff;
	[tilespmem:s14+$0x5F80] =	vst v63  }
.LBB2_4:
0x13b: {  	s23 =	sshra.s32 s22, $0x2;
	p0 =	sne.s32 s22, $0x8C0;
	v18 =	vadd.s32 $0x800, v5;
	v11 =	vld.idx.msk [tilespmem:v11+s2+$0x0], $0xffff;
	[tilespmem:s20+$0x6AC0] =	vst v12;
	s20 =	smov.u32 s16  }
0x13c: {  	s16 =	smov.u32 s14;
	s14 =	smov.u32 s15;
	s15 =	smov.u32 s17;
	v12 =	vld [tilespmem:s23+$0x4240];
	[tilespmem:s18+$0x4FC0] =	vst v15;
	v15 =	vadd.s32 $0x1C00, v2  }
0x13d: {  	s17 =	smov.u32 s18;
	s18 =	smov.u32 s19;
	s19 =	smov.u32 s21;
	v16 =	vld.idx.msk [tilespmem:v16+s2+$0x0], $0xffff;
	[tilespmem:s14+$0x5B00] =	vst v9;
	v9 =	vadd.s32 $0x3000, v0  }
0x13e: {  	s21 =	smov.u32 s23;
	v10 =	vld.idx.msk [tilespmem:v10+s2+$0x0], $0xffff;
	[tilespmem:s20+$0x6640] =	vst v8  }
0x13f: {  	v8 =	vadd.s32 $0x1400, v4;
	[tilespmem:s18+$0x4B40] =	vst v17;
	v7 =	vld.idx.msk [tilespmem:v7+s2+$0x0], $0xffff  }
0x140: {  	v17 =	vld.idx.msk [tilespmem:v18+s2+$0x0], $0xffff;
	[tilespmem:s15+$0x5680] =	vst v13;
	v13 =	vadd.s32 $0x2800, v1  }
0x141: {  	v18 =	vld.idx.msk [tilespmem:v15+s2+$0x0], $0xffff;
	[tilespmem:s16+$0x61C0] =	vst v11;
	v11 =	vadd.s32 $0x3C00, v3;
	v3 =	vmovc v0;
	v0 =	vmovc v1;
	v1 =	vmov v2;
	v2 =	vmov v4  }
0x142: {  	v15 =	vadd.s32 $0xC00, v5;
	v4 =	vmovc v5;
	v5 =	vmov v6;
	v6 =	vmov v12;
	v19 =	vld.idx.msk [tilespmem:v9+s2+$0x0], $0xffff  }
0x143: {  	v9 =	vadd.s32 $0x2000, v1;
	v20 =	vld.idx.msk [tilespmem:v14+s2+$0x0], $0xffff;
	[tilespmem:s17+$0x5200] =	vst v16;
	v14 =	vmov v12  }
0x144: {  	v21 =	vld.idx.msk [tilespmem:v8+s2+$0x0], $0xffff;
	[tilespmem:s14+$0x5D40] =	vst v10;
	v8 =	vadd.s32 $0x3400, v3  }
0x145: {  	v10 =	vadd.s32 $0x400, v5;
	v22 =	vld.idx.msk [tilespmem:v13+s2+$0x0], $0xffff;
	[tilespmem:s20+$0x6880] =	vst v7  }
0x146: {  	v7 =	vadd.s32 $0x1800, v2;
	[tilespmem:s18+$0x4D80] =	vst v17;
	v12 =	vld.idx.msk [tilespmem:v11+s2+$0x0], $0xffff  }
.Ltmp1:
0x147: {  	v11 =	vadd.s32 $0x2C00, v0;
	v15 =	vld.idx.msk [tilespmem:v15+s2+$0x0], $0xffff;
	[tilespmem:s15+$0x58C0] =	vst v18;
	(pc) =	sbr.rel @p0 .LBB2_4-.Ltmp1, $4  }
0x148: {  	v9 =	vld.idx.msk [tilespmem:v9+s2+$0x0], $0xffff;
	[tilespmem:s16+$0x6400] =	vst v19  }
0x149: {  	v16 =	vadd.s32 $0x1000, v4;
	[tilespmem:s19+$0x4900] =	vst v20;
	v8 =	vld.idx.msk [tilespmem:v8+s2+$0x0], $0xffff  }
0x14a: {  	v17 =	vld.idx.msk [tilespmem:v10+s2+$0x0], $0xffff;
	[tilespmem:s17+$0x5440] =	vst v21;
	v10 =	vadd.s32 $0x2400, v1  }
0x14b: {  	s22 =	sadd.s32 $0x40, s22;
	v13 =	vld.idx.msk [tilespmem:v7+s2+$0x0], $0xffff;
	[tilespmem:s14+$0x5F80] =	vst v22;
	v7 =	vadd.s32 $0x3800, v3  }
0x14c: {  	_ =	sdelay $0x3  }
0x14d: {  	v14 =	vld.idx.msk [tilespmem:v14+s2+$0x0], $0xffff  }
0x14e: {  	v18 =	vadd.s32 $0x400, v6;
	_ =	sdelay $0x3  }
0x14f: {  	[tilespmem:s21+$0x4900] =	vst v14  }
0x150: {  	v14 =	vadd.s32 $0x800, v5;
	v18 =	vld.idx.msk [tilespmem:v18+s2+$0x0], $0xffff  }
0x151: {  	v19 =	vadd.s32 $0x800, v6;
	_ =	sdelay $0x2  }
0x152: {  	[tilespmem:s19+$0x4B40] =	vst v17  }
0x153: {  	v14 =	vld.idx.msk [tilespmem:v14+s2+$0x0], $0xffff;
	[tilespmem:s21+$0x4B40] =	vst v18  }
0x154: {  	v17 =	vadd.s32 $0xC00, v5;
	v18 =	vld.idx.msk [tilespmem:v19+s2+$0x0], $0xffff  }
0x155: {  	v19 =	vadd.s32 $0xC00, v6;
	_ =	sdelay $0x2  }
0x156: {  	[tilespmem:s19+$0x4D80] =	vst v14  }
0x157: {  	v14 =	vld.idx.msk [tilespmem:v17+s2+$0x0], $0xffff;
	[tilespmem:s21+$0x4D80] =	vst v18  }
0x158: {  	v17 =	vadd.s32 $0x1000, v5;
	v18 =	vld.idx.msk [tilespmem:v19+s2+$0x0], $0xffff  }
0x159: {  	v19 =	vadd.s32 $0x1000, v6;
	_ =	sdelay $0x1  }
0x15a: {  	[tilespmem:s18+$0x4FC0] =	vst v15  }
0x15b: {  	v15 =	vld.idx.msk [tilespmem:v16+s2+$0x0], $0xffff;
	[tilespmem:s19+$0x4FC0] =	vst v14  }
0x15c: {  	v14 =	vadd.s32 $0x1400, v4;
	v16 =	vld.idx.msk [tilespmem:v17+s2+$0x0], $0xffff;
	[tilespmem:s21+$0x4FC0] =	vst v18  }
0x15d: {  	v17 =	vadd.s32 $0x1400, v5;
	v18 =	vld.idx.msk [tilespmem:v19+s2+$0x0], $0xffff  }
0x15e: {  	v19 =	vadd.s32 $0x1400, v6;
	_ =	sdelay $0x1  }
0x15f: {  	[tilespmem:s18+$0x5200] =	vst v15  }
0x160: {  	v14 =	vld.idx.msk [tilespmem:v14+s2+$0x0], $0xffff;
	[tilespmem:s19+$0x5200] =	vst v16  }
0x161: {  	v15 =	vadd.s32 $0x1800, v4;
	v16 =	vld.idx.msk [tilespmem:v17+s2+$0x0], $0xffff;
	[tilespmem:s21+$0x5200] =	vst v18  }
0x162: {  	v17 =	vadd.s32 $0x1800, v5;
	v18 =	vld.idx.msk [tilespmem:v19+s2+$0x0], $0xffff  }
0x163: {  	v19 =	vadd.s32 $0x1800, v6;
	_ =	sdelay $0x1  }
0x164: {  	[tilespmem:s18+$0x5440] =	vst v14  }
0x165: {  	v14 =	vadd.s32 $0x1C00, v2;
	v15 =	vld.idx.msk [tilespmem:v15+s2+$0x0], $0xffff;
	[tilespmem:s19+$0x5440] =	vst v16  }
0x166: {  	v16 =	vadd.s32 $0x1C00, v4;
	v17 =	vld.idx.msk [tilespmem:v17+s2+$0x0], $0xffff;
	[tilespmem:s21+$0x5440] =	vst v18  }
0x167: {  	v18 =	vadd.s32 $0x1C00, v5;
	v19 =	vld.idx.msk [tilespmem:v19+s2+$0x0], $0xffff  }
0x168: {  	v20 =	vadd.s32 $0x1C00, v6  }
0x169: {  	[tilespmem:s17+$0x5680] =	vst v13  }
0x16a: {  	v13 =	vld.idx.msk [tilespmem:v14+s2+$0x0], $0xffff;
	[tilespmem:s18+$0x5680] =	vst v15  }
0x16b: {  	v14 =	vadd.s32 $0x2000, v2;
	v15 =	vld.idx.msk [tilespmem:v16+s2+$0x0], $0xffff;
	[tilespmem:s19+$0x5680] =	vst v17  }
0x16c: {  	v16 =	vadd.s32 $0x2000, v4;
	v17 =	vld.idx.msk [tilespmem:v18+s2+$0x0], $0xffff;
	[tilespmem:s21+$0x5680] =	vst v19  }
0x16d: {  	v18 =	vadd.s32 $0x2000, v5;
	v19 =	vld.idx.msk [tilespmem:v20+s2+$0x0], $0xffff  }
0x16e: {  	[tilespmem:s20+$0x6AC0] =	vst v12;
	v12 =	vadd.s32 $0x2000, v6  }
0x16f: {  	[tilespmem:s17+$0x58C0] =	vst v13  }
0x170: {  	v13 =	vld.idx.msk [tilespmem:v14+s2+$0x0], $0xffff;
	[tilespmem:s18+$0x58C0] =	vst v15  }
0x171: {  	v14 =	vadd.s32 $0x2400, v2;
	v15 =	vld.idx.msk [tilespmem:v16+s2+$0x0], $0xffff;
	[tilespmem:s19+$0x58C0] =	vst v17  }
0x172: {  	v16 =	vadd.s32 $0x2400, v4;
	v17 =	vld.idx.msk [tilespmem:v18+s2+$0x0], $0xffff;
	[tilespmem:s21+$0x58C0] =	vst v19  }
0x173: {  	[tilespmem:s15+$0x5B00] =	vst v9;
	v9 =	vadd.s32 $0x2400, v5;
	v12 =	vld.idx.msk [tilespmem:v12+s2+$0x0], $0xffff  }
0x174: {  	v11 =	vld.idx.msk [tilespmem:v11+s2+$0x0], $0xffff;
	[tilespmem:s16+$0x6640] =	vst v8;
	v8 =	vadd.s32 $0x2400, v6  }
0x175: {  	v10 =	vld.idx.msk [tilespmem:v10+s2+$0x0], $0xffff;
	[tilespmem:s17+$0x5B00] =	vst v13  }
0x176: {  	v13 =	vadd.s32 $0x2800, v1;
	v14 =	vld.idx.msk [tilespmem:v14+s2+$0x0], $0xffff;
	[tilespmem:s18+$0x5B00] =	vst v15  }
0x177: {  	v15 =	vadd.s32 $0x2800, v2;
	v16 =	vld.idx.msk [tilespmem:v16+s2+$0x0], $0xffff;
	[tilespmem:s19+$0x5B00] =	vst v17  }
0x178: {  	v17 =	vadd.s32 $0x2800, v4;
	v9 =	vld.idx.msk [tilespmem:v9+s2+$0x0], $0xffff;
	[tilespmem:s21+$0x5B00] =	vst v12  }
0x179: {  	[tilespmem:s14+$0x61C0] =	vst v11;
	v11 =	vadd.s32 $0x2800, v5;
	v8 =	vld.idx.msk [tilespmem:v8+s2+$0x0], $0xffff  }
0x17a: {  	v7 =	vld.idx.msk [tilespmem:v7+s2+$0x0], $0xffff;
	[tilespmem:s15+$0x5D40] =	vst v10;
	v10 =	vadd.s32 $0x2800, v6  }
0x17b: {  	v13 =	vld.idx.msk [tilespmem:v13+s2+$0x0], $0xffff;
	v12 =	vadd.s32 $0x3000, v0;
	[tilespmem:s17+$0x5D40] =	vst v14  }
0x17c: {  	v14 =	vadd.s32 $0x2C00, v1;
	v15 =	vld.idx.msk [tilespmem:v15+s2+$0x0], $0xffff;
	[tilespmem:s18+$0x5D40] =	vst v16  }
0x17d: {  	v16 =	vadd.s32 $0x2C00, v2;
	v17 =	vld.idx.msk [tilespmem:v17+s2+$0x0], $0xffff;
	[tilespmem:s19+$0x5D40] =	vst v9  }
0x17e: {  	v9 =	vadd.s32 $0x2C00, v4;
	v11 =	vld.idx.msk [tilespmem:v11+s2+$0x0], $0xffff;
	[tilespmem:s21+$0x5D40] =	vst v8  }
0x17f: {  	[tilespmem:s16+$0x6880] =	vst v7;
	v7 =	vadd.s32 $0x2C00, v5;
	v8 =	vld.idx.msk [tilespmem:v10+s2+$0x0], $0xffff  }
0x180: {  	[tilespmem:s15+$0x5F80] =	vst v13;
	v10 =	vld.idx.msk [tilespmem:v12+s2+$0x0], $0xffff;
	v12 =	vadd.s32 $0x2C00, v6  }
0x181: {  	v3 =	vadd.s32 $0x3C00, v3;
	v13 =	vld.idx.msk [tilespmem:v14+s2+$0x0], $0xffff;
	[tilespmem:s17+$0x5F80] =	vst v15  }
0x182: {  	v14 =	vadd.s32 $0x3000, v1;
	v15 =	vld.idx.msk [tilespmem:v16+s2+$0x0], $0xffff;
	[tilespmem:s18+$0x5F80] =	vst v17  }
0x183: {  	v16 =	vadd.s32 $0x3000, v2;
	v9 =	vld.idx.msk [tilespmem:v9+s2+$0x0], $0xffff;
	[tilespmem:s19+$0x5F80] =	vst v11  }
0x184: {  	v11 =	vadd.s32 $0x3000, v4;
	v7 =	vld.idx.msk [tilespmem:v7+s2+$0x0], $0xffff;
	[tilespmem:s21+$0x5F80] =	vst v8  }
0x185: {  	[tilespmem:s14+$0x6400] =	vst v10;
	v8 =	vadd.s32 $0x3000, v5;
	v10 =	vld.idx.msk [tilespmem:v12+s2+$0x0], $0xffff  }
0x186: {  	v3 =	vld.idx.msk [tilespmem:v3+s2+$0x0], $0xffff;
	[tilespmem:s15+$0x61C0] =	vst v13;
	v12 =	vadd.s32 $0x3000, v6  }
0x187: {  	v13 =	vadd.s32 $0x3400, v0;
	v14 =	vld.idx.msk [tilespmem:v14+s2+$0x0], $0xffff;
	[tilespmem:s17+$0x61C0] =	vst v15  }
0x188: {  	v15 =	vadd.s32 $0x3400, v1;
	v16 =	vld.idx.msk [tilespmem:v16+s2+$0x0], $0xffff;
	[tilespmem:s18+$0x61C0] =	vst v9  }
0x189: {  	v9 =	vadd.s32 $0x3400, v2;
	v11 =	vld.idx.msk [tilespmem:v11+s2+$0x0], $0xffff;
	[tilespmem:s19+$0x61C0] =	vst v7  }
0x18a: {  	v7 =	vadd.s32 $0x3400, v4;
	v8 =	vld.idx.msk [tilespmem:v8+s2+$0x0], $0xffff;
	[tilespmem:s21+$0x61C0] =	vst v10  }
0x18b: {  	[tilespmem:s16+$0x6AC0] =	vst v3;
	v3 =	vadd.s32 $0x3400, v5;
	v10 =	vld.idx.msk [tilespmem:v12+s2+$0x0], $0xffff  }
0x18c: {  	[tilespmem:s15+$0x6400] =	vst v14;
	v12 =	vld.idx.msk [tilespmem:v13+s2+$0x0], $0xffff;
	v13 =	vadd.s32 $0x3400, v6  }
0x18d: {  	v14 =	vadd.s32 $0x3800, v0;
	v15 =	vld.idx.msk [tilespmem:v15+s2+$0x0], $0xffff;
	[tilespmem:s17+$0x6400] =	vst v16  }
0x18e: {  	v16 =	vadd.s32 $0x3800, v1;
	v9 =	vld.idx.msk [tilespmem:v9+s2+$0x0], $0xffff;
	[tilespmem:s18+$0x6400] =	vst v11  }
0x18f: {  	v11 =	vadd.s32 $0x3800, v2;
	v7 =	vld.idx.msk [tilespmem:v7+s2+$0x0], $0xffff;
	[tilespmem:s19+$0x6400] =	vst v8  }
0x190: {  	v8 =	vadd.s32 $0x3800, v4;
	v3 =	vld.idx.msk [tilespmem:v3+s2+$0x0], $0xffff;
	[tilespmem:s21+$0x6400] =	vst v10  }
0x191: {  	[tilespmem:s14+$0x6640] =	vst v12;
	v10 =	vadd.s32 $0x3800, v5;
	v12 =	vld.idx.msk [tilespmem:v13+s2+$0x0], $0xffff  }
0x192: {  	[tilespmem:s15+$0x6640] =	vst v15;
	v13 =	vld.idx.msk [tilespmem:v14+s2+$0x0], $0xffff;
	v14 =	vadd.s32 $0x3800, v6  }
0x193: {  	v0 =	vadd.s32 $0x3C00, v0;
	v15 =	vld.idx.msk [tilespmem:v16+s2+$0x0], $0xffff;
	[tilespmem:s17+$0x6640] =	vst v9  }
0x194: {  	v1 =	vadd.s32 $0x3C00, v1;
	v9 =	vld.idx.msk [tilespmem:v11+s2+$0x0], $0xffff;
	[tilespmem:s18+$0x6640] =	vst v7  }
0x195: {  	v2 =	vadd.s32 $0x3C00, v2;
	v7 =	vld.idx.msk [tilespmem:v8+s2+$0x0], $0xffff;
	[tilespmem:s19+$0x6640] =	vst v3  }
0x196: {  	v3 =	vadd.s32 $0x3C00, v4;
	v4 =	vld.idx.msk [tilespmem:v10+s2+$0x0], $0xffff;
	[tilespmem:s21+$0x6640] =	vst v12  }
0x197: {  	v5 =	vadd.s32 $0x3C00, v5;
	[tilespmem:s14+$0x6880] =	vst v13;
	v8 =	vld.idx.msk [tilespmem:v14+s2+$0x0], $0xffff  }
0x198: {  	v6 =	vadd.s32 $0x3C00, v6;
	[tilespmem:s15+$0x6880] =	vst v15;
	v0 =	vld.idx.msk [tilespmem:v0+s2+$0x0], $0xffff  }
0x199: {  	v1 =	vld.idx.msk [tilespmem:v1+s2+$0x0], $0xffff;
	[tilespmem:s17+$0x6880] =	vst v9  }
0x19a: {  	v2 =	vld.idx.msk [tilespmem:v2+s2+$0x0], $0xffff;
	[tilespmem:s18+$0x6880] =	vst v7  }
0x19b: {  	v3 =	vld.idx.msk [tilespmem:v3+s2+$0x0], $0xffff;
	[tilespmem:s19+$0x6880] =	vst v4  }
0x19c: {  	v4 =	vld.idx.msk [tilespmem:v5+s2+$0x0], $0xffff;
	[tilespmem:s21+$0x6880] =	vst v8  }
0x19d: {  	[tilespmem:s14+$0x6AC0] =	vst v0;
	v0 =	vld.idx.msk [tilespmem:v6+s2+$0x0], $0xffff  }
0x19e: {  	[tilespmem:s15+$0x6AC0] =	vst v1  }
0x19f: {  	[tilespmem:s17+$0x6AC0] =	vst v2  }
0x1a0: {  	[tilespmem:s18+$0x6AC0] =	vst v3  }
0x1a1: {  	[tilespmem:s19+$0x6AC0] =	vst v4  }
0x1a2: {  	s31 =	simm.s32 $0x0;
	[tilespmem:s21+$0x6AC0] =	vst v0  }
0x1a3: {  	[hbm4b:s6+s31] =	stream.linear.scatter [tilespmem:s12], [sflag:$0x1], $0x2400, $0x38;
	[tilespmem:$0x6D00] =	vst v63  }
0x1a4: {  	_ =	swait.ge [sflag:s10], $0x2400  }
0x1a5: {  	[sflag:s10] =	ssyncset.done $0x0  }
0x1a6: {  	s20 =	simm.s32 $0x0;
	[sflag:s10] =	ssyncadd.s32 $0xFFFFDC00  }
0x1a7: {  	v7 =	vld [tilespmem:s20+$0x4480];
	_ =	sdelay $0x7  }
0x1a8: {  	v0 =	vld.idx.msk [tilespmem:v7+s2+$0x0], $0xffff  }
0x1a9: {  	v1 =	vadd.s32 $0x400, v7;
	_ =	sdelay $0x2  }
0x1aa: {  	s16 =	simm.s32 $0x10  }
0x1ab: {  	v3 =	vld [tilespmem:s16+$0x4480];
	[tilespmem:s20+$0x4900] =	vst v0  }
0x1ac: {  	v0 =	vld.idx.msk [tilespmem:v1+s2+$0x0], $0xffff  }
0x1ad: {  	v1 =	vadd.s32 $0x800, v7;
	_ =	sdelay $0x3  }
0x1ae: {  	[tilespmem:s20+$0x4B40] =	vst v0  }
0x1af: {  	v0 =	vld.idx.msk [tilespmem:v1+s2+$0x0], $0xffff  }
0x1b0: {  	v1 =	vadd.s32 $0xC00, v7  }
0x1b1: {  	v2 =	vld.idx.msk [tilespmem:v3+s2+$0x0], $0xffff  }
0x1b2: {  	v4 =	vadd.s32 $0x400, v3;
	_ =	sdelay $0x1  }
0x1b3: {  	[tilespmem:s20+$0x4D80] =	vst v0  }
0x1b4: {  	v1 =	vld.idx.msk [tilespmem:v1+s2+$0x0], $0xffff  }
0x1b5: {  	v5 =	vadd.s32 $0x1000, v7;
	[tilespmem:s16+$0x4900] =	vst v2  }
0x1b6: {  	s14 =	simm.s32 $0x20;
	v2 =	vld.idx.msk [tilespmem:v4+s2+$0x0], $0xffff  }
0x1b7: {  	v0 =	vld [tilespmem:s14+$0x4480]  }
0x1b8: {  	v4 =	vadd.s32 $0x800, v3  }
0x1b9: {  	[tilespmem:s20+$0x4FC0] =	vst v1  }
0x1ba: {  	v1 =	vld.idx.msk [tilespmem:v5+s2+$0x0], $0xffff  }
0x1bb: {  	v5 =	vadd.s32 $0x1400, v7  }
0x1bc: {  	[tilespmem:s16+$0x4B40] =	vst v2  }
0x1bd: {  	v2 =	vld.idx.msk [tilespmem:v4+s2+$0x0], $0xffff  }
0x1be: {  	v4 =	vadd.s32 $0xC00, v3  }
0x1bf: {  	v6 =	vld.idx.msk [tilespmem:v0+s2+$0x0], $0xffff;
	[tilespmem:s20+$0x5200] =	vst v1  }
0x1c0: {  	v8 =	vadd.s32 $0x400, v0;
	v5 =	vld.idx.msk [tilespmem:v5+s2+$0x0], $0xffff  }
0x1c1: {  	v9 =	vadd.s32 $0x1800, v7  }
0x1c2: {  	[tilespmem:s16+$0x4D80] =	vst v2  }
0x1c3: {  	s15 =	simm.s32 $0x30;
	v2 =	vld.idx.msk [tilespmem:v4+s2+$0x0], $0xffff  }
0x1c4: {  	v4 =	vadd.s32 $0x1000, v3;
	v1 =	vld [tilespmem:s15+$0x4480];
	[tilespmem:s14+$0x4900] =	vst v6  }
0x1c5: {  	v6 =	vld.idx.msk [tilespmem:v8+s2+$0x0], $0xffff;
	[tilespmem:s20+$0x5440] =	vst v5  }
0x1c6: {  	v8 =	vadd.s32 $0x800, v0;
	v5 =	vld.idx.msk [tilespmem:v9+s2+$0x0], $0xffff  }
0x1c7: {  	v9 =	vadd.s32 $0x1C00, v7  }
0x1c8: {  	[tilespmem:s16+$0x4FC0] =	vst v2  }
0x1c9: {  	v2 =	vld.idx.msk [tilespmem:v4+s2+$0x0], $0xffff  }
0x1ca: {  	v4 =	vadd.s32 $0x1400, v3;
	[tilespmem:s14+$0x4B40] =	vst v6  }
0x1cb: {  	v6 =	vld.idx.msk [tilespmem:v8+s2+$0x0], $0xffff;
	[tilespmem:s20+$0x5680] =	vst v5  }
0x1cc: {  	v8 =	vadd.s32 $0xC00, v0;
	v5 =	vld.idx.msk [tilespmem:v9+s2+$0x0], $0xffff  }
0x1cd: {  	v9 =	vadd.s32 $0x2000, v7  }
0x1ce: {  	[tilespmem:s16+$0x5200] =	vst v2;
	v10 =	vld.idx.msk [tilespmem:v1+s2+$0x0], $0xffff  }
0x1cf: {  	s17 =	simm.s32 $0x40;
	v4 =	vld.idx.msk [tilespmem:v4+s2+$0x0], $0xffff;
	v11 =	vadd.s32 $0x400, v1  }
0x1d0: {  	v2 =	vld [tilespmem:s17+$0x4480];
	[tilespmem:s14+$0x4D80] =	vst v6;
	v6 =	vadd.s32 $0x1800, v3  }
0x1d1: {  	v8 =	vld.idx.msk [tilespmem:v8+s2+$0x0], $0xffff;
	[tilespmem:s20+$0x58C0] =	vst v5  }
0x1d2: {  	v5 =	vld.idx.msk [tilespmem:v9+s2+$0x0], $0xffff;
	v9 =	vadd.s32 $0x1000, v0  }
0x1d3: {  	[tilespmem:s15+$0x4900] =	vst v10;
	v10 =	vadd.s32 $0x2400, v7  }
0x1d4: {  	[tilespmem:s16+$0x5440] =	vst v4;
	v11 =	vld.idx.msk [tilespmem:v11+s2+$0x0], $0xffff  }
0x1d5: {  	v4 =	vld.idx.msk [tilespmem:v6+s2+$0x0], $0xffff;
	v6 =	vadd.s32 $0x800, v1  }
0x1d6: {  	[tilespmem:s14+$0x4FC0] =	vst v8;
	v8 =	vadd.s32 $0x1C00, v3  }
0x1d7: {  	v9 =	vld.idx.msk [tilespmem:v9+s2+$0x0], $0xffff;
	[tilespmem:s20+$0x5B00] =	vst v5  }
0x1d8: {  	v5 =	vld.idx.msk [tilespmem:v10+s2+$0x0], $0xffff;
	v10 =	vadd.s32 $0x1400, v0  }
0x1d9: {  	v13 =	vld.idx.msk [tilespmem:v2+s2+$0x0], $0xffff;
	[tilespmem:s15+$0x4B40] =	vst v11;
	v11 =	vadd.s32 $0x2800, v7  }
0x1da: {  	v6 =	vld.idx.msk [tilespmem:v6+s2+$0x0], $0xffff;
	[tilespmem:s16+$0x5680] =	vst v4  }
0x1db: {  	s18 =	simm.s32 $0x50;
	v12 =	vadd.s32 $0xC00, v1;
	v8 =	vld.idx.msk [tilespmem:v8+s2+$0x0], $0xffff  }
0x1dc: {  	v4 =	vld [tilespmem:s18+$0x4480];
	[tilespmem:s14+$0x5200] =	vst v9;
	v9 =	vadd.s32 $0x2000, v3  }
0x1dd: {  	v10 =	vld.idx.msk [tilespmem:v10+s2+$0x0], $0xffff;
	[tilespmem:s20+$0x5D40] =	vst v5;
	v5 =	vadd.s32 $0x400, v2  }
0x1de: {  	v14 =	vadd.s32 $0x1800, v0;
	v11 =	vld.idx.msk [tilespmem:v11+s2+$0x0], $0xffff  }
0x1df: {  	[tilespmem:s15+$0x4D80] =	vst v6;
	v6 =	vadd.s32 $0x2C00, v7  }
0x1e0: {  	v12 =	vld.idx.msk [tilespmem:v12+s2+$0x0], $0xffff;
	[tilespmem:s16+$0x58C0] =	vst v8  }
0x1e1: {  	[tilespmem:s17+$0x4900] =	vst v13;
	v8 =	vld.idx.msk [tilespmem:v9+s2+$0x0], $0xffff;
	v9 =	vadd.s32 $0x1000, v1  }
0x1e2: {  	v13 =	vld.idx.msk [tilespmem:v5+s2+$0x0], $0xffff;
	[tilespmem:s14+$0x5440] =	vst v10;
	v10 =	vadd.s32 $0x2400, v3  }
0x1e3: {  	v14 =	vld.idx.msk [tilespmem:v14+s2+$0x0], $0xffff;
	[tilespmem:s20+$0x5F80] =	vst v11;
	v11 =	vadd.s32 $0x800, v2  }
0x1e4: {  	v15 =	vadd.s32 $0x1C00, v0;
	v6 =	vld.idx.msk [tilespmem:v6+s2+$0x0], $0xffff  }
0x1e5: {  	v16 =	vld.idx.msk [tilespmem:v4+s2+$0x0], $0xffff;
	[tilespmem:s15+$0x4FC0] =	vst v12;
	v12 =	vadd.s32 $0x3000, v7  }
0x1e6: {  	v9 =	vld.idx.msk [tilespmem:v9+s2+$0x0], $0xffff;
	[tilespmem:s16+$0x5B00] =	vst v8  }
0x1e7: {  	v8 =	vld.idx.msk [tilespmem:v10+s2+$0x0], $0xffff;
	[tilespmem:s17+$0x4B40] =	vst v13;
	v10 =	vadd.s32 $0x1400, v1  }
0x1e8: {  	v13 =	vadd.s32 $0x2800, v3;
	v11 =	vld.idx.msk [tilespmem:v11+s2+$0x0], $0xffff;
	[tilespmem:s14+$0x5680] =	vst v14  }
0x1e9: {  	v14 =	vld.idx.msk [tilespmem:v15+s2+$0x0], $0xffff;
	[tilespmem:s20+$0x61C0] =	vst v6;
	v6 =	vadd.s32 $0xC00, v2  }
0x1ea: {  	s19 =	simm.s32 $0x60;
	v15 =	vadd.s32 $0x2000, v0;
	v12 =	vld.idx.msk [tilespmem:v12+s2+$0x0], $0xffff  }
0x1eb: {  	v5 =	vld [tilespmem:s19+$0x4480];
	[tilespmem:s15+$0x5200] =	vst v9;
	v9 =	vadd.s32 $0x3400, v7  }
0x1ec: {  	v10 =	vld.idx.msk [tilespmem:v10+s2+$0x0], $0xffff;
	[tilespmem:s16+$0x5D40] =	vst v8;
	v8 =	vadd.s32 $0x400, v4  }
0x1ed: {  	v13 =	vld.idx.msk [tilespmem:v13+s2+$0x0], $0xffff;
	[tilespmem:s17+$0x4D80] =	vst v11;
	v11 =	vadd.s32 $0x1800, v1  }
0x1ee: {  	v17 =	vld.idx.msk [tilespmem:v6+s2+$0x0], $0xffff;
	[tilespmem:s14+$0x58C0] =	vst v14;
	v6 =	vadd.s32 $0x2C00, v3  }
0x1ef: {  	v14 =	vld.idx.msk [tilespmem:v15+s2+$0x0], $0xffff;
	[tilespmem:s20+$0x6400] =	vst v12  }
0x1f0: {  	[tilespmem:s18+$0x4900] =	vst v16;
	v12 =	vadd.s32 $0x1000, v2;
	v9 =	vld.idx.msk [tilespmem:v9+s2+$0x0], $0xffff  }
0x1f1: {  	v8 =	vld.idx.msk [tilespmem:v8+s2+$0x0], $0xffff;
	[tilespmem:s15+$0x5440] =	vst v10;
	v10 =	vadd.s32 $0x2400, v0  }
0x1f2: {  	v11 =	vld.idx.msk [tilespmem:v11+s2+$0x0], $0xffff;
	[tilespmem:s16+$0x5F80] =	vst v13;
	v13 =	vadd.s32 $0x3800, v7  }
0x1f3: {  	s21 =	simm.s32 $0x70;
	v15 =	vadd.s32 $0x800, v4;
	v16 =	vld.idx.msk [tilespmem:v6+s2+$0x0], $0xffff  }
0x1f4: {  	v6 =	vld [tilespmem:s21+$0x4480];
	[tilespmem:s17+$0x4FC0] =	vst v17;
	v17 =	vadd.s32 $0x1C00, v1  }
0x1f5: {  	v12 =	vld.idx.msk [tilespmem:v12+s2+$0x0], $0xffff;
	[tilespmem:s14+$0x5B00] =	vst v14  }
0x1f6: {  	v14 =	vadd.s32 $0x3000, v3;
	[tilespmem:s20+$0x6640] =	vst v9;
	v10 =	vld.idx.msk [tilespmem:v10+s2+$0x0], $0xffff  }
0x1f7: {  	[tilespmem:s18+$0x4B40] =	vst v8;
	v8 =	vadd.s32 $0x1400, v2;
	v9 =	vld.idx.msk [tilespmem:v13+s2+$0x0], $0xffff  }
0x1f8: {  	v13 =	vld.idx.msk [tilespmem:v15+s2+$0x0], $0xffff;
	[tilespmem:s15+$0x5680] =	vst v11;
	v11 =	vadd.s32 $0x2800, v0  }
0x1f9: {  	v7 =	vadd.s32 $0x3C00, v7;
	v17 =	vld.idx.msk [tilespmem:v17+s2+$0x0], $0xffff  }
0x1fa: {  	v15 =	vadd.s32 $0xC00, v4;
	[tilespmem:s16+$0x61C0] =	vst v16;
	v16 =	vld.idx.msk [tilespmem:v5+s2+$0x0], $0xffff  }
0x1fb: {  	v18 =	vadd.s32 $0x2000, v1;
	v14 =	vld.idx.msk [tilespmem:v14+s2+$0x0], $0xffff;
	[tilespmem:s17+$0x5200] =	vst v12  }
0x1fc: {  	v19 =	vld.idx.msk [tilespmem:v8+s2+$0x0], $0xffff;
	[tilespmem:s14+$0x5D40] =	vst v10;
	v8 =	vadd.s32 $0x3400, v3  }
0x1fd: {  	v10 =	vadd.s32 $0x400, v5;
	v63 =	vld.idx.msk [tilespmem:v11+s2+$0x0], $0xffff;
	[tilespmem:s20+$0x6880] =	vst v9  }
0x1fe: {  	[tilespmem:s18+$0x4D80] =	vst v13;
	v13 =	vadd.s32 $0x1800, v2;
	v12 =	vld.idx.msk [tilespmem:v7+s2+$0x0], $0xffff  }
0x1ff: {  	v11 =	vadd.s32 $0x2C00, v0;
	v15 =	vld.idx.msk [tilespmem:v15+s2+$0x0], $0xffff;
	[tilespmem:s15+$0x58C0] =	vst v17  }
0x200: {  	v9 =	vld.idx.msk [tilespmem:v18+s2+$0x0], $0xffff;
	[tilespmem:s16+$0x6400] =	vst v14  }
0x201: {  	[tilespmem:s19+$0x4900] =	vst v16;
	v16 =	vadd.s32 $0x1000, v4;
	v8 =	vld.idx.msk [tilespmem:v8+s2+$0x0], $0xffff  }
0x202: {  	v17 =	vld.idx.msk [tilespmem:v10+s2+$0x0], $0xffff;
	[tilespmem:s17+$0x5440] =	vst v19;
	v10 =	vadd.s32 $0x2400, v1  }
0x203: {  	s22 =	simm.s32 $0x200;
	v7 =	vadd.s32 $0x3800, v3;
	v14 =	vmov v6;
	v13 =	vld.idx.msk [tilespmem:v13+s2+$0x0], $0xffff;
	[tilespmem:s14+$0x5F80] =	vst v63  }
.LBB2_6:
0x204: {  	s23 =	sshra.s32 s22, $0x2;
	p0 =	sne.s32 s22, $0x8C0;
	v18 =	vadd.s32 $0x800, v5;
	v11 =	vld.idx.msk [tilespmem:v11+s2+$0x0], $0xffff;
	[tilespmem:s20+$0x6AC0] =	vst v12;
	s20 =	smov.u32 s16  }
0x205: {  	s16 =	smov.u32 s14;
	s14 =	smov.u32 s15;
	s15 =	smov.u32 s17;
	v12 =	vld [tilespmem:s23+$0x4480];
	[tilespmem:s18+$0x4FC0] =	vst v15;
	v15 =	vadd.s32 $0x1C00, v2  }
0x206: {  	s17 =	smov.u32 s18;
	s18 =	smov.u32 s19;
	s19 =	smov.u32 s21;
	v16 =	vld.idx.msk [tilespmem:v16+s2+$0x0], $0xffff;
	[tilespmem:s14+$0x5B00] =	vst v9;
	v9 =	vadd.s32 $0x3000, v0  }
0x207: {  	s21 =	smov.u32 s23;
	v10 =	vld.idx.msk [tilespmem:v10+s2+$0x0], $0xffff;
	[tilespmem:s20+$0x6640] =	vst v8  }
0x208: {  	v8 =	vadd.s32 $0x1400, v4;
	[tilespmem:s18+$0x4B40] =	vst v17;
	v7 =	vld.idx.msk [tilespmem:v7+s2+$0x0], $0xffff  }
0x209: {  	v17 =	vld.idx.msk [tilespmem:v18+s2+$0x0], $0xffff;
	[tilespmem:s15+$0x5680] =	vst v13;
	v13 =	vadd.s32 $0x2800, v1  }
0x20a: {  	v18 =	vld.idx.msk [tilespmem:v15+s2+$0x0], $0xffff;
	[tilespmem:s16+$0x61C0] =	vst v11;
	v11 =	vadd.s32 $0x3C00, v3;
	v3 =	vmovc v0;
	v0 =	vmovc v1;
	v1 =	vmov v2;
	v2 =	vmov v4  }
0x20b: {  	v15 =	vadd.s32 $0xC00, v5;
	v4 =	vmovc v5;
	v5 =	vmov v6;
	v6 =	vmov v12;
	v19 =	vld.idx.msk [tilespmem:v9+s2+$0x0], $0xffff  }
0x20c: {  	v9 =	vadd.s32 $0x2000, v1;
	v20 =	vld.idx.msk [tilespmem:v14+s2+$0x0], $0xffff;
	[tilespmem:s17+$0x5200] =	vst v16;
	v14 =	vmov v12  }
0x20d: {  	v21 =	vld.idx.msk [tilespmem:v8+s2+$0x0], $0xffff;
	[tilespmem:s14+$0x5D40] =	vst v10;
	v8 =	vadd.s32 $0x3400, v3  }
0x20e: {  	v10 =	vadd.s32 $0x400, v5;
	v22 =	vld.idx.msk [tilespmem:v13+s2+$0x0], $0xffff;
	[tilespmem:s20+$0x6880] =	vst v7  }
0x20f: {  	v7 =	vadd.s32 $0x1800, v2;
	[tilespmem:s18+$0x4D80] =	vst v17;
	v12 =	vld.idx.msk [tilespmem:v11+s2+$0x0], $0xffff  }
.Ltmp2:
0x210: {  	v11 =	vadd.s32 $0x2C00, v0;
	v15 =	vld.idx.msk [tilespmem:v15+s2+$0x0], $0xffff;
	[tilespmem:s15+$0x58C0] =	vst v18;
	(pc) =	sbr.rel @p0 .LBB2_6-.Ltmp2, $4  }
0x211: {  	v9 =	vld.idx.msk [tilespmem:v9+s2+$0x0], $0xffff;
	[tilespmem:s16+$0x6400] =	vst v19  }
0x212: {  	v16 =	vadd.s32 $0x1000, v4;
	[tilespmem:s19+$0x4900] =	vst v20;
	v8 =	vld.idx.msk [tilespmem:v8+s2+$0x0], $0xffff  }
0x213: {  	v17 =	vld.idx.msk [tilespmem:v10+s2+$0x0], $0xffff;
	[tilespmem:s17+$0x5440] =	vst v21;
	v10 =	vadd.s32 $0x2400, v1  }
0x214: {  	s22 =	sadd.s32 $0x40, s22;
	v13 =	vld.idx.msk [tilespmem:v7+s2+$0x0], $0xffff;
	[tilespmem:s14+$0x5F80] =	vst v22;
	v7 =	vadd.s32 $0x3800, v3  }
0x215: {  	_ =	sdelay $0x3  }
0x216: {  	v14 =	vld.idx.msk [tilespmem:v14+s2+$0x0], $0xffff  }
0x217: {  	v18 =	vadd.s32 $0x400, v6;
	_ =	sdelay $0x3  }
0x218: {  	[tilespmem:s21+$0x4900] =	vst v14  }
0x219: {  	v14 =	vadd.s32 $0x800, v5;
	v18 =	vld.idx.msk [tilespmem:v18+s2+$0x0], $0xffff  }
0x21a: {  	v19 =	vadd.s32 $0x800, v6;
	_ =	sdelay $0x2  }
0x21b: {  	[tilespmem:s19+$0x4B40] =	vst v17  }
0x21c: {  	v14 =	vld.idx.msk [tilespmem:v14+s2+$0x0], $0xffff;
	[tilespmem:s21+$0x4B40] =	vst v18  }
0x21d: {  	v17 =	vadd.s32 $0xC00, v5;
	v18 =	vld.idx.msk [tilespmem:v19+s2+$0x0], $0xffff  }
0x21e: {  	v19 =	vadd.s32 $0xC00, v6;
	_ =	sdelay $0x2  }
0x21f: {  	[tilespmem:s19+$0x4D80] =	vst v14  }
0x220: {  	v14 =	vld.idx.msk [tilespmem:v17+s2+$0x0], $0xffff;
	[tilespmem:s21+$0x4D80] =	vst v18  }
0x221: {  	v17 =	vadd.s32 $0x1000, v5;
	v18 =	vld.idx.msk [tilespmem:v19+s2+$0x0], $0xffff  }
0x222: {  	v19 =	vadd.s32 $0x1000, v6;
	_ =	sdelay $0x1  }
0x223: {  	[tilespmem:s18+$0x4FC0] =	vst v15  }
0x224: {  	v15 =	vld.idx.msk [tilespmem:v16+s2+$0x0], $0xffff;
	[tilespmem:s19+$0x4FC0] =	vst v14  }
0x225: {  	v14 =	vadd.s32 $0x1400, v4;
	v16 =	vld.idx.msk [tilespmem:v17+s2+$0x0], $0xffff;
	[tilespmem:s21+$0x4FC0] =	vst v18  }
0x226: {  	v17 =	vadd.s32 $0x1400, v5;
	v18 =	vld.idx.msk [tilespmem:v19+s2+$0x0], $0xffff  }
0x227: {  	v19 =	vadd.s32 $0x1400, v6;
	_ =	sdelay $0x1  }
0x228: {  	[tilespmem:s18+$0x5200] =	vst v15  }
0x229: {  	v14 =	vld.idx.msk [tilespmem:v14+s2+$0x0], $0xffff;
	[tilespmem:s19+$0x5200] =	vst v16  }
0x22a: {  	v15 =	vadd.s32 $0x1800, v4;
	v16 =	vld.idx.msk [tilespmem:v17+s2+$0x0], $0xffff;
	[tilespmem:s21+$0x5200] =	vst v18  }
0x22b: {  	v17 =	vadd.s32 $0x1800, v5;
	v18 =	vld.idx.msk [tilespmem:v19+s2+$0x0], $0xffff  }
0x22c: {  	v19 =	vadd.s32 $0x1800, v6;
	_ =	sdelay $0x1  }
0x22d: {  	[tilespmem:s18+$0x5440] =	vst v14  }
0x22e: {  	v14 =	vadd.s32 $0x1C00, v2;
	v15 =	vld.idx.msk [tilespmem:v15+s2+$0x0], $0xffff;
	[tilespmem:s19+$0x5440] =	vst v16  }
0x22f: {  	v16 =	vadd.s32 $0x1C00, v4;
	v17 =	vld.idx.msk [tilespmem:v17+s2+$0x0], $0xffff;
	[tilespmem:s21+$0x5440] =	vst v18  }
0x230: {  	v18 =	vadd.s32 $0x1C00, v5;
	v19 =	vld.idx.msk [tilespmem:v19+s2+$0x0], $0xffff  }
0x231: {  	v20 =	vadd.s32 $0x1C00, v6  }
0x232: {  	[tilespmem:s17+$0x5680] =	vst v13  }
0x233: {  	v13 =	vld.idx.msk [tilespmem:v14+s2+$0x0], $0xffff;
	[tilespmem:s18+$0x5680] =	vst v15  }
0x234: {  	v14 =	vadd.s32 $0x2000, v2;
	v15 =	vld.idx.msk [tilespmem:v16+s2+$0x0], $0xffff;
	[tilespmem:s19+$0x5680] =	vst v17  }
0x235: {  	v16 =	vadd.s32 $0x2000, v4;
	v17 =	vld.idx.msk [tilespmem:v18+s2+$0x0], $0xffff;
	[tilespmem:s21+$0x5680] =	vst v19  }
0x236: {  	v18 =	vadd.s32 $0x2000, v5;
	v19 =	vld.idx.msk [tilespmem:v20+s2+$0x0], $0xffff  }
0x237: {  	[tilespmem:s20+$0x6AC0] =	vst v12;
	v12 =	vadd.s32 $0x2000, v6  }
0x238: {  	[tilespmem:s17+$0x58C0] =	vst v13  }
0x239: {  	v13 =	vld.idx.msk [tilespmem:v14+s2+$0x0], $0xffff;
	[tilespmem:s18+$0x58C0] =	vst v15  }
0x23a: {  	v14 =	vadd.s32 $0x2400, v2;
	v15 =	vld.idx.msk [tilespmem:v16+s2+$0x0], $0xffff;
	[tilespmem:s19+$0x58C0] =	vst v17  }
0x23b: {  	v16 =	vadd.s32 $0x2400, v4;
	v17 =	vld.idx.msk [tilespmem:v18+s2+$0x0], $0xffff;
	[tilespmem:s21+$0x58C0] =	vst v19  }
0x23c: {  	[tilespmem:s15+$0x5B00] =	vst v9;
	v9 =	vadd.s32 $0x2400, v5;
	v12 =	vld.idx.msk [tilespmem:v12+s2+$0x0], $0xffff  }
0x23d: {  	v11 =	vld.idx.msk [tilespmem:v11+s2+$0x0], $0xffff;
	[tilespmem:s16+$0x6640] =	vst v8;
	v8 =	vadd.s32 $0x2400, v6  }
0x23e: {  	v10 =	vld.idx.msk [tilespmem:v10+s2+$0x0], $0xffff;
	[tilespmem:s17+$0x5B00] =	vst v13  }
0x23f: {  	v13 =	vadd.s32 $0x2800, v1;
	v14 =	vld.idx.msk [tilespmem:v14+s2+$0x0], $0xffff;
	[tilespmem:s18+$0x5B00] =	vst v15  }
0x240: {  	v15 =	vadd.s32 $0x2800, v2;
	v16 =	vld.idx.msk [tilespmem:v16+s2+$0x0], $0xffff;
	[tilespmem:s19+$0x5B00] =	vst v17  }
0x241: {  	v17 =	vadd.s32 $0x2800, v4;
	v9 =	vld.idx.msk [tilespmem:v9+s2+$0x0], $0xffff;
	[tilespmem:s21+$0x5B00] =	vst v12  }
0x242: {  	[tilespmem:s14+$0x61C0] =	vst v11;
	v11 =	vadd.s32 $0x2800, v5;
	v8 =	vld.idx.msk [tilespmem:v8+s2+$0x0], $0xffff  }
0x243: {  	v7 =	vld.idx.msk [tilespmem:v7+s2+$0x0], $0xffff;
	[tilespmem:s15+$0x5D40] =	vst v10;
	v10 =	vadd.s32 $0x2800, v6  }
0x244: {  	v13 =	vld.idx.msk [tilespmem:v13+s2+$0x0], $0xffff;
	v12 =	vadd.s32 $0x3000, v0;
	[tilespmem:s17+$0x5D40] =	vst v14  }
0x245: {  	v14 =	vadd.s32 $0x2C00, v1;
	v15 =	vld.idx.msk [tilespmem:v15+s2+$0x0], $0xffff;
	[tilespmem:s18+$0x5D40] =	vst v16  }
0x246: {  	v16 =	vadd.s32 $0x2C00, v2;
	v17 =	vld.idx.msk [tilespmem:v17+s2+$0x0], $0xffff;
	[tilespmem:s19+$0x5D40] =	vst v9  }
0x247: {  	v9 =	vadd.s32 $0x2C00, v4;
	v11 =	vld.idx.msk [tilespmem:v11+s2+$0x0], $0xffff;
	[tilespmem:s21+$0x5D40] =	vst v8  }
0x248: {  	[tilespmem:s16+$0x6880] =	vst v7;
	v7 =	vadd.s32 $0x2C00, v5;
	v8 =	vld.idx.msk [tilespmem:v10+s2+$0x0], $0xffff  }
0x249: {  	[tilespmem:s15+$0x5F80] =	vst v13;
	v10 =	vld.idx.msk [tilespmem:v12+s2+$0x0], $0xffff;
	v12 =	vadd.s32 $0x2C00, v6  }
0x24a: {  	v3 =	vadd.s32 $0x3C00, v3;
	v13 =	vld.idx.msk [tilespmem:v14+s2+$0x0], $0xffff;
	[tilespmem:s17+$0x5F80] =	vst v15  }
0x24b: {  	v14 =	vadd.s32 $0x3000, v1;
	v15 =	vld.idx.msk [tilespmem:v16+s2+$0x0], $0xffff;
	[tilespmem:s18+$0x5F80] =	vst v17  }
0x24c: {  	v16 =	vadd.s32 $0x3000, v2;
	v9 =	vld.idx.msk [tilespmem:v9+s2+$0x0], $0xffff;
	[tilespmem:s19+$0x5F80] =	vst v11  }
0x24d: {  	v11 =	vadd.s32 $0x3000, v4;
	v7 =	vld.idx.msk [tilespmem:v7+s2+$0x0], $0xffff;
	[tilespmem:s21+$0x5F80] =	vst v8  }
0x24e: {  	[tilespmem:s14+$0x6400] =	vst v10;
	v8 =	vadd.s32 $0x3000, v5;
	v10 =	vld.idx.msk [tilespmem:v12+s2+$0x0], $0xffff  }
0x24f: {  	v3 =	vld.idx.msk [tilespmem:v3+s2+$0x0], $0xffff;
	[tilespmem:s15+$0x61C0] =	vst v13;
	v12 =	vadd.s32 $0x3000, v6  }
0x250: {  	v13 =	vadd.s32 $0x3400, v0;
	v14 =	vld.idx.msk [tilespmem:v14+s2+$0x0], $0xffff;
	[tilespmem:s17+$0x61C0] =	vst v15  }
0x251: {  	v15 =	vadd.s32 $0x3400, v1;
	v16 =	vld.idx.msk [tilespmem:v16+s2+$0x0], $0xffff;
	[tilespmem:s18+$0x61C0] =	vst v9  }
0x252: {  	v9 =	vadd.s32 $0x3400, v2;
	v11 =	vld.idx.msk [tilespmem:v11+s2+$0x0], $0xffff;
	[tilespmem:s19+$0x61C0] =	vst v7  }
0x253: {  	v7 =	vadd.s32 $0x3400, v4;
	v8 =	vld.idx.msk [tilespmem:v8+s2+$0x0], $0xffff;
	[tilespmem:s21+$0x61C0] =	vst v10  }
0x254: {  	[tilespmem:s16+$0x6AC0] =	vst v3;
	v3 =	vadd.s32 $0x3400, v5;
	v10 =	vld.idx.msk [tilespmem:v12+s2+$0x0], $0xffff  }
0x255: {  	[tilespmem:s15+$0x6400] =	vst v14;
	v12 =	vld.idx.msk [tilespmem:v13+s2+$0x0], $0xffff;
	v13 =	vadd.s32 $0x3400, v6  }
0x256: {  	v14 =	vadd.s32 $0x3800, v0;
	v15 =	vld.idx.msk [tilespmem:v15+s2+$0x0], $0xffff;
	[tilespmem:s17+$0x6400] =	vst v16  }
0x257: {  	v16 =	vadd.s32 $0x3800, v1;
	v9 =	vld.idx.msk [tilespmem:v9+s2+$0x0], $0xffff;
	[tilespmem:s18+$0x6400] =	vst v11  }
0x258: {  	v11 =	vadd.s32 $0x3800, v2;
	v7 =	vld.idx.msk [tilespmem:v7+s2+$0x0], $0xffff;
	[tilespmem:s19+$0x6400] =	vst v8  }
0x259: {  	v8 =	vadd.s32 $0x3800, v4;
	v3 =	vld.idx.msk [tilespmem:v3+s2+$0x0], $0xffff;
	[tilespmem:s21+$0x6400] =	vst v10  }
0x25a: {  	[tilespmem:s14+$0x6640] =	vst v12;
	v10 =	vadd.s32 $0x3800, v5;
	v12 =	vld.idx.msk [tilespmem:v13+s2+$0x0], $0xffff  }
0x25b: {  	[tilespmem:s15+$0x6640] =	vst v15;
	v13 =	vld.idx.msk [tilespmem:v14+s2+$0x0], $0xffff;
	v14 =	vadd.s32 $0x3800, v6  }
0x25c: {  	v0 =	vadd.s32 $0x3C00, v0;
	v15 =	vld.idx.msk [tilespmem:v16+s2+$0x0], $0xffff;
	[tilespmem:s17+$0x6640] =	vst v9  }
0x25d: {  	v1 =	vadd.s32 $0x3C00, v1;
	v9 =	vld.idx.msk [tilespmem:v11+s2+$0x0], $0xffff;
	[tilespmem:s18+$0x6640] =	vst v7  }
0x25e: {  	v2 =	vadd.s32 $0x3C00, v2;
	v7 =	vld.idx.msk [tilespmem:v8+s2+$0x0], $0xffff;
	[tilespmem:s19+$0x6640] =	vst v3  }
0x25f: {  	v3 =	vadd.s32 $0x3C00, v4;
	v4 =	vld.idx.msk [tilespmem:v10+s2+$0x0], $0xffff;
	[tilespmem:s21+$0x6640] =	vst v12  }
0x260: {  	v5 =	vadd.s32 $0x3C00, v5;
	[tilespmem:s14+$0x6880] =	vst v13;
	v8 =	vld.idx.msk [tilespmem:v14+s2+$0x0], $0xffff  }
0x261: {  	v6 =	vadd.s32 $0x3C00, v6;
	[tilespmem:s15+$0x6880] =	vst v15;
	v0 =	vld.idx.msk [tilespmem:v0+s2+$0x0], $0xffff  }
0x262: {  	v1 =	vld.idx.msk [tilespmem:v1+s2+$0x0], $0xffff;
	[tilespmem:s17+$0x6880] =	vst v9  }
0x263: {  	v2 =	vld.idx.msk [tilespmem:v2+s2+$0x0], $0xffff;
	[tilespmem:s18+$0x6880] =	vst v7  }
0x264: {  	v3 =	vld.idx.msk [tilespmem:v3+s2+$0x0], $0xffff;
	[tilespmem:s19+$0x6880] =	vst v4  }
0x265: {  	v4 =	vld.idx.msk [tilespmem:v5+s2+$0x0], $0xffff;
	[tilespmem:s21+$0x6880] =	vst v8  }
0x266: {  	[tilespmem:s14+$0x6AC0] =	vst v0;
	v0 =	vld.idx.msk [tilespmem:v6+s2+$0x0], $0xffff  }
0x267: {  	[tilespmem:s15+$0x6AC0] =	vst v1  }
0x268: {  	[tilespmem:s17+$0x6AC0] =	vst v2  }
0x269: {  	[tilespmem:s18+$0x6AC0] =	vst v3  }
0x26a: {  	[tilespmem:s19+$0x6AC0] =	vst v4  }
0x26b: {  	s31 =	simm.s32 $0x0;
	[tilespmem:s21+$0x6AC0] =	vst v0  }
0x26c: {  	[hbm4b:s7+s31] =	stream.linear.scatter [tilespmem:s12], [sflag:$0x1], $0x2400, $0x38;
	[tilespmem:$0x6D00] =	vst v63  }
0x26d: {  	_ =	swait.ge [sflag:s10], $0x2400  }
0x26e: {  	[sflag:s10] =	ssyncset.done $0x0  }
0x26f: {  	s20 =	simm.s32 $0x0;
	[sflag:s10] =	ssyncadd.s32 $0xFFFFDC00  }
0x270: {  	v7 =	vld [tilespmem:s20+$0x46C0];
	_ =	sdelay $0x7  }
0x271: {  	v0 =	vld.idx.msk [tilespmem:v7+s2+$0x0], $0xffff  }
0x272: {  	v1 =	vadd.s32 $0x400, v7;
	_ =	sdelay $0x2  }
0x273: {  	s16 =	simm.s32 $0x10  }
0x274: {  	v3 =	vld [tilespmem:s16+$0x46C0];
	[tilespmem:s20+$0x4900] =	vst v0  }
0x275: {  	v0 =	vld.idx.msk [tilespmem:v1+s2+$0x0], $0xffff  }
0x276: {  	v1 =	vadd.s32 $0x800, v7;
	_ =	sdelay $0x3  }
0x277: {  	[tilespmem:s20+$0x4B40] =	vst v0  }
0x278: {  	v0 =	vld.idx.msk [tilespmem:v1+s2+$0x0], $0xffff  }
0x279: {  	v1 =	vadd.s32 $0xC00, v7  }
0x27a: {  	v2 =	vld.idx.msk [tilespmem:v3+s2+$0x0], $0xffff  }
0x27b: {  	v4 =	vadd.s32 $0x400, v3;
	_ =	sdelay $0x1  }
0x27c: {  	[tilespmem:s20+$0x4D80] =	vst v0  }
0x27d: {  	v1 =	vld.idx.msk [tilespmem:v1+s2+$0x0], $0xffff  }
0x27e: {  	v5 =	vadd.s32 $0x1000, v7;
	[tilespmem:s16+$0x4900] =	vst v2  }
0x27f: {  	s14 =	simm.s32 $0x20;
	v2 =	vld.idx.msk [tilespmem:v4+s2+$0x0], $0xffff  }
0x280: {  	v0 =	vld [tilespmem:s14+$0x46C0]  }
0x281: {  	v4 =	vadd.s32 $0x800, v3  }
0x282: {  	[tilespmem:s20+$0x4FC0] =	vst v1  }
0x283: {  	v1 =	vld.idx.msk [tilespmem:v5+s2+$0x0], $0xffff  }
0x284: {  	v5 =	vadd.s32 $0x1400, v7  }
0x285: {  	[tilespmem:s16+$0x4B40] =	vst v2  }
0x286: {  	v2 =	vld.idx.msk [tilespmem:v4+s2+$0x0], $0xffff  }
0x287: {  	v4 =	vadd.s32 $0xC00, v3  }
0x288: {  	v6 =	vld.idx.msk [tilespmem:v0+s2+$0x0], $0xffff;
	[tilespmem:s20+$0x5200] =	vst v1  }
0x289: {  	v8 =	vadd.s32 $0x400, v0;
	v5 =	vld.idx.msk [tilespmem:v5+s2+$0x0], $0xffff  }
0x28a: {  	v9 =	vadd.s32 $0x1800, v7  }
0x28b: {  	[tilespmem:s16+$0x4D80] =	vst v2  }
0x28c: {  	s15 =	simm.s32 $0x30;
	v2 =	vld.idx.msk [tilespmem:v4+s2+$0x0], $0xffff  }
0x28d: {  	v4 =	vadd.s32 $0x1000, v3;
	v1 =	vld [tilespmem:s15+$0x46C0];
	[tilespmem:s14+$0x4900] =	vst v6  }
0x28e: {  	v6 =	vld.idx.msk [tilespmem:v8+s2+$0x0], $0xffff;
	[tilespmem:s20+$0x5440] =	vst v5  }
0x28f: {  	v8 =	vadd.s32 $0x800, v0;
	v5 =	vld.idx.msk [tilespmem:v9+s2+$0x0], $0xffff  }
0x290: {  	v9 =	vadd.s32 $0x1C00, v7  }
0x291: {  	[tilespmem:s16+$0x4FC0] =	vst v2  }
0x292: {  	v2 =	vld.idx.msk [tilespmem:v4+s2+$0x0], $0xffff  }
0x293: {  	v4 =	vadd.s32 $0x1400, v3;
	[tilespmem:s14+$0x4B40] =	vst v6  }
0x294: {  	v6 =	vld.idx.msk [tilespmem:v8+s2+$0x0], $0xffff;
	[tilespmem:s20+$0x5680] =	vst v5  }
0x295: {  	v8 =	vadd.s32 $0xC00, v0;
	v5 =	vld.idx.msk [tilespmem:v9+s2+$0x0], $0xffff  }
0x296: {  	v9 =	vadd.s32 $0x2000, v7  }
0x297: {  	[tilespmem:s16+$0x5200] =	vst v2;
	v10 =	vld.idx.msk [tilespmem:v1+s2+$0x0], $0xffff  }
0x298: {  	s17 =	simm.s32 $0x40;
	v4 =	vld.idx.msk [tilespmem:v4+s2+$0x0], $0xffff;
	v11 =	vadd.s32 $0x400, v1  }
0x299: {  	v2 =	vld [tilespmem:s17+$0x46C0];
	[tilespmem:s14+$0x4D80] =	vst v6;
	v6 =	vadd.s32 $0x1800, v3  }
0x29a: {  	v8 =	vld.idx.msk [tilespmem:v8+s2+$0x0], $0xffff;
	[tilespmem:s20+$0x58C0] =	vst v5  }
0x29b: {  	v5 =	vld.idx.msk [tilespmem:v9+s2+$0x0], $0xffff;
	v9 =	vadd.s32 $0x1000, v0  }
0x29c: {  	[tilespmem:s15+$0x4900] =	vst v10;
	v10 =	vadd.s32 $0x2400, v7  }
0x29d: {  	[tilespmem:s16+$0x5440] =	vst v4;
	v11 =	vld.idx.msk [tilespmem:v11+s2+$0x0], $0xffff  }
0x29e: {  	v4 =	vld.idx.msk [tilespmem:v6+s2+$0x0], $0xffff;
	v6 =	vadd.s32 $0x800, v1  }
0x29f: {  	[tilespmem:s14+$0x4FC0] =	vst v8;
	v8 =	vadd.s32 $0x1C00, v3  }
0x2a0: {  	v9 =	vld.idx.msk [tilespmem:v9+s2+$0x0], $0xffff;
	[tilespmem:s20+$0x5B00] =	vst v5  }
0x2a1: {  	v5 =	vld.idx.msk [tilespmem:v10+s2+$0x0], $0xffff;
	v10 =	vadd.s32 $0x1400, v0  }
0x2a2: {  	v13 =	vld.idx.msk [tilespmem:v2+s2+$0x0], $0xffff;
	[tilespmem:s15+$0x4B40] =	vst v11;
	v11 =	vadd.s32 $0x2800, v7  }
0x2a3: {  	v6 =	vld.idx.msk [tilespmem:v6+s2+$0x0], $0xffff;
	[tilespmem:s16+$0x5680] =	vst v4  }
0x2a4: {  	s18 =	simm.s32 $0x50;
	v12 =	vadd.s32 $0xC00, v1;
	v8 =	vld.idx.msk [tilespmem:v8+s2+$0x0], $0xffff  }
0x2a5: {  	v4 =	vld [tilespmem:s18+$0x46C0];
	[tilespmem:s14+$0x5200] =	vst v9;
	v9 =	vadd.s32 $0x2000, v3  }
0x2a6: {  	v10 =	vld.idx.msk [tilespmem:v10+s2+$0x0], $0xffff;
	[tilespmem:s20+$0x5D40] =	vst v5;
	v5 =	vadd.s32 $0x400, v2  }
0x2a7: {  	v14 =	vadd.s32 $0x1800, v0;
	v11 =	vld.idx.msk [tilespmem:v11+s2+$0x0], $0xffff  }
0x2a8: {  	[tilespmem:s15+$0x4D80] =	vst v6;
	v6 =	vadd.s32 $0x2C00, v7  }
0x2a9: {  	v12 =	vld.idx.msk [tilespmem:v12+s2+$0x0], $0xffff;
	[tilespmem:s16+$0x58C0] =	vst v8  }
0x2aa: {  	[tilespmem:s17+$0x4900] =	vst v13;
	v8 =	vld.idx.msk [tilespmem:v9+s2+$0x0], $0xffff;
	v9 =	vadd.s32 $0x1000, v1  }
0x2ab: {  	v13 =	vld.idx.msk [tilespmem:v5+s2+$0x0], $0xffff;
	[tilespmem:s14+$0x5440] =	vst v10;
	v10 =	vadd.s32 $0x2400, v3  }
0x2ac: {  	v14 =	vld.idx.msk [tilespmem:v14+s2+$0x0], $0xffff;
	[tilespmem:s20+$0x5F80] =	vst v11;
	v11 =	vadd.s32 $0x800, v2  }
0x2ad: {  	v15 =	vadd.s32 $0x1C00, v0;
	v6 =	vld.idx.msk [tilespmem:v6+s2+$0x0], $0xffff  }
0x2ae: {  	v16 =	vld.idx.msk [tilespmem:v4+s2+$0x0], $0xffff;
	[tilespmem:s15+$0x4FC0] =	vst v12;
	v12 =	vadd.s32 $0x3000, v7  }
0x2af: {  	v9 =	vld.idx.msk [tilespmem:v9+s2+$0x0], $0xffff;
	[tilespmem:s16+$0x5B00] =	vst v8  }
0x2b0: {  	v8 =	vld.idx.msk [tilespmem:v10+s2+$0x0], $0xffff;
	[tilespmem:s17+$0x4B40] =	vst v13;
	v10 =	vadd.s32 $0x1400, v1  }
0x2b1: {  	v13 =	vadd.s32 $0x2800, v3;
	v11 =	vld.idx.msk [tilespmem:v11+s2+$0x0], $0xffff;
	[tilespmem:s14+$0x5680] =	vst v14  }
0x2b2: {  	v14 =	vld.idx.msk [tilespmem:v15+s2+$0x0], $0xffff;
	[tilespmem:s20+$0x61C0] =	vst v6;
	v6 =	vadd.s32 $0xC00, v2  }
0x2b3: {  	s19 =	simm.s32 $0x60;
	v15 =	vadd.s32 $0x2000, v0;
	v12 =	vld.idx.msk [tilespmem:v12+s2+$0x0], $0xffff  }
0x2b4: {  	v5 =	vld [tilespmem:s19+$0x46C0];
	[tilespmem:s15+$0x5200] =	vst v9;
	v9 =	vadd.s32 $0x3400, v7  }
0x2b5: {  	v10 =	vld.idx.msk [tilespmem:v10+s2+$0x0], $0xffff;
	[tilespmem:s16+$0x5D40] =	vst v8;
	v8 =	vadd.s32 $0x400, v4  }
0x2b6: {  	v13 =	vld.idx.msk [tilespmem:v13+s2+$0x0], $0xffff;
	[tilespmem:s17+$0x4D80] =	vst v11;
	v11 =	vadd.s32 $0x1800, v1  }
0x2b7: {  	v17 =	vld.idx.msk [tilespmem:v6+s2+$0x0], $0xffff;
	[tilespmem:s14+$0x58C0] =	vst v14;
	v6 =	vadd.s32 $0x2C00, v3  }
0x2b8: {  	v14 =	vld.idx.msk [tilespmem:v15+s2+$0x0], $0xffff;
	[tilespmem:s20+$0x6400] =	vst v12  }
0x2b9: {  	[tilespmem:s18+$0x4900] =	vst v16;
	v12 =	vadd.s32 $0x1000, v2;
	v9 =	vld.idx.msk [tilespmem:v9+s2+$0x0], $0xffff  }
0x2ba: {  	v8 =	vld.idx.msk [tilespmem:v8+s2+$0x0], $0xffff;
	[tilespmem:s15+$0x5440] =	vst v10;
	v10 =	vadd.s32 $0x2400, v0  }
0x2bb: {  	v11 =	vld.idx.msk [tilespmem:v11+s2+$0x0], $0xffff;
	[tilespmem:s16+$0x5F80] =	vst v13;
	v13 =	vadd.s32 $0x3800, v7  }
0x2bc: {  	s21 =	simm.s32 $0x70;
	v15 =	vadd.s32 $0x800, v4;
	v16 =	vld.idx.msk [tilespmem:v6+s2+$0x0], $0xffff  }
0x2bd: {  	v6 =	vld [tilespmem:s21+$0x46C0];
	[tilespmem:s17+$0x4FC0] =	vst v17;
	v17 =	vadd.s32 $0x1C00, v1  }
0x2be: {  	v12 =	vld.idx.msk [tilespmem:v12+s2+$0x0], $0xffff;
	[tilespmem:s14+$0x5B00] =	vst v14  }
0x2bf: {  	v14 =	vadd.s32 $0x3000, v3;
	[tilespmem:s20+$0x6640] =	vst v9;
	v10 =	vld.idx.msk [tilespmem:v10+s2+$0x0], $0xffff  }
0x2c0: {  	[tilespmem:s18+$0x4B40] =	vst v8;
	v8 =	vadd.s32 $0x1400, v2;
	v9 =	vld.idx.msk [tilespmem:v13+s2+$0x0], $0xffff  }
0x2c1: {  	v13 =	vld.idx.msk [tilespmem:v15+s2+$0x0], $0xffff;
	[tilespmem:s15+$0x5680] =	vst v11;
	v11 =	vadd.s32 $0x2800, v0  }
0x2c2: {  	v7 =	vadd.s32 $0x3C00, v7;
	v17 =	vld.idx.msk [tilespmem:v17+s2+$0x0], $0xffff  }
0x2c3: {  	v15 =	vadd.s32 $0xC00, v4;
	[tilespmem:s16+$0x61C0] =	vst v16;
	v16 =	vld.idx.msk [tilespmem:v5+s2+$0x0], $0xffff  }
0x2c4: {  	v18 =	vadd.s32 $0x2000, v1;
	v14 =	vld.idx.msk [tilespmem:v14+s2+$0x0], $0xffff;
	[tilespmem:s17+$0x5200] =	vst v12  }
0x2c5: {  	v19 =	vld.idx.msk [tilespmem:v8+s2+$0x0], $0xffff;
	[tilespmem:s14+$0x5D40] =	vst v10;
	v8 =	vadd.s32 $0x3400, v3  }
0x2c6: {  	v10 =	vadd.s32 $0x400, v5;
	v63 =	vld.idx.msk [tilespmem:v11+s2+$0x0], $0xffff;
	[tilespmem:s20+$0x6880] =	vst v9  }
0x2c7: {  	[tilespmem:s18+$0x4D80] =	vst v13;
	v13 =	vadd.s32 $0x1800, v2;
	v12 =	vld.idx.msk [tilespmem:v7+s2+$0x0], $0xffff  }
0x2c8: {  	v11 =	vadd.s32 $0x2C00, v0;
	v15 =	vld.idx.msk [tilespmem:v15+s2+$0x0], $0xffff;
	[tilespmem:s15+$0x58C0] =	vst v17  }
0x2c9: {  	v9 =	vld.idx.msk [tilespmem:v18+s2+$0x0], $0xffff;
	[tilespmem:s16+$0x6400] =	vst v14  }
0x2ca: {  	[tilespmem:s19+$0x4900] =	vst v16;
	v16 =	vadd.s32 $0x1000, v4;
	v8 =	vld.idx.msk [tilespmem:v8+s2+$0x0], $0xffff  }
0x2cb: {  	v17 =	vld.idx.msk [tilespmem:v10+s2+$0x0], $0xffff;
	[tilespmem:s17+$0x5440] =	vst v19;
	v10 =	vadd.s32 $0x2400, v1  }
0x2cc: {  	s22 =	simm.s32 $0x200;
	v7 =	vadd.s32 $0x3800, v3;
	v14 =	vmov v6;
	v13 =	vld.idx.msk [tilespmem:v13+s2+$0x0], $0xffff;
	[tilespmem:s14+$0x5F80] =	vst v63  }
.LBB2_8:
0x2cd: {  	s23 =	sshra.s32 s22, $0x2;
	p0 =	sne.s32 s22, $0x8C0;
	v18 =	vadd.s32 $0x800, v5;
	v11 =	vld.idx.msk [tilespmem:v11+s2+$0x0], $0xffff;
	[tilespmem:s20+$0x6AC0] =	vst v12;
	s20 =	smov.u32 s16  }
0x2ce: {  	s16 =	smov.u32 s14;
	s14 =	smov.u32 s15;
	s15 =	smov.u32 s17;
	v12 =	vld [tilespmem:s23+$0x46C0];
	[tilespmem:s18+$0x4FC0] =	vst v15;
	v15 =	vadd.s32 $0x1C00, v2  }
0x2cf: {  	s17 =	smov.u32 s18;
	s18 =	smov.u32 s19;
	s19 =	smov.u32 s21;
	v16 =	vld.idx.msk [tilespmem:v16+s2+$0x0], $0xffff;
	[tilespmem:s14+$0x5B00] =	vst v9;
	v9 =	vadd.s32 $0x3000, v0  }
0x2d0: {  	s21 =	smov.u32 s23;
	v10 =	vld.idx.msk [tilespmem:v10+s2+$0x0], $0xffff;
	[tilespmem:s20+$0x6640] =	vst v8  }
0x2d1: {  	v8 =	vadd.s32 $0x1400, v4;
	[tilespmem:s18+$0x4B40] =	vst v17;
	v7 =	vld.idx.msk [tilespmem:v7+s2+$0x0], $0xffff  }
0x2d2: {  	v17 =	vld.idx.msk [tilespmem:v18+s2+$0x0], $0xffff;
	[tilespmem:s15+$0x5680] =	vst v13;
	v13 =	vadd.s32 $0x2800, v1  }
0x2d3: {  	v18 =	vld.idx.msk [tilespmem:v15+s2+$0x0], $0xffff;
	[tilespmem:s16+$0x61C0] =	vst v11;
	v11 =	vadd.s32 $0x3C00, v3;
	v3 =	vmovc v0;
	v0 =	vmovc v1;
	v1 =	vmov v2;
	v2 =	vmov v4  }
0x2d4: {  	v15 =	vadd.s32 $0xC00, v5;
	v4 =	vmovc v5;
	v5 =	vmov v6;
	v6 =	vmov v12;
	v19 =	vld.idx.msk [tilespmem:v9+s2+$0x0], $0xffff  }
0x2d5: {  	v9 =	vadd.s32 $0x2000, v1;
	v20 =	vld.idx.msk [tilespmem:v14+s2+$0x0], $0xffff;
	[tilespmem:s17+$0x5200] =	vst v16;
	v14 =	vmov v12  }
0x2d6: {  	v21 =	vld.idx.msk [tilespmem:v8+s2+$0x0], $0xffff;
	[tilespmem:s14+$0x5D40] =	vst v10;
	v8 =	vadd.s32 $0x3400, v3  }
0x2d7: {  	v10 =	vadd.s32 $0x400, v5;
	v22 =	vld.idx.msk [tilespmem:v13+s2+$0x0], $0xffff;
	[tilespmem:s20+$0x6880] =	vst v7  }
0x2d8: {  	v7 =	vadd.s32 $0x1800, v2;
	[tilespmem:s18+$0x4D80] =	vst v17;
	v12 =	vld.idx.msk [tilespmem:v11+s2+$0x0], $0xffff  }
.Ltmp3:
0x2d9: {  	v11 =	vadd.s32 $0x2C00, v0;
	v15 =	vld.idx.msk [tilespmem:v15+s2+$0x0], $0xffff;
	[tilespmem:s15+$0x58C0] =	vst v18;
	(pc) =	sbr.rel @p0 .LBB2_8-.Ltmp3, $4  }
0x2da: {  	v9 =	vld.idx.msk [tilespmem:v9+s2+$0x0], $0xffff;
	[tilespmem:s16+$0x6400] =	vst v19  }
0x2db: {  	v16 =	vadd.s32 $0x1000, v4;
	[tilespmem:s19+$0x4900] =	vst v20;
	v8 =	vld.idx.msk [tilespmem:v8+s2+$0x0], $0xffff  }
0x2dc: {  	v17 =	vld.idx.msk [tilespmem:v10+s2+$0x0], $0xffff;
	[tilespmem:s17+$0x5440] =	vst v21;
	v10 =	vadd.s32 $0x2400, v1  }
0x2dd: {  	s22 =	sadd.s32 $0x40, s22;
	v13 =	vld.idx.msk [tilespmem:v7+s2+$0x0], $0xffff;
	[tilespmem:s14+$0x5F80] =	vst v22;
	v7 =	vadd.s32 $0x3800, v3  }
0x2de: {  	_ =	sdelay $0x3  }
0x2df: {  	v14 =	vld.idx.msk [tilespmem:v14+s2+$0x0], $0xffff  }
0x2e0: {  	v18 =	vadd.s32 $0x400, v6;
	_ =	sdelay $0x3  }
0x2e1: {  	[tilespmem:s21+$0x4900] =	vst v14  }
0x2e2: {  	v43 =	vadd.s32 $0x800, v5;
	v18 =	vld.idx.msk [tilespmem:v18+s2+$0x0], $0xffff  }
0x2e3: {  	v19 =	vadd.s32 $0x800, v6;
	_ =	sdelay $0x2  }
0x2e4: {  	[tilespmem:s19+$0x4B40] =	vst v17  }
0x2e5: {  	v14 =	vld.idx.msk [tilespmem:v43+s2+$0x0], $0xffff;
	[tilespmem:s21+$0x4B40] =	vst v18  }
0x2e6: {  	v44 =	vadd.s32 $0xC00, v5;
	v18 =	vld.idx.msk [tilespmem:v19+s2+$0x0], $0xffff  }
0x2e7: {  	v45 =	vadd.s32 $0xC00, v6;
	_ =	sdelay $0x2  }
0x2e8: {  	[tilespmem:s19+$0x4D80] =	vst v14  }
0x2e9: {  	v14 =	vld.idx.msk [tilespmem:v44+s2+$0x0], $0xffff;
	[tilespmem:s21+$0x4D80] =	vst v18  }
0x2ea: {  	v46 =	vadd.s32 $0x1000, v5;
	v18 =	vld.idx.msk [tilespmem:v45+s2+$0x0], $0xffff  }
0x2eb: {  	v47 =	vadd.s32 $0x1000, v6;
	_ =	sdelay $0x1  }
0x2ec: {  	[tilespmem:s18+$0x4FC0] =	vst v15  }
0x2ed: {  	v15 =	vld.idx.msk [tilespmem:v16+s2+$0x0], $0xffff;
	[tilespmem:s19+$0x4FC0] =	vst v14  }
0x2ee: {  	v48 =	vadd.s32 $0x1400, v4;
	v49 =	vld.idx.msk [tilespmem:v46+s2+$0x0], $0xffff;
	[tilespmem:s21+$0x4FC0] =	vst v18  }
0x2ef: {  	v50 =	vadd.s32 $0x1400, v5;
	v18 =	vld.idx.msk [tilespmem:v47+s2+$0x0], $0xffff  }
0x2f0: {  	v51 =	vadd.s32 $0x1400, v6;
	_ =	sdelay $0x1  }
0x2f1: {  	[tilespmem:s18+$0x5200] =	vst v15  }
0x2f2: {  	v14 =	vld.idx.msk [tilespmem:v48+s2+$0x0], $0xffff;
	[tilespmem:s19+$0x5200] =	vst v49  }
0x2f3: {  	v52 =	vadd.s32 $0x1800, v4;
	v16 =	vld.idx.msk [tilespmem:v50+s2+$0x0], $0xffff;
	[tilespmem:s21+$0x5200] =	vst v18  }
0x2f4: {  	v53 =	vadd.s32 $0x1800, v5;
	v18 =	vld.idx.msk [tilespmem:v51+s2+$0x0], $0xffff  }
0x2f5: {  	v54 =	vadd.s32 $0x1800, v6;
	_ =	sdelay $0x1  }
0x2f6: {  	[tilespmem:s18+$0x5440] =	vst v14  }
0x2f7: {  	v55 =	vadd.s32 $0x1C00, v2;
	v15 =	vld.idx.msk [tilespmem:v52+s2+$0x0], $0xffff;
	[tilespmem:s19+$0x5440] =	vst v16  }
0x2f8: {  	v56 =	vadd.s32 $0x1C00, v4;
	v17 =	vld.idx.msk [tilespmem:v53+s2+$0x0], $0xffff;
	[tilespmem:s21+$0x5440] =	vst v18  }
0x2f9: {  	v57 =	vadd.s32 $0x1C00, v5;
	v19 =	vld.idx.msk [tilespmem:v54+s2+$0x0], $0xffff  }
0x2fa: {  	v20 =	vadd.s32 $0x1C00, v6  }
0x2fb: {  	[tilespmem:s17+$0x5680] =	vst v13  }
0x2fc: {  	v13 =	vld.idx.msk [tilespmem:v55+s2+$0x0], $0xffff;
	[tilespmem:s18+$0x5680] =	vst v15  }
0x2fd: {  	v58 =	vadd.s32 $0x2000, v2;
	v15 =	vld.idx.msk [tilespmem:v56+s2+$0x0], $0xffff;
	[tilespmem:s19+$0x5680] =	vst v17  }
0x2fe: {  	v59 =	vadd.s32 $0x2000, v4;
	v17 =	vld.idx.msk [tilespmem:v57+s2+$0x0], $0xffff;
	[tilespmem:s21+$0x5680] =	vst v19  }
0x2ff: {  	v60 =	vadd.s32 $0x2000, v5;
	v19 =	vld.idx.msk [tilespmem:v20+s2+$0x0], $0xffff  }
0x300: {  	[tilespmem:s20+$0x6AC0] =	vst v12;
	v61 =	vadd.s32 $0x2000, v6  }
0x301: {  	[tilespmem:s17+$0x58C0] =	vst v13  }
0x302: {  	v13 =	vld.idx.msk [tilespmem:v58+s2+$0x0], $0xffff;
	[tilespmem:s18+$0x58C0] =	vst v15  }
0x303: {  	v62 =	vadd.s32 $0x2400, v2;
	v15 =	vld.idx.msk [tilespmem:v59+s2+$0x0], $0xffff;
	[tilespmem:s19+$0x58C0] =	vst v17  }
0x304: {  	v63 =	vadd.s32 $0x2400, v4;
	v17 =	vld.idx.msk [tilespmem:v60+s2+$0x0], $0xffff;
	[tilespmem:s21+$0x58C0] =	vst v19  }
0x305: {  	[tilespmem:s15+$0x5B00] =	vst v9;
	v20 =	vadd.s32 $0x2400, v5;
	v12 =	vld.idx.msk [tilespmem:v61+s2+$0x0], $0xffff  }
0x306: {  	v11 =	vld.idx.msk [tilespmem:v11+s2+$0x0], $0xffff;
	v21 =	vadd.s32 $0x2400, v6;
	[tilespmem:s16+$0x6640] =	vst v8  }
0x307: {  	v10 =	vld.idx.msk [tilespmem:v10+s2+$0x0], $0xffff;
	[tilespmem:s17+$0x5B00] =	vst v13  }
0x308: {  	v22 =	vadd.s32 $0x2800, v1;
	v14 =	vld.idx.msk [tilespmem:v62+s2+$0x0], $0xffff;
	[tilespmem:s18+$0x5B00] =	vst v15  }
0x309: {  	v23 =	vadd.s32 $0x2800, v2;
	v16 =	vld.idx.msk [tilespmem:v63+s2+$0x0], $0xffff;
	[tilespmem:s19+$0x5B00] =	vst v17  }
0x30a: {  	v24 =	vadd.s32 $0x2800, v4;
	v9 =	vld.idx.msk [tilespmem:v20+s2+$0x0], $0xffff;
	[tilespmem:s21+$0x5B00] =	vst v12  }
0x30b: {  	v25 =	vadd.s32 $0x2800, v5;
	[tilespmem:s14+$0x61C0] =	vst v11;
	v8 =	vld.idx.msk [tilespmem:v21+s2+$0x0], $0xffff  }
0x30c: {  	v26 =	vadd.s32 $0x2800, v6;
	v7 =	vld.idx.msk [tilespmem:v7+s2+$0x0], $0xffff;
	[tilespmem:s15+$0x5D40] =	vst v10  }
0x30d: {  	v27 =	vadd.s32 $0x3000, v0;
	v13 =	vld.idx.msk [tilespmem:v22+s2+$0x0], $0xffff;
	[tilespmem:s17+$0x5D40] =	vst v14  }
0x30e: {  	v28 =	vadd.s32 $0x2C00, v1;
	v15 =	vld.idx.msk [tilespmem:v23+s2+$0x0], $0xffff;
	[tilespmem:s18+$0x5D40] =	vst v16  }
0x30f: {  	v29 =	vadd.s32 $0x2C00, v2;
	v17 =	vld.idx.msk [tilespmem:v24+s2+$0x0], $0xffff;
	[tilespmem:s19+$0x5D40] =	vst v9  }
0x310: {  	v30 =	vadd.s32 $0x2C00, v4;
	v11 =	vld.idx.msk [tilespmem:v25+s2+$0x0], $0xffff;
	[tilespmem:s21+$0x5D40] =	vst v8  }
0x311: {  	v31 =	vadd.s32 $0x2C00, v5;
	[tilespmem:s16+$0x6880] =	vst v7;
	v8 =	vld.idx.msk [tilespmem:v26+s2+$0x0], $0xffff  }
0x312: {  	v33 =	vadd.s32 $0x2C00, v6;
	v32 =	vld.idx.msk [tilespmem:v27+s2+$0x0], $0xffff;
	[tilespmem:s15+$0x5F80] =	vst v13  }
0x313: {  	v3 =	vadd.s32 $0x3C00, v3;
	v13 =	vld.idx.msk [tilespmem:v28+s2+$0x0], $0xffff;
	[tilespmem:s17+$0x5F80] =	vst v15  }
0x314: {  	v34 =	vadd.s32 $0x3000, v1;
	v15 =	vld.idx.msk [tilespmem:v29+s2+$0x0], $0xffff;
	[tilespmem:s18+$0x5F80] =	vst v17  }
0x315: {  	v35 =	vadd.s32 $0x3000, v2;
	v9 =	vld.idx.msk [tilespmem:v30+s2+$0x0], $0xffff;
	[tilespmem:s19+$0x5F80] =	vst v11  }
0x316: {  	v36 =	vadd.s32 $0x3000, v4;
	v7 =	vld.idx.msk [tilespmem:v31+s2+$0x0], $0xffff;
	[tilespmem:s21+$0x5F80] =	vst v8  }
0x317: {  	v37 =	vadd.s32 $0x3000, v5;
	[tilespmem:s14+$0x6400] =	vst v32;
	v38 =	vld.idx.msk [tilespmem:v33+s2+$0x0], $0xffff  }
0x318: {  	v39 =	vadd.s32 $0x3000, v6;
	v3 =	vld.idx.msk [tilespmem:v3+s2+$0x0], $0xffff;
	[tilespmem:s15+$0x61C0] =	vst v13  }
0x319: {  	v40 =	vadd.s32 $0x3400, v0;
	v14 =	vld.idx.msk [tilespmem:v34+s2+$0x0], $0xffff;
	[tilespmem:s17+$0x61C0] =	vst v15  }
0x31a: {  	v41 =	vadd.s32 $0x3400, v1;
	v16 =	vld.idx.msk [tilespmem:v35+s2+$0x0], $0xffff;
	[tilespmem:s18+$0x61C0] =	vst v9  }
0x31b: {  	v42 =	vadd.s32 $0x3400, v2;
	v11 =	vld.idx.msk [tilespmem:v36+s2+$0x0], $0xffff;
	[tilespmem:s19+$0x61C0] =	vst v7  }
0x31c: {  	v43 =	vadd.s32 $0x3400, v4;
	v8 =	vld.idx.msk [tilespmem:v37+s2+$0x0], $0xffff;
	[tilespmem:s21+$0x61C0] =	vst v38  }
0x31d: {  	v44 =	vadd.s32 $0x3400, v5;
	[tilespmem:s16+$0x6AC0] =	vst v3;
	v10 =	vld.idx.msk [tilespmem:v39+s2+$0x0], $0xffff  }
0x31e: {  	v46 =	vadd.s32 $0x3400, v6;
	v45 =	vld.idx.msk [tilespmem:v40+s2+$0x0], $0xffff;
	[tilespmem:s15+$0x6400] =	vst v14  }
0x31f: {  	v47 =	vadd.s32 $0x3800, v0;
	v15 =	vld.idx.msk [tilespmem:v41+s2+$0x0], $0xffff;
	[tilespmem:s17+$0x6400] =	vst v16  }
0x320: {  	v48 =	vadd.s32 $0x3800, v1;
	v9 =	vld.idx.msk [tilespmem:v42+s2+$0x0], $0xffff;
	[tilespmem:s18+$0x6400] =	vst v11  }
0x321: {  	v49 =	vadd.s32 $0x3800, v2;
	v7 =	vld.idx.msk [tilespmem:v43+s2+$0x0], $0xffff;
	[tilespmem:s19+$0x6400] =	vst v8  }
0x322: {  	v50 =	vadd.s32 $0x3800, v4;
	v3 =	vld.idx.msk [tilespmem:v44+s2+$0x0], $0xffff;
	[tilespmem:s21+$0x6400] =	vst v10  }
0x323: {  	[tilespmem:s14+$0x6640] =	vst v45;
	v51 =	vadd.s32 $0x3800, v5;
	v52 =	vld.idx.msk [tilespmem:v46+s2+$0x0], $0xffff  }
0x324: {  	v53 =	vld.idx.msk [tilespmem:v47+s2+$0x0], $0xffff;
	v54 =	vadd.s32 $0x3800, v6;
	[tilespmem:s15+$0x6640] =	vst v15  }
0x325: {  	v55 =	vadd.s32 $0x3C00, v0;
	v15 =	vld.idx.msk [tilespmem:v48+s2+$0x0], $0xffff;
	[tilespmem:s17+$0x6640] =	vst v9  }
0x326: {  	v56 =	vadd.s32 $0x3C00, v1;
	v9 =	vld.idx.msk [tilespmem:v49+s2+$0x0], $0xffff;
	[tilespmem:s18+$0x6640] =	vst v7  }
0x327: {  	v57 =	vadd.s32 $0x3C00, v2;
	v7 =	vld.idx.msk [tilespmem:v50+s2+$0x0], $0xffff;
	[tilespmem:s19+$0x6640] =	vst v3  }
0x328: {  	v58 =	vadd.s32 $0x3C00, v4;
	v59 =	vld.idx.msk [tilespmem:v51+s2+$0x0], $0xffff;
	[tilespmem:s21+$0x6640] =	vst v52  }
0x329: {  	[tilespmem:s14+$0x6880] =	vst v53;
	v60 =	vadd.s32 $0x3C00, v5;
	v61 =	vld.idx.msk [tilespmem:v54+s2+$0x0], $0xffff  }
0x32a: {  	v62 =	vadd.s32 $0x3C00, v6;
	v0 =	vld.idx.msk [tilespmem:v55+s2+$0x0], $0xffff;
	[tilespmem:s15+$0x6880] =	vst v15  }
0x32b: {  	v1 =	vld.idx.msk [tilespmem:v56+s2+$0x0], $0xffff;
	[tilespmem:s17+$0x6880] =	vst v9  }
0x32c: {  	v2 =	vld.idx.msk [tilespmem:v57+s2+$0x0], $0xffff;
	[tilespmem:s18+$0x6880] =	vst v7  }
0x32d: {  	v3 =	vld.idx.msk [tilespmem:v58+s2+$0x0], $0xffff;
	[tilespmem:s19+$0x6880] =	vst v59  }
0x32e: {  	v4 =	vld.idx.msk [tilespmem:v60+s2+$0x0], $0xffff;
	[tilespmem:s21+$0x6880] =	vst v61  }
0x32f: {  	[tilespmem:s14+$0x6AC0] =	vst v0;
	v63 =	vld.idx.msk [tilespmem:v62+s2+$0x0], $0xffff  }
0x330: {  	[tilespmem:s15+$0x6AC0] =	vst v1  }
0x331: {  	[tilespmem:s17+$0x6AC0] =	vst v2  }
0x332: {  	s13 =	sadd.s32 $0x1, s13;
	[tilespmem:s18+$0x6AC0] =	vst v3  }
0x333: {  	p0 =	sne.s32 s13, s9;
	[tilespmem:s19+$0x6AC0] =	vst v4  }
.Ltmp4:
0x334: {  	[tilespmem:s21+$0x6AC0] =	vst v63;
	(pc) =	sbr.rel @p0 .LBB2_1-.Ltmp4, $4  }
0x335: {  	[hbm4b:s8+s2] =	stream.linear.scatter [tilespmem:s12], [sflag:$0x1], $0x2400, $0x38;
	[tilespmem:$0x6D00] =	vst v63  }
0x336: {  	_ =	swait.ge [sflag:s10], $0x2400  }
0x337: {  	[sflag:s10] =	ssyncset.done $0x0  }
0x338: {  	[sflag:s10] =	ssyncadd.s32 $0xFFFFDC00  }
0x339: {  	_ =	sfence.sel $0x180000  }
0x33a: {  	[bflag:$0x0] =	sbarrier.arrive $0xFFFF  }
0x33b: {  	p0 =	sne.s32 s0, $0x0;
	_ =	strace $0x9000004A  }
0x33c: {  	s0 =	sadd.s32 @!p0 $0x100000, s1;
	[bflag:$0x2] =	sbarrier.arrive $0xFFFF  }
0x33d: {  	[sflag:s0] =	ssyncadd.tile.s32 @!p0 $0x1;
	_ =	shalt  }
.Lfunc_end2:
_tile_overlayer_lowered:
.L_overlay_start_2:
0x33e: {  	(tag) =	ssettag $0x2  }
0x33f: {  	s0 =	rddreg [dreg:$0x0];
	s2 =	stileid.u32  }
0x340: {  	s1 =	rddreg [dreg:$0x1];
	p0 =	sne.s32 s2, $0x0  }
0x341: {  	s3 =	rddreg [dreg:$0x2];
	[bflag:$0x3] =	sbarrier.arrive $0xFFFF;
	s2 =	simm.s32 @!p0 $0x1C01  }
0x342: {  	[timem:s3], [sflag:s2] =	dma.local @!p0 [hbm:s0], s1  }
0x343: {  	s0 =	simm.s32 @!p0 $0x1  }
0x344: {  	_ =	swait.ge @!p0 [sflag:s0], s1  }
0x345: {  	s1 =	ssub.s32 @!p0 $0x0, s1;
	[sflag:s0] =	ssyncset.done @!p0 $0x0  }
0x346: {  	[sflag:s0] =	ssyncadd.s32 @!p0 s1  }
0x347: {  	[bflag:$0x3] =	sbarrier.arrive $0xFFFF  }
0x348: {  	_ =	shalt  }

</sc_bundles>
